<compile_context>
chip_gen: v7x
topology: tpu7x:2x2x1
jax: 0.10.2.dev20260603
libtpu: 0.0.44.dev20260713+nightly
codegen_flags: <defaults>
</compile_context>

<pallas_src>
import functools

import jax
import jax.numpy as jnp
from jax import lax
from jax.experimental import pallas as pl
from jax.experimental.pallas import tpu as pltpu
from jax.experimental.pallas import tpu_sc as plsc

NC = 2
NS = 16
NW = NC * NS
DEGW = 16


def _sc_mesh():
    return plsc.VectorSubcoreMesh(core_axis_name="c", subcore_axis_name="s",
                                  num_cores=NC, num_subcores=NS)


def _sc_degree(npad, e, k, grp):
    epw = e // NW
    ch = epw // k
    rpt = npad // NS

    ng = ch // grp
    assert ng * grp == ch and ng >= 2

    scratch = (
        [pltpu.VMEM((k,), jnp.int32) for _ in range(2 * grp)]
        + [pltpu.VMEM((k, DEGW), jnp.float32),
           pltpu.VMEM_SHARED((npad, DEGW), jnp.float32)]
        + [pltpu.SemaphoreType.DMA] * 2
    )

    @functools.partial(
        pl.kernel, mesh=_sc_mesh(),
        out_type=jax.ShapeDtypeStruct((NC, npad, DEGW), jnp.float32),
        compiler_params=pltpu.CompilerParams(use_tc_tiling_on_sc=False),
        scratch_types=scratch,
    )
    def deg_kernel(dst_hbm, ones_hbm, zeros_hbm, out_hbm, *refs):
        dstv = refs[0:2 * grp]
        ones_v = refs[2 * grp]
        acc_sh = refs[2 * grp + 1]
        isem = refs[2 * grp + 2:2 * grp + 4]
        cid = lax.axis_index("c")
        sid = lax.axis_index("s")
        wid = cid * NS + sid
        rbase = sid * rpt
        ebase = wid * epw

        def fire_idx(n, s):
            for j in range(grp):
                off = ebase + (n * grp + j) * k
                pltpu.async_copy(dst_hbm.at[pl.ds(off, k)], dstv[s * grp + j], isem[s])

        def drain_idx(s):
            for j in range(grp):
                pltpu.make_async_copy(dst_hbm.at[pl.ds(0, k)], dstv[s * grp + j], isem[s]).wait()

        def scatters(s):
            for j in range(grp):
                pltpu.sync_copy(ones_v, acc_sh.at[dstv[s * grp + j]], add=True)

        pltpu.sync_copy(ones_hbm, ones_v)
        pltpu.sync_copy(zeros_hbm.at[pl.ds(rbase, rpt)], acc_sh.at[pl.ds(rbase, rpt)])
        plsc.subcore_barrier()

        def group(n, p, has_next):
            if has_next:
                fire_idx(n + 1, 1 - p)
            drain_idx(p)
            scatters(p)

        fire_idx(0, 0)

        def body(t, carry):
            group(2 * t, 0, True)
            group(2 * t + 1, 1, True)
            return carry

        nt = 1 if ng % 2 == 1 else 2
        lax.fori_loop(0, (ng - nt) // 2, body, 0)
        for i in range(nt):
            n = ng - nt + i
            group(n, n % 2, i < nt - 1)

        plsc.subcore_barrier()
        pltpu.sync_copy(acc_sh.at[pl.ds(rbase, rpt)],
                        out_hbm.at[cid, pl.ds(rbase, rpt)])

    return deg_kernel


def _sc_scatter(npad, e, d, k, grp):
    epw = e // NW
    ch = epw // k
    ng = ch // grp
    assert ng * grp == ch and ng >= 4
    rpt = npad // NS

    scratch = (
        [pltpu.VMEM((k,), jnp.int32) for _ in range(2 * grp)]
        + [pltpu.VMEM((k,), jnp.int32) for _ in range(2 * grp)]
        + [pltpu.VMEM((k, d), jnp.float32) for _ in range(2 * grp)]
        + [pltpu.VMEM_SHARED((npad, d), jnp.float32)]
        + [pltpu.SemaphoreType.DMA] * 4
    )

    @functools.partial(
        pl.kernel, mesh=_sc_mesh(),
        out_type=jax.ShapeDtypeStruct((NC, npad, d), jnp.float32),
        compiler_params=pltpu.CompilerParams(use_tc_tiling_on_sc=(d % 128 == 0)),
        scratch_types=scratch,
    )
    def scat_kernel(src_hbm, dst_hbm, rows_hbm, zeros_hbm, out_hbm, *refs):
        srcv = refs[0:2 * grp]
        dstv = refs[2 * grp:4 * grp]
        bufs = refs[4 * grp:6 * grp]
        acc_sh = refs[6 * grp]
        isem = refs[6 * grp + 1:6 * grp + 3]
        gsem = refs[6 * grp + 3:6 * grp + 5]
        cid = lax.axis_index("c")
        sid = lax.axis_index("s")
        wid = cid * NS + sid
        rbase = sid * rpt
        ebase = wid * epw

        def fire_idx(n, s):
            for j in range(grp):
                off = ebase + (n * grp + j) * k
                pltpu.async_copy(src_hbm.at[pl.ds(off, k)], srcv[s * grp + j], isem[s])
                pltpu.async_copy(dst_hbm.at[pl.ds(off, k)], dstv[s * grp + j], isem[s])

        def drain_idx(s):
            for j in range(grp):
                pltpu.make_async_copy(src_hbm.at[pl.ds(0, k)], srcv[s * grp + j], isem[s]).wait()
                pltpu.make_async_copy(dst_hbm.at[pl.ds(0, k)], dstv[s * grp + j], isem[s]).wait()

        def fire_gather(s):
            for j in range(grp):
                pltpu.async_copy(rows_hbm.at[srcv[s * grp + j]], bufs[s * grp + j], gsem[s])

        def drain_gather(s):
            for j in range(grp):
                pltpu.make_async_copy(rows_hbm.at[srcv[s * grp + j]], bufs[s * grp + j], gsem[s]).wait()

        def scatters(s):
            for j in range(grp):
                pltpu.sync_copy(bufs[s * grp + j], acc_sh.at[dstv[s * grp + j]], add=True)

        pltpu.sync_copy(zeros_hbm.at[pl.ds(rbase, rpt)], acc_sh.at[pl.ds(rbase, rpt)])
        plsc.subcore_barrier()

        fire_idx(0, 0)
        fire_idx(1, 1)
        drain_idx(0)
        fire_gather(0)

        def group(n, p, has_next, has_next2):
            if has_next:
                drain_idx(1 - p)
                fire_gather(1 - p)
            drain_gather(p)
            scatters(p)
            if has_next2:
                fire_idx(n + 2, p)

        def body(t, carry):
            group(2 * t, 0, True, True)
            group(2 * t + 1, 1, True, True)
            return carry

        nt = 3 if ng % 2 == 1 else 4
        lax.fori_loop(0, (ng - nt) // 2, body, 0)
        n0 = ng - nt
        for i in range(nt):
            n = n0 + i
            group(n, n % 2, i < nt - 1, i < nt - 2)

        plsc.subcore_barrier()
        pltpu.sync_copy(acc_sh.at[pl.ds(rbase, rpt)],
                        out_hbm.at[cid, pl.ds(rbase, rpt)])

    return scat_kernel



def _tc1_body(x_ref, w_ref, d0_ref, d1_ref, xws_ref, dinv_ref):
    deg = d0_ref[...] + d1_ref[...] + 1.0
    dv = lax.rsqrt(deg)
    xw = jnp.dot(x_ref[...], w_ref[...], preferred_element_type=jnp.float32)
    xws_ref[...] = xw * dv[:, 0:1]
    dinv_ref[...] = dv


def _tc1(n, d_in, d_hid, bt):
    return pl.pallas_call(
        _tc1_body,
        grid=(n // bt,),
        in_specs=[
            pl.BlockSpec((bt, d_in), lambda i: (i, 0)),
            pl.BlockSpec((d_in, d_hid), lambda i: (0, 0)),
            pl.BlockSpec((bt, DEGW), lambda i: (i, 0)),
            pl.BlockSpec((bt, DEGW), lambda i: (i, 0)),
        ],
        out_specs=[
            pl.BlockSpec((bt, d_hid), lambda i: (i, 0)),
            pl.BlockSpec((bt, DEGW), lambda i: (i, 0)),
        ],
        out_shape=[
            jax.ShapeDtypeStruct((n, d_hid), jnp.float32),
            jax.ShapeDtypeStruct((n, DEGW), jnp.float32),
        ],
    )


def _tc2_body(p0_ref, p1_ref, xws_ref, dinv_ref, b1_ref, wcat_ref, out_ref):
    dv = dinv_ref[...][:, 0:1]
    s = (p0_ref[...] + p1_ref[...] + xws_ref[...]) * dv + b1_ref[...]
    h = jnp.maximum(s, 0.0)
    out_ref[...] = jnp.dot(h, wcat_ref[...], preferred_element_type=jnp.float32) * dv


def _tc2(n, d_hid, d_cat, bt):
    return pl.pallas_call(
        _tc2_body,
        grid=(n // bt,),
        in_specs=[
            pl.BlockSpec((bt, d_hid), lambda i: (i, 0)),
            pl.BlockSpec((bt, d_hid), lambda i: (i, 0)),
            pl.BlockSpec((bt, d_hid), lambda i: (i, 0)),
            pl.BlockSpec((bt, DEGW), lambda i: (i, 0)),
            pl.BlockSpec((1, d_hid), lambda i: (0, 0)),
            pl.BlockSpec((d_hid, d_cat), lambda i: (0, 0)),
        ],
        out_specs=pl.BlockSpec((bt, d_cat), lambda i: (i, 0)),
        out_shape=jax.ShapeDtypeStruct((n, d_cat), jnp.float32),
    )


def _tc3_body(q0_ref, q1_ref, hcs_ref, dinv_ref, bm_ref, bl_ref, mu_ref, ls_ref):
    d_lat = mu_ref.shape[1]
    dv = dinv_ref[...][:, 0:1]
    o = (q0_ref[...] + q1_ref[...] + hcs_ref[...]) * dv
    mu_ref[...] = o[:, :d_lat] + bm_ref[...]
    ls_ref[...] = o[:, d_lat:] + bl_ref[...]


def _tc3(n, d_cat, d_lat, bt):
    return pl.pallas_call(
        _tc3_body,
        grid=(n // bt,),
        in_specs=[
            pl.BlockSpec((bt, d_cat), lambda i: (i, 0)),
            pl.BlockSpec((bt, d_cat), lambda i: (i, 0)),
            pl.BlockSpec((bt, d_cat), lambda i: (i, 0)),
            pl.BlockSpec((bt, DEGW), lambda i: (i, 0)),
            pl.BlockSpec((1, d_lat), lambda i: (0, 0)),
            pl.BlockSpec((1, d_lat), lambda i: (0, 0)),
        ],
        out_specs=[
            pl.BlockSpec((bt, d_lat), lambda i: (i, 0)),
            pl.BlockSpec((bt, d_lat), lambda i: (i, 0)),
        ],
        out_shape=[
            jax.ShapeDtypeStruct((n, d_lat), jnp.float32),
            jax.ShapeDtypeStruct((n, d_lat), jnp.float32),
        ],
    )


def kernel(x, edge_index, W1, b1, W_mu, b_mu, W_logstd, b_logstd):
    n, d_in = x.shape
    d_hid = W1.shape[1]
    d_lat = W_mu.shape[1]
    d_cat = 2 * d_lat
    e = edge_index.shape[1]
    bt = 1000
    gran = 8 * NS
    npad = ((n + gran - 1) // gran) * gran

    kc = 40
    epw_pad = ((e // NW + 2 * kc - 1) // (2 * kc)) * (2 * kc)
    e_pad = epw_pad * NW
    pad = e_pad - e
    src = jnp.concatenate([edge_index[0].astype(jnp.int32),
                           jnp.zeros((pad,), jnp.int32)])
    dst = jnp.concatenate([edge_index[1].astype(jnp.int32),
                           n + (jnp.arange(pad, dtype=jnp.int32) % (npad - n))])

    ones_k = jnp.ones((80, DEGW), jnp.float32)
    zeros_deg = jnp.zeros((npad, DEGW), jnp.float32)
    degp = _sc_degree(npad, e_pad, 80, 5)(dst, ones_k, zeros_deg)

    xws, dinv = _tc1(n, d_in, d_hid, bt)(x, W1, degp[0, :n], degp[1, :n])

    zeros_h = jnp.zeros((npad, d_hid), jnp.float32)
    p = _sc_scatter(npad, e_pad, d_hid, kc, 2)(src, dst, xws, zeros_h)

    wcat = jnp.concatenate([W_mu, W_logstd], axis=1)
    hcs = _tc2(n, d_hid, d_cat, bt)(p[0, :n], p[1, :n], xws, dinv,
                                    b1.reshape(1, d_hid), wcat)

    zeros_c = jnp.zeros((npad, d_cat), jnp.float32)
    q = _sc_scatter(npad, e_pad, d_cat, 80, 5)(src, dst, hcs, zeros_c)

    mu, logstd = _tc3(n, d_cat, d_lat, bt)(q[0, :n], q[1, :n], hcs, dinv,
                                           b_mu.reshape(1, d_lat),
                                           b_logstd.reshape(1, d_lat))
    return (mu, logstd)

# --- scband reference (transcript-rebuilt; emitter-appended) ---
"""Pipeline reference for scband-graph-encoder-13417477833490 (READ-ONLY COPY).

The authoritative reference and input builder live on the scoring server;
editing this copy changes nothing except your own understanding.
"""

import jax, jax.numpy as jnp
import numpy as np

N = 10000
E = 320000
D_IN = 128
D_HID = 128
D_LAT = 32


def setup_inputs(seed: int = 0) -> dict:
    key = jax.random.key(seed)
    k_x, k_e, k1, k2, k3 = jax.random.split(key, 5)
    x = jax.random.normal(k_x, (N, D_IN), dtype=jnp.float32)
    edge_index = jax.random.randint(k_e, (2, E), 0, N, dtype=jnp.int64)
    # GCNConv weights (glorot-like init)
    W1 = jax.random.normal(k1, (D_IN, D_HID), dtype=jnp.float32) * (1.0 / np.sqrt(D_IN))
    b1 = jnp.zeros((D_HID,), dtype=jnp.float32)
    W_mu = jax.random.normal(k2, (D_HID, D_LAT), dtype=jnp.float32) * (1.0 / np.sqrt(D_HID))
    b_mu = jnp.zeros((D_LAT,), dtype=jnp.float32)
    W_logstd = jax.random.normal(k3, (D_HID, D_LAT), dtype=jnp.float32) * (1.0 / np.sqrt(D_HID))
    b_logstd = jnp.zeros((D_LAT,), dtype=jnp.float32)
    return {"x": x, "edge_index": edge_index, "W1": W1, "b1": b1,
            "W_mu": W_mu, "b_mu": b_mu, "W_logstd": W_logstd, "b_logstd": b_logstd}


def _gcn_conv(x, src, dst, norm, W, b):
    # GCNConv (Kipf & Welling): out = D^{-1/2} (A + I) D^{-1/2} X W + b
    xw = x @ W
    msgs = jnp.take(xw, src, axis=0) * norm[:, None]
    out = jax.ops.segment_sum(msgs, dst, num_segments=x.shape[0])
    return out + b


def reference(x, edge_index, W1, b1, W_mu, b_mu, W_logstd, b_logstd):
    n = x.shape[0]
    # add self-loops (PyG GCNConv default)
    loops = jnp.arange(n, dtype=edge_index.dtype)
    src = jnp.concatenate([edge_index[0], loops])
    dst = jnp.concatenate([edge_index[1], loops])
    # symmetric normalization: deg computed on dst with unit edge weights
    deg = jax.ops.segment_sum(jnp.ones(src.shape[0], dtype=x.dtype), dst, num_segments=n)
    deg_inv_sqrt = jnp.where(deg > 0, 1.0 / jnp.sqrt(deg), 0.0)
    norm = jnp.take(deg_inv_sqrt, src) * jnp.take(deg_inv_sqrt, dst)
    hidden = jax.nn.relu(_gcn_conv(x, src, dst, norm, W1, b1))
    # dropout_rate = 0.0 -> identity
    mu = _gcn_conv(hidden, src, dst, norm, W_mu, b_mu)
    logstd = _gcn_conv(hidden, src, dst, norm, W_logstd, b_logstd)
    return (mu, logstd)

if __name__ == "__main__":
    import jax
    _d = setup_inputs()
    print(jax.jit(kernel)(*tuple(_d.values())))

</pallas_src>

<mosaic_0001>
#map = affine_map<(d0, d1) -> (0)>
#map1 = affine_map<(d0, d1) -> (0, 0)>
#map2 = affine_map<(d0, d1) -> (0, 0, 0)>
module attributes {stable_mosaic.version = 14 : i64} {
  func.func @scat_kernel(%arg0: i32, %arg1: i32, %arg2: memref<320000xi32, #tpu.memory_space<hbm>>, %arg3: memref<320000xi32, #tpu.memory_space<hbm>>, %arg4: memref<10000x128xf32, #tpu.memory_space<hbm>>, %arg5: memref<10112x128xf32, #tpu.memory_space<hbm>>, %arg6: memref<2x10112x128xf32, #tpu.memory_space<hbm>>, %arg7: memref<40xi32, #tpu.memory_space<vmem>>, %arg8: memref<40xi32, #tpu.memory_space<vmem>>, %arg9: memref<40xi32, #tpu.memory_space<vmem>>, %arg10: memref<40xi32, #tpu.memory_space<vmem>>, %arg11: memref<40xi32, #tpu.memory_space<vmem>>, %arg12: memref<40xi32, #tpu.memory_space<vmem>>, %arg13: memref<40xi32, #tpu.memory_space<vmem>>, %arg14: memref<40xi32, #tpu.memory_space<vmem>>, %arg15: memref<40x128xf32, #tpu.memory_space<vmem>>, %arg16: memref<40x128xf32, #tpu.memory_space<vmem>>, %arg17: memref<40x128xf32, #tpu.memory_space<vmem>>, %arg18: memref<40x128xf32, #tpu.memory_space<vmem>>, %arg19: memref<10112x128xf32, #tpu.memory_space<vmem_shared>>, %arg20: memref<!tpu.dma_semaphore, #tpu.memory_space<semaphore_mem>>, %arg21: memref<!tpu.dma_semaphore, #tpu.memory_space<semaphore_mem>>, %arg22: memref<!tpu.dma_semaphore, #tpu.memory_space<semaphore_mem>>, %arg23: memref<!tpu.dma_semaphore, #tpu.memory_space<semaphore_mem>>) attributes {dimension_semantics = [#tpu.dimension_semantics<core_parallel>, #tpu.dimension_semantics<subcore_parallel>], iteration_bounds = array<i64: 2, 16>, scalar_prefetch = 0 : i64, scratch_operands = 17 : i64, tpu.core_type = #tpu.core_type<sc_vector_subcore>, window_params = [{transform_indices = #map}, {transform_indices = #map}, {transform_indices = #map1}, {transform_indices = #map1}, {transform_indices = #map2}]} {
    %mul3A = arith.constant 16 : i32
    %mul3A_0 = arith.muli %arg0, %mul3A : i32
    %add3A = arith.addi %mul3A_0, %arg1 : i32
    %mul3A_1 = arith.constant 632 : i32
    %mul3A_2 = arith.muli %arg1, %mul3A_1 : i32
    %mul3A_3 = arith.constant 10000 : i32
    %mul3A_4 = arith.muli %add3A, %mul3A_3 : i32
    "tpu.region"() ({
      %run_scoped3A = tpu.sem_alloc : memref<!tpu.dma_semaphore, #tpu.memory_space<semaphore_mem>>
      %dma_start3A_129 = arith.constant 0 : i32
      %dma_start3A_130 = tpu.memref_slice %arg19[%mul3A_2, %dma_start3A_129] : memref<10112x128xf32, #tpu.memory_space<vmem_shared>> -> memref<632x128xf32, #tpu.memory_space<vmem_shared>>
      %dma_start3A_131 = arith.constant 0 : i32
      %dma_start3A_132 = tpu.memref_slice %arg5[%mul3A_2, %dma_start3A_131] : memref<10112x128xf32, #tpu.memory_space<hbm>> -> memref<632x128xf32, #tpu.memory_space<hbm>>
      tpu.enqueue_dma source(%dma_start3A_132 : memref<632x128xf32, #tpu.memory_space<hbm>>) target(%dma_start3A_130 : memref<632x128xf32, #tpu.memory_space<vmem_shared>>) target_semaphore(%run_scoped3A : memref<!tpu.dma_semaphore, #tpu.memory_space<semaphore_mem>>)
      %dma_wait3A_133 = arith.constant 0 : i32
      %dma_wait3A_134 = tpu.memref_slice %arg19[%mul3A_2, %dma_wait3A_133] : memref<10112x128xf32, #tpu.memory_space<vmem_shared>> -> memref<632x128xf32, #tpu.memory_space<vmem_shared>>
      %dma_wait3A_135 = arith.constant 0 : i32
      %dma_wait3A_136 = tpu.memref_slice %arg5[%mul3A_2, %dma_wait3A_135] : memref<10112x128xf32, #tpu.memory_space<hbm>> -> memref<632x128xf32, #tpu.memory_space<hbm>>
      tpu.wait_dma2 semaphore(%run_scoped3A : memref<!tpu.dma_semaphore, #tpu.memory_space<semaphore_mem>>) src(%dma_wait3A_136 : memref<632x128xf32, #tpu.memory_space<hbm>>) dst(%dma_wait3A_134 : memref<632x128xf32, #tpu.memory_space<vmem_shared>>)
      tpu.yield
    }) : () -> ()
    %barrier3A = arith.constant 0 : index
    tpu.barrier barrier_id(%barrier3A)
    %add3A_5 = arith.constant 0 : i32
    %add3A_6 = arith.addi %mul3A_4, %add3A_5 : i32
    %dma_start3A = tpu.memref_slice %arg2[%add3A_6] : memref<320000xi32, #tpu.memory_space<hbm>> -> memref<40xi32, #tpu.memory_space<hbm>>
    %dma_start3A_7 = tpu.memref_slice %arg2[%add3A_6] : memref<320000xi32, #tpu.memory_space<hbm>> -> memref<40xi32, #tpu.memory_space<hbm>>
    tpu.enqueue_dma source(%dma_start3A_7 : memref<40xi32, #tpu.memory_space<hbm>>) target(%arg7 : memref<40xi32, #tpu.memory_space<vmem>>) target_semaphore(%arg20 : memref<!tpu.dma_semaphore, #tpu.memory_space<semaphore_mem>>)
    %dma_start3A_8 = tpu.memref_slice %arg3[%add3A_6] : memref<320000xi32, #tpu.memory_space<hbm>> -> memref<40xi32, #tpu.memory_space<hbm>>
    %dma_start3A_9 = tpu.memref_slice %arg3[%add3A_6] : memref<320000xi32, #tpu.memory_space<hbm>> -> memref<40xi32, #tpu.memory_space<hbm>>
    tpu.enqueue_dma source(%dma_start3A_9 : memref<40xi32, #tpu.memory_space<hbm>>) target(%arg11 : memref<40xi32, #tpu.memory_space<vmem>>) target_semaphore(%arg20 : memref<!tpu.dma_semaphore, #tpu.memory_space<semaphore_mem>>)
    %add3A_10 = arith.constant 40 : i32
    %add3A_11 = arith.addi %mul3A_4, %add3A_10 : i32
    %dma_start3A_12 = tpu.memref_slice %arg2[%add3A_11] : memref<320000xi32, #tpu.memory_space<hbm>> -> memref<40xi32, #tpu.memory_space<hbm>>
    %dma_start3A_13 = tpu.memref_slice %arg2[%add3A_11] : memref<320000xi32, #tpu.memory_space<hbm>> -> memref<40xi32, #tpu.memory_space<hbm>>
    tpu.enqueue_dma source(%dma_start3A_13 : memref<40xi32, #tpu.memory_space<hbm>>) target(%arg8 : memref<40xi32, #tpu.memory_space<vmem>>) target_semaphore(%arg20 : memref<!tpu.dma_semaphore, #tpu.memory_space<semaphore_mem>>)
    %dma_start3A_14 = tpu.memref_slice %arg3[%add3A_11] : memref<320000xi32, #tpu.memory_space<hbm>> -> memref<40xi32, #tpu.memory_space<hbm>>
    %dma_start3A_15 = tpu.memref_slice %arg3[%add3A_11] : memref<320000xi32, #tpu.memory_space<hbm>> -> memref<40xi32, #tpu.memory_space<hbm>>
    tpu.enqueue_dma source(%dma_start3A_15 : memref<40xi32, #tpu.memory_space<hbm>>) target(%arg12 : memref<40xi32, #tpu.memory_space<vmem>>) target_semaphore(%arg20 : memref<!tpu.dma_semaphore, #tpu.memory_space<semaphore_mem>>)
    %add3A_16 = arith.constant 80 : i32
    %add3A_17 = arith.addi %mul3A_4, %add3A_16 : i32
    %dma_start3A_18 = tpu.memref_slice %arg2[%add3A_17] : memref<320000xi32, #tpu.memory_space<hbm>> -> memref<40xi32, #tpu.memory_space<hbm>>
    %dma_start3A_19 = tpu.memref_slice %arg2[%add3A_17] : memref<320000xi32, #tpu.memory_space<hbm>> -> memref<40xi32, #tpu.memory_space<hbm>>
    tpu.enqueue_dma source(%dma_start3A_19 : memref<40xi32, #tpu.memory_space<hbm>>) target(%arg9 : memref<40xi32, #tpu.memory_space<vmem>>) target_semaphore(%arg21 : memref<!tpu.dma_semaphore, #tpu.memory_space<semaphore_mem>>)
    %dma_start3A_20 = tpu.memref_slice %arg3[%add3A_17] : memref<320000xi32, #tpu.memory_space<hbm>> -> memref<40xi32, #tpu.memory_space<hbm>>
    %dma_start3A_21 = tpu.memref_slice %arg3[%add3A_17] : memref<320000xi32, #tpu.memory_space<hbm>> -> memref<40xi32, #tpu.memory_space<hbm>>
    tpu.enqueue_dma source(%dma_start3A_21 : memref<40xi32, #tpu.memory_space<hbm>>) target(%arg13 : memref<40xi32, #tpu.memory_space<vmem>>) target_semaphore(%arg21 : memref<!tpu.dma_semaphore, #tpu.memory_space<semaphore_mem>>)
    %add3A_22 = arith.constant 120 : i32
    %add3A_23 = arith.addi %mul3A_4, %add3A_22 : i32
    %dma_start3A_24 = tpu.memref_slice %arg2[%add3A_23] : memref<320000xi32, #tpu.memory_space<hbm>> -> memref<40xi32, #tpu.memory_space<hbm>>
    %dma_start3A_25 = tpu.memref_slice %arg2[%add3A_23] : memref<320000xi32, #tpu.memory_space<hbm>> -> memref<40xi32, #tpu.memory_space<hbm>>
    tpu.enqueue_dma source(%dma_start3A_25 : memref<40xi32, #tpu.memory_space<hbm>>) target(%arg10 : memref<40xi32, #tpu.memory_space<vmem>>) target_semaphore(%arg21 : memref<!tpu.dma_semaphore, #tpu.memory_space<semaphore_mem>>)
    %dma_start3A_26 = tpu.memref_slice %arg3[%add3A_23] : memref<320000xi32, #tpu.memory_space<hbm>> -> memref<40xi32, #tpu.memory_space<hbm>>
    %dma_start3A_27 = tpu.memref_slice %arg3[%add3A_23] : memref<320000xi32, #tpu.memory_space<hbm>> -> memref<40xi32, #tpu.memory_space<hbm>>
    tpu.enqueue_dma source(%dma_start3A_27 : memref<40xi32, #tpu.memory_space<hbm>>) target(%arg14 : memref<40xi32, #tpu.memory_space<vmem>>) target_semaphore(%arg21 : memref<!tpu.dma_semaphore, #tpu.memory_space<semaphore_mem>>)
    %dma_wait3A = arith.constant 0 : i32
    %dma_wait3A_28 = tpu.memref_slice %arg2[%dma_wait3A] : memref<320000xi32, #tpu.memory_space<hbm>> -> memref<40xi32, #tpu.memory_space<hbm>>
    %dma_wait3A_29 = arith.constant 0 : i32
    %dma_wait3A_30 = tpu.memref_slice %arg2[%dma_wait3A_29] : memref<320000xi32, #tpu.memory_space<hbm>> -> memref<40xi32, #tpu.memory_space<hbm>>
    tpu.wait_dma2 semaphore(%arg20 : memref<!tpu.dma_semaphore, #tpu.memory_space<semaphore_mem>>) src(%dma_wait3A_30 : memref<40xi32, #tpu.memory_space<hbm>>) dst(%arg7 : memref<40xi32, #tpu.memory_space<vmem>>)
    %dma_wait3A_31 = arith.constant 0 : i32
    %dma_wait3A_32 = tpu.memref_slice %arg3[%dma_wait3A_31] : memref<320000xi32, #tpu.memory_space<hbm>> -> memref<40xi32, #tpu.memory_space<hbm>>
    %dma_wait3A_33 = arith.constant 0 : i32
    %dma_wait3A_34 = tpu.memref_slice %arg3[%dma_wait3A_33] : memref<320000xi32, #tpu.memory_space<hbm>> -> memref<40xi32, #tpu.memory_space<hbm>>
    tpu.wait_dma2 semaphore(%arg20 : memref<!tpu.dma_semaphore, #tpu.memory_space<semaphore_mem>>) src(%dma_wait3A_34 : memref<40xi32, #tpu.memory_space<hbm>>) dst(%arg11 : memref<40xi32, #tpu.memory_space<vmem>>)
    %dma_wait3A_35 = arith.constant 0 : i32
    %dma_wait3A_36 = tpu.memref_slice %arg2[%dma_wait3A_35] : memref<320000xi32, #tpu.memory_space<hbm>> -> memref<40xi32, #tpu.memory_space<hbm>>
    %dma_wait3A_37 = arith.constant 0 : i32
    %dma_wait3A_38 = tpu.memref_slice %arg2[%dma_wait3A_37] : memref<320000xi32, #tpu.memory_space<hbm>> -> memref<40xi32, #tpu.memory_space<hbm>>
    tpu.wait_dma2 semaphore(%arg20 : memref<!tpu.dma_semaphore, #tpu.memory_space<semaphore_mem>>) src(%dma_wait3A_38 : memref<40xi32, #tpu.memory_space<hbm>>) dst(%arg8 : memref<40xi32, #tpu.memory_space<vmem>>)
    %dma_wait3A_39 = arith.constant 0 : i32
    %dma_wait3A_40 = tpu.memref_slice %arg3[%dma_wait3A_39] : memref<320000xi32, #tpu.memory_space<hbm>> -> memref<40xi32, #tpu.memory_space<hbm>>
    %dma_wait3A_41 = arith.constant 0 : i32
    %dma_wait3A_42 = tpu.memref_slice %arg3[%dma_wait3A_41] : memref<320000xi32, #tpu.memory_space<hbm>> -> memref<40xi32, #tpu.memory_space<hbm>>
    tpu.wait_dma2 semaphore(%arg20 : memref<!tpu.dma_semaphore, #tpu.memory_space<semaphore_mem>>) src(%dma_wait3A_42 : memref<40xi32, #tpu.memory_space<hbm>>) dst(%arg12 : memref<40xi32, #tpu.memory_space<vmem>>)
    %dma_start3A_43 = arith.constant 0 : i32
    %dma_start3A_44 = arith.constant 0 : i32
    %dma_start3A_45 = tpu.memref_slice %arg4[%dma_start3A_43, %dma_start3A_44] : memref<10000x128xf32, #tpu.memory_space<hbm>> -> memref<10000x128xf32, #tpu.memory_space<hbm>>
    tpu.enqueue_indirect_dma source(%dma_start3A_45 : memref<10000x128xf32, #tpu.memory_space<hbm>>) target(%arg15 : memref<40x128xf32, #tpu.memory_space<vmem>>) offsets(%arg7 : memref<40xi32, #tpu.memory_space<vmem>>) semaphore(%arg22 : memref<!tpu.dma_semaphore, #tpu.memory_space<semaphore_mem>>)
    %dma_start3A_46 = arith.constant 0 : i32
    %dma_start3A_47 = arith.constant 0 : i32
    %dma_start3A_48 = tpu.memref_slice %arg4[%dma_start3A_46, %dma_start3A_47] : memref<10000x128xf32, #tpu.memory_space<hbm>> -> memref<10000x128xf32, #tpu.memory_space<hbm>>
    tpu.enqueue_indirect_dma source(%dma_start3A_48 : memref<10000x128xf32, #tpu.memory_space<hbm>>) target(%arg16 : memref<40x128xf32, #tpu.memory_space<vmem>>) offsets(%arg8 : memref<40xi32, #tpu.memory_space<vmem>>) semaphore(%arg22 : memref<!tpu.dma_semaphore, #tpu.memory_space<semaphore_mem>>)
    %scan3A = arith.constant 0 : i32
    %scan3A_49 = arith.constant 0 : i32
    %scan3A_50 = arith.constant 61 : i32
    %scan3A_51 = arith.addi %scan3A_49, %scan3A_50 : i32
    %scan3A_52 = arith.constant 1 : i32
    scf.for %scan3A_129 = %scan3A_49 to %scan3A_51 step %scan3A_52  : i32 {
      %mul3A_130 = arith.constant 2 : i32
      %mul3A_131 = arith.muli %mul3A_130, %scan3A_129 : i32
      %dma_wait3A_132 = arith.constant 0 : i32
      %dma_wait3A_133 = tpu.memref_slice %arg2[%dma_wait3A_132] : memref<320000xi32, #tpu.memory_space<hbm>> -> memref<40xi32, #tpu.memory_space<hbm>>
      %dma_wait3A_134 = arith.constant 0 : i32
      %dma_wait3A_135 = tpu.memref_slice %arg2[%dma_wait3A_134] : memref<320000xi32, #tpu.memory_space<hbm>> -> memref<40xi32, #tpu.memory_space<hbm>>
      tpu.wait_dma2 semaphore(%arg21 : memref<!tpu.dma_semaphore, #tpu.memory_space<semaphore_mem>>) src(%dma_wait3A_135 : memref<40xi32, #tpu.memory_space<hbm>>) dst(%arg9 : memref<40xi32, #tpu.memory_space<vmem>>)
      %dma_wait3A_136 = arith.constant 0 : i32
      %dma_wait3A_137 = tpu.memref_slice %arg3[%dma_wait3A_136] : memref<320000xi32, #tpu.memory_space<hbm>> -> memref<40xi32, #tpu.memory_space<hbm>>
      %dma_wait3A_138 = arith.constant 0 : i32
      %dma_wait3A_139 = tpu.memref_slice %arg3[%dma_wait3A_138] : memref<320000xi32, #tpu.memory_space<hbm>> -> memref<40xi32, #tpu.memory_space<hbm>>
      tpu.wait_dma2 semaphore(%arg21 : memref<!tpu.dma_semaphore, #tpu.memory_space<semaphore_mem>>) src(%dma_wait3A_139 : memref<40xi32, #tpu.memory_space<hbm>>) dst(%arg13 : memref<40xi32, #tpu.memory_space<vmem>>)
      %dma_wait3A_140 = arith.constant 0 : i32
      %dma_wait3A_141 = tpu.memref_slice %arg2[%dma_wait3A_140] : memref<320000xi32, #tpu.memory_space<hbm>> -> memref<40xi32, #tpu.memory_space<hbm>>
      %dma_wait3A_142 = arith.constant 0 : i32
      %dma_wait3A_143 = tpu.memref_slice %arg2[%dma_wait3A_142] : memref<320000xi32, #tpu.memory_space<hbm>> -> memref<40xi32, #tpu.memory_space<hbm>>
      tpu.wait_dma2 semaphore(%arg21 : memref<!tpu.dma_semaphore, #tpu.memory_space<semaphore_mem>>) src(%dma_wait3A_143 : memref<40xi32, #tpu.memory_space<hbm>>) dst(%arg10 : memref<40xi32, #tpu.memory_space<vmem>>)
      %dma_wait3A_144 = arith.constant 0 : i32
      %dma_wait3A_145 = tpu.memref_slice %arg3[%dma_wait3A_144] : memref<320000xi32, #tpu.memory_space<hbm>> -> memref<40xi32, #tpu.memory_space<hbm>>
      %dma_wait3A_146 = arith.constant 0 : i32
      %dma_wait3A_147 = tpu.memref_slice %arg3[%dma_wait3A_146] : memref<320000xi32, #tpu.memory_space<hbm>> -> memref<40xi32, #tpu.memory_space<hbm>>
      tpu.wait_dma2 semaphore(%arg21 : memref<!tpu.dma_semaphore, #tpu.memory_space<semaphore_mem>>) src(%dma_wait3A_147 : memref<40xi32, #tpu.memory_space<hbm>>) dst(%arg14 : memref<40xi32, #tpu.memory_space<vmem>>)
      %dma_start3A_148 = arith.constant 0 : i32
      %dma_start3A_149 = arith.constant 0 : i32
      %dma_start3A_150 = tpu.memref_slice %arg4[%dma_start3A_148, %dma_start3A_149] : memref<10000x128xf32, #tpu.memory_space<hbm>> -> memref<10000x128xf32, #tpu.memory_space<hbm>>
      tpu.enqueue_indirect_dma source(%dma_start3A_150 : memref<10000x128xf32, #tpu.memory_space<hbm>>) target(%arg17 : memref<40x128xf32, #tpu.memory_space<vmem>>) offsets(%arg9 : memref<40xi32, #tpu.memory_space<vmem>>) semaphore(%arg23 : memref<!tpu.dma_semaphore, #tpu.memory_space<semaphore_mem>>)
      %dma_start3A_151 = arith.constant 0 : i32
      %dma_start3A_152 = arith.constant 0 : i32
      %dma_start3A_153 = tpu.memref_slice %arg4[%dma_start3A_151, %dma_start3A_152] : memref<10000x128xf32, #tpu.memory_space<hbm>> -> memref<10000x128xf32, #tpu.memory_space<hbm>>
      tpu.enqueue_indirect_dma source(%dma_start3A_153 : memref<10000x128xf32, #tpu.memory_space<hbm>>) target(%arg18 : memref<40x128xf32, #tpu.memory_space<vmem>>) offsets(%arg10 : memref<40xi32, #tpu.memory_space<vmem>>) semaphore(%arg23 : memref<!tpu.dma_semaphore, #tpu.memory_space<semaphore_mem>>)
      %dma_wait3A_154 = arith.constant 0 : i32
      %dma_wait3A_155 = arith.constant 0 : i32
      %dma_wait3A_156 = tpu.memref_slice %arg4[%dma_wait3A_154, %dma_wait3A_155] : memref<10000x128xf32, #tpu.memory_space<hbm>> -> memref<10000x128xf32, #tpu.memory_space<hbm>>
      tpu.wait_indirect_dma semaphore(%arg22 : memref<!tpu.dma_semaphore, #tpu.memory_space<semaphore_mem>>) src(%dma_wait3A_156 : memref<10000x128xf32, #tpu.memory_space<hbm>>) dst(%arg15 : memref<40x128xf32, #tpu.memory_space<vmem>>)
      %dma_wait3A_157 = arith.constant 0 : i32
      %dma_wait3A_158 = arith.constant 0 : i32
      %dma_wait3A_159 = tpu.memref_slice %arg4[%dma_wait3A_157, %dma_wait3A_158] : memref<10000x128xf32, #tpu.memory_space<hbm>> -> memref<10000x128xf32, #tpu.memory_space<hbm>>
      tpu.wait_indirect_dma semaphore(%arg22 : memref<!tpu.dma_semaphore, #tpu.memory_space<semaphore_mem>>) src(%dma_wait3A_159 : memref<10000x128xf32, #tpu.memory_space<hbm>>) dst(%arg16 : memref<40x128xf32, #tpu.memory_space<vmem>>)
      "tpu.region"() ({
        %run_scoped3A = tpu.sem_alloc : memref<!tpu.dma_semaphore, #tpu.memory_space<semaphore_mem>>
        %dma_start3A_240 = arith.constant 0 : i32
        %dma_start3A_241 = arith.constant 0 : i32
        %dma_start3A_242 = tpu.memref_slice %arg19[%dma_start3A_240, %dma_start3A_241] : memref<10112x128xf32, #tpu.memory_space<vmem_shared>> -> memref<10112x128xf32, #tpu.memory_space<vmem_shared>>
        tpu.enqueue_indirect_dma source(%arg15 : memref<40x128xf32, #tpu.memory_space<vmem>>) target(%dma_start3A_242 : memref<10112x128xf32, #tpu.memory_space<vmem_shared>>) offsets(%arg11 : memref<40xi32, #tpu.memory_space<vmem>>) semaphore(%run_scoped3A : memref<!tpu.dma_semaphore, #tpu.memory_space<semaphore_mem>>) {add = true}
        %dma_wait3A_243 = arith.constant 0 : i32
        %dma_wait3A_244 = arith.constant 0 : i32
        %dma_wait3A_245 = tpu.memref_slice %arg19[%dma_wait3A_243, %dma_wait3A_244] : memref<10112x128xf32, #tpu.memory_space<vmem_shared>> -> memref<10112x128xf32, #tpu.memory_space<vmem_shared>>
        tpu.wait_indirect_dma semaphore(%run_scoped3A : memref<!tpu.dma_semaphore, #tpu.memory_space<semaphore_mem>>) src(%arg15 : memref<40x128xf32, #tpu.memory_space<vmem>>) dst(%dma_wait3A_245 : memref<10112x128xf32, #tpu.memory_space<vmem_shared>>)
        tpu.yield
      }) : () -> ()
      "tpu.region"() ({
        %run_scoped3A = tpu.sem_alloc : memref<!tpu.dma_semaphore, #tpu.memory_space<semaphore_mem>>
        %dma_start3A_240 = arith.constant 0 : i32
        %dma_start3A_241 = arith.constant 0 : i32
        %dma_start3A_242 = tpu.memref_slice %arg19[%dma_start3A_240, %dma_start3A_241] : memref<10112x128xf32, #tpu.memory_space<vmem_shared>> -> memref<10112x128xf32, #tpu.memory_space<vmem_shared>>
        tpu.enqueue_indirect_dma source(%arg16 : memref<40x128xf32, #tpu.memory_space<vmem>>) target(%dma_start3A_242 : memref<10112x128xf32, #tpu.memory_space<vmem_shared>>) offsets(%arg12 : memref<40xi32, #tpu.memory_space<vmem>>) semaphore(%run_scoped3A : memref<!tpu.dma_semaphore, #tpu.memory_space<semaphore_mem>>) {add = true}
        %dma_wait3A_243 = arith.constant 0 : i32
        %dma_wait3A_244 = arith.constant 0 : i32
        %dma_wait3A_245 = tpu.memref_slice %arg19[%dma_wait3A_243, %dma_wait3A_244] : memref<10112x128xf32, #tpu.memory_space<vmem_shared>> -> memref<10112x128xf32, #tpu.memory_space<vmem_shared>>
        tpu.wait_indirect_dma semaphore(%run_scoped3A : memref<!tpu.dma_semaphore, #tpu.memory_space<semaphore_mem>>) src(%arg16 : memref<40x128xf32, #tpu.memory_space<vmem>>) dst(%dma_wait3A_245 : memref<10112x128xf32, #tpu.memory_space<vmem_shared>>)
        tpu.yield
      }) : () -> ()
      %add3A_160 = arith.constant 2 : i32
      %add3A_161 = arith.addi %mul3A_131, %add3A_160 : i32
      %mul3A_162 = arith.constant 2 : i32
      %mul3A_163 = arith.muli %add3A_161, %mul3A_162 : i32
      %add3A_164 = arith.constant 0 : i32
      %add3A_165 = arith.addi %mul3A_163, %add3A_164 : i32
      %mul3A_166 = arith.constant 40 : i32
      %mul3A_167 = arith.muli %add3A_165, %mul3A_166 : i32
      %add3A_168 = arith.addi %mul3A_4, %mul3A_167 : i32
      %dma_start3A_169 = tpu.memref_slice %arg2[%add3A_168] : memref<320000xi32, #tpu.memory_space<hbm>> -> memref<40xi32, #tpu.memory_space<hbm>>
      %dma_start3A_170 = tpu.memref_slice %arg2[%add3A_168] : memref<320000xi32, #tpu.memory_space<hbm>> -> memref<40xi32, #tpu.memory_space<hbm>>
      tpu.enqueue_dma source(%dma_start3A_170 : memref<40xi32, #tpu.memory_space<hbm>>) target(%arg7 : memref<40xi32, #tpu.memory_space<vmem>>) target_semaphore(%arg20 : memref<!tpu.dma_semaphore, #tpu.memory_space<semaphore_mem>>)
      %dma_start3A_171 = tpu.memref_slice %arg3[%add3A_168] : memref<320000xi32, #tpu.memory_space<hbm>> -> memref<40xi32, #tpu.memory_space<hbm>>
      %dma_start3A_172 = tpu.memref_slice %arg3[%add3A_168] : memref<320000xi32, #tpu.memory_space<hbm>> -> memref<40xi32, #tpu.memory_space<hbm>>
      tpu.enqueue_dma source(%dma_start3A_172 : memref<40xi32, #tpu.memory_space<hbm>>) target(%arg11 : memref<40xi32, #tpu.memory_space<vmem>>) target_semaphore(%arg20 : memref<!tpu.dma_semaphore, #tpu.memory_space<semaphore_mem>>)
      %mul3A_173 = arith.constant 2 : i32
      %mul3A_174 = arith.muli %add3A_161, %mul3A_173 : i32
      %add3A_175 = arith.constant 1 : i32
      %add3A_176 = arith.addi %mul3A_174, %add3A_175 : i32
      %mul3A_177 = arith.constant 40 : i32
      %mul3A_178 = arith.muli %add3A_176, %mul3A_177 : i32
      %add3A_179 = arith.addi %mul3A_4, %mul3A_178 : i32
      %dma_start3A_180 = tpu.memref_slice %arg2[%add3A_179] : memref<320000xi32, #tpu.memory_space<hbm>> -> memref<40xi32, #tpu.memory_space<hbm>>
      %dma_start3A_181 = tpu.memref_slice %arg2[%add3A_179] : memref<320000xi32, #tpu.memory_space<hbm>> -> memref<40xi32, #tpu.memory_space<hbm>>
      tpu.enqueue_dma source(%dma_start3A_181 : memref<40xi32, #tpu.memory_space<hbm>>) target(%arg8 : memref<40xi32, #tpu.memory_space<vmem>>) target_semaphore(%arg20 : memref<!tpu.dma_semaphore, #tpu.memory_space<semaphore_mem>>)
      %dma_start3A_182 = tpu.memref_slice %arg3[%add3A_179] : memref<320000xi32, #tpu.memory_space<hbm>> -> memref<40xi32, #tpu.memory_space<hbm>>
      %dma_start3A_183 = tpu.memref_slice %arg3[%add3A_179] : memref<320000xi32, #tpu.memory_space<hbm>> -> memref<40xi32, #tpu.memory_space<hbm>>
      tpu.enqueue_dma source(%dma_start3A_183 : memref<40xi32, #tpu.memory_space<hbm>>) target(%arg12 : memref<40xi32, #tpu.memory_space<vmem>>) target_semaphore(%arg20 : memref<!tpu.dma_semaphore, #tpu.memory_space<semaphore_mem>>)
      %mul3A_184 = arith.constant 2 : i32
      %mul3A_185 = arith.muli %mul3A_184, %scan3A_129 : i32
      %add3A_186 = arith.constant 1 : i32
      %add3A_187 = arith.addi %mul3A_185, %add3A_186 : i32
      %dma_wait3A_188 = arith.constant 0 : i32
      %dma_wait3A_189 = tpu.memref_slice %arg2[%dma_wait3A_188] : memref<320000xi32, #tpu.memory_space<hbm>> -> memref<40xi32, #tpu.memory_space<hbm>>
      %dma_wait3A_190 = arith.constant 0 : i32
      %dma_wait3A_191 = tpu.memref_slice %arg2[%dma_wait3A_190] : memref<320000xi32, #tpu.memory_space<hbm>> -> memref<40xi32, #tpu.memory_space<hbm>>
      tpu.wait_dma2 semaphore(%arg20 : memref<!tpu.dma_semaphore, #tpu.memory_space<semaphore_mem>>) src(%dma_wait3A_191 : memref<40xi32, #tpu.memory_space<hbm>>) dst(%arg7 : memref<40xi32, #tpu.memory_space<vmem>>)
      %dma_wait3A_192 = arith.constant 0 : i32
      %dma_wait3A_193 = tpu.memref_slice %arg3[%dma_wait3A_192] : memref<320000xi32, #tpu.memory_space<hbm>> -> memref<40xi32, #tpu.memory_space<hbm>>
      %dma_wait3A_194 = arith.constant 0 : i32
      %dma_wait3A_195 = tpu.memref_slice %arg3[%dma_wait3A_194] : memref<320000xi32, #tpu.memory_space<hbm>> -> memref<40xi32, #tpu.memory_space<hbm>>
      tpu.wait_dma2 semaphore(%arg20 : memref<!tpu.dma_semaphore, #tpu.memory_space<semaphore_mem>>) src(%dma_wait3A_195 : memref<40xi32, #tpu.memory_space<hbm>>) dst(%arg11 : memref<40xi32, #tpu.memory_space<vmem>>)
      %dma_wait3A_196 = arith.constant 0 : i32
      %dma_wait3A_197 = tpu.memref_slice %arg2[%dma_wait3A_196] : memref<320000xi32, #tpu.memory_space<hbm>> -> memref<40xi32, #tpu.memory_space<hbm>>
      %dma_wait3A_198 = arith.constant 0 : i32
      %dma_wait3A_199 = tpu.memref_slice %arg2[%dma_wait3A_198] : memref<320000xi32, #tpu.memory_space<hbm>> -> memref<40xi32, #tpu.memory_space<hbm>>
      tpu.wait_dma2 semaphore(%arg20 : memref<!tpu.dma_semaphore, #tpu.memory_space<semaphore_mem>>) src(%dma_wait3A_199 : memref<40xi32, #tpu.memory_space<hbm>>) dst(%arg8 : memref<40xi32, #tpu.memory_space<vmem>>)
      %dma_wait3A_200 = arith.constant 0 : i32
      %dma_wait3A_201 = tpu.memref_slice %arg3[%dma_wait3A_200] : memref<320000xi32, #tpu.memory_space<hbm>> -> memref<40xi32, #tpu.memory_space<hbm>>
      %dma_wait3A_202 = arith.constant 0 : i32
      %dma_wait3A_203 = tpu.memref_slice %arg3[%dma_wait3A_202] : memref<320000xi32, #tpu.memory_space<hbm>> -> memref<40xi32, #tpu.memory_space<hbm>>
      tpu.wait_dma2 semaphore(%arg20 : memref<!tpu.dma_semaphore, #tpu.memory_space<semaphore_mem>>) src(%dma_wait3A_203 : memref<40xi32, #tpu.memory_space<hbm>>) dst(%arg12 : memref<40xi32, #tpu.memory_space<vmem>>)
      %dma_start3A_204 = arith.constant 0 : i32
      %dma_start3A_205 = arith.constant 0 : i32
      %dma_start3A_206 = tpu.memref_slice %arg4[%dma_start3A_204, %dma_start3A_205] : memref<10000x128xf32, #tpu.memory_space<hbm>> -> memref<10000x128xf32, #tpu.memory_space<hbm>>
      tpu.enqueue_indirect_dma source(%dma_start3A_206 : memref<10000x128xf32, #tpu.memory_space<hbm>>) target(%arg15 : memref<40x128xf32, #tpu.memory_space<vmem>>) offsets(%arg7 : memref<40xi32, #tpu.memory_space<vmem>>) semaphore(%arg22 : memref<!tpu.dma_semaphore, #tpu.memory_space<semaphore_mem>>)
      %dma_start3A_207 = arith.constant 0 : i32
      %dma_start3A_208 = arith.constant 0 : i32
      %dma_start3A_209 = tpu.memref_slice %arg4[%dma_start3A_207, %dma_start3A_208] : memref<10000x128xf32, #tpu.memory_space<hbm>> -> memref<10000x128xf32, #tpu.memory_space<hbm>>
      tpu.enqueue_indirect_dma source(%dma_start3A_209 : memref<10000x128xf32, #tpu.memory_space<hbm>>) target(%arg16 : memref<40x128xf32, #tpu.memory_space<vmem>>) offsets(%arg8 : memref<40xi32, #tpu.memory_space<vmem>>) semaphore(%arg22 : memref<!tpu.dma_semaphore, #tpu.memory_space<semaphore_mem>>)
      %dma_wait3A_210 = arith.constant 0 : i32
      %dma_wait3A_211 = arith.constant 0 : i32
      %dma_wait3A_212 = tpu.memref_slice %arg4[%dma_wait3A_210, %dma_wait3A_211] : memref<10000x128xf32, #tpu.memory_space<hbm>> -> memref<10000x128xf32, #tpu.memory_space<hbm>>
      tpu.wait_indirect_dma semaphore(%arg23 : memref<!tpu.dma_semaphore, #tpu.memory_space<semaphore_mem>>) src(%dma_wait3A_212 : memref<10000x128xf32, #tpu.memory_space<hbm>>) dst(%arg17 : memref<40x128xf32, #tpu.memory_space<vmem>>)
      %dma_wait3A_213 = arith.constant 0 : i32
      %dma_wait3A_214 = arith.constant 0 : i32
      %dma_wait3A_215 = tpu.memref_slice %arg4[%dma_wait3A_213, %dma_wait3A_214] : memref<10000x128xf32, #tpu.memory_space<hbm>> -> memref<10000x128xf32, #tpu.memory_space<hbm>>
      tpu.wait_indirect_dma semaphore(%arg23 : memref<!tpu.dma_semaphore, #tpu.memory_space<semaphore_mem>>) src(%dma_wait3A_215 : memref<10000x128xf32, #tpu.memory_space<hbm>>) dst(%arg18 : memref<40x128xf32, #tpu.memory_space<vmem>>)
      "tpu.region"() ({
        %run_scoped3A = tpu.sem_alloc : memref<!tpu.dma_semaphore, #tpu.memory_space<semaphore_mem>>
        %dma_start3A_240 = arith.constant 0 : i32
        %dma_start3A_241 = arith.constant 0 : i32
        %dma_start3A_242 = tpu.memref_slice %arg19[%dma_start3A_240, %dma_start3A_241] : memref<10112x128xf32, #tpu.memory_space<vmem_shared>> -> memref<10112x128xf32, #tpu.memory_space<vmem_shared>>
        tpu.enqueue_indirect_dma source(%arg17 : memref<40x128xf32, #tpu.memory_space<vmem>>) target(%dma_start3A_242 : memref<10112x128xf32, #tpu.memory_space<vmem_shared>>) offsets(%arg13 : memref<40xi32, #tpu.memory_space<vmem>>) semaphore(%run_scoped3A : memref<!tpu.dma_semaphore, #tpu.memory_space<semaphore_mem>>) {add = true}
        %dma_wait3A_243 = arith.constant 0 : i32
        %dma_wait3A_244 = arith.constant 0 : i32
        %dma_wait3A_245 = tpu.memref_slice %arg19[%dma_wait3A_243, %dma_wait3A_244] : memref<10112x128xf32, #tpu.memory_space<vmem_shared>> -> memref<10112x128xf32, #tpu.memory_space<vmem_shared>>
        tpu.wait_indirect_dma semaphore(%run_scoped3A : memref<!tpu.dma_semaphore, #tpu.memory_space<semaphore_mem>>) src(%arg17 : memref<40x128xf32, #tpu.memory_space<vmem>>) dst(%dma_wait3A_245 : memref<10112x128xf32, #tpu.memory_space<vmem_shared>>)
        tpu.yield
      }) : () -> ()
      "tpu.region"() ({
        %run_scoped3A = tpu.sem_alloc : memref<!tpu.dma_semaphore, #tpu.memory_space<semaphore_mem>>
        %dma_start3A_240 = arith.constant 0 : i32
        %dma_start3A_241 = arith.constant 0 : i32
        %dma_start3A_242 = tpu.memref_slice %arg19[%dma_start3A_240, %dma_start3A_241] : memref<10112x128xf32, #tpu.memory_space<vmem_shared>> -> memref<10112x128xf32, #tpu.memory_space<vmem_shared>>
        tpu.enqueue_indirect_dma source(%arg18 : memref<40x128xf32, #tpu.memory_space<vmem>>) target(%dma_start3A_242 : memref<10112x128xf32, #tpu.memory_space<vmem_shared>>) offsets(%arg14 : memref<40xi32, #tpu.memory_space<vmem>>) semaphore(%run_scoped3A : memref<!tpu.dma_semaphore, #tpu.memory_space<semaphore_mem>>) {add = true}
        %dma_wait3A_243 = arith.constant 0 : i32
        %dma_wait3A_244 = arith.constant 0 : i32
        %dma_wait3A_245 = tpu.memref_slice %arg19[%dma_wait3A_243, %dma_wait3A_244] : memref<10112x128xf32, #tpu.memory_space<vmem_shared>> -> memref<10112x128xf32, #tpu.memory_space<vmem_shared>>
        tpu.wait_indirect_dma semaphore(%run_scoped3A : memref<!tpu.dma_semaphore, #tpu.memory_space<semaphore_mem>>) src(%arg18 : memref<40x128xf32, #tpu.memory_space<vmem>>) dst(%dma_wait3A_245 : memref<10112x128xf32, #tpu.memory_space<vmem_shared>>)
        tpu.yield
      }) : () -> ()
      %add3A_216 = arith.constant 2 : i32
      %add3A_217 = arith.addi %add3A_187, %add3A_216 : i32
      %mul3A_218 = arith.constant 2 : i32
      %mul3A_219 = arith.muli %add3A_217, %mul3A_218 : i32
      %add3A_220 = arith.constant 0 : i32
      %add3A_221 = arith.addi %mul3A_219, %add3A_220 : i32
      %mul3A_222 = arith.constant 40 : i32
      %mul3A_223 = arith.muli %add3A_221, %mul3A_222 : i32
      %add3A_224 = arith.addi %mul3A_4, %mul3A_223 : i32
      %dma_start3A_225 = tpu.memref_slice %arg2[%add3A_224] : memref<320000xi32, #tpu.memory_space<hbm>> -> memref<40xi32, #tpu.memory_space<hbm>>
      %dma_start3A_226 = tpu.memref_slice %arg2[%add3A_224] : memref<320000xi32, #tpu.memory_space<hbm>> -> memref<40xi32, #tpu.memory_space<hbm>>
      tpu.enqueue_dma source(%dma_start3A_226 : memref<40xi32, #tpu.memory_space<hbm>>) target(%arg9 : memref<40xi32, #tpu.memory_space<vmem>>) target_semaphore(%arg21 : memref<!tpu.dma_semaphore, #tpu.memory_space<semaphore_mem>>)
      %dma_start3A_227 = tpu.memref_slice %arg3[%add3A_224] : memref<320000xi32, #tpu.memory_space<hbm>> -> memref<40xi32, #tpu.memory_space<hbm>>
      %dma_start3A_228 = tpu.memref_slice %arg3[%add3A_224] : memref<320000xi32, #tpu.memory_space<hbm>> -> memref<40xi32, #tpu.memory_space<hbm>>
      tpu.enqueue_dma source(%dma_start3A_228 : memref<40xi32, #tpu.memory_space<hbm>>) target(%arg13 : memref<40xi32, #tpu.memory_space<vmem>>) target_semaphore(%arg21 : memref<!tpu.dma_semaphore, #tpu.memory_space<semaphore_mem>>)
      %mul3A_229 = arith.constant 2 : i32
      %mul3A_230 = arith.muli %add3A_217, %mul3A_229 : i32
      %add3A_231 = arith.constant 1 : i32
      %add3A_232 = arith.addi %mul3A_230, %add3A_231 : i32
      %mul3A_233 = arith.constant 40 : i32
      %mul3A_234 = arith.muli %add3A_232, %mul3A_233 : i32
      %add3A_235 = arith.addi %mul3A_4, %mul3A_234 : i32
      %dma_start3A_236 = tpu.memref_slice %arg2[%add3A_235] : memref<320000xi32, #tpu.memory_space<hbm>> -> memref<40xi32, #tpu.memory_space<hbm>>
      %dma_start3A_237 = tpu.memref_slice %arg2[%add3A_235] : memref<320000xi32, #tpu.memory_space<hbm>> -> memref<40xi32, #tpu.memory_space<hbm>>
      tpu.enqueue_dma source(%dma_start3A_237 : memref<40xi32, #tpu.memory_space<hbm>>) target(%arg10 : memref<40xi32, #tpu.memory_space<vmem>>) target_semaphore(%arg21 : memref<!tpu.dma_semaphore, #tpu.memory_space<semaphore_mem>>)
      %dma_start3A_238 = tpu.memref_slice %arg3[%add3A_235] : memref<320000xi32, #tpu.memory_space<hbm>> -> memref<40xi32, #tpu.memory_space<hbm>>
      %dma_start3A_239 = tpu.memref_slice %arg3[%add3A_235] : memref<320000xi32, #tpu.memory_space<hbm>> -> memref<40xi32, #tpu.memory_space<hbm>>
      tpu.enqueue_dma source(%dma_start3A_239 : memref<40xi32, #tpu.memory_space<hbm>>) target(%arg14 : memref<40xi32, #tpu.memory_space<vmem>>) target_semaphore(%arg21 : memref<!tpu.dma_semaphore, #tpu.memory_space<semaphore_mem>>)
    }
    %scan3A_53 = arith.constant 61 : i32
    %dma_wait3A_54 = arith.constant 0 : i32
    %dma_wait3A_55 = tpu.memref_slice %arg2[%dma_wait3A_54] : memref<320000xi32, #tpu.memory_space<hbm>> -> memref<40xi32, #tpu.memory_space<hbm>>
    %dma_wait3A_56 = arith.constant 0 : i32
    %dma_wait3A_57 = tpu.memref_slice %arg2[%dma_wait3A_56] : memref<320000xi32, #tpu.memory_space<hbm>> -> memref<40xi32, #tpu.memory_space<hbm>>
    tpu.wait_dma2 semaphore(%arg21 : memref<!tpu.dma_semaphore, #tpu.memory_space<semaphore_mem>>) src(%dma_wait3A_57 : memref<40xi32, #tpu.memory_space<hbm>>) dst(%arg9 : memref<40xi32, #tpu.memory_space<vmem>>)
    %dma_wait3A_58 = arith.constant 0 : i32
    %dma_wait3A_59 = tpu.memref_slice %arg3[%dma_wait3A_58] : memref<320000xi32, #tpu.memory_space<hbm>> -> memref<40xi32, #tpu.memory_space<hbm>>
    %dma_wait3A_60 = arith.constant 0 : i32
    %dma_wait3A_61 = tpu.memref_slice %arg3[%dma_wait3A_60] : memref<320000xi32, #tpu.memory_space<hbm>> -> memref<40xi32, #tpu.memory_space<hbm>>
    tpu.wait_dma2 semaphore(%arg21 : memref<!tpu.dma_semaphore, #tpu.memory_space<semaphore_mem>>) src(%dma_wait3A_61 : memref<40xi32, #tpu.memory_space<hbm>>) dst(%arg13 : memref<40xi32, #tpu.memory_space<vmem>>)
    %dma_wait3A_62 = arith.constant 0 : i32
    %dma_wait3A_63 = tpu.memref_slice %arg2[%dma_wait3A_62] : memref<320000xi32, #tpu.memory_space<hbm>> -> memref<40xi32, #tpu.memory_space<hbm>>
    %dma_wait3A_64 = arith.constant 0 : i32
    %dma_wait3A_65 = tpu.memref_slice %arg2[%dma_wait3A_64] : memref<320000xi32, #tpu.memory_space<hbm>> -> memref<40xi32, #tpu.memory_space<hbm>>
    tpu.wait_dma2 semaphore(%arg21 : memref<!tpu.dma_semaphore, #tpu.memory_space<semaphore_mem>>) src(%dma_wait3A_65 : memref<40xi32, #tpu.memory_space<hbm>>) dst(%arg10 : memref<40xi32, #tpu.memory_space<vmem>>)
    %dma_wait3A_66 = arith.constant 0 : i32
    %dma_wait3A_67 = tpu.memref_slice %arg3[%dma_wait3A_66] : memref<320000xi32, #tpu.memory_space<hbm>> -> memref<40xi32, #tpu.memory_space<hbm>>
    %dma_wait3A_68 = arith.constant 0 : i32
    %dma_wait3A_69 = tpu.memref_slice %arg3[%dma_wait3A_68] : memref<320000xi32, #tpu.memory_space<hbm>> -> memref<40xi32, #tpu.memory_space<hbm>>
    tpu.wait_dma2 semaphore(%arg21 : memref<!tpu.dma_semaphore, #tpu.memory_space<semaphore_mem>>) src(%dma_wait3A_69 : memref<40xi32, #tpu.memory_space<hbm>>) dst(%arg14 : memref<40xi32, #tpu.memory_space<vmem>>)
    %dma_start3A_70 = arith.constant 0 : i32
    %dma_start3A_71 = arith.constant 0 : i32
    %dma_start3A_72 = tpu.memref_slice %arg4[%dma_start3A_70, %dma_start3A_71] : memref<10000x128xf32, #tpu.memory_space<hbm>> -> memref<10000x128xf32, #tpu.memory_space<hbm>>
    tpu.enqueue_indirect_dma source(%dma_start3A_72 : memref<10000x128xf32, #tpu.memory_space<hbm>>) target(%arg17 : memref<40x128xf32, #tpu.memory_space<vmem>>) offsets(%arg9 : memref<40xi32, #tpu.memory_space<vmem>>) semaphore(%arg23 : memref<!tpu.dma_semaphore, #tpu.memory_space<semaphore_mem>>)
    %dma_start3A_73 = arith.constant 0 : i32
    %dma_start3A_74 = arith.constant 0 : i32
    %dma_start3A_75 = tpu.memref_slice %arg4[%dma_start3A_73, %dma_start3A_74] : memref<10000x128xf32, #tpu.memory_space<hbm>> -> memref<10000x128xf32, #tpu.memory_space<hbm>>
    tpu.enqueue_indirect_dma source(%dma_start3A_75 : memref<10000x128xf32, #tpu.memory_space<hbm>>) target(%arg18 : memref<40x128xf32, #tpu.memory_space<vmem>>) offsets(%arg10 : memref<40xi32, #tpu.memory_space<vmem>>) semaphore(%arg23 : memref<!tpu.dma_semaphore, #tpu.memory_space<semaphore_mem>>)
    %dma_wait3A_76 = arith.constant 0 : i32
    %dma_wait3A_77 = arith.constant 0 : i32
    %dma_wait3A_78 = tpu.memref_slice %arg4[%dma_wait3A_76, %dma_wait3A_77] : memref<10000x128xf32, #tpu.memory_space<hbm>> -> memref<10000x128xf32, #tpu.memory_space<hbm>>
    tpu.wait_indirect_dma semaphore(%arg22 : memref<!tpu.dma_semaphore, #tpu.memory_space<semaphore_mem>>) src(%dma_wait3A_78 : memref<10000x128xf32, #tpu.memory_space<hbm>>) dst(%arg15 : memref<40x128xf32, #tpu.memory_space<vmem>>)
    %dma_wait3A_79 = arith.constant 0 : i32
    %dma_wait3A_80 = arith.constant 0 : i32
    %dma_wait3A_81 = tpu.memref_slice %arg4[%dma_wait3A_79, %dma_wait3A_80] : memref<10000x128xf32, #tpu.memory_space<hbm>> -> memref<10000x128xf32, #tpu.memory_space<hbm>>
    tpu.wait_indirect_dma semaphore(%arg22 : memref<!tpu.dma_semaphore, #tpu.memory_space<semaphore_mem>>) src(%dma_wait3A_81 : memref<10000x128xf32, #tpu.memory_space<hbm>>) dst(%arg16 : memref<40x128xf32, #tpu.memory_space<vmem>>)
    "tpu.region"() ({
      %run_scoped3A = tpu.sem_alloc : memref<!tpu.dma_semaphore, #tpu.memory_space<semaphore_mem>>
      %dma_start3A_129 = arith.constant 0 : i32
      %dma_start3A_130 = arith.constant 0 : i32
      %dma_start3A_131 = tpu.memref_slice %arg19[%dma_start3A_129, %dma_start3A_130] : memref<10112x128xf32, #tpu.memory_space<vmem_shared>> -> memref<10112x128xf32, #tpu.memory_space<vmem_shared>>
      tpu.enqueue_indirect_dma source(%arg15 : memref<40x128xf32, #tpu.memory_space<vmem>>) target(%dma_start3A_131 : memref<10112x128xf32, #tpu.memory_space<vmem_shared>>) offsets(%arg11 : memref<40xi32, #tpu.memory_space<vmem>>) semaphore(%run_scoped3A : memref<!tpu.dma_semaphore, #tpu.memory_space<semaphore_mem>>) {add = true}
      %dma_wait3A_132 = arith.constant 0 : i32
      %dma_wait3A_133 = arith.constant 0 : i32
      %dma_wait3A_134 = tpu.memref_slice %arg19[%dma_wait3A_132, %dma_wait3A_133] : memref<10112x128xf32, #tpu.memory_space<vmem_shared>> -> memref<10112x128xf32, #tpu.memory_space<vmem_shared>>
      tpu.wait_indirect_dma semaphore(%run_scoped3A : memref<!tpu.dma_semaphore, #tpu.memory_space<semaphore_mem>>) src(%arg15 : memref<40x128xf32, #tpu.memory_space<vmem>>) dst(%dma_wait3A_134 : memref<10112x128xf32, #tpu.memory_space<vmem_shared>>)
      tpu.yield
    }) : () -> ()
    "tpu.region"() ({
      %run_scoped3A = tpu.sem_alloc : memref<!tpu.dma_semaphore, #tpu.memory_space<semaphore_mem>>
      %dma_start3A_129 = arith.constant 0 : i32
      %dma_start3A_130 = arith.constant 0 : i32
      %dma_start3A_131 = tpu.memref_slice %arg19[%dma_start3A_129, %dma_start3A_130] : memref<10112x128xf32, #tpu.memory_space<vmem_shared>> -> memref<10112x128xf32, #tpu.memory_space<vmem_shared>>
      tpu.enqueue_indirect_dma source(%arg16 : memref<40x128xf32, #tpu.memory_space<vmem>>) target(%dma_start3A_131 : memref<10112x128xf32, #tpu.memory_space<vmem_shared>>) offsets(%arg12 : memref<40xi32, #tpu.memory_space<vmem>>) semaphore(%run_scoped3A : memref<!tpu.dma_semaphore, #tpu.memory_space<semaphore_mem>>) {add = true}
      %dma_wait3A_132 = arith.constant 0 : i32
      %dma_wait3A_133 = arith.constant 0 : i32
      %dma_wait3A_134 = tpu.memref_slice %arg19[%dma_wait3A_132, %dma_wait3A_133] : memref<10112x128xf32, #tpu.memory_space<vmem_shared>> -> memref<10112x128xf32, #tpu.memory_space<vmem_shared>>
      tpu.wait_indirect_dma semaphore(%run_scoped3A : memref<!tpu.dma_semaphore, #tpu.memory_space<semaphore_mem>>) src(%arg16 : memref<40x128xf32, #tpu.memory_space<vmem>>) dst(%dma_wait3A_134 : memref<10112x128xf32, #tpu.memory_space<vmem_shared>>)
      tpu.yield
    }) : () -> ()
    %add3A_82 = arith.constant 9920 : i32
    %add3A_83 = arith.addi %mul3A_4, %add3A_82 : i32
    %dma_start3A_84 = tpu.memref_slice %arg2[%add3A_83] : memref<320000xi32, #tpu.memory_space<hbm>> -> memref<40xi32, #tpu.memory_space<hbm>>
    %dma_start3A_85 = tpu.memref_slice %arg2[%add3A_83] : memref<320000xi32, #tpu.memory_space<hbm>> -> memref<40xi32, #tpu.memory_space<hbm>>
    tpu.enqueue_dma source(%dma_start3A_85 : memref<40xi32, #tpu.memory_space<hbm>>) target(%arg7 : memref<40xi32, #tpu.memory_space<vmem>>) target_semaphore(%arg20 : memref<!tpu.dma_semaphore, #tpu.memory_space<semaphore_mem>>)
    %dma_start3A_86 = tpu.memref_slice %arg3[%add3A_83] : memref<320000xi32, #tpu.memory_space<hbm>> -> memref<40xi32, #tpu.memory_space<hbm>>
    %dma_start3A_87 = tpu.memref_slice %arg3[%add3A_83] : memref<320000xi32, #tpu.memory_space<hbm>> -> memref<40xi32, #tpu.memory_space<hbm>>
    tpu.enqueue_dma source(%dma_start3A_87 : memref<40xi32, #tpu.memory_space<hbm>>) target(%arg11 : memref<40xi32, #tpu.memory_space<vmem>>) target_semaphore(%arg20 : memref<!tpu.dma_semaphore, #tpu.memory_space<semaphore_mem>>)
    %add3A_88 = arith.constant 9960 : i32
    %add3A_89 = arith.addi %mul3A_4, %add3A_88 : i32
    %dma_start3A_90 = tpu.memref_slice %arg2[%add3A_89] : memref<320000xi32, #tpu.memory_space<hbm>> -> memref<40xi32, #tpu.memory_space<hbm>>
    %dma_start3A_91 = tpu.memref_slice %arg2[%add3A_89] : memref<320000xi32, #tpu.memory_space<hbm>> -> memref<40xi32, #tpu.memory_space<hbm>>
    tpu.enqueue_dma source(%dma_start3A_91 : memref<40xi32, #tpu.memory_space<hbm>>) target(%arg8 : memref<40xi32, #tpu.memory_space<vmem>>) target_semaphore(%arg20 : memref<!tpu.dma_semaphore, #tpu.memory_space<semaphore_mem>>)
    %dma_start3A_92 = tpu.memref_slice %arg3[%add3A_89] : memref<320000xi32, #tpu.memory_space<hbm>> -> memref<40xi32, #tpu.memory_space<hbm>>
    %dma_start3A_93 = tpu.memref_slice %arg3[%add3A_89] : memref<320000xi32, #tpu.memory_space<hbm>> -> memref<40xi32, #tpu.memory_space<hbm>>
    tpu.enqueue_dma source(%dma_start3A_93 : memref<40xi32, #tpu.memory_space<hbm>>) target(%arg12 : memref<40xi32, #tpu.memory_space<vmem>>) target_semaphore(%arg20 : memref<!tpu.dma_semaphore, #tpu.memory_space<semaphore_mem>>)
    %dma_wait3A_94 = arith.constant 0 : i32
    %dma_wait3A_95 = tpu.memref_slice %arg2[%dma_wait3A_94] : memref<320000xi32, #tpu.memory_space<hbm>> -> memref<40xi32, #tpu.memory_space<hbm>>
    %dma_wait3A_96 = arith.constant 0 : i32
    %dma_wait3A_97 = tpu.memref_slice %arg2[%dma_wait3A_96] : memref<320000xi32, #tpu.memory_space<hbm>> -> memref<40xi32, #tpu.memory_space<hbm>>
    tpu.wait_dma2 semaphore(%arg20 : memref<!tpu.dma_semaphore, #tpu.memory_space<semaphore_mem>>) src(%dma_wait3A_97 : memref<40xi32, #tpu.memory_space<hbm>>) dst(%arg7 : memref<40xi32, #tpu.memory_space<vmem>>)
    %dma_wait3A_98 = arith.constant 0 : i32
    %dma_wait3A_99 = tpu.memref_slice %arg3[%dma_wait3A_98] : memref<320000xi32, #tpu.memory_space<hbm>> -> memref<40xi32, #tpu.memory_space<hbm>>
    %dma_wait3A_100 = arith.constant 0 : i32
    %dma_wait3A_101 = tpu.memref_slice %arg3[%dma_wait3A_100] : memref<320000xi32, #tpu.memory_space<hbm>> -> memref<40xi32, #tpu.memory_space<hbm>>
    tpu.wait_dma2 semaphore(%arg20 : memref<!tpu.dma_semaphore, #tpu.memory_space<semaphore_mem>>) src(%dma_wait3A_101 : memref<40xi32, #tpu.memory_space<hbm>>) dst(%arg11 : memref<40xi32, #tpu.memory_space<vmem>>)
    %dma_wait3A_102 = arith.constant 0 : i32
    %dma_wait3A_103 = tpu.memref_slice %arg2[%dma_wait3A_102] : memref<320000xi32, #tpu.memory_space<hbm>> -> memref<40xi32, #tpu.memory_space<hbm>>
    %dma_wait3A_104 = arith.constant 0 : i32
    %dma_wait3A_105 = tpu.memref_slice %arg2[%dma_wait3A_104] : memref<320000xi32, #tpu.memory_space<hbm>> -> memref<40xi32, #tpu.memory_space<hbm>>
    tpu.wait_dma2 semaphore(%arg20 : memref<!tpu.dma_semaphore, #tpu.memory_space<semaphore_mem>>) src(%dma_wait3A_105 : memref<40xi32, #tpu.memory_space<hbm>>) dst(%arg8 : memref<40xi32, #tpu.memory_space<vmem>>)
    %dma_wait3A_106 = arith.constant 0 : i32
    %dma_wait3A_107 = tpu.memref_slice %arg3[%dma_wait3A_106] : memref<320000xi32, #tpu.memory_space<hbm>> -> memref<40xi32, #tpu.memory_space<hbm>>
    %dma_wait3A_108 = arith.constant 0 : i32
    %dma_wait3A_109 = tpu.memref_slice %arg3[%dma_wait3A_108] : memref<320000xi32, #tpu.memory_space<hbm>> -> memref<40xi32, #tpu.memory_space<hbm>>
    tpu.wait_dma2 semaphore(%arg20 : memref<!tpu.dma_semaphore, #tpu.memory_space<semaphore_mem>>) src(%dma_wait3A_109 : memref<40xi32, #tpu.memory_space<hbm>>) dst(%arg12 : memref<40xi32, #tpu.memory_space<vmem>>)
    %dma_start3A_110 = arith.constant 0 : i32
    %dma_start3A_111 = arith.constant 0 : i32
    %dma_start3A_112 = tpu.memref_slice %arg4[%dma_start3A_110, %dma_start3A_111] : memref<10000x128xf32, #tpu.memory_space<hbm>> -> memref<10000x128xf32, #tpu.memory_space<hbm>>
    tpu.enqueue_indirect_dma source(%dma_start3A_112 : memref<10000x128xf32, #tpu.memory_space<hbm>>) target(%arg15 : memref<40x128xf32, #tpu.memory_space<vmem>>) offsets(%arg7 : memref<40xi32, #tpu.memory_space<vmem>>) semaphore(%arg22 : memref<!tpu.dma_semaphore, #tpu.memory_space<semaphore_mem>>)
    %dma_start3A_113 = arith.constant 0 : i32
    %dma_start3A_114 = arith.constant 0 : i32
    %dma_start3A_115 = tpu.memref_slice %arg4[%dma_start3A_113, %dma_start3A_114] : memref<10000x128xf32, #tpu.memory_space<hbm>> -> memref<10000x128xf32, #tpu.memory_space<hbm>>
    tpu.enqueue_indirect_dma source(%dma_start3A_115 : memref<10000x128xf32, #tpu.memory_space<hbm>>) target(%arg16 : memref<40x128xf32, #tpu.memory_space<vmem>>) offsets(%arg8 : memref<40xi32, #tpu.memory_space<vmem>>) semaphore(%arg22 : memref<!tpu.dma_semaphore, #tpu.memory_space<semaphore_mem>>)
    %dma_wait3A_116 = arith.constant 0 : i32
    %dma_wait3A_117 = arith.constant 0 : i32
    %dma_wait3A_118 = tpu.memref_slice %arg4[%dma_wait3A_116, %dma_wait3A_117] : memref<10000x128xf32, #tpu.memory_space<hbm>> -> memref<10000x128xf32, #tpu.memory_space<hbm>>
    tpu.wait_indirect_dma semaphore(%arg23 : memref<!tpu.dma_semaphore, #tpu.memory_space<semaphore_mem>>) src(%dma_wait3A_118 : memref<10000x128xf32, #tpu.memory_space<hbm>>) dst(%arg17 : memref<40x128xf32, #tpu.memory_space<vmem>>)
    %dma_wait3A_119 = arith.constant 0 : i32
    %dma_wait3A_120 = arith.constant 0 : i32
    %dma_wait3A_121 = tpu.memref_slice %arg4[%dma_wait3A_119, %dma_wait3A_120] : memref<10000x128xf32, #tpu.memory_space<hbm>> -> memref<10000x128xf32, #tpu.memory_space<hbm>>
    tpu.wait_indirect_dma semaphore(%arg23 : memref<!tpu.dma_semaphore, #tpu.memory_space<semaphore_mem>>) src(%dma_wait3A_121 : memref<10000x128xf32, #tpu.memory_space<hbm>>) dst(%arg18 : memref<40x128xf32, #tpu.memory_space<vmem>>)
    "tpu.region"() ({
      %run_scoped3A = tpu.sem_alloc : memref<!tpu.dma_semaphore, #tpu.memory_space<semaphore_mem>>
      %dma_start3A_129 = arith.constant 0 : i32
      %dma_start3A_130 = arith.constant 0 : i32
      %dma_start3A_131 = tpu.memref_slice %arg19[%dma_start3A_129, %dma_start3A_130] : memref<10112x128xf32, #tpu.memory_space<vmem_shared>> -> memref<10112x128xf32, #tpu.memory_space<vmem_shared>>
      tpu.enqueue_indirect_dma source(%arg17 : memref<40x128xf32, #tpu.memory_space<vmem>>) target(%dma_start3A_131 : memref<10112x128xf32, #tpu.memory_space<vmem_shared>>) offsets(%arg13 : memref<40xi32, #tpu.memory_space<vmem>>) semaphore(%run_scoped3A : memref<!tpu.dma_semaphore, #tpu.memory_space<semaphore_mem>>) {add = true}
      %dma_wait3A_132 = arith.constant 0 : i32
      %dma_wait3A_133 = arith.constant 0 : i32
      %dma_wait3A_134 = tpu.memref_slice %arg19[%dma_wait3A_132, %dma_wait3A_133] : memref<10112x128xf32, #tpu.memory_space<vmem_shared>> -> memref<10112x128xf32, #tpu.memory_space<vmem_shared>>
      tpu.wait_indirect_dma semaphore(%run_scoped3A : memref<!tpu.dma_semaphore, #tpu.memory_space<semaphore_mem>>) src(%arg17 : memref<40x128xf32, #tpu.memory_space<vmem>>) dst(%dma_wait3A_134 : memref<10112x128xf32, #tpu.memory_space<vmem_shared>>)
      tpu.yield
    }) : () -> ()
    "tpu.region"() ({
      %run_scoped3A = tpu.sem_alloc : memref<!tpu.dma_semaphore, #tpu.memory_space<semaphore_mem>>
      %dma_start3A_129 = arith.constant 0 : i32
      %dma_start3A_130 = arith.constant 0 : i32
      %dma_start3A_131 = tpu.memref_slice %arg19[%dma_start3A_129, %dma_start3A_130] : memref<10112x128xf32, #tpu.memory_space<vmem_shared>> -> memref<10112x128xf32, #tpu.memory_space<vmem_shared>>
      tpu.enqueue_indirect_dma source(%arg18 : memref<40x128xf32, #tpu.memory_space<vmem>>) target(%dma_start3A_131 : memref<10112x128xf32, #tpu.memory_space<vmem_shared>>) offsets(%arg14 : memref<40xi32, #tpu.memory_space<vmem>>) semaphore(%run_scoped3A : memref<!tpu.dma_semaphore, #tpu.memory_space<semaphore_mem>>) {add = true}
      %dma_wait3A_132 = arith.constant 0 : i32
      %dma_wait3A_133 = arith.constant 0 : i32
      %dma_wait3A_134 = tpu.memref_slice %arg19[%dma_wait3A_132, %dma_wait3A_133] : memref<10112x128xf32, #tpu.memory_space<vmem_shared>> -> memref<10112x128xf32, #tpu.memory_space<vmem_shared>>
      tpu.wait_indirect_dma semaphore(%run_scoped3A : memref<!tpu.dma_semaphore, #tpu.memory_space<semaphore_mem>>) src(%arg18 : memref<40x128xf32, #tpu.memory_space<vmem>>) dst(%dma_wait3A_134 : memref<10112x128xf32, #tpu.memory_space<vmem_shared>>)
      tpu.yield
    }) : () -> ()
    %dma_wait3A_122 = arith.constant 0 : i32
    %dma_wait3A_123 = arith.constant 0 : i32
    %dma_wait3A_124 = tpu.memref_slice %arg4[%dma_wait3A_122, %dma_wait3A_123] : memref<10000x128xf32, #tpu.memory_space<hbm>> -> memref<10000x128xf32, #tpu.memory_space<hbm>>
    tpu.wait_indirect_dma semaphore(%arg22 : memref<!tpu.dma_semaphore, #tpu.memory_space<semaphore_mem>>) src(%dma_wait3A_124 : memref<10000x128xf32, #tpu.memory_space<hbm>>) dst(%arg15 : memref<40x128xf32, #tpu.memory_space<vmem>>)
    %dma_wait3A_125 = arith.constant 0 : i32
    %dma_wait3A_126 = arith.constant 0 : i32
    %dma_wait3A_127 = tpu.memref_slice %arg4[%dma_wait3A_125, %dma_wait3A_126] : memref<10000x128xf32, #tpu.memory_space<hbm>> -> memref<10000x128xf32, #tpu.memory_space<hbm>>
    tpu.wait_indirect_dma semaphore(%arg22 : memref<!tpu.dma_semaphore, #tpu.memory_space<semaphore_mem>>) src(%dma_wait3A_127 : memref<10000x128xf32, #tpu.memory_space<hbm>>) dst(%arg16 : memref<40x128xf32, #tpu.memory_space<vmem>>)
    "tpu.region"() ({
      %run_scoped3A = tpu.sem_alloc : memref<!tpu.dma_semaphore, #tpu.memory_space<semaphore_mem>>
      %dma_start3A_129 = arith.constant 0 : i32
      %dma_start3A_130 = arith.constant 0 : i32
      %dma_start3A_131 = tpu.memref_slice %arg19[%dma_start3A_129, %dma_start3A_130] : memref<10112x128xf32, #tpu.memory_space<vmem_shared>> -> memref<10112x128xf32, #tpu.memory_space<vmem_shared>>
      tpu.enqueue_indirect_dma source(%arg15 : memref<40x128xf32, #tpu.memory_space<vmem>>) target(%dma_start3A_131 : memref<10112x128xf32, #tpu.memory_space<vmem_shared>>) offsets(%arg11 : memref<40xi32, #tpu.memory_space<vmem>>) semaphore(%run_scoped3A : memref<!tpu.dma_semaphore, #tpu.memory_space<semaphore_mem>>) {add = true}
      %dma_wait3A_132 = arith.constant 0 : i32
      %dma_wait3A_133 = arith.constant 0 : i32
      %dma_wait3A_134 = tpu.memref_slice %arg19[%dma_wait3A_132, %dma_wait3A_133] : memref<10112x128xf32, #tpu.memory_space<vmem_shared>> -> memref<10112x128xf32, #tpu.memory_space<vmem_shared>>
      tpu.wait_indirect_dma semaphore(%run_scoped3A : memref<!tpu.dma_semaphore, #tpu.memory_space<semaphore_mem>>) src(%arg15 : memref<40x128xf32, #tpu.memory_space<vmem>>) dst(%dma_wait3A_134 : memref<10112x128xf32, #tpu.memory_space<vmem_shared>>)
      tpu.yield
    }) : () -> ()
    "tpu.region"() ({
      %run_scoped3A = tpu.sem_alloc : memref<!tpu.dma_semaphore, #tpu.memory_space<semaphore_mem>>
      %dma_start3A_129 = arith.constant 0 : i32
      %dma_start3A_130 = arith.constant 0 : i32
      %dma_start3A_131 = tpu.memref_slice %arg19[%dma_start3A_129, %dma_start3A_130] : memref<10112x128xf32, #tpu.memory_space<vmem_shared>> -> memref<10112x128xf32, #tpu.memory_space<vmem_shared>>
      tpu.enqueue_indirect_dma source(%arg16 : memref<40x128xf32, #tpu.memory_space<vmem>>) target(%dma_start3A_131 : memref<10112x128xf32, #tpu.memory_space<vmem_shared>>) offsets(%arg12 : memref<40xi32, #tpu.memory_space<vmem>>) semaphore(%run_scoped3A : memref<!tpu.dma_semaphore, #tpu.memory_space<semaphore_mem>>) {add = true}
      %dma_wait3A_132 = arith.constant 0 : i32
      %dma_wait3A_133 = arith.constant 0 : i32
      %dma_wait3A_134 = tpu.memref_slice %arg19[%dma_wait3A_132, %dma_wait3A_133] : memref<10112x128xf32, #tpu.memory_space<vmem_shared>> -> memref<10112x128xf32, #tpu.memory_space<vmem_shared>>
      tpu.wait_indirect_dma semaphore(%run_scoped3A : memref<!tpu.dma_semaphore, #tpu.memory_space<semaphore_mem>>) src(%arg16 : memref<40x128xf32, #tpu.memory_space<vmem>>) dst(%dma_wait3A_134 : memref<10112x128xf32, #tpu.memory_space<vmem_shared>>)
      tpu.yield
    }) : () -> ()
    %barrier3A_128 = arith.constant 0 : index
    tpu.barrier barrier_id(%barrier3A_128)
    "tpu.region"() ({
      %run_scoped3A = tpu.sem_alloc : memref<!tpu.dma_semaphore, #tpu.memory_space<semaphore_mem>>
      %dma_start3A_129 = arith.constant 0 : i32
      %dma_start3A_130 = tpu.memref_slice %arg6[%arg0, %mul3A_2, %dma_start3A_129] : memref<2x10112x128xf32, #tpu.memory_space<hbm>> -> memref<1x632x128xf32, #tpu.memory_space<hbm>>
      %dma_start3A_131 = tpu.memref_squeeze %dma_start3A_130 : memref<1x632x128xf32, #tpu.memory_space<hbm>> -> memref<632x128xf32, #tpu.memory_space<hbm>>
      %dma_start3A_132 = arith.constant 0 : i32
      %dma_start3A_133 = tpu.memref_slice %arg19[%mul3A_2, %dma_start3A_132] : memref<10112x128xf32, #tpu.memory_space<vmem_shared>> -> memref<632x128xf32, #tpu.memory_space<vmem_shared>>
      tpu.enqueue_dma source(%dma_start3A_133 : memref<632x128xf32, #tpu.memory_space<vmem_shared>>) target(%dma_start3A_131 : memref<632x128xf32, #tpu.memory_space<hbm>>) target_semaphore(%run_scoped3A : memref<!tpu.dma_semaphore, #tpu.memory_space<semaphore_mem>>)
      %dma_wait3A_134 = arith.constant 0 : i32
      %dma_wait3A_135 = tpu.memref_slice %arg6[%arg0, %mul3A_2, %dma_wait3A_134] : memref<2x10112x128xf32, #tpu.memory_space<hbm>> -> memref<1x632x128xf32, #tpu.memory_space<hbm>>
      %dma_wait3A_136 = tpu.memref_squeeze %dma_wait3A_135 : memref<1x632x128xf32, #tpu.memory_space<hbm>> -> memref<632x128xf32, #tpu.memory_space<hbm>>
      %dma_wait3A_137 = arith.constant 0 : i32
      %dma_wait3A_138 = tpu.memref_slice %arg19[%mul3A_2, %dma_wait3A_137] : memref<10112x128xf32, #tpu.memory_space<vmem_shared>> -> memref<632x128xf32, #tpu.memory_space<vmem_shared>>
      tpu.wait_dma2 semaphore(%run_scoped3A : memref<!tpu.dma_semaphore, #tpu.memory_space<semaphore_mem>>) src(%dma_wait3A_138 : memref<632x128xf32, #tpu.memory_space<vmem_shared>>) dst(%dma_wait3A_136 : memref<632x128xf32, #tpu.memory_space<hbm>>)
      tpu.yield
    }) : () -> ()
    return
  }
}

#map = affine_map<(d0, d1) -> (0)>
#map1 = affine_map<(d0, d1) -> (0, 0)>
#map2 = affine_map<(d0, d1) -> (0, 0, 0)>
module attributes {stable_mosaic.version = 14 : i64} {
  func.func @deg_kernel(%arg0: i32, %arg1: i32, %arg2: memref<320000xi32, #tpu.memory_space<hbm>>, %arg3: memref<80x16xf32, #tpu.memory_space<hbm>>, %arg4: memref<10112x16xf32, #tpu.memory_space<hbm>>, %arg5: memref<2x10112x16xf32, #tpu.memory_space<hbm>>, %arg6: memref<80xi32, #tpu.memory_space<vmem>>, %arg7: memref<80xi32, #tpu.memory_space<vmem>>, %arg8: memref<80xi32, #tpu.memory_space<vmem>>, %arg9: memref<80xi32, #tpu.memory_space<vmem>>, %arg10: memref<80xi32, #tpu.memory_space<vmem>>, %arg11: memref<80xi32, #tpu.memory_space<vmem>>, %arg12: memref<80xi32, #tpu.memory_space<vmem>>, %arg13: memref<80xi32, #tpu.memory_space<vmem>>, %arg14: memref<80xi32, #tpu.memory_space<vmem>>, %arg15: memref<80xi32, #tpu.memory_space<vmem>>, %arg16: memref<80x16xf32, #tpu.memory_space<vmem>>, %arg17: memref<10112x16xf32, #tpu.memory_space<vmem_shared>>, %arg18: memref<!tpu.dma_semaphore, #tpu.memory_space<semaphore_mem>>, %arg19: memref<!tpu.dma_semaphore, #tpu.memory_space<semaphore_mem>>) attributes {dimension_semantics = [#tpu.dimension_semantics<core_parallel>, #tpu.dimension_semantics<subcore_parallel>], iteration_bounds = array<i64: 2, 16>, scalar_prefetch = 0 : i64, scratch_operands = 14 : i64, tpu.core_type = #tpu.core_type<sc_vector_subcore>, window_params = [{transform_indices = #map}, {transform_indices = #map1}, {transform_indices = #map1}, {transform_indices = #map2}]} {
    %mul3A = arith.constant 16 : i32
    %mul3A_0 = arith.muli %arg0, %mul3A : i32
    %add3A = arith.addi %mul3A_0, %arg1 : i32
    %mul3A_1 = arith.constant 632 : i32
    %mul3A_2 = arith.muli %arg1, %mul3A_1 : i32
    %mul3A_3 = arith.constant 10000 : i32
    %mul3A_4 = arith.muli %add3A, %mul3A_3 : i32
    "tpu.region"() ({
      %run_scoped3A = tpu.sem_alloc : memref<!tpu.dma_semaphore, #tpu.memory_space<semaphore_mem>>
      tpu.enqueue_dma source(%arg3 : memref<80x16xf32, #tpu.memory_space<hbm>>) target(%arg16 : memref<80x16xf32, #tpu.memory_space<vmem>>) target_semaphore(%run_scoped3A : memref<!tpu.dma_semaphore, #tpu.memory_space<semaphore_mem>>)
      tpu.wait_dma2 semaphore(%run_scoped3A : memref<!tpu.dma_semaphore, #tpu.memory_space<semaphore_mem>>) src(%arg3 : memref<80x16xf32, #tpu.memory_space<hbm>>) dst(%arg16 : memref<80x16xf32, #tpu.memory_space<vmem>>)
      tpu.yield
    }) : () -> ()
    "tpu.region"() ({
      %run_scoped3A = tpu.sem_alloc : memref<!tpu.dma_semaphore, #tpu.memory_space<semaphore_mem>>
      %dma_start3A_49 = arith.constant 0 : i32
      %dma_start3A_50 = tpu.memref_slice %arg17[%mul3A_2, %dma_start3A_49] : memref<10112x16xf32, #tpu.memory_space<vmem_shared>> -> memref<632x16xf32, #tpu.memory_space<vmem_shared>>
      %dma_start3A_51 = arith.constant 0 : i32
      %dma_start3A_52 = tpu.memref_slice %arg4[%mul3A_2, %dma_start3A_51] : memref<10112x16xf32, #tpu.memory_space<hbm>> -> memref<632x16xf32, #tpu.memory_space<hbm>>
      tpu.enqueue_dma source(%dma_start3A_52 : memref<632x16xf32, #tpu.memory_space<hbm>>) target(%dma_start3A_50 : memref<632x16xf32, #tpu.memory_space<vmem_shared>>) target_semaphore(%run_scoped3A : memref<!tpu.dma_semaphore, #tpu.memory_space<semaphore_mem>>)
      %dma_wait3A_53 = arith.constant 0 : i32
      %dma_wait3A_54 = tpu.memref_slice %arg17[%mul3A_2, %dma_wait3A_53] : memref<10112x16xf32, #tpu.memory_space<vmem_shared>> -> memref<632x16xf32, #tpu.memory_space<vmem_shared>>
      %dma_wait3A_55 = arith.constant 0 : i32
      %dma_wait3A_56 = tpu.memref_slice %arg4[%mul3A_2, %dma_wait3A_55] : memref<10112x16xf32, #tpu.memory_space<hbm>> -> memref<632x16xf32, #tpu.memory_space<hbm>>
      tpu.wait_dma2 semaphore(%run_scoped3A : memref<!tpu.dma_semaphore, #tpu.memory_space<semaphore_mem>>) src(%dma_wait3A_56 : memref<632x16xf32, #tpu.memory_space<hbm>>) dst(%dma_wait3A_54 : memref<632x16xf32, #tpu.memory_space<vmem_shared>>)
      tpu.yield
    }) : () -> ()
    %barrier3A = arith.constant 0 : index
    tpu.barrier barrier_id(%barrier3A)
    %add3A_5 = arith.constant 0 : i32
    %add3A_6 = arith.addi %mul3A_4, %add3A_5 : i32
    %dma_start3A = tpu.memref_slice %arg2[%add3A_6] : memref<320000xi32, #tpu.memory_space<hbm>> -> memref<80xi32, #tpu.memory_space<hbm>>
    %dma_start3A_7 = tpu.memref_slice %arg2[%add3A_6] : memref<320000xi32, #tpu.memory_space<hbm>> -> memref<80xi32, #tpu.memory_space<hbm>>
    tpu.enqueue_dma source(%dma_start3A_7 : memref<80xi32, #tpu.memory_space<hbm>>) target(%arg6 : memref<80xi32, #tpu.memory_space<vmem>>) target_semaphore(%arg18 : memref<!tpu.dma_semaphore, #tpu.memory_space<semaphore_mem>>)
    %add3A_8 = arith.constant 80 : i32
    %add3A_9 = arith.addi %mul3A_4, %add3A_8 : i32
    %dma_start3A_10 = tpu.memref_slice %arg2[%add3A_9] : memref<320000xi32, #tpu.memory_space<hbm>> -> memref<80xi32, #tpu.memory_space<hbm>>
    %dma_start3A_11 = tpu.memref_slice %arg2[%add3A_9] : memref<320000xi32, #tpu.memory_space<hbm>> -> memref<80xi32, #tpu.memory_space<hbm>>
    tpu.enqueue_dma source(%dma_start3A_11 : memref<80xi32, #tpu.memory_space<hbm>>) target(%arg7 : memref<80xi32, #tpu.memory_space<vmem>>) target_semaphore(%arg18 : memref<!tpu.dma_semaphore, #tpu.memory_space<semaphore_mem>>)
    %add3A_12 = arith.constant 160 : i32
    %add3A_13 = arith.addi %mul3A_4, %add3A_12 : i32
    %dma_start3A_14 = tpu.memref_slice %arg2[%add3A_13] : memref<320000xi32, #tpu.memory_space<hbm>> -> memref<80xi32, #tpu.memory_space<hbm>>
    %dma_start3A_15 = tpu.memref_slice %arg2[%add3A_13] : memref<320000xi32, #tpu.memory_space<hbm>> -> memref<80xi32, #tpu.memory_space<hbm>>
    tpu.enqueue_dma source(%dma_start3A_15 : memref<80xi32, #tpu.memory_space<hbm>>) target(%arg8 : memref<80xi32, #tpu.memory_space<vmem>>) target_semaphore(%arg18 : memref<!tpu.dma_semaphore, #tpu.memory_space<semaphore_mem>>)
    %add3A_16 = arith.constant 240 : i32
    %add3A_17 = arith.addi %mul3A_4, %add3A_16 : i32
    %dma_start3A_18 = tpu.memref_slice %arg2[%add3A_17] : memref<320000xi32, #tpu.memory_space<hbm>> -> memref<80xi32, #tpu.memory_space<hbm>>
    %dma_start3A_19 = tpu.memref_slice %arg2[%add3A_17] : memref<320000xi32, #tpu.memory_space<hbm>> -> memref<80xi32, #tpu.memory_space<hbm>>
    tpu.enqueue_dma source(%dma_start3A_19 : memref<80xi32, #tpu.memory_space<hbm>>) target(%arg9 : memref<80xi32, #tpu.memory_space<vmem>>) target_semaphore(%arg18 : memref<!tpu.dma_semaphore, #tpu.memory_space<semaphore_mem>>)
    %add3A_20 = arith.constant 320 : i32
    %add3A_21 = arith.addi %mul3A_4, %add3A_20 : i32
    %dma_start3A_22 = tpu.memref_slice %arg2[%add3A_21] : memref<320000xi32, #tpu.memory_space<hbm>> -> memref<80xi32, #tpu.memory_space<hbm>>
    %dma_start3A_23 = tpu.memref_slice %arg2[%add3A_21] : memref<320000xi32, #tpu.memory_space<hbm>> -> memref<80xi32, #tpu.memory_space<hbm>>
    tpu.enqueue_dma source(%dma_start3A_23 : memref<80xi32, #tpu.memory_space<hbm>>) target(%arg10 : memref<80xi32, #tpu.memory_space<vmem>>) target_semaphore(%arg18 : memref<!tpu.dma_semaphore, #tpu.memory_space<semaphore_mem>>)
    %scan3A = arith.constant 0 : i32
    %scan3A_24 = arith.constant 0 : i32
    %scan3A_25 = arith.constant 12 : i32
    %scan3A_26 = arith.addi %scan3A_24, %scan3A_25 : i32
    %scan3A_27 = arith.constant 1 : i32
    scf.for %scan3A_49 = %scan3A_24 to %scan3A_26 step %scan3A_27  : i32 {
      %mul3A_50 = arith.constant 2 : i32
      %mul3A_51 = arith.muli %mul3A_50, %scan3A_49 : i32
      %add3A_52 = arith.constant 1 : i32
      %add3A_53 = arith.addi %mul3A_51, %add3A_52 : i32
      %mul3A_54 = arith.constant 5 : i32
      %mul3A_55 = arith.muli %add3A_53, %mul3A_54 : i32
      %add3A_56 = arith.constant 0 : i32
      %add3A_57 = arith.addi %mul3A_55, %add3A_56 : i32
      %mul3A_58 = arith.constant 80 : i32
      %mul3A_59 = arith.muli %add3A_57, %mul3A_58 : i32
      %add3A_60 = arith.addi %mul3A_4, %mul3A_59 : i32
      %dma_start3A_61 = tpu.memref_slice %arg2[%add3A_60] : memref<320000xi32, #tpu.memory_space<hbm>> -> memref<80xi32, #tpu.memory_space<hbm>>
      %dma_start3A_62 = tpu.memref_slice %arg2[%add3A_60] : memref<320000xi32, #tpu.memory_space<hbm>> -> memref<80xi32, #tpu.memory_space<hbm>>
      tpu.enqueue_dma source(%dma_start3A_62 : memref<80xi32, #tpu.memory_space<hbm>>) target(%arg11 : memref<80xi32, #tpu.memory_space<vmem>>) target_semaphore(%arg19 : memref<!tpu.dma_semaphore, #tpu.memory_space<semaphore_mem>>)
      %mul3A_63 = arith.constant 5 : i32
      %mul3A_64 = arith.muli %add3A_53, %mul3A_63 : i32
      %add3A_65 = arith.constant 1 : i32
      %add3A_66 = arith.addi %mul3A_64, %add3A_65 : i32
      %mul3A_67 = arith.constant 80 : i32
      %mul3A_68 = arith.muli %add3A_66, %mul3A_67 : i32
      %add3A_69 = arith.addi %mul3A_4, %mul3A_68 : i32
      %dma_start3A_70 = tpu.memref_slice %arg2[%add3A_69] : memref<320000xi32, #tpu.memory_space<hbm>> -> memref<80xi32, #tpu.memory_space<hbm>>
      %dma_start3A_71 = tpu.memref_slice %arg2[%add3A_69] : memref<320000xi32, #tpu.memory_space<hbm>> -> memref<80xi32, #tpu.memory_space<hbm>>
      tpu.enqueue_dma source(%dma_start3A_71 : memref<80xi32, #tpu.memory_space<hbm>>) target(%arg12 : memref<80xi32, #tpu.memory_space<vmem>>) target_semaphore(%arg19 : memref<!tpu.dma_semaphore, #tpu.memory_space<semaphore_mem>>)
      %mul3A_72 = arith.constant 5 : i32
      %mul3A_73 = arith.muli %add3A_53, %mul3A_72 : i32
      %add3A_74 = arith.constant 2 : i32
      %add3A_75 = arith.addi %mul3A_73, %add3A_74 : i32
      %mul3A_76 = arith.constant 80 : i32
      %mul3A_77 = arith.muli %add3A_75, %mul3A_76 : i32
      %add3A_78 = arith.addi %mul3A_4, %mul3A_77 : i32
      %dma_start3A_79 = tpu.memref_slice %arg2[%add3A_78] : memref<320000xi32, #tpu.memory_space<hbm>> -> memref<80xi32, #tpu.memory_space<hbm>>
      %dma_start3A_80 = tpu.memref_slice %arg2[%add3A_78] : memref<320000xi32, #tpu.memory_space<hbm>> -> memref<80xi32, #tpu.memory_space<hbm>>
      tpu.enqueue_dma source(%dma_start3A_80 : memref<80xi32, #tpu.memory_space<hbm>>) target(%arg13 : memref<80xi32, #tpu.memory_space<vmem>>) target_semaphore(%arg19 : memref<!tpu.dma_semaphore, #tpu.memory_space<semaphore_mem>>)
      %mul3A_81 = arith.constant 5 : i32
      %mul3A_82 = arith.muli %add3A_53, %mul3A_81 : i32
      %add3A_83 = arith.constant 3 : i32
      %add3A_84 = arith.addi %mul3A_82, %add3A_83 : i32
      %mul3A_85 = arith.constant 80 : i32
      %mul3A_86 = arith.muli %add3A_84, %mul3A_85 : i32
      %add3A_87 = arith.addi %mul3A_4, %mul3A_86 : i32
      %dma_start3A_88 = tpu.memref_slice %arg2[%add3A_87] : memref<320000xi32, #tpu.memory_space<hbm>> -> memref<80xi32, #tpu.memory_space<hbm>>
      %dma_start3A_89 = tpu.memref_slice %arg2[%add3A_87] : memref<320000xi32, #tpu.memory_space<hbm>> -> memref<80xi32, #tpu.memory_space<hbm>>
      tpu.enqueue_dma source(%dma_start3A_89 : memref<80xi32, #tpu.memory_space<hbm>>) target(%arg14 : memref<80xi32, #tpu.memory_space<vmem>>) target_semaphore(%arg19 : memref<!tpu.dma_semaphore, #tpu.memory_space<semaphore_mem>>)
      %mul3A_90 = arith.constant 5 : i32
      %mul3A_91 = arith.muli %add3A_53, %mul3A_90 : i32
      %add3A_92 = arith.constant 4 : i32
      %add3A_93 = arith.addi %mul3A_91, %add3A_92 : i32
      %mul3A_94 = arith.constant 80 : i32
      %mul3A_95 = arith.muli %add3A_93, %mul3A_94 : i32
      %add3A_96 = arith.addi %mul3A_4, %mul3A_95 : i32
      %dma_start3A_97 = tpu.memref_slice %arg2[%add3A_96] : memref<320000xi32, #tpu.memory_space<hbm>> -> memref<80xi32, #tpu.memory_space<hbm>>
      %dma_start3A_98 = tpu.memref_slice %arg2[%add3A_96] : memref<320000xi32, #tpu.memory_space<hbm>> -> memref<80xi32, #tpu.memory_space<hbm>>
      tpu.enqueue_dma source(%dma_start3A_98 : memref<80xi32, #tpu.memory_space<hbm>>) target(%arg15 : memref<80xi32, #tpu.memory_space<vmem>>) target_semaphore(%arg19 : memref<!tpu.dma_semaphore, #tpu.memory_space<semaphore_mem>>)
      %dma_wait3A_99 = arith.constant 0 : i32
      %dma_wait3A_100 = tpu.memref_slice %arg2[%dma_wait3A_99] : memref<320000xi32, #tpu.memory_space<hbm>> -> memref<80xi32, #tpu.memory_space<hbm>>
      %dma_wait3A_101 = arith.constant 0 : i32
      %dma_wait3A_102 = tpu.memref_slice %arg2[%dma_wait3A_101] : memref<320000xi32, #tpu.memory_space<hbm>> -> memref<80xi32, #tpu.memory_space<hbm>>
      tpu.wait_dma2 semaphore(%arg18 : memref<!tpu.dma_semaphore, #tpu.memory_space<semaphore_mem>>) src(%dma_wait3A_102 : memref<80xi32, #tpu.memory_space<hbm>>) dst(%arg6 : memref<80xi32, #tpu.memory_space<vmem>>)
      %dma_wait3A_103 = arith.constant 0 : i32
      %dma_wait3A_104 = tpu.memref_slice %arg2[%dma_wait3A_103] : memref<320000xi32, #tpu.memory_space<hbm>> -> memref<80xi32, #tpu.memory_space<hbm>>
      %dma_wait3A_105 = arith.constant 0 : i32
      %dma_wait3A_106 = tpu.memref_slice %arg2[%dma_wait3A_105] : memref<320000xi32, #tpu.memory_space<hbm>> -> memref<80xi32, #tpu.memory_space<hbm>>
      tpu.wait_dma2 semaphore(%arg18 : memref<!tpu.dma_semaphore, #tpu.memory_space<semaphore_mem>>) src(%dma_wait3A_106 : memref<80xi32, #tpu.memory_space<hbm>>) dst(%arg7 : memref<80xi32, #tpu.memory_space<vmem>>)
      %dma_wait3A_107 = arith.constant 0 : i32
      %dma_wait3A_108 = tpu.memref_slice %arg2[%dma_wait3A_107] : memref<320000xi32, #tpu.memory_space<hbm>> -> memref<80xi32, #tpu.memory_space<hbm>>
      %dma_wait3A_109 = arith.constant 0 : i32
      %dma_wait3A_110 = tpu.memref_slice %arg2[%dma_wait3A_109] : memref<320000xi32, #tpu.memory_space<hbm>> -> memref<80xi32, #tpu.memory_space<hbm>>
      tpu.wait_dma2 semaphore(%arg18 : memref<!tpu.dma_semaphore, #tpu.memory_space<semaphore_mem>>) src(%dma_wait3A_110 : memref<80xi32, #tpu.memory_space<hbm>>) dst(%arg8 : memref<80xi32, #tpu.memory_space<vmem>>)
      %dma_wait3A_111 = arith.constant 0 : i32
      %dma_wait3A_112 = tpu.memref_slice %arg2[%dma_wait3A_111] : memref<320000xi32, #tpu.memory_space<hbm>> -> memref<80xi32, #tpu.memory_space<hbm>>
      %dma_wait3A_113 = arith.constant 0 : i32
      %dma_wait3A_114 = tpu.memref_slice %arg2[%dma_wait3A_113] : memref<320000xi32, #tpu.memory_space<hbm>> -> memref<80xi32, #tpu.memory_space<hbm>>
      tpu.wait_dma2 semaphore(%arg18 : memref<!tpu.dma_semaphore, #tpu.memory_space<semaphore_mem>>) src(%dma_wait3A_114 : memref<80xi32, #tpu.memory_space<hbm>>) dst(%arg9 : memref<80xi32, #tpu.memory_space<vmem>>)
      %dma_wait3A_115 = arith.constant 0 : i32
      %dma_wait3A_116 = tpu.memref_slice %arg2[%dma_wait3A_115] : memref<320000xi32, #tpu.memory_space<hbm>> -> memref<80xi32, #tpu.memory_space<hbm>>
      %dma_wait3A_117 = arith.constant 0 : i32
      %dma_wait3A_118 = tpu.memref_slice %arg2[%dma_wait3A_117] : memref<320000xi32, #tpu.memory_space<hbm>> -> memref<80xi32, #tpu.memory_space<hbm>>
      tpu.wait_dma2 semaphore(%arg18 : memref<!tpu.dma_semaphore, #tpu.memory_space<semaphore_mem>>) src(%dma_wait3A_118 : memref<80xi32, #tpu.memory_space<hbm>>) dst(%arg10 : memref<80xi32, #tpu.memory_space<vmem>>)
      "tpu.region"() ({
        %run_scoped3A = tpu.sem_alloc : memref<!tpu.dma_semaphore, #tpu.memory_space<semaphore_mem>>
        %dma_start3A_190 = arith.constant 0 : i32
        %dma_start3A_191 = arith.constant 0 : i32
        %dma_start3A_192 = tpu.memref_slice %arg17[%dma_start3A_190, %dma_start3A_191] : memref<10112x16xf32, #tpu.memory_space<vmem_shared>> -> memref<10112x16xf32, #tpu.memory_space<vmem_shared>>
        tpu.enqueue_indirect_dma source(%arg16 : memref<80x16xf32, #tpu.memory_space<vmem>>) target(%dma_start3A_192 : memref<10112x16xf32, #tpu.memory_space<vmem_shared>>) offsets(%arg6 : memref<80xi32, #tpu.memory_space<vmem>>) semaphore(%run_scoped3A : memref<!tpu.dma_semaphore, #tpu.memory_space<semaphore_mem>>) {add = true}
        %dma_wait3A_193 = arith.constant 0 : i32
        %dma_wait3A_194 = arith.constant 0 : i32
        %dma_wait3A_195 = tpu.memref_slice %arg17[%dma_wait3A_193, %dma_wait3A_194] : memref<10112x16xf32, #tpu.memory_space<vmem_shared>> -> memref<10112x16xf32, #tpu.memory_space<vmem_shared>>
        tpu.wait_indirect_dma semaphore(%run_scoped3A : memref<!tpu.dma_semaphore, #tpu.memory_space<semaphore_mem>>) src(%arg16 : memref<80x16xf32, #tpu.memory_space<vmem>>) dst(%dma_wait3A_195 : memref<10112x16xf32, #tpu.memory_space<vmem_shared>>)
        tpu.yield
      }) : () -> ()
      "tpu.region"() ({
        %run_scoped3A = tpu.sem_alloc : memref<!tpu.dma_semaphore, #tpu.memory_space<semaphore_mem>>
        %dma_start3A_190 = arith.constant 0 : i32
        %dma_start3A_191 = arith.constant 0 : i32
        %dma_start3A_192 = tpu.memref_slice %arg17[%dma_start3A_190, %dma_start3A_191] : memref<10112x16xf32, #tpu.memory_space<vmem_shared>> -> memref<10112x16xf32, #tpu.memory_space<vmem_shared>>
        tpu.enqueue_indirect_dma source(%arg16 : memref<80x16xf32, #tpu.memory_space<vmem>>) target(%dma_start3A_192 : memref<10112x16xf32, #tpu.memory_space<vmem_shared>>) offsets(%arg7 : memref<80xi32, #tpu.memory_space<vmem>>) semaphore(%run_scoped3A : memref<!tpu.dma_semaphore, #tpu.memory_space<semaphore_mem>>) {add = true}
        %dma_wait3A_193 = arith.constant 0 : i32
        %dma_wait3A_194 = arith.constant 0 : i32
        %dma_wait3A_195 = tpu.memref_slice %arg17[%dma_wait3A_193, %dma_wait3A_194] : memref<10112x16xf32, #tpu.memory_space<vmem_shared>> -> memref<10112x16xf32, #tpu.memory_space<vmem_shared>>
        tpu.wait_indirect_dma semaphore(%run_scoped3A : memref<!tpu.dma_semaphore, #tpu.memory_space<semaphore_mem>>) src(%arg16 : memref<80x16xf32, #tpu.memory_space<vmem>>) dst(%dma_wait3A_195 : memref<10112x16xf32, #tpu.memory_space<vmem_shared>>)
        tpu.yield
      }) : () -> ()
      "tpu.region"() ({
        %run_scoped3A = tpu.sem_alloc : memref<!tpu.dma_semaphore, #tpu.memory_space<semaphore_mem>>
        %dma_start3A_190 = arith.constant 0 : i32
        %dma_start3A_191 = arith.constant 0 : i32
        %dma_start3A_192 = tpu.memref_slice %arg17[%dma_start3A_190, %dma_start3A_191] : memref<10112x16xf32, #tpu.memory_space<vmem_shared>> -> memref<10112x16xf32, #tpu.memory_space<vmem_shared>>
        tpu.enqueue_indirect_dma source(%arg16 : memref<80x16xf32, #tpu.memory_space<vmem>>) target(%dma_start3A_192 : memref<10112x16xf32, #tpu.memory_space<vmem_shared>>) offsets(%arg8 : memref<80xi32, #tpu.memory_space<vmem>>) semaphore(%run_scoped3A : memref<!tpu.dma_semaphore, #tpu.memory_space<semaphore_mem>>) {add = true}
        %dma_wait3A_193 = arith.constant 0 : i32
        %dma_wait3A_194 = arith.constant 0 : i32
        %dma_wait3A_195 = tpu.memref_slice %arg17[%dma_wait3A_193, %dma_wait3A_194] : memref<10112x16xf32, #tpu.memory_space<vmem_shared>> -> memref<10112x16xf32, #tpu.memory_space<vmem_shared>>
        tpu.wait_indirect_dma semaphore(%run_scoped3A : memref<!tpu.dma_semaphore, #tpu.memory_space<semaphore_mem>>) src(%arg16 : memref<80x16xf32, #tpu.memory_space<vmem>>) dst(%dma_wait3A_195 : memref<10112x16xf32, #tpu.memory_space<vmem_shared>>)
        tpu.yield
      }) : () -> ()
      "tpu.region"() ({
        %run_scoped3A = tpu.sem_alloc : memref<!tpu.dma_semaphore, #tpu.memory_space<semaphore_mem>>
        %dma_start3A_190 = arith.constant 0 : i32
        %dma_start3A_191 = arith.constant 0 : i32
        %dma_start3A_192 = tpu.memref_slice %arg17[%dma_start3A_190, %dma_start3A_191] : memref<10112x16xf32, #tpu.memory_space<vmem_shared>> -> memref<10112x16xf32, #tpu.memory_space<vmem_shared>>
        tpu.enqueue_indirect_dma source(%arg16 : memref<80x16xf32, #tpu.memory_space<vmem>>) target(%dma_start3A_192 : memref<10112x16xf32, #tpu.memory_space<vmem_shared>>) offsets(%arg9 : memref<80xi32, #tpu.memory_space<vmem>>) semaphore(%run_scoped3A : memref<!tpu.dma_semaphore, #tpu.memory_space<semaphore_mem>>) {add = true}
        %dma_wait3A_193 = arith.constant 0 : i32
        %dma_wait3A_194 = arith.constant 0 : i32
        %dma_wait3A_195 = tpu.memref_slice %arg17[%dma_wait3A_193, %dma_wait3A_194] : memref<10112x16xf32, #tpu.memory_space<vmem_shared>> -> memref<10112x16xf32, #tpu.memory_space<vmem_shared>>
        tpu.wait_indirect_dma semaphore(%run_scoped3A : memref<!tpu.dma_semaphore, #tpu.memory_space<semaphore_mem>>) src(%arg16 : memref<80x16xf32, #tpu.memory_space<vmem>>) dst(%dma_wait3A_195 : memref<10112x16xf32, #tpu.memory_space<vmem_shared>>)
        tpu.yield
      }) : () -> ()
      "tpu.region"() ({
        %run_scoped3A = tpu.sem_alloc : memref<!tpu.dma_semaphore, #tpu.memory_space<semaphore_mem>>
        %dma_start3A_190 = arith.constant 0 : i32
        %dma_start3A_191 = arith.constant 0 : i32
        %dma_start3A_192 = tpu.memref_slice %arg17[%dma_start3A_190, %dma_start3A_191] : memref<10112x16xf32, #tpu.memory_space<vmem_shared>> -> memref<10112x16xf32, #tpu.memory_space<vmem_shared>>
        tpu.enqueue_indirect_dma source(%arg16 : memref<80x16xf32, #tpu.memory_space<vmem>>) target(%dma_start3A_192 : memref<10112x16xf32, #tpu.memory_space<vmem_shared>>) offsets(%arg10 : memref<80xi32, #tpu.memory_space<vmem>>) semaphore(%run_scoped3A : memref<!tpu.dma_semaphore, #tpu.memory_space<semaphore_mem>>) {add = true}
        %dma_wait3A_193 = arith.constant 0 : i32
        %dma_wait3A_194 = arith.constant 0 : i32
        %dma_wait3A_195 = tpu.memref_slice %arg17[%dma_wait3A_193, %dma_wait3A_194] : memref<10112x16xf32, #tpu.memory_space<vmem_shared>> -> memref<10112x16xf32, #tpu.memory_space<vmem_shared>>
        tpu.wait_indirect_dma semaphore(%run_scoped3A : memref<!tpu.dma_semaphore, #tpu.memory_space<semaphore_mem>>) src(%arg16 : memref<80x16xf32, #tpu.memory_space<vmem>>) dst(%dma_wait3A_195 : memref<10112x16xf32, #tpu.memory_space<vmem_shared>>)
        tpu.yield
      }) : () -> ()
      %mul3A_119 = arith.constant 2 : i32
      %mul3A_120 = arith.muli %mul3A_119, %scan3A_49 : i32
      %add3A_121 = arith.constant 1 : i32
      %add3A_122 = arith.addi %mul3A_120, %add3A_121 : i32
      %add3A_123 = arith.constant 1 : i32
      %add3A_124 = arith.addi %add3A_122, %add3A_123 : i32
      %mul3A_125 = arith.constant 5 : i32
      %mul3A_126 = arith.muli %add3A_124, %mul3A_125 : i32
      %add3A_127 = arith.constant 0 : i32
      %add3A_128 = arith.addi %mul3A_126, %add3A_127 : i32
      %mul3A_129 = arith.constant 80 : i32
      %mul3A_130 = arith.muli %add3A_128, %mul3A_129 : i32
      %add3A_131 = arith.addi %mul3A_4, %mul3A_130 : i32
      %dma_start3A_132 = tpu.memref_slice %arg2[%add3A_131] : memref<320000xi32, #tpu.memory_space<hbm>> -> memref<80xi32, #tpu.memory_space<hbm>>
      %dma_start3A_133 = tpu.memref_slice %arg2[%add3A_131] : memref<320000xi32, #tpu.memory_space<hbm>> -> memref<80xi32, #tpu.memory_space<hbm>>
      tpu.enqueue_dma source(%dma_start3A_133 : memref<80xi32, #tpu.memory_space<hbm>>) target(%arg6 : memref<80xi32, #tpu.memory_space<vmem>>) target_semaphore(%arg18 : memref<!tpu.dma_semaphore, #tpu.memory_space<semaphore_mem>>)
      %mul3A_134 = arith.constant 5 : i32
      %mul3A_135 = arith.muli %add3A_124, %mul3A_134 : i32
      %add3A_136 = arith.constant 1 : i32
      %add3A_137 = arith.addi %mul3A_135, %add3A_136 : i32
      %mul3A_138 = arith.constant 80 : i32
      %mul3A_139 = arith.muli %add3A_137, %mul3A_138 : i32
      %add3A_140 = arith.addi %mul3A_4, %mul3A_139 : i32
      %dma_start3A_141 = tpu.memref_slice %arg2[%add3A_140] : memref<320000xi32, #tpu.memory_space<hbm>> -> memref<80xi32, #tpu.memory_space<hbm>>
      %dma_start3A_142 = tpu.memref_slice %arg2[%add3A_140] : memref<320000xi32, #tpu.memory_space<hbm>> -> memref<80xi32, #tpu.memory_space<hbm>>
      tpu.enqueue_dma source(%dma_start3A_142 : memref<80xi32, #tpu.memory_space<hbm>>) target(%arg7 : memref<80xi32, #tpu.memory_space<vmem>>) target_semaphore(%arg18 : memref<!tpu.dma_semaphore, #tpu.memory_space<semaphore_mem>>)
      %mul3A_143 = arith.constant 5 : i32
      %mul3A_144 = arith.muli %add3A_124, %mul3A_143 : i32
      %add3A_145 = arith.constant 2 : i32
      %add3A_146 = arith.addi %mul3A_144, %add3A_145 : i32
      %mul3A_147 = arith.constant 80 : i32
      %mul3A_148 = arith.muli %add3A_146, %mul3A_147 : i32
      %add3A_149 = arith.addi %mul3A_4, %mul3A_148 : i32
      %dma_start3A_150 = tpu.memref_slice %arg2[%add3A_149] : memref<320000xi32, #tpu.memory_space<hbm>> -> memref<80xi32, #tpu.memory_space<hbm>>
      %dma_start3A_151 = tpu.memref_slice %arg2[%add3A_149] : memref<320000xi32, #tpu.memory_space<hbm>> -> memref<80xi32, #tpu.memory_space<hbm>>
      tpu.enqueue_dma source(%dma_start3A_151 : memref<80xi32, #tpu.memory_space<hbm>>) target(%arg8 : memref<80xi32, #tpu.memory_space<vmem>>) target_semaphore(%arg18 : memref<!tpu.dma_semaphore, #tpu.memory_space<semaphore_mem>>)
      %mul3A_152 = arith.constant 5 : i32
      %mul3A_153 = arith.muli %add3A_124, %mul3A_152 : i32
      %add3A_154 = arith.constant 3 : i32
      %add3A_155 = arith.addi %mul3A_153, %add3A_154 : i32
      %mul3A_156 = arith.constant 80 : i32
      %mul3A_157 = arith.muli %add3A_155, %mul3A_156 : i32
      %add3A_158 = arith.addi %mul3A_4, %mul3A_157 : i32
      %dma_start3A_159 = tpu.memref_slice %arg2[%add3A_158] : memref<320000xi32, #tpu.memory_space<hbm>> -> memref<80xi32, #tpu.memory_space<hbm>>
      %dma_start3A_160 = tpu.memref_slice %arg2[%add3A_158] : memref<320000xi32, #tpu.memory_space<hbm>> -> memref<80xi32, #tpu.memory_space<hbm>>
      tpu.enqueue_dma source(%dma_start3A_160 : memref<80xi32, #tpu.memory_space<hbm>>) target(%arg9 : memref<80xi32, #tpu.memory_space<vmem>>) target_semaphore(%arg18 : memref<!tpu.dma_semaphore, #tpu.memory_space<semaphore_mem>>)
      %mul3A_161 = arith.constant 5 : i32
      %mul3A_162 = arith.muli %add3A_124, %mul3A_161 : i32
      %add3A_163 = arith.constant 4 : i32
      %add3A_164 = arith.addi %mul3A_162, %add3A_163 : i32
      %mul3A_165 = arith.constant 80 : i32
      %mul3A_166 = arith.muli %add3A_164, %mul3A_165 : i32
      %add3A_167 = arith.addi %mul3A_4, %mul3A_166 : i32
      %dma_start3A_168 = tpu.memref_slice %arg2[%add3A_167] : memref<320000xi32, #tpu.memory_space<hbm>> -> memref<80xi32, #tpu.memory_space<hbm>>
      %dma_start3A_169 = tpu.memref_slice %arg2[%add3A_167] : memref<320000xi32, #tpu.memory_space<hbm>> -> memref<80xi32, #tpu.memory_space<hbm>>
      tpu.enqueue_dma source(%dma_start3A_169 : memref<80xi32, #tpu.memory_space<hbm>>) target(%arg10 : memref<80xi32, #tpu.memory_space<vmem>>) target_semaphore(%arg18 : memref<!tpu.dma_semaphore, #tpu.memory_space<semaphore_mem>>)
      %dma_wait3A_170 = arith.constant 0 : i32
      %dma_wait3A_171 = tpu.memref_slice %arg2[%dma_wait3A_170] : memref<320000xi32, #tpu.memory_space<hbm>> -> memref<80xi32, #tpu.memory_space<hbm>>
      %dma_wait3A_172 = arith.constant 0 : i32
      %dma_wait3A_173 = tpu.memref_slice %arg2[%dma_wait3A_172] : memref<320000xi32, #tpu.memory_space<hbm>> -> memref<80xi32, #tpu.memory_space<hbm>>
      tpu.wait_dma2 semaphore(%arg19 : memref<!tpu.dma_semaphore, #tpu.memory_space<semaphore_mem>>) src(%dma_wait3A_173 : memref<80xi32, #tpu.memory_space<hbm>>) dst(%arg11 : memref<80xi32, #tpu.memory_space<vmem>>)
      %dma_wait3A_174 = arith.constant 0 : i32
      %dma_wait3A_175 = tpu.memref_slice %arg2[%dma_wait3A_174] : memref<320000xi32, #tpu.memory_space<hbm>> -> memref<80xi32, #tpu.memory_space<hbm>>
      %dma_wait3A_176 = arith.constant 0 : i32
      %dma_wait3A_177 = tpu.memref_slice %arg2[%dma_wait3A_176] : memref<320000xi32, #tpu.memory_space<hbm>> -> memref<80xi32, #tpu.memory_space<hbm>>
      tpu.wait_dma2 semaphore(%arg19 : memref<!tpu.dma_semaphore, #tpu.memory_space<semaphore_mem>>) src(%dma_wait3A_177 : memref<80xi32, #tpu.memory_space<hbm>>) dst(%arg12 : memref<80xi32, #tpu.memory_space<vmem>>)
      %dma_wait3A_178 = arith.constant 0 : i32
      %dma_wait3A_179 = tpu.memref_slice %arg2[%dma_wait3A_178] : memref<320000xi32, #tpu.memory_space<hbm>> -> memref<80xi32, #tpu.memory_space<hbm>>
      %dma_wait3A_180 = arith.constant 0 : i32
      %dma_wait3A_181 = tpu.memref_slice %arg2[%dma_wait3A_180] : memref<320000xi32, #tpu.memory_space<hbm>> -> memref<80xi32, #tpu.memory_space<hbm>>
      tpu.wait_dma2 semaphore(%arg19 : memref<!tpu.dma_semaphore, #tpu.memory_space<semaphore_mem>>) src(%dma_wait3A_181 : memref<80xi32, #tpu.memory_space<hbm>>) dst(%arg13 : memref<80xi32, #tpu.memory_space<vmem>>)
      %dma_wait3A_182 = arith.constant 0 : i32
      %dma_wait3A_183 = tpu.memref_slice %arg2[%dma_wait3A_182] : memref<320000xi32, #tpu.memory_space<hbm>> -> memref<80xi32, #tpu.memory_space<hbm>>
      %dma_wait3A_184 = arith.constant 0 : i32
      %dma_wait3A_185 = tpu.memref_slice %arg2[%dma_wait3A_184] : memref<320000xi32, #tpu.memory_space<hbm>> -> memref<80xi32, #tpu.memory_space<hbm>>
      tpu.wait_dma2 semaphore(%arg19 : memref<!tpu.dma_semaphore, #tpu.memory_space<semaphore_mem>>) src(%dma_wait3A_185 : memref<80xi32, #tpu.memory_space<hbm>>) dst(%arg14 : memref<80xi32, #tpu.memory_space<vmem>>)
      %dma_wait3A_186 = arith.constant 0 : i32
      %dma_wait3A_187 = tpu.memref_slice %arg2[%dma_wait3A_186] : memref<320000xi32, #tpu.memory_space<hbm>> -> memref<80xi32, #tpu.memory_space<hbm>>
      %dma_wait3A_188 = arith.constant 0 : i32
      %dma_wait3A_189 = tpu.memref_slice %arg2[%dma_wait3A_188] : memref<320000xi32, #tpu.memory_space<hbm>> -> memref<80xi32, #tpu.memory_space<hbm>>
      tpu.wait_dma2 semaphore(%arg19 : memref<!tpu.dma_semaphore, #tpu.memory_space<semaphore_mem>>) src(%dma_wait3A_189 : memref<80xi32, #tpu.memory_space<hbm>>) dst(%arg15 : memref<80xi32, #tpu.memory_space<vmem>>)
      "tpu.region"() ({
        %run_scoped3A = tpu.sem_alloc : memref<!tpu.dma_semaphore, #tpu.memory_space<semaphore_mem>>
        %dma_start3A_190 = arith.constant 0 : i32
        %dma_start3A_191 = arith.constant 0 : i32
        %dma_start3A_192 = tpu.memref_slice %arg17[%dma_start3A_190, %dma_start3A_191] : memref<10112x16xf32, #tpu.memory_space<vmem_shared>> -> memref<10112x16xf32, #tpu.memory_space<vmem_shared>>
        tpu.enqueue_indirect_dma source(%arg16 : memref<80x16xf32, #tpu.memory_space<vmem>>) target(%dma_start3A_192 : memref<10112x16xf32, #tpu.memory_space<vmem_shared>>) offsets(%arg11 : memref<80xi32, #tpu.memory_space<vmem>>) semaphore(%run_scoped3A : memref<!tpu.dma_semaphore, #tpu.memory_space<semaphore_mem>>) {add = true}
        %dma_wait3A_193 = arith.constant 0 : i32
        %dma_wait3A_194 = arith.constant 0 : i32
        %dma_wait3A_195 = tpu.memref_slice %arg17[%dma_wait3A_193, %dma_wait3A_194] : memref<10112x16xf32, #tpu.memory_space<vmem_shared>> -> memref<10112x16xf32, #tpu.memory_space<vmem_shared>>
        tpu.wait_indirect_dma semaphore(%run_scoped3A : memref<!tpu.dma_semaphore, #tpu.memory_space<semaphore_mem>>) src(%arg16 : memref<80x16xf32, #tpu.memory_space<vmem>>) dst(%dma_wait3A_195 : memref<10112x16xf32, #tpu.memory_space<vmem_shared>>)
        tpu.yield
      }) : () -> ()
      "tpu.region"() ({
        %run_scoped3A = tpu.sem_alloc : memref<!tpu.dma_semaphore, #tpu.memory_space<semaphore_mem>>
        %dma_start3A_190 = arith.constant 0 : i32
        %dma_start3A_191 = arith.constant 0 : i32
        %dma_start3A_192 = tpu.memref_slice %arg17[%dma_start3A_190, %dma_start3A_191] : memref<10112x16xf32, #tpu.memory_space<vmem_shared>> -> memref<10112x16xf32, #tpu.memory_space<vmem_shared>>
        tpu.enqueue_indirect_dma source(%arg16 : memref<80x16xf32, #tpu.memory_space<vmem>>) target(%dma_start3A_192 : memref<10112x16xf32, #tpu.memory_space<vmem_shared>>) offsets(%arg12 : memref<80xi32, #tpu.memory_space<vmem>>) semaphore(%run_scoped3A : memref<!tpu.dma_semaphore, #tpu.memory_space<semaphore_mem>>) {add = true}
        %dma_wait3A_193 = arith.constant 0 : i32
        %dma_wait3A_194 = arith.constant 0 : i32
        %dma_wait3A_195 = tpu.memref_slice %arg17[%dma_wait3A_193, %dma_wait3A_194] : memref<10112x16xf32, #tpu.memory_space<vmem_shared>> -> memref<10112x16xf32, #tpu.memory_space<vmem_shared>>
        tpu.wait_indirect_dma semaphore(%run_scoped3A : memref<!tpu.dma_semaphore, #tpu.memory_space<semaphore_mem>>) src(%arg16 : memref<80x16xf32, #tpu.memory_space<vmem>>) dst(%dma_wait3A_195 : memref<10112x16xf32, #tpu.memory_space<vmem_shared>>)
        tpu.yield
      }) : () -> ()
      "tpu.region"() ({
        %run_scoped3A = tpu.sem_alloc : memref<!tpu.dma_semaphore, #tpu.memory_space<semaphore_mem>>
        %dma_start3A_190 = arith.constant 0 : i32
        %dma_start3A_191 = arith.constant 0 : i32
        %dma_start3A_192 = tpu.memref_slice %arg17[%dma_start3A_190, %dma_start3A_191] : memref<10112x16xf32, #tpu.memory_space<vmem_shared>> -> memref<10112x16xf32, #tpu.memory_space<vmem_shared>>
        tpu.enqueue_indirect_dma source(%arg16 : memref<80x16xf32, #tpu.memory_space<vmem>>) target(%dma_start3A_192 : memref<10112x16xf32, #tpu.memory_space<vmem_shared>>) offsets(%arg13 : memref<80xi32, #tpu.memory_space<vmem>>) semaphore(%run_scoped3A : memref<!tpu.dma_semaphore, #tpu.memory_space<semaphore_mem>>) {add = true}
        %dma_wait3A_193 = arith.constant 0 : i32
        %dma_wait3A_194 = arith.constant 0 : i32
        %dma_wait3A_195 = tpu.memref_slice %arg17[%dma_wait3A_193, %dma_wait3A_194] : memref<10112x16xf32, #tpu.memory_space<vmem_shared>> -> memref<10112x16xf32, #tpu.memory_space<vmem_shared>>
        tpu.wait_indirect_dma semaphore(%run_scoped3A : memref<!tpu.dma_semaphore, #tpu.memory_space<semaphore_mem>>) src(%arg16 : memref<80x16xf32, #tpu.memory_space<vmem>>) dst(%dma_wait3A_195 : memref<10112x16xf32, #tpu.memory_space<vmem_shared>>)
        tpu.yield
      }) : () -> ()
      "tpu.region"() ({
        %run_scoped3A = tpu.sem_alloc : memref<!tpu.dma_semaphore, #tpu.memory_space<semaphore_mem>>
        %dma_start3A_190 = arith.constant 0 : i32
        %dma_start3A_191 = arith.constant 0 : i32
        %dma_start3A_192 = tpu.memref_slice %arg17[%dma_start3A_190, %dma_start3A_191] : memref<10112x16xf32, #tpu.memory_space<vmem_shared>> -> memref<10112x16xf32, #tpu.memory_space<vmem_shared>>
        tpu.enqueue_indirect_dma source(%arg16 : memref<80x16xf32, #tpu.memory_space<vmem>>) target(%dma_start3A_192 : memref<10112x16xf32, #tpu.memory_space<vmem_shared>>) offsets(%arg14 : memref<80xi32, #tpu.memory_space<vmem>>) semaphore(%run_scoped3A : memref<!tpu.dma_semaphore, #tpu.memory_space<semaphore_mem>>) {add = true}
        %dma_wait3A_193 = arith.constant 0 : i32
        %dma_wait3A_194 = arith.constant 0 : i32
        %dma_wait3A_195 = tpu.memref_slice %arg17[%dma_wait3A_193, %dma_wait3A_194] : memref<10112x16xf32, #tpu.memory_space<vmem_shared>> -> memref<10112x16xf32, #tpu.memory_space<vmem_shared>>
        tpu.wait_indirect_dma semaphore(%run_scoped3A : memref<!tpu.dma_semaphore, #tpu.memory_space<semaphore_mem>>) src(%arg16 : memref<80x16xf32, #tpu.memory_space<vmem>>) dst(%dma_wait3A_195 : memref<10112x16xf32, #tpu.memory_space<vmem_shared>>)
        tpu.yield
      }) : () -> ()
      "tpu.region"() ({
        %run_scoped3A = tpu.sem_alloc : memref<!tpu.dma_semaphore, #tpu.memory_space<semaphore_mem>>
        %dma_start3A_190 = arith.constant 0 : i32
        %dma_start3A_191 = arith.constant 0 : i32
        %dma_start3A_192 = tpu.memref_slice %arg17[%dma_start3A_190, %dma_start3A_191] : memref<10112x16xf32, #tpu.memory_space<vmem_shared>> -> memref<10112x16xf32, #tpu.memory_space<vmem_shared>>
        tpu.enqueue_indirect_dma source(%arg16 : memref<80x16xf32, #tpu.memory_space<vmem>>) target(%dma_start3A_192 : memref<10112x16xf32, #tpu.memory_space<vmem_shared>>) offsets(%arg15 : memref<80xi32, #tpu.memory_space<vmem>>) semaphore(%run_scoped3A : memref<!tpu.dma_semaphore, #tpu.memory_space<semaphore_mem>>) {add = true}
        %dma_wait3A_193 = arith.constant 0 : i32
        %dma_wait3A_194 = arith.constant 0 : i32
        %dma_wait3A_195 = tpu.memref_slice %arg17[%dma_wait3A_193, %dma_wait3A_194] : memref<10112x16xf32, #tpu.memory_space<vmem_shared>> -> memref<10112x16xf32, #tpu.memory_space<vmem_shared>>
        tpu.wait_indirect_dma semaphore(%run_scoped3A : memref<!tpu.dma_semaphore, #tpu.memory_space<semaphore_mem>>) src(%arg16 : memref<80x16xf32, #tpu.memory_space<vmem>>) dst(%dma_wait3A_195 : memref<10112x16xf32, #tpu.memory_space<vmem_shared>>)
        tpu.yield
      }) : () -> ()
    }
    %scan3A_28 = arith.constant 12 : i32
    %dma_wait3A = arith.constant 0 : i32
    %dma_wait3A_29 = tpu.memref_slice %arg2[%dma_wait3A] : memref<320000xi32, #tpu.memory_space<hbm>> -> memref<80xi32, #tpu.memory_space<hbm>>
    %dma_wait3A_30 = arith.constant 0 : i32
    %dma_wait3A_31 = tpu.memref_slice %arg2[%dma_wait3A_30] : memref<320000xi32, #tpu.memory_space<hbm>> -> memref<80xi32, #tpu.memory_space<hbm>>
    tpu.wait_dma2 semaphore(%arg18 : memref<!tpu.dma_semaphore, #tpu.memory_space<semaphore_mem>>) src(%dma_wait3A_31 : memref<80xi32, #tpu.memory_space<hbm>>) dst(%arg6 : memref<80xi32, #tpu.memory_space<vmem>>)
    %dma_wait3A_32 = arith.constant 0 : i32
    %dma_wait3A_33 = tpu.memref_slice %arg2[%dma_wait3A_32] : memref<320000xi32, #tpu.memory_space<hbm>> -> memref<80xi32, #tpu.memory_space<hbm>>
    %dma_wait3A_34 = arith.constant 0 : i32
    %dma_wait3A_35 = tpu.memref_slice %arg2[%dma_wait3A_34] : memref<320000xi32, #tpu.memory_space<hbm>> -> memref<80xi32, #tpu.memory_space<hbm>>
    tpu.wait_dma2 semaphore(%arg18 : memref<!tpu.dma_semaphore, #tpu.memory_space<semaphore_mem>>) src(%dma_wait3A_35 : memref<80xi32, #tpu.memory_space<hbm>>) dst(%arg7 : memref<80xi32, #tpu.memory_space<vmem>>)
    %dma_wait3A_36 = arith.constant 0 : i32
    %dma_wait3A_37 = tpu.memref_slice %arg2[%dma_wait3A_36] : memref<320000xi32, #tpu.memory_space<hbm>> -> memref<80xi32, #tpu.memory_space<hbm>>
    %dma_wait3A_38 = arith.constant 0 : i32
    %dma_wait3A_39 = tpu.memref_slice %arg2[%dma_wait3A_38] : memref<320000xi32, #tpu.memory_space<hbm>> -> memref<80xi32, #tpu.memory_space<hbm>>
    tpu.wait_dma2 semaphore(%arg18 : memref<!tpu.dma_semaphore, #tpu.memory_space<semaphore_mem>>) src(%dma_wait3A_39 : memref<80xi32, #tpu.memory_space<hbm>>) dst(%arg8 : memref<80xi32, #tpu.memory_space<vmem>>)
    %dma_wait3A_40 = arith.constant 0 : i32
    %dma_wait3A_41 = tpu.memref_slice %arg2[%dma_wait3A_40] : memref<320000xi32, #tpu.memory_space<hbm>> -> memref<80xi32, #tpu.memory_space<hbm>>
    %dma_wait3A_42 = arith.constant 0 : i32
    %dma_wait3A_43 = tpu.memref_slice %arg2[%dma_wait3A_42] : memref<320000xi32, #tpu.memory_space<hbm>> -> memref<80xi32, #tpu.memory_space<hbm>>
    tpu.wait_dma2 semaphore(%arg18 : memref<!tpu.dma_semaphore, #tpu.memory_space<semaphore_mem>>) src(%dma_wait3A_43 : memref<80xi32, #tpu.memory_space<hbm>>) dst(%arg9 : memref<80xi32, #tpu.memory_space<vmem>>)
    %dma_wait3A_44 = arith.constant 0 : i32
    %dma_wait3A_45 = tpu.memref_slice %arg2[%dma_wait3A_44] : memref<320000xi32, #tpu.memory_space<hbm>> -> memref<80xi32, #tpu.memory_space<hbm>>
    %dma_wait3A_46 = arith.constant 0 : i32
    %dma_wait3A_47 = tpu.memref_slice %arg2[%dma_wait3A_46] : memref<320000xi32, #tpu.memory_space<hbm>> -> memref<80xi32, #tpu.memory_space<hbm>>
    tpu.wait_dma2 semaphore(%arg18 : memref<!tpu.dma_semaphore, #tpu.memory_space<semaphore_mem>>) src(%dma_wait3A_47 : memref<80xi32, #tpu.memory_space<hbm>>) dst(%arg10 : memref<80xi32, #tpu.memory_space<vmem>>)
    "tpu.region"() ({
      %run_scoped3A = tpu.sem_alloc : memref<!tpu.dma_semaphore, #tpu.memory_space<semaphore_mem>>
      %dma_start3A_49 = arith.constant 0 : i32
      %dma_start3A_50 = arith.constant 0 : i32
      %dma_start3A_51 = tpu.memref_slice %arg17[%dma_start3A_49, %dma_start3A_50] : memref<10112x16xf32, #tpu.memory_space<vmem_shared>> -> memref<10112x16xf32, #tpu.memory_space<vmem_shared>>
      tpu.enqueue_indirect_dma source(%arg16 : memref<80x16xf32, #tpu.memory_space<vmem>>) target(%dma_start3A_51 : memref<10112x16xf32, #tpu.memory_space<vmem_shared>>) offsets(%arg6 : memref<80xi32, #tpu.memory_space<vmem>>) semaphore(%run_scoped3A : memref<!tpu.dma_semaphore, #tpu.memory_space<semaphore_mem>>) {add = true}
      %dma_wait3A_52 = arith.constant 0 : i32
      %dma_wait3A_53 = arith.constant 0 : i32
      %dma_wait3A_54 = tpu.memref_slice %arg17[%dma_wait3A_52, %dma_wait3A_53] : memref<10112x16xf32, #tpu.memory_space<vmem_shared>> -> memref<10112x16xf32, #tpu.memory_space<vmem_shared>>
      tpu.wait_indirect_dma semaphore(%run_scoped3A : memref<!tpu.dma_semaphore, #tpu.memory_space<semaphore_mem>>) src(%arg16 : memref<80x16xf32, #tpu.memory_space<vmem>>) dst(%dma_wait3A_54 : memref<10112x16xf32, #tpu.memory_space<vmem_shared>>)
      tpu.yield
    }) : () -> ()
    "tpu.region"() ({
      %run_scoped3A = tpu.sem_alloc : memref<!tpu.dma_semaphore, #tpu.memory_space<semaphore_mem>>
      %dma_start3A_49 = arith.constant 0 : i32
      %dma_start3A_50 = arith.constant 0 : i32
      %dma_start3A_51 = tpu.memref_slice %arg17[%dma_start3A_49, %dma_start3A_50] : memref<10112x16xf32, #tpu.memory_space<vmem_shared>> -> memref<10112x16xf32, #tpu.memory_space<vmem_shared>>
      tpu.enqueue_indirect_dma source(%arg16 : memref<80x16xf32, #tpu.memory_space<vmem>>) target(%dma_start3A_51 : memref<10112x16xf32, #tpu.memory_space<vmem_shared>>) offsets(%arg7 : memref<80xi32, #tpu.memory_space<vmem>>) semaphore(%run_scoped3A : memref<!tpu.dma_semaphore, #tpu.memory_space<semaphore_mem>>) {add = true}
      %dma_wait3A_52 = arith.constant 0 : i32
      %dma_wait3A_53 = arith.constant 0 : i32
      %dma_wait3A_54 = tpu.memref_slice %arg17[%dma_wait3A_52, %dma_wait3A_53] : memref<10112x16xf32, #tpu.memory_space<vmem_shared>> -> memref<10112x16xf32, #tpu.memory_space<vmem_shared>>
      tpu.wait_indirect_dma semaphore(%run_scoped3A : memref<!tpu.dma_semaphore, #tpu.memory_space<semaphore_mem>>) src(%arg16 : memref<80x16xf32, #tpu.memory_space<vmem>>) dst(%dma_wait3A_54 : memref<10112x16xf32, #tpu.memory_space<vmem_shared>>)
      tpu.yield
    }) : () -> ()
    "tpu.region"() ({
      %run_scoped3A = tpu.sem_alloc : memref<!tpu.dma_semaphore, #tpu.memory_space<semaphore_mem>>
      %dma_start3A_49 = arith.constant 0 : i32
      %dma_start3A_50 = arith.constant 0 : i32
      %dma_start3A_51 = tpu.memref_slice %arg17[%dma_start3A_49, %dma_start3A_50] : memref<10112x16xf32, #tpu.memory_space<vmem_shared>> -> memref<10112x16xf32, #tpu.memory_space<vmem_shared>>
      tpu.enqueue_indirect_dma source(%arg16 : memref<80x16xf32, #tpu.memory_space<vmem>>) target(%dma_start3A_51 : memref<10112x16xf32, #tpu.memory_space<vmem_shared>>) offsets(%arg8 : memref<80xi32, #tpu.memory_space<vmem>>) semaphore(%run_scoped3A : memref<!tpu.dma_semaphore, #tpu.memory_space<semaphore_mem>>) {add = true}
      %dma_wait3A_52 = arith.constant 0 : i32
      %dma_wait3A_53 = arith.constant 0 : i32
      %dma_wait3A_54 = tpu.memref_slice %arg17[%dma_wait3A_52, %dma_wait3A_53] : memref<10112x16xf32, #tpu.memory_space<vmem_shared>> -> memref<10112x16xf32, #tpu.memory_space<vmem_shared>>
      tpu.wait_indirect_dma semaphore(%run_scoped3A : memref<!tpu.dma_semaphore, #tpu.memory_space<semaphore_mem>>) src(%arg16 : memref<80x16xf32, #tpu.memory_space<vmem>>) dst(%dma_wait3A_54 : memref<10112x16xf32, #tpu.memory_space<vmem_shared>>)
      tpu.yield
    }) : () -> ()
    "tpu.region"() ({
      %run_scoped3A = tpu.sem_alloc : memref<!tpu.dma_semaphore, #tpu.memory_space<semaphore_mem>>
      %dma_start3A_49 = arith.constant 0 : i32
      %dma_start3A_50 = arith.constant 0 : i32
      %dma_start3A_51 = tpu.memref_slice %arg17[%dma_start3A_49, %dma_start3A_50] : memref<10112x16xf32, #tpu.memory_space<vmem_shared>> -> memref<10112x16xf32, #tpu.memory_space<vmem_shared>>
      tpu.enqueue_indirect_dma source(%arg16 : memref<80x16xf32, #tpu.memory_space<vmem>>) target(%dma_start3A_51 : memref<10112x16xf32, #tpu.memory_space<vmem_shared>>) offsets(%arg9 : memref<80xi32, #tpu.memory_space<vmem>>) semaphore(%run_scoped3A : memref<!tpu.dma_semaphore, #tpu.memory_space<semaphore_mem>>) {add = true}
      %dma_wait3A_52 = arith.constant 0 : i32
      %dma_wait3A_53 = arith.constant 0 : i32
      %dma_wait3A_54 = tpu.memref_slice %arg17[%dma_wait3A_52, %dma_wait3A_53] : memref<10112x16xf32, #tpu.memory_space<vmem_shared>> -> memref<10112x16xf32, #tpu.memory_space<vmem_shared>>
      tpu.wait_indirect_dma semaphore(%run_scoped3A : memref<!tpu.dma_semaphore, #tpu.memory_space<semaphore_mem>>) src(%arg16 : memref<80x16xf32, #tpu.memory_space<vmem>>) dst(%dma_wait3A_54 : memref<10112x16xf32, #tpu.memory_space<vmem_shared>>)
      tpu.yield
    }) : () -> ()
    "tpu.region"() ({
      %run_scoped3A = tpu.sem_alloc : memref<!tpu.dma_semaphore, #tpu.memory_space<semaphore_mem>>
      %dma_start3A_49 = arith.constant 0 : i32
      %dma_start3A_50 = arith.constant 0 : i32
      %dma_start3A_51 = tpu.memref_slice %arg17[%dma_start3A_49, %dma_start3A_50] : memref<10112x16xf32, #tpu.memory_space<vmem_shared>> -> memref<10112x16xf32, #tpu.memory_space<vmem_shared>>
      tpu.enqueue_indirect_dma source(%arg16 : memref<80x16xf32, #tpu.memory_space<vmem>>) target(%dma_start3A_51 : memref<10112x16xf32, #tpu.memory_space<vmem_shared>>) offsets(%arg10 : memref<80xi32, #tpu.memory_space<vmem>>) semaphore(%run_scoped3A : memref<!tpu.dma_semaphore, #tpu.memory_space<semaphore_mem>>) {add = true}
      %dma_wait3A_52 = arith.constant 0 : i32
      %dma_wait3A_53 = arith.constant 0 : i32
      %dma_wait3A_54 = tpu.memref_slice %arg17[%dma_wait3A_52, %dma_wait3A_53] : memref<10112x16xf32, #tpu.memory_space<vmem_shared>> -> memref<10112x16xf32, #tpu.memory_space<vmem_shared>>
      tpu.wait_indirect_dma semaphore(%run_scoped3A : memref<!tpu.dma_semaphore, #tpu.memory_space<semaphore_mem>>) src(%arg16 : memref<80x16xf32, #tpu.memory_space<vmem>>) dst(%dma_wait3A_54 : memref<10112x16xf32, #tpu.memory_space<vmem_shared>>)
      tpu.yield
    }) : () -> ()
    %barrier3A_48 = arith.constant 0 : index
    tpu.barrier barrier_id(%barrier3A_48)
    "tpu.region"() ({
      %run_scoped3A = tpu.sem_alloc : memref<!tpu.dma_semaphore, #tpu.memory_space<semaphore_mem>>
      %dma_start3A_49 = arith.constant 0 : i32
      %dma_start3A_50 = tpu.memref_slice %arg5[%arg0, %mul3A_2, %dma_start3A_49] : memref<2x10112x16xf32, #tpu.memory_space<hbm>> -> memref<1x632x16xf32, #tpu.memory_space<hbm>>
      %dma_start3A_51 = tpu.memref_squeeze %dma_start3A_50 : memref<1x632x16xf32, #tpu.memory_space<hbm>> -> memref<632x16xf32, #tpu.memory_space<hbm>>
      %dma_start3A_52 = arith.constant 0 : i32
      %dma_start3A_53 = tpu.memref_slice %arg17[%mul3A_2, %dma_start3A_52] : memref<10112x16xf32, #tpu.memory_space<vmem_shared>> -> memref<632x16xf32, #tpu.memory_space<vmem_shared>>
      tpu.enqueue_dma source(%dma_start3A_53 : memref<632x16xf32, #tpu.memory_space<vmem_shared>>) target(%dma_start3A_51 : memref<632x16xf32, #tpu.memory_space<hbm>>) target_semaphore(%run_scoped3A : memref<!tpu.dma_semaphore, #tpu.memory_space<semaphore_mem>>)
      %dma_wait3A_54 = arith.constant 0 : i32
      %dma_wait3A_55 = tpu.memref_slice %arg5[%arg0, %mul3A_2, %dma_wait3A_54] : memref<2x10112x16xf32, #tpu.memory_space<hbm>> -> memref<1x632x16xf32, #tpu.memory_space<hbm>>
      %dma_wait3A_56 = tpu.memref_squeeze %dma_wait3A_55 : memref<1x632x16xf32, #tpu.memory_space<hbm>> -> memref<632x16xf32, #tpu.memory_space<hbm>>
      %dma_wait3A_57 = arith.constant 0 : i32
      %dma_wait3A_58 = tpu.memref_slice %arg17[%mul3A_2, %dma_wait3A_57] : memref<10112x16xf32, #tpu.memory_space<vmem_shared>> -> memref<632x16xf32, #tpu.memory_space<vmem_shared>>
      tpu.wait_dma2 semaphore(%run_scoped3A : memref<!tpu.dma_semaphore, #tpu.memory_space<semaphore_mem>>) src(%dma_wait3A_58 : memref<632x16xf32, #tpu.memory_space<vmem_shared>>) dst(%dma_wait3A_56 : memref<632x16xf32, #tpu.memory_space<hbm>>)
      tpu.yield
    }) : () -> ()
    return
  }
}

#map = affine_map<(d0, d1) -> (0)>
#map1 = affine_map<(d0, d1) -> (0, 0)>
#map2 = affine_map<(d0, d1) -> (0, 0, 0)>
module attributes {stable_mosaic.version = 14 : i64} {
  func.func @scat_kernel(%arg0: i32, %arg1: i32, %arg2: memref<320000xi32, #tpu.memory_space<hbm>>, %arg3: memref<320000xi32, #tpu.memory_space<hbm>>, %arg4: memref<10000x64xf32, #tpu.memory_space<hbm>>, %arg5: memref<10112x64xf32, #tpu.memory_space<hbm>>, %arg6: memref<2x10112x64xf32, #tpu.memory_space<hbm>>, %arg7: memref<80xi32, #tpu.memory_space<vmem>>, %arg8: memref<80xi32, #tpu.memory_space<vmem>>, %arg9: memref<80xi32, #tpu.memory_space<vmem>>, %arg10: memref<80xi32, #tpu.memory_space<vmem>>, %arg11: memref<80xi32, #tpu.memory_space<vmem>>, %arg12: memref<80xi32, #tpu.memory_space<vmem>>, %arg13: memref<80xi32, #tpu.memory_space<vmem>>, %arg14: memref<80xi32, #tpu.memory_space<vmem>>, %arg15: memref<80xi32, #tpu.memory_space<vmem>>, %arg16: memref<80xi32, #tpu.memory_space<vmem>>, %arg17: memref<80xi32, #tpu.memory_space<vmem>>, %arg18: memref<80xi32, #tpu.memory_space<vmem>>, %arg19: memref<80xi32, #tpu.memory_space<vmem>>, %arg20: memref<80xi32, #tpu.memory_space<vmem>>, %arg21: memref<80xi32, #tpu.memory_space<vmem>>, %arg22: memref<80xi32, #tpu.memory_space<vmem>>, %arg23: memref<80xi32, #tpu.memory_space<vmem>>, %arg24: memref<80xi32, #tpu.memory_space<vmem>>, %arg25: memref<80xi32, #tpu.memory_space<vmem>>, %arg26: memref<80xi32, #tpu.memory_space<vmem>>, %arg27: memref<80x64xf32, #tpu.memory_space<vmem>>, %arg28: memref<80x64xf32, #tpu.memory_space<vmem>>, %arg29: memref<80x64xf32, #tpu.memory_space<vmem>>, %arg30: memref<80x64xf32, #tpu.memory_space<vmem>>, %arg31: memref<80x64xf32, #tpu.memory_space<vmem>>, %arg32: memref<80x64xf32, #tpu.memory_space<vmem>>, %arg33: memref<80x64xf32, #tpu.memory_space<vmem>>, %arg34: memref<80x64xf32, #tpu.memory_space<vmem>>, %arg35: memref<80x64xf32, #tpu.memory_space<vmem>>, %arg36: memref<80x64xf32, #tpu.memory_space<vmem>>, %arg37: memref<10112x64xf32, #tpu.memory_space<vmem_shared>>, %arg38: memref<!tpu.dma_semaphore, #tpu.memory_space<semaphore_mem>>, %arg39: memref<!tpu.dma_semaphore, #tpu.memory_space<semaphore_mem>>, %arg40: memref<!tpu.dma_semaphore, #tpu.memory_space<semaphore_mem>>, %arg41: memref<!tpu.dma_semaphore, #tpu.memory_space<semaphore_mem>>) attributes {dimension_semantics = [#tpu.dimension_semantics<core_parallel>, #tpu.dimension_semantics<subcore_parallel>], iteration_bounds = array<i64: 2, 16>, scalar_prefetch = 0 : i64, scratch_operands = 35 : i64, tpu.core_type = #tpu.core_type<sc_vector_subcore>, window_params = [{transform_indices = #map}, {transform_indices = #map}, {transform_indices = #map1}, {transform_indices = #map1}, {transform_indices = #map2}]} {
    %mul3A = arith.constant 16 : i32
    %mul3A_0 = arith.muli %arg0, %mul3A : i32
    %add3A = arith.addi %mul3A_0, %arg1 : i32
    %mul3A_1 = arith.constant 632 : i32
    %mul3A_2 = arith.muli %arg1, %mul3A_1 : i32
    %mul3A_3 = arith.constant 10000 : i32
    %mul3A_4 = arith.muli %add3A, %mul3A_3 : i32
    "tpu.region"() ({
      %run_scoped3A = tpu.sem_alloc : memref<!tpu.dma_semaphore, #tpu.memory_space<semaphore_mem>>
      %dma_start3A_309 = arith.constant 0 : i32
      %dma_start3A_310 = tpu.memref_slice %arg37[%mul3A_2, %dma_start3A_309] : memref<10112x64xf32, #tpu.memory_space<vmem_shared>> -> memref<632x64xf32, #tpu.memory_space<vmem_shared>>
      %dma_start3A_311 = arith.constant 0 : i32
      %dma_start3A_312 = tpu.memref_slice %arg5[%mul3A_2, %dma_start3A_311] : memref<10112x64xf32, #tpu.memory_space<hbm>> -> memref<632x64xf32, #tpu.memory_space<hbm>>
      tpu.enqueue_dma source(%dma_start3A_312 : memref<632x64xf32, #tpu.memory_space<hbm>>) target(%dma_start3A_310 : memref<632x64xf32, #tpu.memory_space<vmem_shared>>) target_semaphore(%run_scoped3A : memref<!tpu.dma_semaphore, #tpu.memory_space<semaphore_mem>>)
      %dma_wait3A_313 = arith.constant 0 : i32
      %dma_wait3A_314 = tpu.memref_slice %arg37[%mul3A_2, %dma_wait3A_313] : memref<10112x64xf32, #tpu.memory_space<vmem_shared>> -> memref<632x64xf32, #tpu.memory_space<vmem_shared>>
      %dma_wait3A_315 = arith.constant 0 : i32
      %dma_wait3A_316 = tpu.memref_slice %arg5[%mul3A_2, %dma_wait3A_315] : memref<10112x64xf32, #tpu.memory_space<hbm>> -> memref<632x64xf32, #tpu.memory_space<hbm>>
      tpu.wait_dma2 semaphore(%run_scoped3A : memref<!tpu.dma_semaphore, #tpu.memory_space<semaphore_mem>>) src(%dma_wait3A_316 : memref<632x64xf32, #tpu.memory_space<hbm>>) dst(%dma_wait3A_314 : memref<632x64xf32, #tpu.memory_space<vmem_shared>>)
      tpu.yield
    }) : () -> ()
    %barrier3A = arith.constant 0 : index
    tpu.barrier barrier_id(%barrier3A)
    %add3A_5 = arith.constant 0 : i32
    %add3A_6 = arith.addi %mul3A_4, %add3A_5 : i32
    %dma_start3A = tpu.memref_slice %arg2[%add3A_6] : memref<320000xi32, #tpu.memory_space<hbm>> -> memref<80xi32, #tpu.memory_space<hbm>>
    %dma_start3A_7 = tpu.memref_slice %arg2[%add3A_6] : memref<320000xi32, #tpu.memory_space<hbm>> -> memref<80xi32, #tpu.memory_space<hbm>>
    tpu.enqueue_dma source(%dma_start3A_7 : memref<80xi32, #tpu.memory_space<hbm>>) target(%arg7 : memref<80xi32, #tpu.memory_space<vmem>>) target_semaphore(%arg38 : memref<!tpu.dma_semaphore, #tpu.memory_space<semaphore_mem>>)
    %dma_start3A_8 = tpu.memref_slice %arg3[%add3A_6] : memref<320000xi32, #tpu.memory_space<hbm>> -> memref<80xi32, #tpu.memory_space<hbm>>
    %dma_start3A_9 = tpu.memref_slice %arg3[%add3A_6] : memref<320000xi32, #tpu.memory_space<hbm>> -> memref<80xi32, #tpu.memory_space<hbm>>
    tpu.enqueue_dma source(%dma_start3A_9 : memref<80xi32, #tpu.memory_space<hbm>>) target(%arg17 : memref<80xi32, #tpu.memory_space<vmem>>) target_semaphore(%arg38 : memref<!tpu.dma_semaphore, #tpu.memory_space<semaphore_mem>>)
    %add3A_10 = arith.constant 80 : i32
    %add3A_11 = arith.addi %mul3A_4, %add3A_10 : i32
    %dma_start3A_12 = tpu.memref_slice %arg2[%add3A_11] : memref<320000xi32, #tpu.memory_space<hbm>> -> memref<80xi32, #tpu.memory_space<hbm>>
    %dma_start3A_13 = tpu.memref_slice %arg2[%add3A_11] : memref<320000xi32, #tpu.memory_space<hbm>> -> memref<80xi32, #tpu.memory_space<hbm>>
    tpu.enqueue_dma source(%dma_start3A_13 : memref<80xi32, #tpu.memory_space<hbm>>) target(%arg8 : memref<80xi32, #tpu.memory_space<vmem>>) target_semaphore(%arg38 : memref<!tpu.dma_semaphore, #tpu.memory_space<semaphore_mem>>)
    %dma_start3A_14 = tpu.memref_slice %arg3[%add3A_11] : memref<320000xi32, #tpu.memory_space<hbm>> -> memref<80xi32, #tpu.memory_space<hbm>>
    %dma_start3A_15 = tpu.memref_slice %arg3[%add3A_11] : memref<320000xi32, #tpu.memory_space<hbm>> -> memref<80xi32, #tpu.memory_space<hbm>>
    tpu.enqueue_dma source(%dma_start3A_15 : memref<80xi32, #tpu.memory_space<hbm>>) target(%arg18 : memref<80xi32, #tpu.memory_space<vmem>>) target_semaphore(%arg38 : memref<!tpu.dma_semaphore, #tpu.memory_space<semaphore_mem>>)
    %add3A_16 = arith.constant 160 : i32
    %add3A_17 = arith.addi %mul3A_4, %add3A_16 : i32
    %dma_start3A_18 = tpu.memref_slice %arg2[%add3A_17] : memref<320000xi32, #tpu.memory_space<hbm>> -> memref<80xi32, #tpu.memory_space<hbm>>
    %dma_start3A_19 = tpu.memref_slice %arg2[%add3A_17] : memref<320000xi32, #tpu.memory_space<hbm>> -> memref<80xi32, #tpu.memory_space<hbm>>
    tpu.enqueue_dma source(%dma_start3A_19 : memref<80xi32, #tpu.memory_space<hbm>>) target(%arg9 : memref<80xi32, #tpu.memory_space<vmem>>) target_semaphore(%arg38 : memref<!tpu.dma_semaphore, #tpu.memory_space<semaphore_mem>>)
    %dma_start3A_20 = tpu.memref_slice %arg3[%add3A_17] : memref<320000xi32, #tpu.memory_space<hbm>> -> memref<80xi32, #tpu.memory_space<hbm>>
    %dma_start3A_21 = tpu.memref_slice %arg3[%add3A_17] : memref<320000xi32, #tpu.memory_space<hbm>> -> memref<80xi32, #tpu.memory_space<hbm>>
    tpu.enqueue_dma source(%dma_start3A_21 : memref<80xi32, #tpu.memory_space<hbm>>) target(%arg19 : memref<80xi32, #tpu.memory_space<vmem>>) target_semaphore(%arg38 : memref<!tpu.dma_semaphore, #tpu.memory_space<semaphore_mem>>)
    %add3A_22 = arith.constant 240 : i32
    %add3A_23 = arith.addi %mul3A_4, %add3A_22 : i32
    %dma_start3A_24 = tpu.memref_slice %arg2[%add3A_23] : memref<320000xi32, #tpu.memory_space<hbm>> -> memref<80xi32, #tpu.memory_space<hbm>>
    %dma_start3A_25 = tpu.memref_slice %arg2[%add3A_23] : memref<320000xi32, #tpu.memory_space<hbm>> -> memref<80xi32, #tpu.memory_space<hbm>>
    tpu.enqueue_dma source(%dma_start3A_25 : memref<80xi32, #tpu.memory_space<hbm>>) target(%arg10 : memref<80xi32, #tpu.memory_space<vmem>>) target_semaphore(%arg38 : memref<!tpu.dma_semaphore, #tpu.memory_space<semaphore_mem>>)
    %dma_start3A_26 = tpu.memref_slice %arg3[%add3A_23] : memref<320000xi32, #tpu.memory_space<hbm>> -> memref<80xi32, #tpu.memory_space<hbm>>
    %dma_start3A_27 = tpu.memref_slice %arg3[%add3A_23] : memref<320000xi32, #tpu.memory_space<hbm>> -> memref<80xi32, #tpu.memory_space<hbm>>
    tpu.enqueue_dma source(%dma_start3A_27 : memref<80xi32, #tpu.memory_space<hbm>>) target(%arg20 : memref<80xi32, #tpu.memory_space<vmem>>) target_semaphore(%arg38 : memref<!tpu.dma_semaphore, #tpu.memory_space<semaphore_mem>>)
    %add3A_28 = arith.constant 320 : i32
    %add3A_29 = arith.addi %mul3A_4, %add3A_28 : i32
    %dma_start3A_30 = tpu.memref_slice %arg2[%add3A_29] : memref<320000xi32, #tpu.memory_space<hbm>> -> memref<80xi32, #tpu.memory_space<hbm>>
    %dma_start3A_31 = tpu.memref_slice %arg2[%add3A_29] : memref<320000xi32, #tpu.memory_space<hbm>> -> memref<80xi32, #tpu.memory_space<hbm>>
    tpu.enqueue_dma source(%dma_start3A_31 : memref<80xi32, #tpu.memory_space<hbm>>) target(%arg11 : memref<80xi32, #tpu.memory_space<vmem>>) target_semaphore(%arg38 : memref<!tpu.dma_semaphore, #tpu.memory_space<semaphore_mem>>)
    %dma_start3A_32 = tpu.memref_slice %arg3[%add3A_29] : memref<320000xi32, #tpu.memory_space<hbm>> -> memref<80xi32, #tpu.memory_space<hbm>>
    %dma_start3A_33 = tpu.memref_slice %arg3[%add3A_29] : memref<320000xi32, #tpu.memory_space<hbm>> -> memref<80xi32, #tpu.memory_space<hbm>>
    tpu.enqueue_dma source(%dma_start3A_33 : memref<80xi32, #tpu.memory_space<hbm>>) target(%arg21 : memref<80xi32, #tpu.memory_space<vmem>>) target_semaphore(%arg38 : memref<!tpu.dma_semaphore, #tpu.memory_space<semaphore_mem>>)
    %add3A_34 = arith.constant 400 : i32
    %add3A_35 = arith.addi %mul3A_4, %add3A_34 : i32
    %dma_start3A_36 = tpu.memref_slice %arg2[%add3A_35] : memref<320000xi32, #tpu.memory_space<hbm>> -> memref<80xi32, #tpu.memory_space<hbm>>
    %dma_start3A_37 = tpu.memref_slice %arg2[%add3A_35] : memref<320000xi32, #tpu.memory_space<hbm>> -> memref<80xi32, #tpu.memory_space<hbm>>
    tpu.enqueue_dma source(%dma_start3A_37 : memref<80xi32, #tpu.memory_space<hbm>>) target(%arg12 : memref<80xi32, #tpu.memory_space<vmem>>) target_semaphore(%arg39 : memref<!tpu.dma_semaphore, #tpu.memory_space<semaphore_mem>>)
    %dma_start3A_38 = tpu.memref_slice %arg3[%add3A_35] : memref<320000xi32, #tpu.memory_space<hbm>> -> memref<80xi32, #tpu.memory_space<hbm>>
    %dma_start3A_39 = tpu.memref_slice %arg3[%add3A_35] : memref<320000xi32, #tpu.memory_space<hbm>> -> memref<80xi32, #tpu.memory_space<hbm>>
    tpu.enqueue_dma source(%dma_start3A_39 : memref<80xi32, #tpu.memory_space<hbm>>) target(%arg22 : memref<80xi32, #tpu.memory_space<vmem>>) target_semaphore(%arg39 : memref<!tpu.dma_semaphore, #tpu.memory_space<semaphore_mem>>)
    %add3A_40 = arith.constant 480 : i32
    %add3A_41 = arith.addi %mul3A_4, %add3A_40 : i32
    %dma_start3A_42 = tpu.memref_slice %arg2[%add3A_41] : memref<320000xi32, #tpu.memory_space<hbm>> -> memref<80xi32, #tpu.memory_space<hbm>>
    %dma_start3A_43 = tpu.memref_slice %arg2[%add3A_41] : memref<320000xi32, #tpu.memory_space<hbm>> -> memref<80xi32, #tpu.memory_space<hbm>>
    tpu.enqueue_dma source(%dma_start3A_43 : memref<80xi32, #tpu.memory_space<hbm>>) target(%arg13 : memref<80xi32, #tpu.memory_space<vmem>>) target_semaphore(%arg39 : memref<!tpu.dma_semaphore, #tpu.memory_space<semaphore_mem>>)
    %dma_start3A_44 = tpu.memref_slice %arg3[%add3A_41] : memref<320000xi32, #tpu.memory_space<hbm>> -> memref<80xi32, #tpu.memory_space<hbm>>
    %dma_start3A_45 = tpu.memref_slice %arg3[%add3A_41] : memref<320000xi32, #tpu.memory_space<hbm>> -> memref<80xi32, #tpu.memory_space<hbm>>
    tpu.enqueue_dma source(%dma_start3A_45 : memref<80xi32, #tpu.memory_space<hbm>>) target(%arg23 : memref<80xi32, #tpu.memory_space<vmem>>) target_semaphore(%arg39 : memref<!tpu.dma_semaphore, #tpu.memory_space<semaphore_mem>>)
    %add3A_46 = arith.constant 560 : i32
    %add3A_47 = arith.addi %mul3A_4, %add3A_46 : i32
    %dma_start3A_48 = tpu.memref_slice %arg2[%add3A_47] : memref<320000xi32, #tpu.memory_space<hbm>> -> memref<80xi32, #tpu.memory_space<hbm>>
    %dma_start3A_49 = tpu.memref_slice %arg2[%add3A_47] : memref<320000xi32, #tpu.memory_space<hbm>> -> memref<80xi32, #tpu.memory_space<hbm>>
    tpu.enqueue_dma source(%dma_start3A_49 : memref<80xi32, #tpu.memory_space<hbm>>) target(%arg14 : memref<80xi32, #tpu.memory_space<vmem>>) target_semaphore(%arg39 : memref<!tpu.dma_semaphore, #tpu.memory_space<semaphore_mem>>)
    %dma_start3A_50 = tpu.memref_slice %arg3[%add3A_47] : memref<320000xi32, #tpu.memory_space<hbm>> -> memref<80xi32, #tpu.memory_space<hbm>>
    %dma_start3A_51 = tpu.memref_slice %arg3[%add3A_47] : memref<320000xi32, #tpu.memory_space<hbm>> -> memref<80xi32, #tpu.memory_space<hbm>>
    tpu.enqueue_dma source(%dma_start3A_51 : memref<80xi32, #tpu.memory_space<hbm>>) target(%arg24 : memref<80xi32, #tpu.memory_space<vmem>>) target_semaphore(%arg39 : memref<!tpu.dma_semaphore, #tpu.memory_space<semaphore_mem>>)
    %add3A_52 = arith.constant 640 : i32
    %add3A_53 = arith.addi %mul3A_4, %add3A_52 : i32
    %dma_start3A_54 = tpu.memref_slice %arg2[%add3A_53] : memref<320000xi32, #tpu.memory_space<hbm>> -> memref<80xi32, #tpu.memory_space<hbm>>
    %dma_start3A_55 = tpu.memref_slice %arg2[%add3A_53] : memref<320000xi32, #tpu.memory_space<hbm>> -> memref<80xi32, #tpu.memory_space<hbm>>
    tpu.enqueue_dma source(%dma_start3A_55 : memref<80xi32, #tpu.memory_space<hbm>>) target(%arg15 : memref<80xi32, #tpu.memory_space<vmem>>) target_semaphore(%arg39 : memref<!tpu.dma_semaphore, #tpu.memory_space<semaphore_mem>>)
    %dma_start3A_56 = tpu.memref_slice %arg3[%add3A_53] : memref<320000xi32, #tpu.memory_space<hbm>> -> memref<80xi32, #tpu.memory_space<hbm>>
    %dma_start3A_57 = tpu.memref_slice %arg3[%add3A_53] : memref<320000xi32, #tpu.memory_space<hbm>> -> memref<80xi32, #tpu.memory_space<hbm>>
    tpu.enqueue_dma source(%dma_start3A_57 : memref<80xi32, #tpu.memory_space<hbm>>) target(%arg25 : memref<80xi32, #tpu.memory_space<vmem>>) target_semaphore(%arg39 : memref<!tpu.dma_semaphore, #tpu.memory_space<semaphore_mem>>)
    %add3A_58 = arith.constant 720 : i32
    %add3A_59 = arith.addi %mul3A_4, %add3A_58 : i32
    %dma_start3A_60 = tpu.memref_slice %arg2[%add3A_59] : memref<320000xi32, #tpu.memory_space<hbm>> -> memref<80xi32, #tpu.memory_space<hbm>>
    %dma_start3A_61 = tpu.memref_slice %arg2[%add3A_59] : memref<320000xi32, #tpu.memory_space<hbm>> -> memref<80xi32, #tpu.memory_space<hbm>>
    tpu.enqueue_dma source(%dma_start3A_61 : memref<80xi32, #tpu.memory_space<hbm>>) target(%arg16 : memref<80xi32, #tpu.memory_space<vmem>>) target_semaphore(%arg39 : memref<!tpu.dma_semaphore, #tpu.memory_space<semaphore_mem>>)
    %dma_start3A_62 = tpu.memref_slice %arg3[%add3A_59] : memref<320000xi32, #tpu.memory_space<hbm>> -> memref<80xi32, #tpu.memory_space<hbm>>
    %dma_start3A_63 = tpu.memref_slice %arg3[%add3A_59] : memref<320000xi32, #tpu.memory_space<hbm>> -> memref<80xi32, #tpu.memory_space<hbm>>
    tpu.enqueue_dma source(%dma_start3A_63 : memref<80xi32, #tpu.memory_space<hbm>>) target(%arg26 : memref<80xi32, #tpu.memory_space<vmem>>) target_semaphore(%arg39 : memref<!tpu.dma_semaphore, #tpu.memory_space<semaphore_mem>>)
    %dma_wait3A = arith.constant 0 : i32
    %dma_wait3A_64 = tpu.memref_slice %arg2[%dma_wait3A] : memref<320000xi32, #tpu.memory_space<hbm>> -> memref<80xi32, #tpu.memory_space<hbm>>
    %dma_wait3A_65 = arith.constant 0 : i32
    %dma_wait3A_66 = tpu.memref_slice %arg2[%dma_wait3A_65] : memref<320000xi32, #tpu.memory_space<hbm>> -> memref<80xi32, #tpu.memory_space<hbm>>
    tpu.wait_dma2 semaphore(%arg38 : memref<!tpu.dma_semaphore, #tpu.memory_space<semaphore_mem>>) src(%dma_wait3A_66 : memref<80xi32, #tpu.memory_space<hbm>>) dst(%arg7 : memref<80xi32, #tpu.memory_space<vmem>>)
    %dma_wait3A_67 = arith.constant 0 : i32
    %dma_wait3A_68 = tpu.memref_slice %arg3[%dma_wait3A_67] : memref<320000xi32, #tpu.memory_space<hbm>> -> memref<80xi32, #tpu.memory_space<hbm>>
    %dma_wait3A_69 = arith.constant 0 : i32
    %dma_wait3A_70 = tpu.memref_slice %arg3[%dma_wait3A_69] : memref<320000xi32, #tpu.memory_space<hbm>> -> memref<80xi32, #tpu.memory_space<hbm>>
    tpu.wait_dma2 semaphore(%arg38 : memref<!tpu.dma_semaphore, #tpu.memory_space<semaphore_mem>>) src(%dma_wait3A_70 : memref<80xi32, #tpu.memory_space<hbm>>) dst(%arg17 : memref<80xi32, #tpu.memory_space<vmem>>)
    %dma_wait3A_71 = arith.constant 0 : i32
    %dma_wait3A_72 = tpu.memref_slice %arg2[%dma_wait3A_71] : memref<320000xi32, #tpu.memory_space<hbm>> -> memref<80xi32, #tpu.memory_space<hbm>>
    %dma_wait3A_73 = arith.constant 0 : i32
    %dma_wait3A_74 = tpu.memref_slice %arg2[%dma_wait3A_73] : memref<320000xi32, #tpu.memory_space<hbm>> -> memref<80xi32, #tpu.memory_space<hbm>>
    tpu.wait_dma2 semaphore(%arg38 : memref<!tpu.dma_semaphore, #tpu.memory_space<semaphore_mem>>) src(%dma_wait3A_74 : memref<80xi32, #tpu.memory_space<hbm>>) dst(%arg8 : memref<80xi32, #tpu.memory_space<vmem>>)
    %dma_wait3A_75 = arith.constant 0 : i32
    %dma_wait3A_76 = tpu.memref_slice %arg3[%dma_wait3A_75] : memref<320000xi32, #tpu.memory_space<hbm>> -> memref<80xi32, #tpu.memory_space<hbm>>
    %dma_wait3A_77 = arith.constant 0 : i32
    %dma_wait3A_78 = tpu.memref_slice %arg3[%dma_wait3A_77] : memref<320000xi32, #tpu.memory_space<hbm>> -> memref<80xi32, #tpu.memory_space<hbm>>
    tpu.wait_dma2 semaphore(%arg38 : memref<!tpu.dma_semaphore, #tpu.memory_space<semaphore_mem>>) src(%dma_wait3A_78 : memref<80xi32, #tpu.memory_space<hbm>>) dst(%arg18 : memref<80xi32, #tpu.memory_space<vmem>>)
    %dma_wait3A_79 = arith.constant 0 : i32
    %dma_wait3A_80 = tpu.memref_slice %arg2[%dma_wait3A_79] : memref<320000xi32, #tpu.memory_space<hbm>> -> memref<80xi32, #tpu.memory_space<hbm>>
    %dma_wait3A_81 = arith.constant 0 : i32
    %dma_wait3A_82 = tpu.memref_slice %arg2[%dma_wait3A_81] : memref<320000xi32, #tpu.memory_space<hbm>> -> memref<80xi32, #tpu.memory_space<hbm>>
    tpu.wait_dma2 semaphore(%arg38 : memref<!tpu.dma_semaphore, #tpu.memory_space<semaphore_mem>>) src(%dma_wait3A_82 : memref<80xi32, #tpu.memory_space<hbm>>) dst(%arg9 : memref<80xi32, #tpu.memory_space<vmem>>)
    %dma_wait3A_83 = arith.constant 0 : i32
    %dma_wait3A_84 = tpu.memref_slice %arg3[%dma_wait3A_83] : memref<320000xi32, #tpu.memory_space<hbm>> -> memref<80xi32, #tpu.memory_space<hbm>>
    %dma_wait3A_85 = arith.constant 0 : i32
    %dma_wait3A_86 = tpu.memref_slice %arg3[%dma_wait3A_85] : memref<320000xi32, #tpu.memory_space<hbm>> -> memref<80xi32, #tpu.memory_space<hbm>>
    tpu.wait_dma2 semaphore(%arg38 : memref<!tpu.dma_semaphore, #tpu.memory_space<semaphore_mem>>) src(%dma_wait3A_86 : memref<80xi32, #tpu.memory_space<hbm>>) dst(%arg19 : memref<80xi32, #tpu.memory_space<vmem>>)
    %dma_wait3A_87 = arith.constant 0 : i32
    %dma_wait3A_88 = tpu.memref_slice %arg2[%dma_wait3A_87] : memref<320000xi32, #tpu.memory_space<hbm>> -> memref<80xi32, #tpu.memory_space<hbm>>
    %dma_wait3A_89 = arith.constant 0 : i32
    %dma_wait3A_90 = tpu.memref_slice %arg2[%dma_wait3A_89] : memref<320000xi32, #tpu.memory_space<hbm>> -> memref<80xi32, #tpu.memory_space<hbm>>
    tpu.wait_dma2 semaphore(%arg38 : memref<!tpu.dma_semaphore, #tpu.memory_space<semaphore_mem>>) src(%dma_wait3A_90 : memref<80xi32, #tpu.memory_space<hbm>>) dst(%arg10 : memref<80xi32, #tpu.memory_space<vmem>>)
    %dma_wait3A_91 = arith.constant 0 : i32
    %dma_wait3A_92 = tpu.memref_slice %arg3[%dma_wait3A_91] : memref<320000xi32, #tpu.memory_space<hbm>> -> memref<80xi32, #tpu.memory_space<hbm>>
    %dma_wait3A_93 = arith.constant 0 : i32
    %dma_wait3A_94 = tpu.memref_slice %arg3[%dma_wait3A_93] : memref<320000xi32, #tpu.memory_space<hbm>> -> memref<80xi32, #tpu.memory_space<hbm>>
    tpu.wait_dma2 semaphore(%arg38 : memref<!tpu.dma_semaphore, #tpu.memory_space<semaphore_mem>>) src(%dma_wait3A_94 : memref<80xi32, #tpu.memory_space<hbm>>) dst(%arg20 : memref<80xi32, #tpu.memory_space<vmem>>)
    %dma_wait3A_95 = arith.constant 0 : i32
    %dma_wait3A_96 = tpu.memref_slice %arg2[%dma_wait3A_95] : memref<320000xi32, #tpu.memory_space<hbm>> -> memref<80xi32, #tpu.memory_space<hbm>>
    %dma_wait3A_97 = arith.constant 0 : i32
    %dma_wait3A_98 = tpu.memref_slice %arg2[%dma_wait3A_97] : memref<320000xi32, #tpu.memory_space<hbm>> -> memref<80xi32, #tpu.memory_space<hbm>>
    tpu.wait_dma2 semaphore(%arg38 : memref<!tpu.dma_semaphore, #tpu.memory_space<semaphore_mem>>) src(%dma_wait3A_98 : memref<80xi32, #tpu.memory_space<hbm>>) dst(%arg11 : memref<80xi32, #tpu.memory_space<vmem>>)
    %dma_wait3A_99 = arith.constant 0 : i32
    %dma_wait3A_100 = tpu.memref_slice %arg3[%dma_wait3A_99] : memref<320000xi32, #tpu.memory_space<hbm>> -> memref<80xi32, #tpu.memory_space<hbm>>
    %dma_wait3A_101 = arith.constant 0 : i32
    %dma_wait3A_102 = tpu.memref_slice %arg3[%dma_wait3A_101] : memref<320000xi32, #tpu.memory_space<hbm>> -> memref<80xi32, #tpu.memory_space<hbm>>
    tpu.wait_dma2 semaphore(%arg38 : memref<!tpu.dma_semaphore, #tpu.memory_space<semaphore_mem>>) src(%dma_wait3A_102 : memref<80xi32, #tpu.memory_space<hbm>>) dst(%arg21 : memref<80xi32, #tpu.memory_space<vmem>>)
    %dma_start3A_103 = arith.constant 0 : i32
    %dma_start3A_104 = arith.constant 0 : i32
    %dma_start3A_105 = tpu.memref_slice %arg4[%dma_start3A_103, %dma_start3A_104] : memref<10000x64xf32, #tpu.memory_space<hbm>> -> memref<10000x64xf32, #tpu.memory_space<hbm>>
    tpu.enqueue_indirect_dma source(%dma_start3A_105 : memref<10000x64xf32, #tpu.memory_space<hbm>>) target(%arg27 : memref<80x64xf32, #tpu.memory_space<vmem>>) offsets(%arg7 : memref<80xi32, #tpu.memory_space<vmem>>) semaphore(%arg40 : memref<!tpu.dma_semaphore, #tpu.memory_space<semaphore_mem>>)
    %dma_start3A_106 = arith.constant 0 : i32
    %dma_start3A_107 = arith.constant 0 : i32
    %dma_start3A_108 = tpu.memref_slice %arg4[%dma_start3A_106, %dma_start3A_107] : memref<10000x64xf32, #tpu.memory_space<hbm>> -> memref<10000x64xf32, #tpu.memory_space<hbm>>
    tpu.enqueue_indirect_dma source(%dma_start3A_108 : memref<10000x64xf32, #tpu.memory_space<hbm>>) target(%arg28 : memref<80x64xf32, #tpu.memory_space<vmem>>) offsets(%arg8 : memref<80xi32, #tpu.memory_space<vmem>>) semaphore(%arg40 : memref<!tpu.dma_semaphore, #tpu.memory_space<semaphore_mem>>)
    %dma_start3A_109 = arith.constant 0 : i32
    %dma_start3A_110 = arith.constant 0 : i32
    %dma_start3A_111 = tpu.memref_slice %arg4[%dma_start3A_109, %dma_start3A_110] : memref<10000x64xf32, #tpu.memory_space<hbm>> -> memref<10000x64xf32, #tpu.memory_space<hbm>>
    tpu.enqueue_indirect_dma source(%dma_start3A_111 : memref<10000x64xf32, #tpu.memory_space<hbm>>) target(%arg29 : memref<80x64xf32, #tpu.memory_space<vmem>>) offsets(%arg9 : memref<80xi32, #tpu.memory_space<vmem>>) semaphore(%arg40 : memref<!tpu.dma_semaphore, #tpu.memory_space<semaphore_mem>>)
    %dma_start3A_112 = arith.constant 0 : i32
    %dma_start3A_113 = arith.constant 0 : i32
    %dma_start3A_114 = tpu.memref_slice %arg4[%dma_start3A_112, %dma_start3A_113] : memref<10000x64xf32, #tpu.memory_space<hbm>> -> memref<10000x64xf32, #tpu.memory_space<hbm>>
    tpu.enqueue_indirect_dma source(%dma_start3A_114 : memref<10000x64xf32, #tpu.memory_space<hbm>>) target(%arg30 : memref<80x64xf32, #tpu.memory_space<vmem>>) offsets(%arg10 : memref<80xi32, #tpu.memory_space<vmem>>) semaphore(%arg40 : memref<!tpu.dma_semaphore, #tpu.memory_space<semaphore_mem>>)
    %dma_start3A_115 = arith.constant 0 : i32
    %dma_start3A_116 = arith.constant 0 : i32
    %dma_start3A_117 = tpu.memref_slice %arg4[%dma_start3A_115, %dma_start3A_116] : memref<10000x64xf32, #tpu.memory_space<hbm>> -> memref<10000x64xf32, #tpu.memory_space<hbm>>
    tpu.enqueue_indirect_dma source(%dma_start3A_117 : memref<10000x64xf32, #tpu.memory_space<hbm>>) target(%arg31 : memref<80x64xf32, #tpu.memory_space<vmem>>) offsets(%arg11 : memref<80xi32, #tpu.memory_space<vmem>>) semaphore(%arg40 : memref<!tpu.dma_semaphore, #tpu.memory_space<semaphore_mem>>)
    %scan3A = arith.constant 0 : i32
    %scan3A_118 = arith.constant 0 : i32
    %scan3A_119 = arith.constant 11 : i32
    %scan3A_120 = arith.addi %scan3A_118, %scan3A_119 : i32
    %scan3A_121 = arith.constant 1 : i32
    scf.for %scan3A_309 = %scan3A_118 to %scan3A_120 step %scan3A_121  : i32 {
      %mul3A_310 = arith.constant 2 : i32
      %mul3A_311 = arith.muli %mul3A_310, %scan3A_309 : i32
      %dma_wait3A_312 = arith.constant 0 : i32
      %dma_wait3A_313 = tpu.memref_slice %arg2[%dma_wait3A_312] : memref<320000xi32, #tpu.memory_space<hbm>> -> memref<80xi32, #tpu.memory_space<hbm>>
      %dma_wait3A_314 = arith.constant 0 : i32
      %dma_wait3A_315 = tpu.memref_slice %arg2[%dma_wait3A_314] : memref<320000xi32, #tpu.memory_space<hbm>> -> memref<80xi32, #tpu.memory_space<hbm>>
      tpu.wait_dma2 semaphore(%arg39 : memref<!tpu.dma_semaphore, #tpu.memory_space<semaphore_mem>>) src(%dma_wait3A_315 : memref<80xi32, #tpu.memory_space<hbm>>) dst(%arg12 : memref<80xi32, #tpu.memory_space<vmem>>)
      %dma_wait3A_316 = arith.constant 0 : i32
      %dma_wait3A_317 = tpu.memref_slice %arg3[%dma_wait3A_316] : memref<320000xi32, #tpu.memory_space<hbm>> -> memref<80xi32, #tpu.memory_space<hbm>>
      %dma_wait3A_318 = arith.constant 0 : i32
      %dma_wait3A_319 = tpu.memref_slice %arg3[%dma_wait3A_318] : memref<320000xi32, #tpu.memory_space<hbm>> -> memref<80xi32, #tpu.memory_space<hbm>>
      tpu.wait_dma2 semaphore(%arg39 : memref<!tpu.dma_semaphore, #tpu.memory_space<semaphore_mem>>) src(%dma_wait3A_319 : memref<80xi32, #tpu.memory_space<hbm>>) dst(%arg22 : memref<80xi32, #tpu.memory_space<vmem>>)
      %dma_wait3A_320 = arith.constant 0 : i32
      %dma_wait3A_321 = tpu.memref_slice %arg2[%dma_wait3A_320] : memref<320000xi32, #tpu.memory_space<hbm>> -> memref<80xi32, #tpu.memory_space<hbm>>
      %dma_wait3A_322 = arith.constant 0 : i32
      %dma_wait3A_323 = tpu.memref_slice %arg2[%dma_wait3A_322] : memref<320000xi32, #tpu.memory_space<hbm>> -> memref<80xi32, #tpu.memory_space<hbm>>
      tpu.wait_dma2 semaphore(%arg39 : memref<!tpu.dma_semaphore, #tpu.memory_space<semaphore_mem>>) src(%dma_wait3A_323 : memref<80xi32, #tpu.memory_space<hbm>>) dst(%arg13 : memref<80xi32, #tpu.memory_space<vmem>>)
      %dma_wait3A_324 = arith.constant 0 : i32
      %dma_wait3A_325 = tpu.memref_slice %arg3[%dma_wait3A_324] : memref<320000xi32, #tpu.memory_space<hbm>> -> memref<80xi32, #tpu.memory_space<hbm>>
      %dma_wait3A_326 = arith.constant 0 : i32
      %dma_wait3A_327 = tpu.memref_slice %arg3[%dma_wait3A_326] : memref<320000xi32, #tpu.memory_space<hbm>> -> memref<80xi32, #tpu.memory_space<hbm>>
      tpu.wait_dma2 semaphore(%arg39 : memref<!tpu.dma_semaphore, #tpu.memory_space<semaphore_mem>>) src(%dma_wait3A_327 : memref<80xi32, #tpu.memory_space<hbm>>) dst(%arg23 : memref<80xi32, #tpu.memory_space<vmem>>)
      %dma_wait3A_328 = arith.constant 0 : i32
      %dma_wait3A_329 = tpu.memref_slice %arg2[%dma_wait3A_328] : memref<320000xi32, #tpu.memory_space<hbm>> -> memref<80xi32, #tpu.memory_space<hbm>>
      %dma_wait3A_330 = arith.constant 0 : i32
      %dma_wait3A_331 = tpu.memref_slice %arg2[%dma_wait3A_330] : memref<320000xi32, #tpu.memory_space<hbm>> -> memref<80xi32, #tpu.memory_space<hbm>>
      tpu.wait_dma2 semaphore(%arg39 : memref<!tpu.dma_semaphore, #tpu.memory_space<semaphore_mem>>) src(%dma_wait3A_331 : memref<80xi32, #tpu.memory_space<hbm>>) dst(%arg14 : memref<80xi32, #tpu.memory_space<vmem>>)
      %dma_wait3A_332 = arith.constant 0 : i32
      %dma_wait3A_333 = tpu.memref_slice %arg3[%dma_wait3A_332] : memref<320000xi32, #tpu.memory_space<hbm>> -> memref<80xi32, #tpu.memory_space<hbm>>
      %dma_wait3A_334 = arith.constant 0 : i32
      %dma_wait3A_335 = tpu.memref_slice %arg3[%dma_wait3A_334] : memref<320000xi32, #tpu.memory_space<hbm>> -> memref<80xi32, #tpu.memory_space<hbm>>
      tpu.wait_dma2 semaphore(%arg39 : memref<!tpu.dma_semaphore, #tpu.memory_space<semaphore_mem>>) src(%dma_wait3A_335 : memref<80xi32, #tpu.memory_space<hbm>>) dst(%arg24 : memref<80xi32, #tpu.memory_space<vmem>>)
      %dma_wait3A_336 = arith.constant 0 : i32
      %dma_wait3A_337 = tpu.memref_slice %arg2[%dma_wait3A_336] : memref<320000xi32, #tpu.memory_space<hbm>> -> memref<80xi32, #tpu.memory_space<hbm>>
      %dma_wait3A_338 = arith.constant 0 : i32
      %dma_wait3A_339 = tpu.memref_slice %arg2[%dma_wait3A_338] : memref<320000xi32, #tpu.memory_space<hbm>> -> memref<80xi32, #tpu.memory_space<hbm>>
      tpu.wait_dma2 semaphore(%arg39 : memref<!tpu.dma_semaphore, #tpu.memory_space<semaphore_mem>>) src(%dma_wait3A_339 : memref<80xi32, #tpu.memory_space<hbm>>) dst(%arg15 : memref<80xi32, #tpu.memory_space<vmem>>)
      %dma_wait3A_340 = arith.constant 0 : i32
      %dma_wait3A_341 = tpu.memref_slice %arg3[%dma_wait3A_340] : memref<320000xi32, #tpu.memory_space<hbm>> -> memref<80xi32, #tpu.memory_space<hbm>>
      %dma_wait3A_342 = arith.constant 0 : i32
      %dma_wait3A_343 = tpu.memref_slice %arg3[%dma_wait3A_342] : memref<320000xi32, #tpu.memory_space<hbm>> -> memref<80xi32, #tpu.memory_space<hbm>>
      tpu.wait_dma2 semaphore(%arg39 : memref<!tpu.dma_semaphore, #tpu.memory_space<semaphore_mem>>) src(%dma_wait3A_343 : memref<80xi32, #tpu.memory_space<hbm>>) dst(%arg25 : memref<80xi32, #tpu.memory_space<vmem>>)
      %dma_wait3A_344 = arith.constant 0 : i32
      %dma_wait3A_345 = tpu.memref_slice %arg2[%dma_wait3A_344] : memref<320000xi32, #tpu.memory_space<hbm>> -> memref<80xi32, #tpu.memory_space<hbm>>
      %dma_wait3A_346 = arith.constant 0 : i32
      %dma_wait3A_347 = tpu.memref_slice %arg2[%dma_wait3A_346] : memref<320000xi32, #tpu.memory_space<hbm>> -> memref<80xi32, #tpu.memory_space<hbm>>
      tpu.wait_dma2 semaphore(%arg39 : memref<!tpu.dma_semaphore, #tpu.memory_space<semaphore_mem>>) src(%dma_wait3A_347 : memref<80xi32, #tpu.memory_space<hbm>>) dst(%arg16 : memref<80xi32, #tpu.memory_space<vmem>>)
      %dma_wait3A_348 = arith.constant 0 : i32
      %dma_wait3A_349 = tpu.memref_slice %arg3[%dma_wait3A_348] : memref<320000xi32, #tpu.memory_space<hbm>> -> memref<80xi32, #tpu.memory_space<hbm>>
      %dma_wait3A_350 = arith.constant 0 : i32
      %dma_wait3A_351 = tpu.memref_slice %arg3[%dma_wait3A_350] : memref<320000xi32, #tpu.memory_space<hbm>> -> memref<80xi32, #tpu.memory_space<hbm>>
      tpu.wait_dma2 semaphore(%arg39 : memref<!tpu.dma_semaphore, #tpu.memory_space<semaphore_mem>>) src(%dma_wait3A_351 : memref<80xi32, #tpu.memory_space<hbm>>) dst(%arg26 : memref<80xi32, #tpu.memory_space<vmem>>)
      %dma_start3A_352 = arith.constant 0 : i32
      %dma_start3A_353 = arith.constant 0 : i32
      %dma_start3A_354 = tpu.memref_slice %arg4[%dma_start3A_352, %dma_start3A_353] : memref<10000x64xf32, #tpu.memory_space<hbm>> -> memref<10000x64xf32, #tpu.memory_space<hbm>>
      tpu.enqueue_indirect_dma source(%dma_start3A_354 : memref<10000x64xf32, #tpu.memory_space<hbm>>) target(%arg32 : memref<80x64xf32, #tpu.memory_space<vmem>>) offsets(%arg12 : memref<80xi32, #tpu.memory_space<vmem>>) semaphore(%arg41 : memref<!tpu.dma_semaphore, #tpu.memory_space<semaphore_mem>>)
      %dma_start3A_355 = arith.constant 0 : i32
      %dma_start3A_356 = arith.constant 0 : i32
      %dma_start3A_357 = tpu.memref_slice %arg4[%dma_start3A_355, %dma_start3A_356] : memref<10000x64xf32, #tpu.memory_space<hbm>> -> memref<10000x64xf32, #tpu.memory_space<hbm>>
      tpu.enqueue_indirect_dma source(%dma_start3A_357 : memref<10000x64xf32, #tpu.memory_space<hbm>>) target(%arg33 : memref<80x64xf32, #tpu.memory_space<vmem>>) offsets(%arg13 : memref<80xi32, #tpu.memory_space<vmem>>) semaphore(%arg41 : memref<!tpu.dma_semaphore, #tpu.memory_space<semaphore_mem>>)
      %dma_start3A_358 = arith.constant 0 : i32
      %dma_start3A_359 = arith.constant 0 : i32
      %dma_start3A_360 = tpu.memref_slice %arg4[%dma_start3A_358, %dma_start3A_359] : memref<10000x64xf32, #tpu.memory_space<hbm>> -> memref<10000x64xf32, #tpu.memory_space<hbm>>
      tpu.enqueue_indirect_dma source(%dma_start3A_360 : memref<10000x64xf32, #tpu.memory_space<hbm>>) target(%arg34 : memref<80x64xf32, #tpu.memory_space<vmem>>) offsets(%arg14 : memref<80xi32, #tpu.memory_space<vmem>>) semaphore(%arg41 : memref<!tpu.dma_semaphore, #tpu.memory_space<semaphore_mem>>)
      %dma_start3A_361 = arith.constant 0 : i32
      %dma_start3A_362 = arith.constant 0 : i32
      %dma_start3A_363 = tpu.memref_slice %arg4[%dma_start3A_361, %dma_start3A_362] : memref<10000x64xf32, #tpu.memory_space<hbm>> -> memref<10000x64xf32, #tpu.memory_space<hbm>>
      tpu.enqueue_indirect_dma source(%dma_start3A_363 : memref<10000x64xf32, #tpu.memory_space<hbm>>) target(%arg35 : memref<80x64xf32, #tpu.memory_space<vmem>>) offsets(%arg15 : memref<80xi32, #tpu.memory_space<vmem>>) semaphore(%arg41 : memref<!tpu.dma_semaphore, #tpu.memory_space<semaphore_mem>>)
      %dma_start3A_364 = arith.constant 0 : i32
      %dma_start3A_365 = arith.constant 0 : i32
      %dma_start3A_366 = tpu.memref_slice %arg4[%dma_start3A_364, %dma_start3A_365] : memref<10000x64xf32, #tpu.memory_space<hbm>> -> memref<10000x64xf32, #tpu.memory_space<hbm>>
      tpu.enqueue_indirect_dma source(%dma_start3A_366 : memref<10000x64xf32, #tpu.memory_space<hbm>>) target(%arg36 : memref<80x64xf32, #tpu.memory_space<vmem>>) offsets(%arg16 : memref<80xi32, #tpu.memory_space<vmem>>) semaphore(%arg41 : memref<!tpu.dma_semaphore, #tpu.memory_space<semaphore_mem>>)
      %dma_wait3A_367 = arith.constant 0 : i32
      %dma_wait3A_368 = arith.constant 0 : i32
      %dma_wait3A_369 = tpu.memref_slice %arg4[%dma_wait3A_367, %dma_wait3A_368] : memref<10000x64xf32, #tpu.memory_space<hbm>> -> memref<10000x64xf32, #tpu.memory_space<hbm>>
      tpu.wait_indirect_dma semaphore(%arg40 : memref<!tpu.dma_semaphore, #tpu.memory_space<semaphore_mem>>) src(%dma_wait3A_369 : memref<10000x64xf32, #tpu.memory_space<hbm>>) dst(%arg27 : memref<80x64xf32, #tpu.memory_space<vmem>>)
      %dma_wait3A_370 = arith.constant 0 : i32
      %dma_wait3A_371 = arith.constant 0 : i32
      %dma_wait3A_372 = tpu.memref_slice %arg4[%dma_wait3A_370, %dma_wait3A_371] : memref<10000x64xf32, #tpu.memory_space<hbm>> -> memref<10000x64xf32, #tpu.memory_space<hbm>>
      tpu.wait_indirect_dma semaphore(%arg40 : memref<!tpu.dma_semaphore, #tpu.memory_space<semaphore_mem>>) src(%dma_wait3A_372 : memref<10000x64xf32, #tpu.memory_space<hbm>>) dst(%arg28 : memref<80x64xf32, #tpu.memory_space<vmem>>)
      %dma_wait3A_373 = arith.constant 0 : i32
      %dma_wait3A_374 = arith.constant 0 : i32
      %dma_wait3A_375 = tpu.memref_slice %arg4[%dma_wait3A_373, %dma_wait3A_374] : memref<10000x64xf32, #tpu.memory_space<hbm>> -> memref<10000x64xf32, #tpu.memory_space<hbm>>
      tpu.wait_indirect_dma semaphore(%arg40 : memref<!tpu.dma_semaphore, #tpu.memory_space<semaphore_mem>>) src(%dma_wait3A_375 : memref<10000x64xf32, #tpu.memory_space<hbm>>) dst(%arg29 : memref<80x64xf32, #tpu.memory_space<vmem>>)
      %dma_wait3A_376 = arith.constant 0 : i32
      %dma_wait3A_377 = arith.constant 0 : i32
      %dma_wait3A_378 = tpu.memref_slice %arg4[%dma_wait3A_376, %dma_wait3A_377] : memref<10000x64xf32, #tpu.memory_space<hbm>> -> memref<10000x64xf32, #tpu.memory_space<hbm>>
      tpu.wait_indirect_dma semaphore(%arg40 : memref<!tpu.dma_semaphore, #tpu.memory_space<semaphore_mem>>) src(%dma_wait3A_378 : memref<10000x64xf32, #tpu.memory_space<hbm>>) dst(%arg30 : memref<80x64xf32, #tpu.memory_space<vmem>>)
      %dma_wait3A_379 = arith.constant 0 : i32
      %dma_wait3A_380 = arith.constant 0 : i32
      %dma_wait3A_381 = tpu.memref_slice %arg4[%dma_wait3A_379, %dma_wait3A_380] : memref<10000x64xf32, #tpu.memory_space<hbm>> -> memref<10000x64xf32, #tpu.memory_space<hbm>>
      tpu.wait_indirect_dma semaphore(%arg40 : memref<!tpu.dma_semaphore, #tpu.memory_space<semaphore_mem>>) src(%dma_wait3A_381 : memref<10000x64xf32, #tpu.memory_space<hbm>>) dst(%arg31 : memref<80x64xf32, #tpu.memory_space<vmem>>)
      "tpu.region"() ({
        %run_scoped3A = tpu.sem_alloc : memref<!tpu.dma_semaphore, #tpu.memory_space<semaphore_mem>>
        %dma_start3A_570 = arith.constant 0 : i32
        %dma_start3A_571 = arith.constant 0 : i32
        %dma_start3A_572 = tpu.memref_slice %arg37[%dma_start3A_570, %dma_start3A_571] : memref<10112x64xf32, #tpu.memory_space<vmem_shared>> -> memref<10112x64xf32, #tpu.memory_space<vmem_shared>>
        tpu.enqueue_indirect_dma source(%arg27 : memref<80x64xf32, #tpu.memory_space<vmem>>) target(%dma_start3A_572 : memref<10112x64xf32, #tpu.memory_space<vmem_shared>>) offsets(%arg17 : memref<80xi32, #tpu.memory_space<vmem>>) semaphore(%run_scoped3A : memref<!tpu.dma_semaphore, #tpu.memory_space<semaphore_mem>>) {add = true}
        %dma_wait3A_573 = arith.constant 0 : i32
        %dma_wait3A_574 = arith.constant 0 : i32
        %dma_wait3A_575 = tpu.memref_slice %arg37[%dma_wait3A_573, %dma_wait3A_574] : memref<10112x64xf32, #tpu.memory_space<vmem_shared>> -> memref<10112x64xf32, #tpu.memory_space<vmem_shared>>
        tpu.wait_indirect_dma semaphore(%run_scoped3A : memref<!tpu.dma_semaphore, #tpu.memory_space<semaphore_mem>>) src(%arg27 : memref<80x64xf32, #tpu.memory_space<vmem>>) dst(%dma_wait3A_575 : memref<10112x64xf32, #tpu.memory_space<vmem_shared>>)
        tpu.yield
      }) : () -> ()
      "tpu.region"() ({
        %run_scoped3A = tpu.sem_alloc : memref<!tpu.dma_semaphore, #tpu.memory_space<semaphore_mem>>
        %dma_start3A_570 = arith.constant 0 : i32
        %dma_start3A_571 = arith.constant 0 : i32
        %dma_start3A_572 = tpu.memref_slice %arg37[%dma_start3A_570, %dma_start3A_571] : memref<10112x64xf32, #tpu.memory_space<vmem_shared>> -> memref<10112x64xf32, #tpu.memory_space<vmem_shared>>
        tpu.enqueue_indirect_dma source(%arg28 : memref<80x64xf32, #tpu.memory_space<vmem>>) target(%dma_start3A_572 : memref<10112x64xf32, #tpu.memory_space<vmem_shared>>) offsets(%arg18 : memref<80xi32, #tpu.memory_space<vmem>>) semaphore(%run_scoped3A : memref<!tpu.dma_semaphore, #tpu.memory_space<semaphore_mem>>) {add = true}
        %dma_wait3A_573 = arith.constant 0 : i32
        %dma_wait3A_574 = arith.constant 0 : i32
        %dma_wait3A_575 = tpu.memref_slice %arg37[%dma_wait3A_573, %dma_wait3A_574] : memref<10112x64xf32, #tpu.memory_space<vmem_shared>> -> memref<10112x64xf32, #tpu.memory_space<vmem_shared>>
        tpu.wait_indirect_dma semaphore(%run_scoped3A : memref<!tpu.dma_semaphore, #tpu.memory_space<semaphore_mem>>) src(%arg28 : memref<80x64xf32, #tpu.memory_space<vmem>>) dst(%dma_wait3A_575 : memref<10112x64xf32, #tpu.memory_space<vmem_shared>>)
        tpu.yield
      }) : () -> ()
      "tpu.region"() ({
        %run_scoped3A = tpu.sem_alloc : memref<!tpu.dma_semaphore, #tpu.memory_space<semaphore_mem>>
        %dma_start3A_570 = arith.constant 0 : i32
        %dma_start3A_571 = arith.constant 0 : i32
        %dma_start3A_572 = tpu.memref_slice %arg37[%dma_start3A_570, %dma_start3A_571] : memref<10112x64xf32, #tpu.memory_space<vmem_shared>> -> memref<10112x64xf32, #tpu.memory_space<vmem_shared>>
        tpu.enqueue_indirect_dma source(%arg29 : memref<80x64xf32, #tpu.memory_space<vmem>>) target(%dma_start3A_572 : memref<10112x64xf32, #tpu.memory_space<vmem_shared>>) offsets(%arg19 : memref<80xi32, #tpu.memory_space<vmem>>) semaphore(%run_scoped3A : memref<!tpu.dma_semaphore, #tpu.memory_space<semaphore_mem>>) {add = true}
        %dma_wait3A_573 = arith.constant 0 : i32
        %dma_wait3A_574 = arith.constant 0 : i32
        %dma_wait3A_575 = tpu.memref_slice %arg37[%dma_wait3A_573, %dma_wait3A_574] : memref<10112x64xf32, #tpu.memory_space<vmem_shared>> -> memref<10112x64xf32, #tpu.memory_space<vmem_shared>>
        tpu.wait_indirect_dma semaphore(%run_scoped3A : memref<!tpu.dma_semaphore, #tpu.memory_space<semaphore_mem>>) src(%arg29 : memref<80x64xf32, #tpu.memory_space<vmem>>) dst(%dma_wait3A_575 : memref<10112x64xf32, #tpu.memory_space<vmem_shared>>)
        tpu.yield
      }) : () -> ()
      "tpu.region"() ({
        %run_scoped3A = tpu.sem_alloc : memref<!tpu.dma_semaphore, #tpu.memory_space<semaphore_mem>>
        %dma_start3A_570 = arith.constant 0 : i32
        %dma_start3A_571 = arith.constant 0 : i32
        %dma_start3A_572 = tpu.memref_slice %arg37[%dma_start3A_570, %dma_start3A_571] : memref<10112x64xf32, #tpu.memory_space<vmem_shared>> -> memref<10112x64xf32, #tpu.memory_space<vmem_shared>>
        tpu.enqueue_indirect_dma source(%arg30 : memref<80x64xf32, #tpu.memory_space<vmem>>) target(%dma_start3A_572 : memref<10112x64xf32, #tpu.memory_space<vmem_shared>>) offsets(%arg20 : memref<80xi32, #tpu.memory_space<vmem>>) semaphore(%run_scoped3A : memref<!tpu.dma_semaphore, #tpu.memory_space<semaphore_mem>>) {add = true}
        %dma_wait3A_573 = arith.constant 0 : i32
        %dma_wait3A_574 = arith.constant 0 : i32
        %dma_wait3A_575 = tpu.memref_slice %arg37[%dma_wait3A_573, %dma_wait3A_574] : memref<10112x64xf32, #tpu.memory_space<vmem_shared>> -> memref<10112x64xf32, #tpu.memory_space<vmem_shared>>
        tpu.wait_indirect_dma semaphore(%run_scoped3A : memref<!tpu.dma_semaphore, #tpu.memory_space<semaphore_mem>>) src(%arg30 : memref<80x64xf32, #tpu.memory_space<vmem>>) dst(%dma_wait3A_575 : memref<10112x64xf32, #tpu.memory_space<vmem_shared>>)
        tpu.yield
      }) : () -> ()
      "tpu.region"() ({
        %run_scoped3A = tpu.sem_alloc : memref<!tpu.dma_semaphore, #tpu.memory_space<semaphore_mem>>
        %dma_start3A_570 = arith.constant 0 : i32
        %dma_start3A_571 = arith.constant 0 : i32
        %dma_start3A_572 = tpu.memref_slice %arg37[%dma_start3A_570, %dma_start3A_571] : memref<10112x64xf32, #tpu.memory_space<vmem_shared>> -> memref<10112x64xf32, #tpu.memory_space<vmem_shared>>
        tpu.enqueue_indirect_dma source(%arg31 : memref<80x64xf32, #tpu.memory_space<vmem>>) target(%dma_start3A_572 : memref<10112x64xf32, #tpu.memory_space<vmem_shared>>) offsets(%arg21 : memref<80xi32, #tpu.memory_space<vmem>>) semaphore(%run_scoped3A : memref<!tpu.dma_semaphore, #tpu.memory_space<semaphore_mem>>) {add = true}
        %dma_wait3A_573 = arith.constant 0 : i32
        %dma_wait3A_574 = arith.constant 0 : i32
        %dma_wait3A_575 = tpu.memref_slice %arg37[%dma_wait3A_573, %dma_wait3A_574] : memref<10112x64xf32, #tpu.memory_space<vmem_shared>> -> memref<10112x64xf32, #tpu.memory_space<vmem_shared>>
        tpu.wait_indirect_dma semaphore(%run_scoped3A : memref<!tpu.dma_semaphore, #tpu.memory_space<semaphore_mem>>) src(%arg31 : memref<80x64xf32, #tpu.memory_space<vmem>>) dst(%dma_wait3A_575 : memref<10112x64xf32, #tpu.memory_space<vmem_shared>>)
        tpu.yield
      }) : () -> ()
      %add3A_382 = arith.constant 2 : i32
      %add3A_383 = arith.addi %mul3A_311, %add3A_382 : i32
      %mul3A_384 = arith.constant 5 : i32
      %mul3A_385 = arith.muli %add3A_383, %mul3A_384 : i32
      %add3A_386 = arith.constant 0 : i32
      %add3A_387 = arith.addi %mul3A_385, %add3A_386 : i32
      %mul3A_388 = arith.constant 80 : i32
      %mul3A_389 = arith.muli %add3A_387, %mul3A_388 : i32
      %add3A_390 = arith.addi %mul3A_4, %mul3A_389 : i32
      %dma_start3A_391 = tpu.memref_slice %arg2[%add3A_390] : memref<320000xi32, #tpu.memory_space<hbm>> -> memref<80xi32, #tpu.memory_space<hbm>>
      %dma_start3A_392 = tpu.memref_slice %arg2[%add3A_390] : memref<320000xi32, #tpu.memory_space<hbm>> -> memref<80xi32, #tpu.memory_space<hbm>>
      tpu.enqueue_dma source(%dma_start3A_392 : memref<80xi32, #tpu.memory_space<hbm>>) target(%arg7 : memref<80xi32, #tpu.memory_space<vmem>>) target_semaphore(%arg38 : memref<!tpu.dma_semaphore, #tpu.memory_space<semaphore_mem>>)
      %dma_start3A_393 = tpu.memref_slice %arg3[%add3A_390] : memref<320000xi32, #tpu.memory_space<hbm>> -> memref<80xi32, #tpu.memory_space<hbm>>
      %dma_start3A_394 = tpu.memref_slice %arg3[%add3A_390] : memref<320000xi32, #tpu.memory_space<hbm>> -> memref<80xi32, #tpu.memory_space<hbm>>
      tpu.enqueue_dma source(%dma_start3A_394 : memref<80xi32, #tpu.memory_space<hbm>>) target(%arg17 : memref<80xi32, #tpu.memory_space<vmem>>) target_semaphore(%arg38 : memref<!tpu.dma_semaphore, #tpu.memory_space<semaphore_mem>>)
      %mul3A_395 = arith.constant 5 : i32
      %mul3A_396 = arith.muli %add3A_383, %mul3A_395 : i32
      %add3A_397 = arith.constant 1 : i32
      %add3A_398 = arith.addi %mul3A_396, %add3A_397 : i32
      %mul3A_399 = arith.constant 80 : i32
      %mul3A_400 = arith.muli %add3A_398, %mul3A_399 : i32
      %add3A_401 = arith.addi %mul3A_4, %mul3A_400 : i32
      %dma_start3A_402 = tpu.memref_slice %arg2[%add3A_401] : memref<320000xi32, #tpu.memory_space<hbm>> -> memref<80xi32, #tpu.memory_space<hbm>>
      %dma_start3A_403 = tpu.memref_slice %arg2[%add3A_401] : memref<320000xi32, #tpu.memory_space<hbm>> -> memref<80xi32, #tpu.memory_space<hbm>>
      tpu.enqueue_dma source(%dma_start3A_403 : memref<80xi32, #tpu.memory_space<hbm>>) target(%arg8 : memref<80xi32, #tpu.memory_space<vmem>>) target_semaphore(%arg38 : memref<!tpu.dma_semaphore, #tpu.memory_space<semaphore_mem>>)
      %dma_start3A_404 = tpu.memref_slice %arg3[%add3A_401] : memref<320000xi32, #tpu.memory_space<hbm>> -> memref<80xi32, #tpu.memory_space<hbm>>
      %dma_start3A_405 = tpu.memref_slice %arg3[%add3A_401] : memref<320000xi32, #tpu.memory_space<hbm>> -> memref<80xi32, #tpu.memory_space<hbm>>
      tpu.enqueue_dma source(%dma_start3A_405 : memref<80xi32, #tpu.memory_space<hbm>>) target(%arg18 : memref<80xi32, #tpu.memory_space<vmem>>) target_semaphore(%arg38 : memref<!tpu.dma_semaphore, #tpu.memory_space<semaphore_mem>>)
      %mul3A_406 = arith.constant 5 : i32
      %mul3A_407 = arith.muli %add3A_383, %mul3A_406 : i32
      %add3A_408 = arith.constant 2 : i32
      %add3A_409 = arith.addi %mul3A_407, %add3A_408 : i32
      %mul3A_410 = arith.constant 80 : i32
      %mul3A_411 = arith.muli %add3A_409, %mul3A_410 : i32
      %add3A_412 = arith.addi %mul3A_4, %mul3A_411 : i32
      %dma_start3A_413 = tpu.memref_slice %arg2[%add3A_412] : memref<320000xi32, #tpu.memory_space<hbm>> -> memref<80xi32, #tpu.memory_space<hbm>>
      %dma_start3A_414 = tpu.memref_slice %arg2[%add3A_412] : memref<320000xi32, #tpu.memory_space<hbm>> -> memref<80xi32, #tpu.memory_space<hbm>>
      tpu.enqueue_dma source(%dma_start3A_414 : memref<80xi32, #tpu.memory_space<hbm>>) target(%arg9 : memref<80xi32, #tpu.memory_space<vmem>>) target_semaphore(%arg38 : memref<!tpu.dma_semaphore, #tpu.memory_space<semaphore_mem>>)
      %dma_start3A_415 = tpu.memref_slice %arg3[%add3A_412] : memref<320000xi32, #tpu.memory_space<hbm>> -> memref<80xi32, #tpu.memory_space<hbm>>
      %dma_start3A_416 = tpu.memref_slice %arg3[%add3A_412] : memref<320000xi32, #tpu.memory_space<hbm>> -> memref<80xi32, #tpu.memory_space<hbm>>
      tpu.enqueue_dma source(%dma_start3A_416 : memref<80xi32, #tpu.memory_space<hbm>>) target(%arg19 : memref<80xi32, #tpu.memory_space<vmem>>) target_semaphore(%arg38 : memref<!tpu.dma_semaphore, #tpu.memory_space<semaphore_mem>>)
      %mul3A_417 = arith.constant 5 : i32
      %mul3A_418 = arith.muli %add3A_383, %mul3A_417 : i32
      %add3A_419 = arith.constant 3 : i32
      %add3A_420 = arith.addi %mul3A_418, %add3A_419 : i32
      %mul3A_421 = arith.constant 80 : i32
      %mul3A_422 = arith.muli %add3A_420, %mul3A_421 : i32
      %add3A_423 = arith.addi %mul3A_4, %mul3A_422 : i32
      %dma_start3A_424 = tpu.memref_slice %arg2[%add3A_423] : memref<320000xi32, #tpu.memory_space<hbm>> -> memref<80xi32, #tpu.memory_space<hbm>>
      %dma_start3A_425 = tpu.memref_slice %arg2[%add3A_423] : memref<320000xi32, #tpu.memory_space<hbm>> -> memref<80xi32, #tpu.memory_space<hbm>>
      tpu.enqueue_dma source(%dma_start3A_425 : memref<80xi32, #tpu.memory_space<hbm>>) target(%arg10 : memref<80xi32, #tpu.memory_space<vmem>>) target_semaphore(%arg38 : memref<!tpu.dma_semaphore, #tpu.memory_space<semaphore_mem>>)
      %dma_start3A_426 = tpu.memref_slice %arg3[%add3A_423] : memref<320000xi32, #tpu.memory_space<hbm>> -> memref<80xi32, #tpu.memory_space<hbm>>
      %dma_start3A_427 = tpu.memref_slice %arg3[%add3A_423] : memref<320000xi32, #tpu.memory_space<hbm>> -> memref<80xi32, #tpu.memory_space<hbm>>
      tpu.enqueue_dma source(%dma_start3A_427 : memref<80xi32, #tpu.memory_space<hbm>>) target(%arg20 : memref<80xi32, #tpu.memory_space<vmem>>) target_semaphore(%arg38 : memref<!tpu.dma_semaphore, #tpu.memory_space<semaphore_mem>>)
      %mul3A_428 = arith.constant 5 : i32
      %mul3A_429 = arith.muli %add3A_383, %mul3A_428 : i32
      %add3A_430 = arith.constant 4 : i32
      %add3A_431 = arith.addi %mul3A_429, %add3A_430 : i32
      %mul3A_432 = arith.constant 80 : i32
      %mul3A_433 = arith.muli %add3A_431, %mul3A_432 : i32
      %add3A_434 = arith.addi %mul3A_4, %mul3A_433 : i32
      %dma_start3A_435 = tpu.memref_slice %arg2[%add3A_434] : memref<320000xi32, #tpu.memory_space<hbm>> -> memref<80xi32, #tpu.memory_space<hbm>>
      %dma_start3A_436 = tpu.memref_slice %arg2[%add3A_434] : memref<320000xi32, #tpu.memory_space<hbm>> -> memref<80xi32, #tpu.memory_space<hbm>>
      tpu.enqueue_dma source(%dma_start3A_436 : memref<80xi32, #tpu.memory_space<hbm>>) target(%arg11 : memref<80xi32, #tpu.memory_space<vmem>>) target_semaphore(%arg38 : memref<!tpu.dma_semaphore, #tpu.memory_space<semaphore_mem>>)
      %dma_start3A_437 = tpu.memref_slice %arg3[%add3A_434] : memref<320000xi32, #tpu.memory_space<hbm>> -> memref<80xi32, #tpu.memory_space<hbm>>
      %dma_start3A_438 = tpu.memref_slice %arg3[%add3A_434] : memref<320000xi32, #tpu.memory_space<hbm>> -> memref<80xi32, #tpu.memory_space<hbm>>
      tpu.enqueue_dma source(%dma_start3A_438 : memref<80xi32, #tpu.memory_space<hbm>>) target(%arg21 : memref<80xi32, #tpu.memory_space<vmem>>) target_semaphore(%arg38 : memref<!tpu.dma_semaphore, #tpu.memory_space<semaphore_mem>>)
      %mul3A_439 = arith.constant 2 : i32
      %mul3A_440 = arith.muli %mul3A_439, %scan3A_309 : i32
      %add3A_441 = arith.constant 1 : i32
      %add3A_442 = arith.addi %mul3A_440, %add3A_441 : i32
      %dma_wait3A_443 = arith.constant 0 : i32
      %dma_wait3A_444 = tpu.memref_slice %arg2[%dma_wait3A_443] : memref<320000xi32, #tpu.memory_space<hbm>> -> memref<80xi32, #tpu.memory_space<hbm>>
      %dma_wait3A_445 = arith.constant 0 : i32
      %dma_wait3A_446 = tpu.memref_slice %arg2[%dma_wait3A_445] : memref<320000xi32, #tpu.memory_space<hbm>> -> memref<80xi32, #tpu.memory_space<hbm>>
      tpu.wait_dma2 semaphore(%arg38 : memref<!tpu.dma_semaphore, #tpu.memory_space<semaphore_mem>>) src(%dma_wait3A_446 : memref<80xi32, #tpu.memory_space<hbm>>) dst(%arg7 : memref<80xi32, #tpu.memory_space<vmem>>)
      %dma_wait3A_447 = arith.constant 0 : i32
      %dma_wait3A_448 = tpu.memref_slice %arg3[%dma_wait3A_447] : memref<320000xi32, #tpu.memory_space<hbm>> -> memref<80xi32, #tpu.memory_space<hbm>>
      %dma_wait3A_449 = arith.constant 0 : i32
      %dma_wait3A_450 = tpu.memref_slice %arg3[%dma_wait3A_449] : memref<320000xi32, #tpu.memory_space<hbm>> -> memref<80xi32, #tpu.memory_space<hbm>>
      tpu.wait_dma2 semaphore(%arg38 : memref<!tpu.dma_semaphore, #tpu.memory_space<semaphore_mem>>) src(%dma_wait3A_450 : memref<80xi32, #tpu.memory_space<hbm>>) dst(%arg17 : memref<80xi32, #tpu.memory_space<vmem>>)
      %dma_wait3A_451 = arith.constant 0 : i32
      %dma_wait3A_452 = tpu.memref_slice %arg2[%dma_wait3A_451] : memref<320000xi32, #tpu.memory_space<hbm>> -> memref<80xi32, #tpu.memory_space<hbm>>
      %dma_wait3A_453 = arith.constant 0 : i32
      %dma_wait3A_454 = tpu.memref_slice %arg2[%dma_wait3A_453] : memref<320000xi32, #tpu.memory_space<hbm>> -> memref<80xi32, #tpu.memory_space<hbm>>
      tpu.wait_dma2 semaphore(%arg38 : memref<!tpu.dma_semaphore, #tpu.memory_space<semaphore_mem>>) src(%dma_wait3A_454 : memref<80xi32, #tpu.memory_space<hbm>>) dst(%arg8 : memref<80xi32, #tpu.memory_space<vmem>>)
      %dma_wait3A_455 = arith.constant 0 : i32
      %dma_wait3A_456 = tpu.memref_slice %arg3[%dma_wait3A_455] : memref<320000xi32, #tpu.memory_space<hbm>> -> memref<80xi32, #tpu.memory_space<hbm>>
      %dma_wait3A_457 = arith.constant 0 : i32
      %dma_wait3A_458 = tpu.memref_slice %arg3[%dma_wait3A_457] : memref<320000xi32, #tpu.memory_space<hbm>> -> memref<80xi32, #tpu.memory_space<hbm>>
      tpu.wait_dma2 semaphore(%arg38 : memref<!tpu.dma_semaphore, #tpu.memory_space<semaphore_mem>>) src(%dma_wait3A_458 : memref<80xi32, #tpu.memory_space<hbm>>) dst(%arg18 : memref<80xi32, #tpu.memory_space<vmem>>)
      %dma_wait3A_459 = arith.constant 0 : i32
      %dma_wait3A_460 = tpu.memref_slice %arg2[%dma_wait3A_459] : memref<320000xi32, #tpu.memory_space<hbm>> -> memref<80xi32, #tpu.memory_space<hbm>>
      %dma_wait3A_461 = arith.constant 0 : i32
      %dma_wait3A_462 = tpu.memref_slice %arg2[%dma_wait3A_461] : memref<320000xi32, #tpu.memory_space<hbm>> -> memref<80xi32, #tpu.memory_space<hbm>>
      tpu.wait_dma2 semaphore(%arg38 : memref<!tpu.dma_semaphore, #tpu.memory_space<semaphore_mem>>) src(%dma_wait3A_462 : memref<80xi32, #tpu.memory_space<hbm>>) dst(%arg9 : memref<80xi32, #tpu.memory_space<vmem>>)
      %dma_wait3A_463 = arith.constant 0 : i32
      %dma_wait3A_464 = tpu.memref_slice %arg3[%dma_wait3A_463] : memref<320000xi32, #tpu.memory_space<hbm>> -> memref<80xi32, #tpu.memory_space<hbm>>
      %dma_wait3A_465 = arith.constant 0 : i32
      %dma_wait3A_466 = tpu.memref_slice %arg3[%dma_wait3A_465] : memref<320000xi32, #tpu.memory_space<hbm>> -> memref<80xi32, #tpu.memory_space<hbm>>
      tpu.wait_dma2 semaphore(%arg38 : memref<!tpu.dma_semaphore, #tpu.memory_space<semaphore_mem>>) src(%dma_wait3A_466 : memref<80xi32, #tpu.memory_space<hbm>>) dst(%arg19 : memref<80xi32, #tpu.memory_space<vmem>>)
      %dma_wait3A_467 = arith.constant 0 : i32
      %dma_wait3A_468 = tpu.memref_slice %arg2[%dma_wait3A_467] : memref<320000xi32, #tpu.memory_space<hbm>> -> memref<80xi32, #tpu.memory_space<hbm>>
      %dma_wait3A_469 = arith.constant 0 : i32
      %dma_wait3A_470 = tpu.memref_slice %arg2[%dma_wait3A_469] : memref<320000xi32, #tpu.memory_space<hbm>> -> memref<80xi32, #tpu.memory_space<hbm>>
      tpu.wait_dma2 semaphore(%arg38 : memref<!tpu.dma_semaphore, #tpu.memory_space<semaphore_mem>>) src(%dma_wait3A_470 : memref<80xi32, #tpu.memory_space<hbm>>) dst(%arg10 : memref<80xi32, #tpu.memory_space<vmem>>)
      %dma_wait3A_471 = arith.constant 0 : i32
      %dma_wait3A_472 = tpu.memref_slice %arg3[%dma_wait3A_471] : memref<320000xi32, #tpu.memory_space<hbm>> -> memref<80xi32, #tpu.memory_space<hbm>>
      %dma_wait3A_473 = arith.constant 0 : i32
      %dma_wait3A_474 = tpu.memref_slice %arg3[%dma_wait3A_473] : memref<320000xi32, #tpu.memory_space<hbm>> -> memref<80xi32, #tpu.memory_space<hbm>>
      tpu.wait_dma2 semaphore(%arg38 : memref<!tpu.dma_semaphore, #tpu.memory_space<semaphore_mem>>) src(%dma_wait3A_474 : memref<80xi32, #tpu.memory_space<hbm>>) dst(%arg20 : memref<80xi32, #tpu.memory_space<vmem>>)
      %dma_wait3A_475 = arith.constant 0 : i32
      %dma_wait3A_476 = tpu.memref_slice %arg2[%dma_wait3A_475] : memref<320000xi32, #tpu.memory_space<hbm>> -> memref<80xi32, #tpu.memory_space<hbm>>
      %dma_wait3A_477 = arith.constant 0 : i32
      %dma_wait3A_478 = tpu.memref_slice %arg2[%dma_wait3A_477] : memref<320000xi32, #tpu.memory_space<hbm>> -> memref<80xi32, #tpu.memory_space<hbm>>
      tpu.wait_dma2 semaphore(%arg38 : memref<!tpu.dma_semaphore, #tpu.memory_space<semaphore_mem>>) src(%dma_wait3A_478 : memref<80xi32, #tpu.memory_space<hbm>>) dst(%arg11 : memref<80xi32, #tpu.memory_space<vmem>>)
      %dma_wait3A_479 = arith.constant 0 : i32
      %dma_wait3A_480 = tpu.memref_slice %arg3[%dma_wait3A_479] : memref<320000xi32, #tpu.memory_space<hbm>> -> memref<80xi32, #tpu.memory_space<hbm>>
      %dma_wait3A_481 = arith.constant 0 : i32
      %dma_wait3A_482 = tpu.memref_slice %arg3[%dma_wait3A_481] : memref<320000xi32, #tpu.memory_space<hbm>> -> memref<80xi32, #tpu.memory_space<hbm>>
      tpu.wait_dma2 semaphore(%arg38 : memref<!tpu.dma_semaphore, #tpu.memory_space<semaphore_mem>>) src(%dma_wait3A_482 : memref<80xi32, #tpu.memory_space<hbm>>) dst(%arg21 : memref<80xi32, #tpu.memory_space<vmem>>)
      %dma_start3A_483 = arith.constant 0 : i32
      %dma_start3A_484 = arith.constant 0 : i32
      %dma_start3A_485 = tpu.memref_slice %arg4[%dma_start3A_483, %dma_start3A_484] : memref<10000x64xf32, #tpu.memory_space<hbm>> -> memref<10000x64xf32, #tpu.memory_space<hbm>>
      tpu.enqueue_indirect_dma source(%dma_start3A_485 : memref<10000x64xf32, #tpu.memory_space<hbm>>) target(%arg27 : memref<80x64xf32, #tpu.memory_space<vmem>>) offsets(%arg7 : memref<80xi32, #tpu.memory_space<vmem>>) semaphore(%arg40 : memref<!tpu.dma_semaphore, #tpu.memory_space<semaphore_mem>>)
      %dma_start3A_486 = arith.constant 0 : i32
      %dma_start3A_487 = arith.constant 0 : i32
      %dma_start3A_488 = tpu.memref_slice %arg4[%dma_start3A_486, %dma_start3A_487] : memref<10000x64xf32, #tpu.memory_space<hbm>> -> memref<10000x64xf32, #tpu.memory_space<hbm>>
      tpu.enqueue_indirect_dma source(%dma_start3A_488 : memref<10000x64xf32, #tpu.memory_space<hbm>>) target(%arg28 : memref<80x64xf32, #tpu.memory_space<vmem>>) offsets(%arg8 : memref<80xi32, #tpu.memory_space<vmem>>) semaphore(%arg40 : memref<!tpu.dma_semaphore, #tpu.memory_space<semaphore_mem>>)
      %dma_start3A_489 = arith.constant 0 : i32
      %dma_start3A_490 = arith.constant 0 : i32
      %dma_start3A_491 = tpu.memref_slice %arg4[%dma_start3A_489, %dma_start3A_490] : memref<10000x64xf32, #tpu.memory_space<hbm>> -> memref<10000x64xf32, #tpu.memory_space<hbm>>
      tpu.enqueue_indirect_dma source(%dma_start3A_491 : memref<10000x64xf32, #tpu.memory_space<hbm>>) target(%arg29 : memref<80x64xf32, #tpu.memory_space<vmem>>) offsets(%arg9 : memref<80xi32, #tpu.memory_space<vmem>>) semaphore(%arg40 : memref<!tpu.dma_semaphore, #tpu.memory_space<semaphore_mem>>)
      %dma_start3A_492 = arith.constant 0 : i32
      %dma_start3A_493 = arith.constant 0 : i32
      %dma_start3A_494 = tpu.memref_slice %arg4[%dma_start3A_492, %dma_start3A_493] : memref<10000x64xf32, #tpu.memory_space<hbm>> -> memref<10000x64xf32, #tpu.memory_space<hbm>>
      tpu.enqueue_indirect_dma source(%dma_start3A_494 : memref<10000x64xf32, #tpu.memory_space<hbm>>) target(%arg30 : memref<80x64xf32, #tpu.memory_space<vmem>>) offsets(%arg10 : memref<80xi32, #tpu.memory_space<vmem>>) semaphore(%arg40 : memref<!tpu.dma_semaphore, #tpu.memory_space<semaphore_mem>>)
      %dma_start3A_495 = arith.constant 0 : i32
      %dma_start3A_496 = arith.constant 0 : i32
      %dma_start3A_497 = tpu.memref_slice %arg4[%dma_start3A_495, %dma_start3A_496] : memref<10000x64xf32, #tpu.memory_space<hbm>> -> memref<10000x64xf32, #tpu.memory_space<hbm>>
      tpu.enqueue_indirect_dma source(%dma_start3A_497 : memref<10000x64xf32, #tpu.memory_space<hbm>>) target(%arg31 : memref<80x64xf32, #tpu.memory_space<vmem>>) offsets(%arg11 : memref<80xi32, #tpu.memory_space<vmem>>) semaphore(%arg40 : memref<!tpu.dma_semaphore, #tpu.memory_space<semaphore_mem>>)
      %dma_wait3A_498 = arith.constant 0 : i32
      %dma_wait3A_499 = arith.constant 0 : i32
      %dma_wait3A_500 = tpu.memref_slice %arg4[%dma_wait3A_498, %dma_wait3A_499] : memref<10000x64xf32, #tpu.memory_space<hbm>> -> memref<10000x64xf32, #tpu.memory_space<hbm>>
      tpu.wait_indirect_dma semaphore(%arg41 : memref<!tpu.dma_semaphore, #tpu.memory_space<semaphore_mem>>) src(%dma_wait3A_500 : memref<10000x64xf32, #tpu.memory_space<hbm>>) dst(%arg32 : memref<80x64xf32, #tpu.memory_space<vmem>>)
      %dma_wait3A_501 = arith.constant 0 : i32
      %dma_wait3A_502 = arith.constant 0 : i32
      %dma_wait3A_503 = tpu.memref_slice %arg4[%dma_wait3A_501, %dma_wait3A_502] : memref<10000x64xf32, #tpu.memory_space<hbm>> -> memref<10000x64xf32, #tpu.memory_space<hbm>>
      tpu.wait_indirect_dma semaphore(%arg41 : memref<!tpu.dma_semaphore, #tpu.memory_space<semaphore_mem>>) src(%dma_wait3A_503 : memref<10000x64xf32, #tpu.memory_space<hbm>>) dst(%arg33 : memref<80x64xf32, #tpu.memory_space<vmem>>)
      %dma_wait3A_504 = arith.constant 0 : i32
      %dma_wait3A_505 = arith.constant 0 : i32
      %dma_wait3A_506 = tpu.memref_slice %arg4[%dma_wait3A_504, %dma_wait3A_505] : memref<10000x64xf32, #tpu.memory_space<hbm>> -> memref<10000x64xf32, #tpu.memory_space<hbm>>
      tpu.wait_indirect_dma semaphore(%arg41 : memref<!tpu.dma_semaphore, #tpu.memory_space<semaphore_mem>>) src(%dma_wait3A_506 : memref<10000x64xf32, #tpu.memory_space<hbm>>) dst(%arg34 : memref<80x64xf32, #tpu.memory_space<vmem>>)
      %dma_wait3A_507 = arith.constant 0 : i32
      %dma_wait3A_508 = arith.constant 0 : i32
      %dma_wait3A_509 = tpu.memref_slice %arg4[%dma_wait3A_507, %dma_wait3A_508] : memref<10000x64xf32, #tpu.memory_space<hbm>> -> memref<10000x64xf32, #tpu.memory_space<hbm>>
      tpu.wait_indirect_dma semaphore(%arg41 : memref<!tpu.dma_semaphore, #tpu.memory_space<semaphore_mem>>) src(%dma_wait3A_509 : memref<10000x64xf32, #tpu.memory_space<hbm>>) dst(%arg35 : memref<80x64xf32, #tpu.memory_space<vmem>>)
      %dma_wait3A_510 = arith.constant 0 : i32
      %dma_wait3A_511 = arith.constant 0 : i32
      %dma_wait3A_512 = tpu.memref_slice %arg4[%dma_wait3A_510, %dma_wait3A_511] : memref<10000x64xf32, #tpu.memory_space<hbm>> -> memref<10000x64xf32, #tpu.memory_space<hbm>>
      tpu.wait_indirect_dma semaphore(%arg41 : memref<!tpu.dma_semaphore, #tpu.memory_space<semaphore_mem>>) src(%dma_wait3A_512 : memref<10000x64xf32, #tpu.memory_space<hbm>>) dst(%arg36 : memref<80x64xf32, #tpu.memory_space<vmem>>)
      "tpu.region"() ({
        %run_scoped3A = tpu.sem_alloc : memref<!tpu.dma_semaphore, #tpu.memory_space<semaphore_mem>>
        %dma_start3A_570 = arith.constant 0 : i32
        %dma_start3A_571 = arith.constant 0 : i32
        %dma_start3A_572 = tpu.memref_slice %arg37[%dma_start3A_570, %dma_start3A_571] : memref<10112x64xf32, #tpu.memory_space<vmem_shared>> -> memref<10112x64xf32, #tpu.memory_space<vmem_shared>>
        tpu.enqueue_indirect_dma source(%arg32 : memref<80x64xf32, #tpu.memory_space<vmem>>) target(%dma_start3A_572 : memref<10112x64xf32, #tpu.memory_space<vmem_shared>>) offsets(%arg22 : memref<80xi32, #tpu.memory_space<vmem>>) semaphore(%run_scoped3A : memref<!tpu.dma_semaphore, #tpu.memory_space<semaphore_mem>>) {add = true}
        %dma_wait3A_573 = arith.constant 0 : i32
        %dma_wait3A_574 = arith.constant 0 : i32
        %dma_wait3A_575 = tpu.memref_slice %arg37[%dma_wait3A_573, %dma_wait3A_574] : memref<10112x64xf32, #tpu.memory_space<vmem_shared>> -> memref<10112x64xf32, #tpu.memory_space<vmem_shared>>
        tpu.wait_indirect_dma semaphore(%run_scoped3A : memref<!tpu.dma_semaphore, #tpu.memory_space<semaphore_mem>>) src(%arg32 : memref<80x64xf32, #tpu.memory_space<vmem>>) dst(%dma_wait3A_575 : memref<10112x64xf32, #tpu.memory_space<vmem_shared>>)
        tpu.yield
      }) : () -> ()
      "tpu.region"() ({
        %run_scoped3A = tpu.sem_alloc : memref<!tpu.dma_semaphore, #tpu.memory_space<semaphore_mem>>
        %dma_start3A_570 = arith.constant 0 : i32
        %dma_start3A_571 = arith.constant 0 : i32
        %dma_start3A_572 = tpu.memref_slice %arg37[%dma_start3A_570, %dma_start3A_571] : memref<10112x64xf32, #tpu.memory_space<vmem_shared>> -> memref<10112x64xf32, #tpu.memory_space<vmem_shared>>
        tpu.enqueue_indirect_dma source(%arg33 : memref<80x64xf32, #tpu.memory_space<vmem>>) target(%dma_start3A_572 : memref<10112x64xf32, #tpu.memory_space<vmem_shared>>) offsets(%arg23 : memref<80xi32, #tpu.memory_space<vmem>>) semaphore(%run_scoped3A : memref<!tpu.dma_semaphore, #tpu.memory_space<semaphore_mem>>) {add = true}
        %dma_wait3A_573 = arith.constant 0 : i32
        %dma_wait3A_574 = arith.constant 0 : i32
        %dma_wait3A_575 = tpu.memref_slice %arg37[%dma_wait3A_573, %dma_wait3A_574] : memref<10112x64xf32, #tpu.memory_space<vmem_shared>> -> memref<10112x64xf32, #tpu.memory_space<vmem_shared>>
        tpu.wait_indirect_dma semaphore(%run_scoped3A : memref<!tpu.dma_semaphore, #tpu.memory_space<semaphore_mem>>) src(%arg33 : memref<80x64xf32, #tpu.memory_space<vmem>>) dst(%dma_wait3A_575 : memref<10112x64xf32, #tpu.memory_space<vmem_shared>>)
        tpu.yield
      }) : () -> ()
      "tpu.region"() ({
        %run_scoped3A = tpu.sem_alloc : memref<!tpu.dma_semaphore, #tpu.memory_space<semaphore_mem>>
        %dma_start3A_570 = arith.constant 0 : i32
        %dma_start3A_571 = arith.constant 0 : i32
        %dma_start3A_572 = tpu.memref_slice %arg37[%dma_start3A_570, %dma_start3A_571] : memref<10112x64xf32, #tpu.memory_space<vmem_shared>> -> memref<10112x64xf32, #tpu.memory_space<vmem_shared>>
        tpu.enqueue_indirect_dma source(%arg34 : memref<80x64xf32, #tpu.memory_space<vmem>>) target(%dma_start3A_572 : memref<10112x64xf32, #tpu.memory_space<vmem_shared>>) offsets(%arg24 : memref<80xi32, #tpu.memory_space<vmem>>) semaphore(%run_scoped3A : memref<!tpu.dma_semaphore, #tpu.memory_space<semaphore_mem>>) {add = true}
        %dma_wait3A_573 = arith.constant 0 : i32
        %dma_wait3A_574 = arith.constant 0 : i32
        %dma_wait3A_575 = tpu.memref_slice %arg37[%dma_wait3A_573, %dma_wait3A_574] : memref<10112x64xf32, #tpu.memory_space<vmem_shared>> -> memref<10112x64xf32, #tpu.memory_space<vmem_shared>>
        tpu.wait_indirect_dma semaphore(%run_scoped3A : memref<!tpu.dma_semaphore, #tpu.memory_space<semaphore_mem>>) src(%arg34 : memref<80x64xf32, #tpu.memory_space<vmem>>) dst(%dma_wait3A_575 : memref<10112x64xf32, #tpu.memory_space<vmem_shared>>)
        tpu.yield
      }) : () -> ()
      "tpu.region"() ({
        %run_scoped3A = tpu.sem_alloc : memref<!tpu.dma_semaphore, #tpu.memory_space<semaphore_mem>>
        %dma_start3A_570 = arith.constant 0 : i32
        %dma_start3A_571 = arith.constant 0 : i32
        %dma_start3A_572 = tpu.memref_slice %arg37[%dma_start3A_570, %dma_start3A_571] : memref<10112x64xf32, #tpu.memory_space<vmem_shared>> -> memref<10112x64xf32, #tpu.memory_space<vmem_shared>>
        tpu.enqueue_indirect_dma source(%arg35 : memref<80x64xf32, #tpu.memory_space<vmem>>) target(%dma_start3A_572 : memref<10112x64xf32, #tpu.memory_space<vmem_shared>>) offsets(%arg25 : memref<80xi32, #tpu.memory_space<vmem>>) semaphore(%run_scoped3A : memref<!tpu.dma_semaphore, #tpu.memory_space<semaphore_mem>>) {add = true}
        %dma_wait3A_573 = arith.constant 0 : i32
        %dma_wait3A_574 = arith.constant 0 : i32
        %dma_wait3A_575 = tpu.memref_slice %arg37[%dma_wait3A_573, %dma_wait3A_574] : memref<10112x64xf32, #tpu.memory_space<vmem_shared>> -> memref<10112x64xf32, #tpu.memory_space<vmem_shared>>
        tpu.wait_indirect_dma semaphore(%run_scoped3A : memref<!tpu.dma_semaphore, #tpu.memory_space<semaphore_mem>>) src(%arg35 : memref<80x64xf32, #tpu.memory_space<vmem>>) dst(%dma_wait3A_575 : memref<10112x64xf32, #tpu.memory_space<vmem_shared>>)
        tpu.yield
      }) : () -> ()
      "tpu.region"() ({
        %run_scoped3A = tpu.sem_alloc : memref<!tpu.dma_semaphore, #tpu.memory_space<semaphore_mem>>
        %dma_start3A_570 = arith.constant 0 : i32
        %dma_start3A_571 = arith.constant 0 : i32
        %dma_start3A_572 = tpu.memref_slice %arg37[%dma_start3A_570, %dma_start3A_571] : memref<10112x64xf32, #tpu.memory_space<vmem_shared>> -> memref<10112x64xf32, #tpu.memory_space<vmem_shared>>
        tpu.enqueue_indirect_dma source(%arg36 : memref<80x64xf32, #tpu.memory_space<vmem>>) target(%dma_start3A_572 : memref<10112x64xf32, #tpu.memory_space<vmem_shared>>) offsets(%arg26 : memref<80xi32, #tpu.memory_space<vmem>>) semaphore(%run_scoped3A : memref<!tpu.dma_semaphore, #tpu.memory_space<semaphore_mem>>) {add = true}
        %dma_wait3A_573 = arith.constant 0 : i32
        %dma_wait3A_574 = arith.constant 0 : i32
        %dma_wait3A_575 = tpu.memref_slice %arg37[%dma_wait3A_573, %dma_wait3A_574] : memref<10112x64xf32, #tpu.memory_space<vmem_shared>> -> memref<10112x64xf32, #tpu.memory_space<vmem_shared>>
        tpu.wait_indirect_dma semaphore(%run_scoped3A : memref<!tpu.dma_semaphore, #tpu.memory_space<semaphore_mem>>) src(%arg36 : memref<80x64xf32, #tpu.memory_space<vmem>>) dst(%dma_wait3A_575 : memref<10112x64xf32, #tpu.memory_space<vmem_shared>>)
        tpu.yield
      }) : () -> ()
      %add3A_513 = arith.constant 2 : i32
      %add3A_514 = arith.addi %add3A_442, %add3A_513 : i32
      %mul3A_515 = arith.constant 5 : i32
      %mul3A_516 = arith.muli %add3A_514, %mul3A_515 : i32
      %add3A_517 = arith.constant 0 : i32
      %add3A_518 = arith.addi %mul3A_516, %add3A_517 : i32
      %mul3A_519 = arith.constant 80 : i32
      %mul3A_520 = arith.muli %add3A_518, %mul3A_519 : i32
      %add3A_521 = arith.addi %mul3A_4, %mul3A_520 : i32
      %dma_start3A_522 = tpu.memref_slice %arg2[%add3A_521] : memref<320000xi32, #tpu.memory_space<hbm>> -> memref<80xi32, #tpu.memory_space<hbm>>
      %dma_start3A_523 = tpu.memref_slice %arg2[%add3A_521] : memref<320000xi32, #tpu.memory_space<hbm>> -> memref<80xi32, #tpu.memory_space<hbm>>
      tpu.enqueue_dma source(%dma_start3A_523 : memref<80xi32, #tpu.memory_space<hbm>>) target(%arg12 : memref<80xi32, #tpu.memory_space<vmem>>) target_semaphore(%arg39 : memref<!tpu.dma_semaphore, #tpu.memory_space<semaphore_mem>>)
      %dma_start3A_524 = tpu.memref_slice %arg3[%add3A_521] : memref<320000xi32, #tpu.memory_space<hbm>> -> memref<80xi32, #tpu.memory_space<hbm>>
      %dma_start3A_525 = tpu.memref_slice %arg3[%add3A_521] : memref<320000xi32, #tpu.memory_space<hbm>> -> memref<80xi32, #tpu.memory_space<hbm>>
      tpu.enqueue_dma source(%dma_start3A_525 : memref<80xi32, #tpu.memory_space<hbm>>) target(%arg22 : memref<80xi32, #tpu.memory_space<vmem>>) target_semaphore(%arg39 : memref<!tpu.dma_semaphore, #tpu.memory_space<semaphore_mem>>)
      %mul3A_526 = arith.constant 5 : i32
      %mul3A_527 = arith.muli %add3A_514, %mul3A_526 : i32
      %add3A_528 = arith.constant 1 : i32
      %add3A_529 = arith.addi %mul3A_527, %add3A_528 : i32
      %mul3A_530 = arith.constant 80 : i32
      %mul3A_531 = arith.muli %add3A_529, %mul3A_530 : i32
      %add3A_532 = arith.addi %mul3A_4, %mul3A_531 : i32
      %dma_start3A_533 = tpu.memref_slice %arg2[%add3A_532] : memref<320000xi32, #tpu.memory_space<hbm>> -> memref<80xi32, #tpu.memory_space<hbm>>
      %dma_start3A_534 = tpu.memref_slice %arg2[%add3A_532] : memref<320000xi32, #tpu.memory_space<hbm>> -> memref<80xi32, #tpu.memory_space<hbm>>
      tpu.enqueue_dma source(%dma_start3A_534 : memref<80xi32, #tpu.memory_space<hbm>>) target(%arg13 : memref<80xi32, #tpu.memory_space<vmem>>) target_semaphore(%arg39 : memref<!tpu.dma_semaphore, #tpu.memory_space<semaphore_mem>>)
      %dma_start3A_535 = tpu.memref_slice %arg3[%add3A_532] : memref<320000xi32, #tpu.memory_space<hbm>> -> memref<80xi32, #tpu.memory_space<hbm>>
      %dma_start3A_536 = tpu.memref_slice %arg3[%add3A_532] : memref<320000xi32, #tpu.memory_space<hbm>> -> memref<80xi32, #tpu.memory_space<hbm>>
      tpu.enqueue_dma source(%dma_start3A_536 : memref<80xi32, #tpu.memory_space<hbm>>) target(%arg23 : memref<80xi32, #tpu.memory_space<vmem>>) target_semaphore(%arg39 : memref<!tpu.dma_semaphore, #tpu.memory_space<semaphore_mem>>)
      %mul3A_537 = arith.constant 5 : i32
      %mul3A_538 = arith.muli %add3A_514, %mul3A_537 : i32
      %add3A_539 = arith.constant 2 : i32
      %add3A_540 = arith.addi %mul3A_538, %add3A_539 : i32
      %mul3A_541 = arith.constant 80 : i32
      %mul3A_542 = arith.muli %add3A_540, %mul3A_541 : i32
      %add3A_543 = arith.addi %mul3A_4, %mul3A_542 : i32
      %dma_start3A_544 = tpu.memref_slice %arg2[%add3A_543] : memref<320000xi32, #tpu.memory_space<hbm>> -> memref<80xi32, #tpu.memory_space<hbm>>
      %dma_start3A_545 = tpu.memref_slice %arg2[%add3A_543] : memref<320000xi32, #tpu.memory_space<hbm>> -> memref<80xi32, #tpu.memory_space<hbm>>
      tpu.enqueue_dma source(%dma_start3A_545 : memref<80xi32, #tpu.memory_space<hbm>>) target(%arg14 : memref<80xi32, #tpu.memory_space<vmem>>) target_semaphore(%arg39 : memref<!tpu.dma_semaphore, #tpu.memory_space<semaphore_mem>>)
      %dma_start3A_546 = tpu.memref_slice %arg3[%add3A_543] : memref<320000xi32, #tpu.memory_space<hbm>> -> memref<80xi32, #tpu.memory_space<hbm>>
      %dma_start3A_547 = tpu.memref_slice %arg3[%add3A_543] : memref<320000xi32, #tpu.memory_space<hbm>> -> memref<80xi32, #tpu.memory_space<hbm>>
      tpu.enqueue_dma source(%dma_start3A_547 : memref<80xi32, #tpu.memory_space<hbm>>) target(%arg24 : memref<80xi32, #tpu.memory_space<vmem>>) target_semaphore(%arg39 : memref<!tpu.dma_semaphore, #tpu.memory_space<semaphore_mem>>)
      %mul3A_548 = arith.constant 5 : i32
      %mul3A_549 = arith.muli %add3A_514, %mul3A_548 : i32
      %add3A_550 = arith.constant 3 : i32
      %add3A_551 = arith.addi %mul3A_549, %add3A_550 : i32
      %mul3A_552 = arith.constant 80 : i32
      %mul3A_553 = arith.muli %add3A_551, %mul3A_552 : i32
      %add3A_554 = arith.addi %mul3A_4, %mul3A_553 : i32
      %dma_start3A_555 = tpu.memref_slice %arg2[%add3A_554] : memref<320000xi32, #tpu.memory_space<hbm>> -> memref<80xi32, #tpu.memory_space<hbm>>
      %dma_start3A_556 = tpu.memref_slice %arg2[%add3A_554] : memref<320000xi32, #tpu.memory_space<hbm>> -> memref<80xi32, #tpu.memory_space<hbm>>
      tpu.enqueue_dma source(%dma_start3A_556 : memref<80xi32, #tpu.memory_space<hbm>>) target(%arg15 : memref<80xi32, #tpu.memory_space<vmem>>) target_semaphore(%arg39 : memref<!tpu.dma_semaphore, #tpu.memory_space<semaphore_mem>>)
      %dma_start3A_557 = tpu.memref_slice %arg3[%add3A_554] : memref<320000xi32, #tpu.memory_space<hbm>> -> memref<80xi32, #tpu.memory_space<hbm>>
      %dma_start3A_558 = tpu.memref_slice %arg3[%add3A_554] : memref<320000xi32, #tpu.memory_space<hbm>> -> memref<80xi32, #tpu.memory_space<hbm>>
      tpu.enqueue_dma source(%dma_start3A_558 : memref<80xi32, #tpu.memory_space<hbm>>) target(%arg25 : memref<80xi32, #tpu.memory_space<vmem>>) target_semaphore(%arg39 : memref<!tpu.dma_semaphore, #tpu.memory_space<semaphore_mem>>)
      %mul3A_559 = arith.constant 5 : i32
      %mul3A_560 = arith.muli %add3A_514, %mul3A_559 : i32
      %add3A_561 = arith.constant 4 : i32
      %add3A_562 = arith.addi %mul3A_560, %add3A_561 : i32
      %mul3A_563 = arith.constant 80 : i32
      %mul3A_564 = arith.muli %add3A_562, %mul3A_563 : i32
      %add3A_565 = arith.addi %mul3A_4, %mul3A_564 : i32
      %dma_start3A_566 = tpu.memref_slice %arg2[%add3A_565] : memref<320000xi32, #tpu.memory_space<hbm>> -> memref<80xi32, #tpu.memory_space<hbm>>
      %dma_start3A_567 = tpu.memref_slice %arg2[%add3A_565] : memref<320000xi32, #tpu.memory_space<hbm>> -> memref<80xi32, #tpu.memory_space<hbm>>
      tpu.enqueue_dma source(%dma_start3A_567 : memref<80xi32, #tpu.memory_space<hbm>>) target(%arg16 : memref<80xi32, #tpu.memory_space<vmem>>) target_semaphore(%arg39 : memref<!tpu.dma_semaphore, #tpu.memory_space<semaphore_mem>>)
      %dma_start3A_568 = tpu.memref_slice %arg3[%add3A_565] : memref<320000xi32, #tpu.memory_space<hbm>> -> memref<80xi32, #tpu.memory_space<hbm>>
      %dma_start3A_569 = tpu.memref_slice %arg3[%add3A_565] : memref<320000xi32, #tpu.memory_space<hbm>> -> memref<80xi32, #tpu.memory_space<hbm>>
      tpu.enqueue_dma source(%dma_start3A_569 : memref<80xi32, #tpu.memory_space<hbm>>) target(%arg26 : memref<80xi32, #tpu.memory_space<vmem>>) target_semaphore(%arg39 : memref<!tpu.dma_semaphore, #tpu.memory_space<semaphore_mem>>)
    }
    %scan3A_122 = arith.constant 11 : i32
    %dma_wait3A_123 = arith.constant 0 : i32
    %dma_wait3A_124 = tpu.memref_slice %arg2[%dma_wait3A_123] : memref<320000xi32, #tpu.memory_space<hbm>> -> memref<80xi32, #tpu.memory_space<hbm>>
    %dma_wait3A_125 = arith.constant 0 : i32
    %dma_wait3A_126 = tpu.memref_slice %arg2[%dma_wait3A_125] : memref<320000xi32, #tpu.memory_space<hbm>> -> memref<80xi32, #tpu.memory_space<hbm>>
    tpu.wait_dma2 semaphore(%arg39 : memref<!tpu.dma_semaphore, #tpu.memory_space<semaphore_mem>>) src(%dma_wait3A_126 : memref<80xi32, #tpu.memory_space<hbm>>) dst(%arg12 : memref<80xi32, #tpu.memory_space<vmem>>)
    %dma_wait3A_127 = arith.constant 0 : i32
    %dma_wait3A_128 = tpu.memref_slice %arg3[%dma_wait3A_127] : memref<320000xi32, #tpu.memory_space<hbm>> -> memref<80xi32, #tpu.memory_space<hbm>>
    %dma_wait3A_129 = arith.constant 0 : i32
    %dma_wait3A_130 = tpu.memref_slice %arg3[%dma_wait3A_129] : memref<320000xi32, #tpu.memory_space<hbm>> -> memref<80xi32, #tpu.memory_space<hbm>>
    tpu.wait_dma2 semaphore(%arg39 : memref<!tpu.dma_semaphore, #tpu.memory_space<semaphore_mem>>) src(%dma_wait3A_130 : memref<80xi32, #tpu.memory_space<hbm>>) dst(%arg22 : memref<80xi32, #tpu.memory_space<vmem>>)
    %dma_wait3A_131 = arith.constant 0 : i32
    %dma_wait3A_132 = tpu.memref_slice %arg2[%dma_wait3A_131] : memref<320000xi32, #tpu.memory_space<hbm>> -> memref<80xi32, #tpu.memory_space<hbm>>
    %dma_wait3A_133 = arith.constant 0 : i32
    %dma_wait3A_134 = tpu.memref_slice %arg2[%dma_wait3A_133] : memref<320000xi32, #tpu.memory_space<hbm>> -> memref<80xi32, #tpu.memory_space<hbm>>
    tpu.wait_dma2 semaphore(%arg39 : memref<!tpu.dma_semaphore, #tpu.memory_space<semaphore_mem>>) src(%dma_wait3A_134 : memref<80xi32, #tpu.memory_space<hbm>>) dst(%arg13 : memref<80xi32, #tpu.memory_space<vmem>>)
    %dma_wait3A_135 = arith.constant 0 : i32
    %dma_wait3A_136 = tpu.memref_slice %arg3[%dma_wait3A_135] : memref<320000xi32, #tpu.memory_space<hbm>> -> memref<80xi32, #tpu.memory_space<hbm>>
    %dma_wait3A_137 = arith.constant 0 : i32
    %dma_wait3A_138 = tpu.memref_slice %arg3[%dma_wait3A_137] : memref<320000xi32, #tpu.memory_space<hbm>> -> memref<80xi32, #tpu.memory_space<hbm>>
    tpu.wait_dma2 semaphore(%arg39 : memref<!tpu.dma_semaphore, #tpu.memory_space<semaphore_mem>>) src(%dma_wait3A_138 : memref<80xi32, #tpu.memory_space<hbm>>) dst(%arg23 : memref<80xi32, #tpu.memory_space<vmem>>)
    %dma_wait3A_139 = arith.constant 0 : i32
    %dma_wait3A_140 = tpu.memref_slice %arg2[%dma_wait3A_139] : memref<320000xi32, #tpu.memory_space<hbm>> -> memref<80xi32, #tpu.memory_space<hbm>>
    %dma_wait3A_141 = arith.constant 0 : i32
    %dma_wait3A_142 = tpu.memref_slice %arg2[%dma_wait3A_141] : memref<320000xi32, #tpu.memory_space<hbm>> -> memref<80xi32, #tpu.memory_space<hbm>>
    tpu.wait_dma2 semaphore(%arg39 : memref<!tpu.dma_semaphore, #tpu.memory_space<semaphore_mem>>) src(%dma_wait3A_142 : memref<80xi32, #tpu.memory_space<hbm>>) dst(%arg14 : memref<80xi32, #tpu.memory_space<vmem>>)
    %dma_wait3A_143 = arith.constant 0 : i32
    %dma_wait3A_144 = tpu.memref_slice %arg3[%dma_wait3A_143] : memref<320000xi32, #tpu.memory_space<hbm>> -> memref<80xi32, #tpu.memory_space<hbm>>
    %dma_wait3A_145 = arith.constant 0 : i32
    %dma_wait3A_146 = tpu.memref_slice %arg3[%dma_wait3A_145] : memref<320000xi32, #tpu.memory_space<hbm>> -> memref<80xi32, #tpu.memory_space<hbm>>
    tpu.wait_dma2 semaphore(%arg39 : memref<!tpu.dma_semaphore, #tpu.memory_space<semaphore_mem>>) src(%dma_wait3A_146 : memref<80xi32, #tpu.memory_space<hbm>>) dst(%arg24 : memref<80xi32, #tpu.memory_space<vmem>>)
    %dma_wait3A_147 = arith.constant 0 : i32
    %dma_wait3A_148 = tpu.memref_slice %arg2[%dma_wait3A_147] : memref<320000xi32, #tpu.memory_space<hbm>> -> memref<80xi32, #tpu.memory_space<hbm>>
    %dma_wait3A_149 = arith.constant 0 : i32
    %dma_wait3A_150 = tpu.memref_slice %arg2[%dma_wait3A_149] : memref<320000xi32, #tpu.memory_space<hbm>> -> memref<80xi32, #tpu.memory_space<hbm>>
    tpu.wait_dma2 semaphore(%arg39 : memref<!tpu.dma_semaphore, #tpu.memory_space<semaphore_mem>>) src(%dma_wait3A_150 : memref<80xi32, #tpu.memory_space<hbm>>) dst(%arg15 : memref<80xi32, #tpu.memory_space<vmem>>)
    %dma_wait3A_151 = arith.constant 0 : i32
    %dma_wait3A_152 = tpu.memref_slice %arg3[%dma_wait3A_151] : memref<320000xi32, #tpu.memory_space<hbm>> -> memref<80xi32, #tpu.memory_space<hbm>>
    %dma_wait3A_153 = arith.constant 0 : i32
    %dma_wait3A_154 = tpu.memref_slice %arg3[%dma_wait3A_153] : memref<320000xi32, #tpu.memory_space<hbm>> -> memref<80xi32, #tpu.memory_space<hbm>>
    tpu.wait_dma2 semaphore(%arg39 : memref<!tpu.dma_semaphore, #tpu.memory_space<semaphore_mem>>) src(%dma_wait3A_154 : memref<80xi32, #tpu.memory_space<hbm>>) dst(%arg25 : memref<80xi32, #tpu.memory_space<vmem>>)
    %dma_wait3A_155 = arith.constant 0 : i32
    %dma_wait3A_156 = tpu.memref_slice %arg2[%dma_wait3A_155] : memref<320000xi32, #tpu.memory_space<hbm>> -> memref<80xi32, #tpu.memory_space<hbm>>
    %dma_wait3A_157 = arith.constant 0 : i32
    %dma_wait3A_158 = tpu.memref_slice %arg2[%dma_wait3A_157] : memref<320000xi32, #tpu.memory_space<hbm>> -> memref<80xi32, #tpu.memory_space<hbm>>
    tpu.wait_dma2 semaphore(%arg39 : memref<!tpu.dma_semaphore, #tpu.memory_space<semaphore_mem>>) src(%dma_wait3A_158 : memref<80xi32, #tpu.memory_space<hbm>>) dst(%arg16 : memref<80xi32, #tpu.memory_space<vmem>>)
    %dma_wait3A_159 = arith.constant 0 : i32
    %dma_wait3A_160 = tpu.memref_slice %arg3[%dma_wait3A_159] : memref<320000xi32, #tpu.memory_space<hbm>> -> memref<80xi32, #tpu.memory_space<hbm>>
    %dma_wait3A_161 = arith.constant 0 : i32
    %dma_wait3A_162 = tpu.memref_slice %arg3[%dma_wait3A_161] : memref<320000xi32, #tpu.memory_space<hbm>> -> memref<80xi32, #tpu.memory_space<hbm>>
    tpu.wait_dma2 semaphore(%arg39 : memref<!tpu.dma_semaphore, #tpu.memory_space<semaphore_mem>>) src(%dma_wait3A_162 : memref<80xi32, #tpu.memory_space<hbm>>) dst(%arg26 : memref<80xi32, #tpu.memory_space<vmem>>)
    %dma_start3A_163 = arith.constant 0 : i32
    %dma_start3A_164 = arith.constant 0 : i32
    %dma_start3A_165 = tpu.memref_slice %arg4[%dma_start3A_163, %dma_start3A_164] : memref<10000x64xf32, #tpu.memory_space<hbm>> -> memref<10000x64xf32, #tpu.memory_space<hbm>>
    tpu.enqueue_indirect_dma source(%dma_start3A_165 : memref<10000x64xf32, #tpu.memory_space<hbm>>) target(%arg32 : memref<80x64xf32, #tpu.memory_space<vmem>>) offsets(%arg12 : memref<80xi32, #tpu.memory_space<vmem>>) semaphore(%arg41 : memref<!tpu.dma_semaphore, #tpu.memory_space<semaphore_mem>>)
    %dma_start3A_166 = arith.constant 0 : i32
    %dma_start3A_167 = arith.constant 0 : i32
    %dma_start3A_168 = tpu.memref_slice %arg4[%dma_start3A_166, %dma_start3A_167] : memref<10000x64xf32, #tpu.memory_space<hbm>> -> memref<10000x64xf32, #tpu.memory_space<hbm>>
    tpu.enqueue_indirect_dma source(%dma_start3A_168 : memref<10000x64xf32, #tpu.memory_space<hbm>>) target(%arg33 : memref<80x64xf32, #tpu.memory_space<vmem>>) offsets(%arg13 : memref<80xi32, #tpu.memory_space<vmem>>) semaphore(%arg41 : memref<!tpu.dma_semaphore, #tpu.memory_space<semaphore_mem>>)
    %dma_start3A_169 = arith.constant 0 : i32
    %dma_start3A_170 = arith.constant 0 : i32
    %dma_start3A_171 = tpu.memref_slice %arg4[%dma_start3A_169, %dma_start3A_170] : memref<10000x64xf32, #tpu.memory_space<hbm>> -> memref<10000x64xf32, #tpu.memory_space<hbm>>
    tpu.enqueue_indirect_dma source(%dma_start3A_171 : memref<10000x64xf32, #tpu.memory_space<hbm>>) target(%arg34 : memref<80x64xf32, #tpu.memory_space<vmem>>) offsets(%arg14 : memref<80xi32, #tpu.memory_space<vmem>>) semaphore(%arg41 : memref<!tpu.dma_semaphore, #tpu.memory_space<semaphore_mem>>)
    %dma_start3A_172 = arith.constant 0 : i32
    %dma_start3A_173 = arith.constant 0 : i32
    %dma_start3A_174 = tpu.memref_slice %arg4[%dma_start3A_172, %dma_start3A_173] : memref<10000x64xf32, #tpu.memory_space<hbm>> -> memref<10000x64xf32, #tpu.memory_space<hbm>>
    tpu.enqueue_indirect_dma source(%dma_start3A_174 : memref<10000x64xf32, #tpu.memory_space<hbm>>) target(%arg35 : memref<80x64xf32, #tpu.memory_space<vmem>>) offsets(%arg15 : memref<80xi32, #tpu.memory_space<vmem>>) semaphore(%arg41 : memref<!tpu.dma_semaphore, #tpu.memory_space<semaphore_mem>>)
    %dma_start3A_175 = arith.constant 0 : i32
    %dma_start3A_176 = arith.constant 0 : i32
    %dma_start3A_177 = tpu.memref_slice %arg4[%dma_start3A_175, %dma_start3A_176] : memref<10000x64xf32, #tpu.memory_space<hbm>> -> memref<10000x64xf32, #tpu.memory_space<hbm>>
    tpu.enqueue_indirect_dma source(%dma_start3A_177 : memref<10000x64xf32, #tpu.memory_space<hbm>>) target(%arg36 : memref<80x64xf32, #tpu.memory_space<vmem>>) offsets(%arg16 : memref<80xi32, #tpu.memory_space<vmem>>) semaphore(%arg41 : memref<!tpu.dma_semaphore, #tpu.memory_space<semaphore_mem>>)
    %dma_wait3A_178 = arith.constant 0 : i32
    %dma_wait3A_179 = arith.constant 0 : i32
    %dma_wait3A_180 = tpu.memref_slice %arg4[%dma_wait3A_178, %dma_wait3A_179] : memref<10000x64xf32, #tpu.memory_space<hbm>> -> memref<10000x64xf32, #tpu.memory_space<hbm>>
    tpu.wait_indirect_dma semaphore(%arg40 : memref<!tpu.dma_semaphore, #tpu.memory_space<semaphore_mem>>) src(%dma_wait3A_180 : memref<10000x64xf32, #tpu.memory_space<hbm>>) dst(%arg27 : memref<80x64xf32, #tpu.memory_space<vmem>>)
    %dma_wait3A_181 = arith.constant 0 : i32
    %dma_wait3A_182 = arith.constant 0 : i32
    %dma_wait3A_183 = tpu.memref_slice %arg4[%dma_wait3A_181, %dma_wait3A_182] : memref<10000x64xf32, #tpu.memory_space<hbm>> -> memref<10000x64xf32, #tpu.memory_space<hbm>>
    tpu.wait_indirect_dma semaphore(%arg40 : memref<!tpu.dma_semaphore, #tpu.memory_space<semaphore_mem>>) src(%dma_wait3A_183 : memref<10000x64xf32, #tpu.memory_space<hbm>>) dst(%arg28 : memref<80x64xf32, #tpu.memory_space<vmem>>)
    %dma_wait3A_184 = arith.constant 0 : i32
    %dma_wait3A_185 = arith.constant 0 : i32
    %dma_wait3A_186 = tpu.memref_slice %arg4[%dma_wait3A_184, %dma_wait3A_185] : memref<10000x64xf32, #tpu.memory_space<hbm>> -> memref<10000x64xf32, #tpu.memory_space<hbm>>
    tpu.wait_indirect_dma semaphore(%arg40 : memref<!tpu.dma_semaphore, #tpu.memory_space<semaphore_mem>>) src(%dma_wait3A_186 : memref<10000x64xf32, #tpu.memory_space<hbm>>) dst(%arg29 : memref<80x64xf32, #tpu.memory_space<vmem>>)
    %dma_wait3A_187 = arith.constant 0 : i32
    %dma_wait3A_188 = arith.constant 0 : i32
    %dma_wait3A_189 = tpu.memref_slice %arg4[%dma_wait3A_187, %dma_wait3A_188] : memref<10000x64xf32, #tpu.memory_space<hbm>> -> memref<10000x64xf32, #tpu.memory_space<hbm>>
    tpu.wait_indirect_dma semaphore(%arg40 : memref<!tpu.dma_semaphore, #tpu.memory_space<semaphore_mem>>) src(%dma_wait3A_189 : memref<10000x64xf32, #tpu.memory_space<hbm>>) dst(%arg30 : memref<80x64xf32, #tpu.memory_space<vmem>>)
    %dma_wait3A_190 = arith.constant 0 : i32
    %dma_wait3A_191 = arith.constant 0 : i32
    %dma_wait3A_192 = tpu.memref_slice %arg4[%dma_wait3A_190, %dma_wait3A_191] : memref<10000x64xf32, #tpu.memory_space<hbm>> -> memref<10000x64xf32, #tpu.memory_space<hbm>>
    tpu.wait_indirect_dma semaphore(%arg40 : memref<!tpu.dma_semaphore, #tpu.memory_space<semaphore_mem>>) src(%dma_wait3A_192 : memref<10000x64xf32, #tpu.memory_space<hbm>>) dst(%arg31 : memref<80x64xf32, #tpu.memory_space<vmem>>)
    "tpu.region"() ({
      %run_scoped3A = tpu.sem_alloc : memref<!tpu.dma_semaphore, #tpu.memory_space<semaphore_mem>>
      %dma_start3A_309 = arith.constant 0 : i32
      %dma_start3A_310 = arith.constant 0 : i32
      %dma_start3A_311 = tpu.memref_slice %arg37[%dma_start3A_309, %dma_start3A_310] : memref<10112x64xf32, #tpu.memory_space<vmem_shared>> -> memref<10112x64xf32, #tpu.memory_space<vmem_shared>>
      tpu.enqueue_indirect_dma source(%arg27 : memref<80x64xf32, #tpu.memory_space<vmem>>) target(%dma_start3A_311 : memref<10112x64xf32, #tpu.memory_space<vmem_shared>>) offsets(%arg17 : memref<80xi32, #tpu.memory_space<vmem>>) semaphore(%run_scoped3A : memref<!tpu.dma_semaphore, #tpu.memory_space<semaphore_mem>>) {add = true}
      %dma_wait3A_312 = arith.constant 0 : i32
      %dma_wait3A_313 = arith.constant 0 : i32
      %dma_wait3A_314 = tpu.memref_slice %arg37[%dma_wait3A_312, %dma_wait3A_313] : memref<10112x64xf32, #tpu.memory_space<vmem_shared>> -> memref<10112x64xf32, #tpu.memory_space<vmem_shared>>
      tpu.wait_indirect_dma semaphore(%run_scoped3A : memref<!tpu.dma_semaphore, #tpu.memory_space<semaphore_mem>>) src(%arg27 : memref<80x64xf32, #tpu.memory_space<vmem>>) dst(%dma_wait3A_314 : memref<10112x64xf32, #tpu.memory_space<vmem_shared>>)
      tpu.yield
    }) : () -> ()
    "tpu.region"() ({
      %run_scoped3A = tpu.sem_alloc : memref<!tpu.dma_semaphore, #tpu.memory_space<semaphore_mem>>
      %dma_start3A_309 = arith.constant 0 : i32
      %dma_start3A_310 = arith.constant 0 : i32
      %dma_start3A_311 = tpu.memref_slice %arg37[%dma_start3A_309, %dma_start3A_310] : memref<10112x64xf32, #tpu.memory_space<vmem_shared>> -> memref<10112x64xf32, #tpu.memory_space<vmem_shared>>
      tpu.enqueue_indirect_dma source(%arg28 : memref<80x64xf32, #tpu.memory_space<vmem>>) target(%dma_start3A_311 : memref<10112x64xf32, #tpu.memory_space<vmem_shared>>) offsets(%arg18 : memref<80xi32, #tpu.memory_space<vmem>>) semaphore(%run_scoped3A : memref<!tpu.dma_semaphore, #tpu.memory_space<semaphore_mem>>) {add = true}
      %dma_wait3A_312 = arith.constant 0 : i32
      %dma_wait3A_313 = arith.constant 0 : i32
      %dma_wait3A_314 = tpu.memref_slice %arg37[%dma_wait3A_312, %dma_wait3A_313] : memref<10112x64xf32, #tpu.memory_space<vmem_shared>> -> memref<10112x64xf32, #tpu.memory_space<vmem_shared>>
      tpu.wait_indirect_dma semaphore(%run_scoped3A : memref<!tpu.dma_semaphore, #tpu.memory_space<semaphore_mem>>) src(%arg28 : memref<80x64xf32, #tpu.memory_space<vmem>>) dst(%dma_wait3A_314 : memref<10112x64xf32, #tpu.memory_space<vmem_shared>>)
      tpu.yield
    }) : () -> ()
    "tpu.region"() ({
      %run_scoped3A = tpu.sem_alloc : memref<!tpu.dma_semaphore, #tpu.memory_space<semaphore_mem>>
      %dma_start3A_309 = arith.constant 0 : i32
      %dma_start3A_310 = arith.constant 0 : i32
      %dma_start3A_311 = tpu.memref_slice %arg37[%dma_start3A_309, %dma_start3A_310] : memref<10112x64xf32, #tpu.memory_space<vmem_shared>> -> memref<10112x64xf32, #tpu.memory_space<vmem_shared>>
      tpu.enqueue_indirect_dma source(%arg29 : memref<80x64xf32, #tpu.memory_space<vmem>>) target(%dma_start3A_311 : memref<10112x64xf32, #tpu.memory_space<vmem_shared>>) offsets(%arg19 : memref<80xi32, #tpu.memory_space<vmem>>) semaphore(%run_scoped3A : memref<!tpu.dma_semaphore, #tpu.memory_space<semaphore_mem>>) {add = true}
      %dma_wait3A_312 = arith.constant 0 : i32
      %dma_wait3A_313 = arith.constant 0 : i32
      %dma_wait3A_314 = tpu.memref_slice %arg37[%dma_wait3A_312, %dma_wait3A_313] : memref<10112x64xf32, #tpu.memory_space<vmem_shared>> -> memref<10112x64xf32, #tpu.memory_space<vmem_shared>>
      tpu.wait_indirect_dma semaphore(%run_scoped3A : memref<!tpu.dma_semaphore, #tpu.memory_space<semaphore_mem>>) src(%arg29 : memref<80x64xf32, #tpu.memory_space<vmem>>) dst(%dma_wait3A_314 : memref<10112x64xf32, #tpu.memory_space<vmem_shared>>)
      tpu.yield
    }) : () -> ()
    "tpu.region"() ({
      %run_scoped3A = tpu.sem_alloc : memref<!tpu.dma_semaphore, #tpu.memory_space<semaphore_mem>>
      %dma_start3A_309 = arith.constant 0 : i32
      %dma_start3A_310 = arith.constant 0 : i32
      %dma_start3A_311 = tpu.memref_slice %arg37[%dma_start3A_309, %dma_start3A_310] : memref<10112x64xf32, #tpu.memory_space<vmem_shared>> -> memref<10112x64xf32, #tpu.memory_space<vmem_shared>>
      tpu.enqueue_indirect_dma source(%arg30 : memref<80x64xf32, #tpu.memory_space<vmem>>) target(%dma_start3A_311 : memref<10112x64xf32, #tpu.memory_space<vmem_shared>>) offsets(%arg20 : memref<80xi32, #tpu.memory_space<vmem>>) semaphore(%run_scoped3A : memref<!tpu.dma_semaphore, #tpu.memory_space<semaphore_mem>>) {add = true}
      %dma_wait3A_312 = arith.constant 0 : i32
      %dma_wait3A_313 = arith.constant 0 : i32
      %dma_wait3A_314 = tpu.memref_slice %arg37[%dma_wait3A_312, %dma_wait3A_313] : memref<10112x64xf32, #tpu.memory_space<vmem_shared>> -> memref<10112x64xf32, #tpu.memory_space<vmem_shared>>
      tpu.wait_indirect_dma semaphore(%run_scoped3A : memref<!tpu.dma_semaphore, #tpu.memory_space<semaphore_mem>>) src(%arg30 : memref<80x64xf32, #tpu.memory_space<vmem>>) dst(%dma_wait3A_314 : memref<10112x64xf32, #tpu.memory_space<vmem_shared>>)
      tpu.yield
    }) : () -> ()
    "tpu.region"() ({
      %run_scoped3A = tpu.sem_alloc : memref<!tpu.dma_semaphore, #tpu.memory_space<semaphore_mem>>
      %dma_start3A_309 = arith.constant 0 : i32
      %dma_start3A_310 = arith.constant 0 : i32
      %dma_start3A_311 = tpu.memref_slice %arg37[%dma_start3A_309, %dma_start3A_310] : memref<10112x64xf32, #tpu.memory_space<vmem_shared>> -> memref<10112x64xf32, #tpu.memory_space<vmem_shared>>
      tpu.enqueue_indirect_dma source(%arg31 : memref<80x64xf32, #tpu.memory_space<vmem>>) target(%dma_start3A_311 : memref<10112x64xf32, #tpu.memory_space<vmem_shared>>) offsets(%arg21 : memref<80xi32, #tpu.memory_space<vmem>>) semaphore(%run_scoped3A : memref<!tpu.dma_semaphore, #tpu.memory_space<semaphore_mem>>) {add = true}
      %dma_wait3A_312 = arith.constant 0 : i32
      %dma_wait3A_313 = arith.constant 0 : i32
      %dma_wait3A_314 = tpu.memref_slice %arg37[%dma_wait3A_312, %dma_wait3A_313] : memref<10112x64xf32, #tpu.memory_space<vmem_shared>> -> memref<10112x64xf32, #tpu.memory_space<vmem_shared>>
      tpu.wait_indirect_dma semaphore(%run_scoped3A : memref<!tpu.dma_semaphore, #tpu.memory_space<semaphore_mem>>) src(%arg31 : memref<80x64xf32, #tpu.memory_space<vmem>>) dst(%dma_wait3A_314 : memref<10112x64xf32, #tpu.memory_space<vmem_shared>>)
      tpu.yield
    }) : () -> ()
    %add3A_193 = arith.constant 9600 : i32
    %add3A_194 = arith.addi %mul3A_4, %add3A_193 : i32
    %dma_start3A_195 = tpu.memref_slice %arg2[%add3A_194] : memref<320000xi32, #tpu.memory_space<hbm>> -> memref<80xi32, #tpu.memory_space<hbm>>
    %dma_start3A_196 = tpu.memref_slice %arg2[%add3A_194] : memref<320000xi32, #tpu.memory_space<hbm>> -> memref<80xi32, #tpu.memory_space<hbm>>
    tpu.enqueue_dma source(%dma_start3A_196 : memref<80xi32, #tpu.memory_space<hbm>>) target(%arg7 : memref<80xi32, #tpu.memory_space<vmem>>) target_semaphore(%arg38 : memref<!tpu.dma_semaphore, #tpu.memory_space<semaphore_mem>>)
    %dma_start3A_197 = tpu.memref_slice %arg3[%add3A_194] : memref<320000xi32, #tpu.memory_space<hbm>> -> memref<80xi32, #tpu.memory_space<hbm>>
    %dma_start3A_198 = tpu.memref_slice %arg3[%add3A_194] : memref<320000xi32, #tpu.memory_space<hbm>> -> memref<80xi32, #tpu.memory_space<hbm>>
    tpu.enqueue_dma source(%dma_start3A_198 : memref<80xi32, #tpu.memory_space<hbm>>) target(%arg17 : memref<80xi32, #tpu.memory_space<vmem>>) target_semaphore(%arg38 : memref<!tpu.dma_semaphore, #tpu.memory_space<semaphore_mem>>)
    %add3A_199 = arith.constant 9680 : i32
    %add3A_200 = arith.addi %mul3A_4, %add3A_199 : i32
    %dma_start3A_201 = tpu.memref_slice %arg2[%add3A_200] : memref<320000xi32, #tpu.memory_space<hbm>> -> memref<80xi32, #tpu.memory_space<hbm>>
    %dma_start3A_202 = tpu.memref_slice %arg2[%add3A_200] : memref<320000xi32, #tpu.memory_space<hbm>> -> memref<80xi32, #tpu.memory_space<hbm>>
    tpu.enqueue_dma source(%dma_start3A_202 : memref<80xi32, #tpu.memory_space<hbm>>) target(%arg8 : memref<80xi32, #tpu.memory_space<vmem>>) target_semaphore(%arg38 : memref<!tpu.dma_semaphore, #tpu.memory_space<semaphore_mem>>)
    %dma_start3A_203 = tpu.memref_slice %arg3[%add3A_200] : memref<320000xi32, #tpu.memory_space<hbm>> -> memref<80xi32, #tpu.memory_space<hbm>>
    %dma_start3A_204 = tpu.memref_slice %arg3[%add3A_200] : memref<320000xi32, #tpu.memory_space<hbm>> -> memref<80xi32, #tpu.memory_space<hbm>>
    tpu.enqueue_dma source(%dma_start3A_204 : memref<80xi32, #tpu.memory_space<hbm>>) target(%arg18 : memref<80xi32, #tpu.memory_space<vmem>>) target_semaphore(%arg38 : memref<!tpu.dma_semaphore, #tpu.memory_space<semaphore_mem>>)
    %add3A_205 = arith.constant 9760 : i32
    %add3A_206 = arith.addi %mul3A_4, %add3A_205 : i32
    %dma_start3A_207 = tpu.memref_slice %arg2[%add3A_206] : memref<320000xi32, #tpu.memory_space<hbm>> -> memref<80xi32, #tpu.memory_space<hbm>>
    %dma_start3A_208 = tpu.memref_slice %arg2[%add3A_206] : memref<320000xi32, #tpu.memory_space<hbm>> -> memref<80xi32, #tpu.memory_space<hbm>>
    tpu.enqueue_dma source(%dma_start3A_208 : memref<80xi32, #tpu.memory_space<hbm>>) target(%arg9 : memref<80xi32, #tpu.memory_space<vmem>>) target_semaphore(%arg38 : memref<!tpu.dma_semaphore, #tpu.memory_space<semaphore_mem>>)
    %dma_start3A_209 = tpu.memref_slice %arg3[%add3A_206] : memref<320000xi32, #tpu.memory_space<hbm>> -> memref<80xi32, #tpu.memory_space<hbm>>
    %dma_start3A_210 = tpu.memref_slice %arg3[%add3A_206] : memref<320000xi32, #tpu.memory_space<hbm>> -> memref<80xi32, #tpu.memory_space<hbm>>
    tpu.enqueue_dma source(%dma_start3A_210 : memref<80xi32, #tpu.memory_space<hbm>>) target(%arg19 : memref<80xi32, #tpu.memory_space<vmem>>) target_semaphore(%arg38 : memref<!tpu.dma_semaphore, #tpu.memory_space<semaphore_mem>>)
    %add3A_211 = arith.constant 9840 : i32
    %add3A_212 = arith.addi %mul3A_4, %add3A_211 : i32
    %dma_start3A_213 = tpu.memref_slice %arg2[%add3A_212] : memref<320000xi32, #tpu.memory_space<hbm>> -> memref<80xi32, #tpu.memory_space<hbm>>
    %dma_start3A_214 = tpu.memref_slice %arg2[%add3A_212] : memref<320000xi32, #tpu.memory_space<hbm>> -> memref<80xi32, #tpu.memory_space<hbm>>
    tpu.enqueue_dma source(%dma_start3A_214 : memref<80xi32, #tpu.memory_space<hbm>>) target(%arg10 : memref<80xi32, #tpu.memory_space<vmem>>) target_semaphore(%arg38 : memref<!tpu.dma_semaphore, #tpu.memory_space<semaphore_mem>>)
    %dma_start3A_215 = tpu.memref_slice %arg3[%add3A_212] : memref<320000xi32, #tpu.memory_space<hbm>> -> memref<80xi32, #tpu.memory_space<hbm>>
    %dma_start3A_216 = tpu.memref_slice %arg3[%add3A_212] : memref<320000xi32, #tpu.memory_space<hbm>> -> memref<80xi32, #tpu.memory_space<hbm>>
    tpu.enqueue_dma source(%dma_start3A_216 : memref<80xi32, #tpu.memory_space<hbm>>) target(%arg20 : memref<80xi32, #tpu.memory_space<vmem>>) target_semaphore(%arg38 : memref<!tpu.dma_semaphore, #tpu.memory_space<semaphore_mem>>)
    %add3A_217 = arith.constant 9920 : i32
    %add3A_218 = arith.addi %mul3A_4, %add3A_217 : i32
    %dma_start3A_219 = tpu.memref_slice %arg2[%add3A_218] : memref<320000xi32, #tpu.memory_space<hbm>> -> memref<80xi32, #tpu.memory_space<hbm>>
    %dma_start3A_220 = tpu.memref_slice %arg2[%add3A_218] : memref<320000xi32, #tpu.memory_space<hbm>> -> memref<80xi32, #tpu.memory_space<hbm>>
    tpu.enqueue_dma source(%dma_start3A_220 : memref<80xi32, #tpu.memory_space<hbm>>) target(%arg11 : memref<80xi32, #tpu.memory_space<vmem>>) target_semaphore(%arg38 : memref<!tpu.dma_semaphore, #tpu.memory_space<semaphore_mem>>)
    %dma_start3A_221 = tpu.memref_slice %arg3[%add3A_218] : memref<320000xi32, #tpu.memory_space<hbm>> -> memref<80xi32, #tpu.memory_space<hbm>>
    %dma_start3A_222 = tpu.memref_slice %arg3[%add3A_218] : memref<320000xi32, #tpu.memory_space<hbm>> -> memref<80xi32, #tpu.memory_space<hbm>>
    tpu.enqueue_dma source(%dma_start3A_222 : memref<80xi32, #tpu.memory_space<hbm>>) target(%arg21 : memref<80xi32, #tpu.memory_space<vmem>>) target_semaphore(%arg38 : memref<!tpu.dma_semaphore, #tpu.memory_space<semaphore_mem>>)
    %dma_wait3A_223 = arith.constant 0 : i32
    %dma_wait3A_224 = tpu.memref_slice %arg2[%dma_wait3A_223] : memref<320000xi32, #tpu.memory_space<hbm>> -> memref<80xi32, #tpu.memory_space<hbm>>
    %dma_wait3A_225 = arith.constant 0 : i32
    %dma_wait3A_226 = tpu.memref_slice %arg2[%dma_wait3A_225] : memref<320000xi32, #tpu.memory_space<hbm>> -> memref<80xi32, #tpu.memory_space<hbm>>
    tpu.wait_dma2 semaphore(%arg38 : memref<!tpu.dma_semaphore, #tpu.memory_space<semaphore_mem>>) src(%dma_wait3A_226 : memref<80xi32, #tpu.memory_space<hbm>>) dst(%arg7 : memref<80xi32, #tpu.memory_space<vmem>>)
    %dma_wait3A_227 = arith.constant 0 : i32
    %dma_wait3A_228 = tpu.memref_slice %arg3[%dma_wait3A_227] : memref<320000xi32, #tpu.memory_space<hbm>> -> memref<80xi32, #tpu.memory_space<hbm>>
    %dma_wait3A_229 = arith.constant 0 : i32
    %dma_wait3A_230 = tpu.memref_slice %arg3[%dma_wait3A_229] : memref<320000xi32, #tpu.memory_space<hbm>> -> memref<80xi32, #tpu.memory_space<hbm>>
    tpu.wait_dma2 semaphore(%arg38 : memref<!tpu.dma_semaphore, #tpu.memory_space<semaphore_mem>>) src(%dma_wait3A_230 : memref<80xi32, #tpu.memory_space<hbm>>) dst(%arg17 : memref<80xi32, #tpu.memory_space<vmem>>)
    %dma_wait3A_231 = arith.constant 0 : i32
    %dma_wait3A_232 = tpu.memref_slice %arg2[%dma_wait3A_231] : memref<320000xi32, #tpu.memory_space<hbm>> -> memref<80xi32, #tpu.memory_space<hbm>>
    %dma_wait3A_233 = arith.constant 0 : i32
    %dma_wait3A_234 = tpu.memref_slice %arg2[%dma_wait3A_233] : memref<320000xi32, #tpu.memory_space<hbm>> -> memref<80xi32, #tpu.memory_space<hbm>>
    tpu.wait_dma2 semaphore(%arg38 : memref<!tpu.dma_semaphore, #tpu.memory_space<semaphore_mem>>) src(%dma_wait3A_234 : memref<80xi32, #tpu.memory_space<hbm>>) dst(%arg8 : memref<80xi32, #tpu.memory_space<vmem>>)
    %dma_wait3A_235 = arith.constant 0 : i32
    %dma_wait3A_236 = tpu.memref_slice %arg3[%dma_wait3A_235] : memref<320000xi32, #tpu.memory_space<hbm>> -> memref<80xi32, #tpu.memory_space<hbm>>
    %dma_wait3A_237 = arith.constant 0 : i32
    %dma_wait3A_238 = tpu.memref_slice %arg3[%dma_wait3A_237] : memref<320000xi32, #tpu.memory_space<hbm>> -> memref<80xi32, #tpu.memory_space<hbm>>
    tpu.wait_dma2 semaphore(%arg38 : memref<!tpu.dma_semaphore, #tpu.memory_space<semaphore_mem>>) src(%dma_wait3A_238 : memref<80xi32, #tpu.memory_space<hbm>>) dst(%arg18 : memref<80xi32, #tpu.memory_space<vmem>>)
    %dma_wait3A_239 = arith.constant 0 : i32
    %dma_wait3A_240 = tpu.memref_slice %arg2[%dma_wait3A_239] : memref<320000xi32, #tpu.memory_space<hbm>> -> memref<80xi32, #tpu.memory_space<hbm>>
    %dma_wait3A_241 = arith.constant 0 : i32
    %dma_wait3A_242 = tpu.memref_slice %arg2[%dma_wait3A_241] : memref<320000xi32, #tpu.memory_space<hbm>> -> memref<80xi32, #tpu.memory_space<hbm>>
    tpu.wait_dma2 semaphore(%arg38 : memref<!tpu.dma_semaphore, #tpu.memory_space<semaphore_mem>>) src(%dma_wait3A_242 : memref<80xi32, #tpu.memory_space<hbm>>) dst(%arg9 : memref<80xi32, #tpu.memory_space<vmem>>)
    %dma_wait3A_243 = arith.constant 0 : i32
    %dma_wait3A_244 = tpu.memref_slice %arg3[%dma_wait3A_243] : memref<320000xi32, #tpu.memory_space<hbm>> -> memref<80xi32, #tpu.memory_space<hbm>>
    %dma_wait3A_245 = arith.constant 0 : i32
    %dma_wait3A_246 = tpu.memref_slice %arg3[%dma_wait3A_245] : memref<320000xi32, #tpu.memory_space<hbm>> -> memref<80xi32, #tpu.memory_space<hbm>>
    tpu.wait_dma2 semaphore(%arg38 : memref<!tpu.dma_semaphore, #tpu.memory_space<semaphore_mem>>) src(%dma_wait3A_246 : memref<80xi32, #tpu.memory_space<hbm>>) dst(%arg19 : memref<80xi32, #tpu.memory_space<vmem>>)
    %dma_wait3A_247 = arith.constant 0 : i32
    %dma_wait3A_248 = tpu.memref_slice %arg2[%dma_wait3A_247] : memref<320000xi32, #tpu.memory_space<hbm>> -> memref<80xi32, #tpu.memory_space<hbm>>
    %dma_wait3A_249 = arith.constant 0 : i32
    %dma_wait3A_250 = tpu.memref_slice %arg2[%dma_wait3A_249] : memref<320000xi32, #tpu.memory_space<hbm>> -> memref<80xi32, #tpu.memory_space<hbm>>
    tpu.wait_dma2 semaphore(%arg38 : memref<!tpu.dma_semaphore, #tpu.memory_space<semaphore_mem>>) src(%dma_wait3A_250 : memref<80xi32, #tpu.memory_space<hbm>>) dst(%arg10 : memref<80xi32, #tpu.memory_space<vmem>>)
    %dma_wait3A_251 = arith.constant 0 : i32
    %dma_wait3A_252 = tpu.memref_slice %arg3[%dma_wait3A_251] : memref<320000xi32, #tpu.memory_space<hbm>> -> memref<80xi32, #tpu.memory_space<hbm>>
    %dma_wait3A_253 = arith.constant 0 : i32
    %dma_wait3A_254 = tpu.memref_slice %arg3[%dma_wait3A_253] : memref<320000xi32, #tpu.memory_space<hbm>> -> memref<80xi32, #tpu.memory_space<hbm>>
    tpu.wait_dma2 semaphore(%arg38 : memref<!tpu.dma_semaphore, #tpu.memory_space<semaphore_mem>>) src(%dma_wait3A_254 : memref<80xi32, #tpu.memory_space<hbm>>) dst(%arg20 : memref<80xi32, #tpu.memory_space<vmem>>)
    %dma_wait3A_255 = arith.constant 0 : i32
    %dma_wait3A_256 = tpu.memref_slice %arg2[%dma_wait3A_255] : memref<320000xi32, #tpu.memory_space<hbm>> -> memref<80xi32, #tpu.memory_space<hbm>>
    %dma_wait3A_257 = arith.constant 0 : i32
    %dma_wait3A_258 = tpu.memref_slice %arg2[%dma_wait3A_257] : memref<320000xi32, #tpu.memory_space<hbm>> -> memref<80xi32, #tpu.memory_space<hbm>>
    tpu.wait_dma2 semaphore(%arg38 : memref<!tpu.dma_semaphore, #tpu.memory_space<semaphore_mem>>) src(%dma_wait3A_258 : memref<80xi32, #tpu.memory_space<hbm>>) dst(%arg11 : memref<80xi32, #tpu.memory_space<vmem>>)
    %dma_wait3A_259 = arith.constant 0 : i32
    %dma_wait3A_260 = tpu.memref_slice %arg3[%dma_wait3A_259] : memref<320000xi32, #tpu.memory_space<hbm>> -> memref<80xi32, #tpu.memory_space<hbm>>
    %dma_wait3A_261 = arith.constant 0 : i32
    %dma_wait3A_262 = tpu.memref_slice %arg3[%dma_wait3A_261] : memref<320000xi32, #tpu.memory_space<hbm>> -> memref<80xi32, #tpu.memory_space<hbm>>
    tpu.wait_dma2 semaphore(%arg38 : memref<!tpu.dma_semaphore, #tpu.memory_space<semaphore_mem>>) src(%dma_wait3A_262 : memref<80xi32, #tpu.memory_space<hbm>>) dst(%arg21 : memref<80xi32, #tpu.memory_space<vmem>>)
    %dma_start3A_263 = arith.constant 0 : i32
    %dma_start3A_264 = arith.constant 0 : i32
    %dma_start3A_265 = tpu.memref_slice %arg4[%dma_start3A_263, %dma_start3A_264] : memref<10000x64xf32, #tpu.memory_space<hbm>> -> memref<10000x64xf32, #tpu.memory_space<hbm>>
    tpu.enqueue_indirect_dma source(%dma_start3A_265 : memref<10000x64xf32, #tpu.memory_space<hbm>>) target(%arg27 : memref<80x64xf32, #tpu.memory_space<vmem>>) offsets(%arg7 : memref<80xi32, #tpu.memory_space<vmem>>) semaphore(%arg40 : memref<!tpu.dma_semaphore, #tpu.memory_space<semaphore_mem>>)
    %dma_start3A_266 = arith.constant 0 : i32
    %dma_start3A_267 = arith.constant 0 : i32
    %dma_start3A_268 = tpu.memref_slice %arg4[%dma_start3A_266, %dma_start3A_267] : memref<10000x64xf32, #tpu.memory_space<hbm>> -> memref<10000x64xf32, #tpu.memory_space<hbm>>
    tpu.enqueue_indirect_dma source(%dma_start3A_268 : memref<10000x64xf32, #tpu.memory_space<hbm>>) target(%arg28 : memref<80x64xf32, #tpu.memory_space<vmem>>) offsets(%arg8 : memref<80xi32, #tpu.memory_space<vmem>>) semaphore(%arg40 : memref<!tpu.dma_semaphore, #tpu.memory_space<semaphore_mem>>)
    %dma_start3A_269 = arith.constant 0 : i32
    %dma_start3A_270 = arith.constant 0 : i32
    %dma_start3A_271 = tpu.memref_slice %arg4[%dma_start3A_269, %dma_start3A_270] : memref<10000x64xf32, #tpu.memory_space<hbm>> -> memref<10000x64xf32, #tpu.memory_space<hbm>>
    tpu.enqueue_indirect_dma source(%dma_start3A_271 : memref<10000x64xf32, #tpu.memory_space<hbm>>) target(%arg29 : memref<80x64xf32, #tpu.memory_space<vmem>>) offsets(%arg9 : memref<80xi32, #tpu.memory_space<vmem>>) semaphore(%arg40 : memref<!tpu.dma_semaphore, #tpu.memory_space<semaphore_mem>>)
    %dma_start3A_272 = arith.constant 0 : i32
    %dma_start3A_273 = arith.constant 0 : i32
    %dma_start3A_274 = tpu.memref_slice %arg4[%dma_start3A_272, %dma_start3A_273] : memref<10000x64xf32, #tpu.memory_space<hbm>> -> memref<10000x64xf32, #tpu.memory_space<hbm>>
    tpu.enqueue_indirect_dma source(%dma_start3A_274 : memref<10000x64xf32, #tpu.memory_space<hbm>>) target(%arg30 : memref<80x64xf32, #tpu.memory_space<vmem>>) offsets(%arg10 : memref<80xi32, #tpu.memory_space<vmem>>) semaphore(%arg40 : memref<!tpu.dma_semaphore, #tpu.memory_space<semaphore_mem>>)
    %dma_start3A_275 = arith.constant 0 : i32
    %dma_start3A_276 = arith.constant 0 : i32
    %dma_start3A_277 = tpu.memref_slice %arg4[%dma_start3A_275, %dma_start3A_276] : memref<10000x64xf32, #tpu.memory_space<hbm>> -> memref<10000x64xf32, #tpu.memory_space<hbm>>
    tpu.enqueue_indirect_dma source(%dma_start3A_277 : memref<10000x64xf32, #tpu.memory_space<hbm>>) target(%arg31 : memref<80x64xf32, #tpu.memory_space<vmem>>) offsets(%arg11 : memref<80xi32, #tpu.memory_space<vmem>>) semaphore(%arg40 : memref<!tpu.dma_semaphore, #tpu.memory_space<semaphore_mem>>)
    %dma_wait3A_278 = arith.constant 0 : i32
    %dma_wait3A_279 = arith.constant 0 : i32
    %dma_wait3A_280 = tpu.memref_slice %arg4[%dma_wait3A_278, %dma_wait3A_279] : memref<10000x64xf32, #tpu.memory_space<hbm>> -> memref<10000x64xf32, #tpu.memory_space<hbm>>
    tpu.wait_indirect_dma semaphore(%arg41 : memref<!tpu.dma_semaphore, #tpu.memory_space<semaphore_mem>>) src(%dma_wait3A_280 : memref<10000x64xf32, #tpu.memory_space<hbm>>) dst(%arg32 : memref<80x64xf32, #tpu.memory_space<vmem>>)
    %dma_wait3A_281 = arith.constant 0 : i32
    %dma_wait3A_282 = arith.constant 0 : i32
    %dma_wait3A_283 = tpu.memref_slice %arg4[%dma_wait3A_281, %dma_wait3A_282] : memref<10000x64xf32, #tpu.memory_space<hbm>> -> memref<10000x64xf32, #tpu.memory_space<hbm>>
    tpu.wait_indirect_dma semaphore(%arg41 : memref<!tpu.dma_semaphore, #tpu.memory_space<semaphore_mem>>) src(%dma_wait3A_283 : memref<10000x64xf32, #tpu.memory_space<hbm>>) dst(%arg33 : memref<80x64xf32, #tpu.memory_space<vmem>>)
    %dma_wait3A_284 = arith.constant 0 : i32
    %dma_wait3A_285 = arith.constant 0 : i32
    %dma_wait3A_286 = tpu.memref_slice %arg4[%dma_wait3A_284, %dma_wait3A_285] : memref<10000x64xf32, #tpu.memory_space<hbm>> -> memref<10000x64xf32, #tpu.memory_space<hbm>>
    tpu.wait_indirect_dma semaphore(%arg41 : memref<!tpu.dma_semaphore, #tpu.memory_space<semaphore_mem>>) src(%dma_wait3A_286 : memref<10000x64xf32, #tpu.memory_space<hbm>>) dst(%arg34 : memref<80x64xf32, #tpu.memory_space<vmem>>)
    %dma_wait3A_287 = arith.constant 0 : i32
    %dma_wait3A_288 = arith.constant 0 : i32
    %dma_wait3A_289 = tpu.memref_slice %arg4[%dma_wait3A_287, %dma_wait3A_288] : memref<10000x64xf32, #tpu.memory_space<hbm>> -> memref<10000x64xf32, #tpu.memory_space<hbm>>
    tpu.wait_indirect_dma semaphore(%arg41 : memref<!tpu.dma_semaphore, #tpu.memory_space<semaphore_mem>>) src(%dma_wait3A_289 : memref<10000x64xf32, #tpu.memory_space<hbm>>) dst(%arg35 : memref<80x64xf32, #tpu.memory_space<vmem>>)
    %dma_wait3A_290 = arith.constant 0 : i32
    %dma_wait3A_291 = arith.constant 0 : i32
    %dma_wait3A_292 = tpu.memref_slice %arg4[%dma_wait3A_290, %dma_wait3A_291] : memref<10000x64xf32, #tpu.memory_space<hbm>> -> memref<10000x64xf32, #tpu.memory_space<hbm>>
    tpu.wait_indirect_dma semaphore(%arg41 : memref<!tpu.dma_semaphore, #tpu.memory_space<semaphore_mem>>) src(%dma_wait3A_292 : memref<10000x64xf32, #tpu.memory_space<hbm>>) dst(%arg36 : memref<80x64xf32, #tpu.memory_space<vmem>>)
    "tpu.region"() ({
      %run_scoped3A = tpu.sem_alloc : memref<!tpu.dma_semaphore, #tpu.memory_space<semaphore_mem>>
      %dma_start3A_309 = arith.constant 0 : i32
      %dma_start3A_310 = arith.constant 0 : i32
      %dma_start3A_311 = tpu.memref_slice %arg37[%dma_start3A_309, %dma_start3A_310] : memref<10112x64xf32, #tpu.memory_space<vmem_shared>> -> memref<10112x64xf32, #tpu.memory_space<vmem_shared>>
      tpu.enqueue_indirect_dma source(%arg32 : memref<80x64xf32, #tpu.memory_space<vmem>>) target(%dma_start3A_311 : memref<10112x64xf32, #tpu.memory_space<vmem_shared>>) offsets(%arg22 : memref<80xi32, #tpu.memory_space<vmem>>) semaphore(%run_scoped3A : memref<!tpu.dma_semaphore, #tpu.memory_space<semaphore_mem>>) {add = true}
      %dma_wait3A_312 = arith.constant 0 : i32
      %dma_wait3A_313 = arith.constant 0 : i32
      %dma_wait3A_314 = tpu.memref_slice %arg37[%dma_wait3A_312, %dma_wait3A_313] : memref<10112x64xf32, #tpu.memory_space<vmem_shared>> -> memref<10112x64xf32, #tpu.memory_space<vmem_shared>>
      tpu.wait_indirect_dma semaphore(%run_scoped3A : memref<!tpu.dma_semaphore, #tpu.memory_space<semaphore_mem>>) src(%arg32 : memref<80x64xf32, #tpu.memory_space<vmem>>) dst(%dma_wait3A_314 : memref<10112x64xf32, #tpu.memory_space<vmem_shared>>)
      tpu.yield
    }) : () -> ()
    "tpu.region"() ({
      %run_scoped3A = tpu.sem_alloc : memref<!tpu.dma_semaphore, #tpu.memory_space<semaphore_mem>>
      %dma_start3A_309 = arith.constant 0 : i32
      %dma_start3A_310 = arith.constant 0 : i32
      %dma_start3A_311 = tpu.memref_slice %arg37[%dma_start3A_309, %dma_start3A_310] : memref<10112x64xf32, #tpu.memory_space<vmem_shared>> -> memref<10112x64xf32, #tpu.memory_space<vmem_shared>>
      tpu.enqueue_indirect_dma source(%arg33 : memref<80x64xf32, #tpu.memory_space<vmem>>) target(%dma_start3A_311 : memref<10112x64xf32, #tpu.memory_space<vmem_shared>>) offsets(%arg23 : memref<80xi32, #tpu.memory_space<vmem>>) semaphore(%run_scoped3A : memref<!tpu.dma_semaphore, #tpu.memory_space<semaphore_mem>>) {add = true}
      %dma_wait3A_312 = arith.constant 0 : i32
      %dma_wait3A_313 = arith.constant 0 : i32
      %dma_wait3A_314 = tpu.memref_slice %arg37[%dma_wait3A_312, %dma_wait3A_313] : memref<10112x64xf32, #tpu.memory_space<vmem_shared>> -> memref<10112x64xf32, #tpu.memory_space<vmem_shared>>
      tpu.wait_indirect_dma semaphore(%run_scoped3A : memref<!tpu.dma_semaphore, #tpu.memory_space<semaphore_mem>>) src(%arg33 : memref<80x64xf32, #tpu.memory_space<vmem>>) dst(%dma_wait3A_314 : memref<10112x64xf32, #tpu.memory_space<vmem_shared>>)
      tpu.yield
    }) : () -> ()
    "tpu.region"() ({
      %run_scoped3A = tpu.sem_alloc : memref<!tpu.dma_semaphore, #tpu.memory_space<semaphore_mem>>
      %dma_start3A_309 = arith.constant 0 : i32
      %dma_start3A_310 = arith.constant 0 : i32
      %dma_start3A_311 = tpu.memref_slice %arg37[%dma_start3A_309, %dma_start3A_310] : memref<10112x64xf32, #tpu.memory_space<vmem_shared>> -> memref<10112x64xf32, #tpu.memory_space<vmem_shared>>
      tpu.enqueue_indirect_dma source(%arg34 : memref<80x64xf32, #tpu.memory_space<vmem>>) target(%dma_start3A_311 : memref<10112x64xf32, #tpu.memory_space<vmem_shared>>) offsets(%arg24 : memref<80xi32, #tpu.memory_space<vmem>>) semaphore(%run_scoped3A : memref<!tpu.dma_semaphore, #tpu.memory_space<semaphore_mem>>) {add = true}
      %dma_wait3A_312 = arith.constant 0 : i32
      %dma_wait3A_313 = arith.constant 0 : i32
      %dma_wait3A_314 = tpu.memref_slice %arg37[%dma_wait3A_312, %dma_wait3A_313] : memref<10112x64xf32, #tpu.memory_space<vmem_shared>> -> memref<10112x64xf32, #tpu.memory_space<vmem_shared>>
      tpu.wait_indirect_dma semaphore(%run_scoped3A : memref<!tpu.dma_semaphore, #tpu.memory_space<semaphore_mem>>) src(%arg34 : memref<80x64xf32, #tpu.memory_space<vmem>>) dst(%dma_wait3A_314 : memref<10112x64xf32, #tpu.memory_space<vmem_shared>>)
      tpu.yield
    }) : () -> ()
    "tpu.region"() ({
      %run_scoped3A = tpu.sem_alloc : memref<!tpu.dma_semaphore, #tpu.memory_space<semaphore_mem>>
      %dma_start3A_309 = arith.constant 0 : i32
      %dma_start3A_310 = arith.constant 0 : i32
      %dma_start3A_311 = tpu.memref_slice %arg37[%dma_start3A_309, %dma_start3A_310] : memref<10112x64xf32, #tpu.memory_space<vmem_shared>> -> memref<10112x64xf32, #tpu.memory_space<vmem_shared>>
      tpu.enqueue_indirect_dma source(%arg35 : memref<80x64xf32, #tpu.memory_space<vmem>>) target(%dma_start3A_311 : memref<10112x64xf32, #tpu.memory_space<vmem_shared>>) offsets(%arg25 : memref<80xi32, #tpu.memory_space<vmem>>) semaphore(%run_scoped3A : memref<!tpu.dma_semaphore, #tpu.memory_space<semaphore_mem>>) {add = true}
      %dma_wait3A_312 = arith.constant 0 : i32
      %dma_wait3A_313 = arith.constant 0 : i32
      %dma_wait3A_314 = tpu.memref_slice %arg37[%dma_wait3A_312, %dma_wait3A_313] : memref<10112x64xf32, #tpu.memory_space<vmem_shared>> -> memref<10112x64xf32, #tpu.memory_space<vmem_shared>>
      tpu.wait_indirect_dma semaphore(%run_scoped3A : memref<!tpu.dma_semaphore, #tpu.memory_space<semaphore_mem>>) src(%arg35 : memref<80x64xf32, #tpu.memory_space<vmem>>) dst(%dma_wait3A_314 : memref<10112x64xf32, #tpu.memory_space<vmem_shared>>)
      tpu.yield
    }) : () -> ()
    "tpu.region"() ({
      %run_scoped3A = tpu.sem_alloc : memref<!tpu.dma_semaphore, #tpu.memory_space<semaphore_mem>>
      %dma_start3A_309 = arith.constant 0 : i32
      %dma_start3A_310 = arith.constant 0 : i32
      %dma_start3A_311 = tpu.memref_slice %arg37[%dma_start3A_309, %dma_start3A_310] : memref<10112x64xf32, #tpu.memory_space<vmem_shared>> -> memref<10112x64xf32, #tpu.memory_space<vmem_shared>>
      tpu.enqueue_indirect_dma source(%arg36 : memref<80x64xf32, #tpu.memory_space<vmem>>) target(%dma_start3A_311 : memref<10112x64xf32, #tpu.memory_space<vmem_shared>>) offsets(%arg26 : memref<80xi32, #tpu.memory_space<vmem>>) semaphore(%run_scoped3A : memref<!tpu.dma_semaphore, #tpu.memory_space<semaphore_mem>>) {add = true}
      %dma_wait3A_312 = arith.constant 0 : i32
      %dma_wait3A_313 = arith.constant 0 : i32
      %dma_wait3A_314 = tpu.memref_slice %arg37[%dma_wait3A_312, %dma_wait3A_313] : memref<10112x64xf32, #tpu.memory_space<vmem_shared>> -> memref<10112x64xf32, #tpu.memory_space<vmem_shared>>
      tpu.wait_indirect_dma semaphore(%run_scoped3A : memref<!tpu.dma_semaphore, #tpu.memory_space<semaphore_mem>>) src(%arg36 : memref<80x64xf32, #tpu.memory_space<vmem>>) dst(%dma_wait3A_314 : memref<10112x64xf32, #tpu.memory_space<vmem_shared>>)
      tpu.yield
    }) : () -> ()
    %dma_wait3A_293 = arith.constant 0 : i32
    %dma_wait3A_294 = arith.constant 0 : i32
    %dma_wait3A_295 = tpu.memref_slice %arg4[%dma_wait3A_293, %dma_wait3A_294] : memref<10000x64xf32, #tpu.memory_space<hbm>> -> memref<10000x64xf32, #tpu.memory_space<hbm>>
    tpu.wait_indirect_dma semaphore(%arg40 : memref<!tpu.dma_semaphore, #tpu.memory_space<semaphore_mem>>) src(%dma_wait3A_295 : memref<10000x64xf32, #tpu.memory_space<hbm>>) dst(%arg27 : memref<80x64xf32, #tpu.memory_space<vmem>>)
    %dma_wait3A_296 = arith.constant 0 : i32
    %dma_wait3A_297 = arith.constant 0 : i32
    %dma_wait3A_298 = tpu.memref_slice %arg4[%dma_wait3A_296, %dma_wait3A_297] : memref<10000x64xf32, #tpu.memory_space<hbm>> -> memref<10000x64xf32, #tpu.memory_space<hbm>>
    tpu.wait_indirect_dma semaphore(%arg40 : memref<!tpu.dma_semaphore, #tpu.memory_space<semaphore_mem>>) src(%dma_wait3A_298 : memref<10000x64xf32, #tpu.memory_space<hbm>>) dst(%arg28 : memref<80x64xf32, #tpu.memory_space<vmem>>)
    %dma_wait3A_299 = arith.constant 0 : i32
    %dma_wait3A_300 = arith.constant 0 : i32
    %dma_wait3A_301 = tpu.memref_slice %arg4[%dma_wait3A_299, %dma_wait3A_300] : memref<10000x64xf32, #tpu.memory_space<hbm>> -> memref<10000x64xf32, #tpu.memory_space<hbm>>
    tpu.wait_indirect_dma semaphore(%arg40 : memref<!tpu.dma_semaphore, #tpu.memory_space<semaphore_mem>>) src(%dma_wait3A_301 : memref<10000x64xf32, #tpu.memory_space<hbm>>) dst(%arg29 : memref<80x64xf32, #tpu.memory_space<vmem>>)
    %dma_wait3A_302 = arith.constant 0 : i32
    %dma_wait3A_303 = arith.constant 0 : i32
    %dma_wait3A_304 = tpu.memref_slice %arg4[%dma_wait3A_302, %dma_wait3A_303] : memref<10000x64xf32, #tpu.memory_space<hbm>> -> memref<10000x64xf32, #tpu.memory_space<hbm>>
    tpu.wait_indirect_dma semaphore(%arg40 : memref<!tpu.dma_semaphore, #tpu.memory_space<semaphore_mem>>) src(%dma_wait3A_304 : memref<10000x64xf32, #tpu.memory_space<hbm>>) dst(%arg30 : memref<80x64xf32, #tpu.memory_space<vmem>>)
    %dma_wait3A_305 = arith.constant 0 : i32
    %dma_wait3A_306 = arith.constant 0 : i32
    %dma_wait3A_307 = tpu.memref_slice %arg4[%dma_wait3A_305, %dma_wait3A_306] : memref<10000x64xf32, #tpu.memory_space<hbm>> -> memref<10000x64xf32, #tpu.memory_space<hbm>>
    tpu.wait_indirect_dma semaphore(%arg40 : memref<!tpu.dma_semaphore, #tpu.memory_space<semaphore_mem>>) src(%dma_wait3A_307 : memref<10000x64xf32, #tpu.memory_space<hbm>>) dst(%arg31 : memref<80x64xf32, #tpu.memory_space<vmem>>)
    "tpu.region"() ({
      %run_scoped3A = tpu.sem_alloc : memref<!tpu.dma_semaphore, #tpu.memory_space<semaphore_mem>>
      %dma_start3A_309 = arith.constant 0 : i32
      %dma_start3A_310 = arith.constant 0 : i32
      %dma_start3A_311 = tpu.memref_slice %arg37[%dma_start3A_309, %dma_start3A_310] : memref<10112x64xf32, #tpu.memory_space<vmem_shared>> -> memref<10112x64xf32, #tpu.memory_space<vmem_shared>>
      tpu.enqueue_indirect_dma source(%arg27 : memref<80x64xf32, #tpu.memory_space<vmem>>) target(%dma_start3A_311 : memref<10112x64xf32, #tpu.memory_space<vmem_shared>>) offsets(%arg17 : memref<80xi32, #tpu.memory_space<vmem>>) semaphore(%run_scoped3A : memref<!tpu.dma_semaphore, #tpu.memory_space<semaphore_mem>>) {add = true}
      %dma_wait3A_312 = arith.constant 0 : i32
      %dma_wait3A_313 = arith.constant 0 : i32
      %dma_wait3A_314 = tpu.memref_slice %arg37[%dma_wait3A_312, %dma_wait3A_313] : memref<10112x64xf32, #tpu.memory_space<vmem_shared>> -> memref<10112x64xf32, #tpu.memory_space<vmem_shared>>
      tpu.wait_indirect_dma semaphore(%run_scoped3A : memref<!tpu.dma_semaphore, #tpu.memory_space<semaphore_mem>>) src(%arg27 : memref<80x64xf32, #tpu.memory_space<vmem>>) dst(%dma_wait3A_314 : memref<10112x64xf32, #tpu.memory_space<vmem_shared>>)
      tpu.yield
    }) : () -> ()
    "tpu.region"() ({
      %run_scoped3A = tpu.sem_alloc : memref<!tpu.dma_semaphore, #tpu.memory_space<semaphore_mem>>
      %dma_start3A_309 = arith.constant 0 : i32
      %dma_start3A_310 = arith.constant 0 : i32
      %dma_start3A_311 = tpu.memref_slice %arg37[%dma_start3A_309, %dma_start3A_310] : memref<10112x64xf32, #tpu.memory_space<vmem_shared>> -> memref<10112x64xf32, #tpu.memory_space<vmem_shared>>
      tpu.enqueue_indirect_dma source(%arg28 : memref<80x64xf32, #tpu.memory_space<vmem>>) target(%dma_start3A_311 : memref<10112x64xf32, #tpu.memory_space<vmem_shared>>) offsets(%arg18 : memref<80xi32, #tpu.memory_space<vmem>>) semaphore(%run_scoped3A : memref<!tpu.dma_semaphore, #tpu.memory_space<semaphore_mem>>) {add = true}
      %dma_wait3A_312 = arith.constant 0 : i32
      %dma_wait3A_313 = arith.constant 0 : i32
      %dma_wait3A_314 = tpu.memref_slice %arg37[%dma_wait3A_312, %dma_wait3A_313] : memref<10112x64xf32, #tpu.memory_space<vmem_shared>> -> memref<10112x64xf32, #tpu.memory_space<vmem_shared>>
      tpu.wait_indirect_dma semaphore(%run_scoped3A : memref<!tpu.dma_semaphore, #tpu.memory_space<semaphore_mem>>) src(%arg28 : memref<80x64xf32, #tpu.memory_space<vmem>>) dst(%dma_wait3A_314 : memref<10112x64xf32, #tpu.memory_space<vmem_shared>>)
      tpu.yield
    }) : () -> ()
    "tpu.region"() ({
      %run_scoped3A = tpu.sem_alloc : memref<!tpu.dma_semaphore, #tpu.memory_space<semaphore_mem>>
      %dma_start3A_309 = arith.constant 0 : i32
      %dma_start3A_310 = arith.constant 0 : i32
      %dma_start3A_311 = tpu.memref_slice %arg37[%dma_start3A_309, %dma_start3A_310] : memref<10112x64xf32, #tpu.memory_space<vmem_shared>> -> memref<10112x64xf32, #tpu.memory_space<vmem_shared>>
      tpu.enqueue_indirect_dma source(%arg29 : memref<80x64xf32, #tpu.memory_space<vmem>>) target(%dma_start3A_311 : memref<10112x64xf32, #tpu.memory_space<vmem_shared>>) offsets(%arg19 : memref<80xi32, #tpu.memory_space<vmem>>) semaphore(%run_scoped3A : memref<!tpu.dma_semaphore, #tpu.memory_space<semaphore_mem>>) {add = true}
      %dma_wait3A_312 = arith.constant 0 : i32
      %dma_wait3A_313 = arith.constant 0 : i32
      %dma_wait3A_314 = tpu.memref_slice %arg37[%dma_wait3A_312, %dma_wait3A_313] : memref<10112x64xf32, #tpu.memory_space<vmem_shared>> -> memref<10112x64xf32, #tpu.memory_space<vmem_shared>>
      tpu.wait_indirect_dma semaphore(%run_scoped3A : memref<!tpu.dma_semaphore, #tpu.memory_space<semaphore_mem>>) src(%arg29 : memref<80x64xf32, #tpu.memory_space<vmem>>) dst(%dma_wait3A_314 : memref<10112x64xf32, #tpu.memory_space<vmem_shared>>)
      tpu.yield
    }) : () -> ()
    "tpu.region"() ({
      %run_scoped3A = tpu.sem_alloc : memref<!tpu.dma_semaphore, #tpu.memory_space<semaphore_mem>>
      %dma_start3A_309 = arith.constant 0 : i32
      %dma_start3A_310 = arith.constant 0 : i32
      %dma_start3A_311 = tpu.memref_slice %arg37[%dma_start3A_309, %dma_start3A_310] : memref<10112x64xf32, #tpu.memory_space<vmem_shared>> -> memref<10112x64xf32, #tpu.memory_space<vmem_shared>>
      tpu.enqueue_indirect_dma source(%arg30 : memref<80x64xf32, #tpu.memory_space<vmem>>) target(%dma_start3A_311 : memref<10112x64xf32, #tpu.memory_space<vmem_shared>>) offsets(%arg20 : memref<80xi32, #tpu.memory_space<vmem>>) semaphore(%run_scoped3A : memref<!tpu.dma_semaphore, #tpu.memory_space<semaphore_mem>>) {add = true}
      %dma_wait3A_312 = arith.constant 0 : i32
      %dma_wait3A_313 = arith.constant 0 : i32
      %dma_wait3A_314 = tpu.memref_slice %arg37[%dma_wait3A_312, %dma_wait3A_313] : memref<10112x64xf32, #tpu.memory_space<vmem_shared>> -> memref<10112x64xf32, #tpu.memory_space<vmem_shared>>
      tpu.wait_indirect_dma semaphore(%run_scoped3A : memref<!tpu.dma_semaphore, #tpu.memory_space<semaphore_mem>>) src(%arg30 : memref<80x64xf32, #tpu.memory_space<vmem>>) dst(%dma_wait3A_314 : memref<10112x64xf32, #tpu.memory_space<vmem_shared>>)
      tpu.yield
    }) : () -> ()
    "tpu.region"() ({
      %run_scoped3A = tpu.sem_alloc : memref<!tpu.dma_semaphore, #tpu.memory_space<semaphore_mem>>
      %dma_start3A_309 = arith.constant 0 : i32
      %dma_start3A_310 = arith.constant 0 : i32
      %dma_start3A_311 = tpu.memref_slice %arg37[%dma_start3A_309, %dma_start3A_310] : memref<10112x64xf32, #tpu.memory_space<vmem_shared>> -> memref<10112x64xf32, #tpu.memory_space<vmem_shared>>
      tpu.enqueue_indirect_dma source(%arg31 : memref<80x64xf32, #tpu.memory_space<vmem>>) target(%dma_start3A_311 : memref<10112x64xf32, #tpu.memory_space<vmem_shared>>) offsets(%arg21 : memref<80xi32, #tpu.memory_space<vmem>>) semaphore(%run_scoped3A : memref<!tpu.dma_semaphore, #tpu.memory_space<semaphore_mem>>) {add = true}
      %dma_wait3A_312 = arith.constant 0 : i32
      %dma_wait3A_313 = arith.constant 0 : i32
      %dma_wait3A_314 = tpu.memref_slice %arg37[%dma_wait3A_312, %dma_wait3A_313] : memref<10112x64xf32, #tpu.memory_space<vmem_shared>> -> memref<10112x64xf32, #tpu.memory_space<vmem_shared>>
      tpu.wait_indirect_dma semaphore(%run_scoped3A : memref<!tpu.dma_semaphore, #tpu.memory_space<semaphore_mem>>) src(%arg31 : memref<80x64xf32, #tpu.memory_space<vmem>>) dst(%dma_wait3A_314 : memref<10112x64xf32, #tpu.memory_space<vmem_shared>>)
      tpu.yield
    }) : () -> ()
    %barrier3A_308 = arith.constant 0 : index
    tpu.barrier barrier_id(%barrier3A_308)
    "tpu.region"() ({
      %run_scoped3A = tpu.sem_alloc : memref<!tpu.dma_semaphore, #tpu.memory_space<semaphore_mem>>
      %dma_start3A_309 = arith.constant 0 : i32
      %dma_start3A_310 = tpu.memref_slice %arg6[%arg0, %mul3A_2, %dma_start3A_309] : memref<2x10112x64xf32, #tpu.memory_space<hbm>> -> memref<1x632x64xf32, #tpu.memory_space<hbm>>
      %dma_start3A_311 = tpu.memref_squeeze %dma_start3A_310 : memref<1x632x64xf32, #tpu.memory_space<hbm>> -> memref<632x64xf32, #tpu.memory_space<hbm>>
      %dma_start3A_312 = arith.constant 0 : i32
      %dma_start3A_313 = tpu.memref_slice %arg37[%mul3A_2, %dma_start3A_312] : memref<10112x64xf32, #tpu.memory_space<vmem_shared>> -> memref<632x64xf32, #tpu.memory_space<vmem_shared>>
      tpu.enqueue_dma source(%dma_start3A_313 : memref<632x64xf32, #tpu.memory_space<vmem_shared>>) target(%dma_start3A_311 : memref<632x64xf32, #tpu.memory_space<hbm>>) target_semaphore(%run_scoped3A : memref<!tpu.dma_semaphore, #tpu.memory_space<semaphore_mem>>)
      %dma_wait3A_314 = arith.constant 0 : i32
      %dma_wait3A_315 = tpu.memref_slice %arg6[%arg0, %mul3A_2, %dma_wait3A_314] : memref<2x10112x64xf32, #tpu.memory_space<hbm>> -> memref<1x632x64xf32, #tpu.memory_space<hbm>>
      %dma_wait3A_316 = tpu.memref_squeeze %dma_wait3A_315 : memref<1x632x64xf32, #tpu.memory_space<hbm>> -> memref<632x64xf32, #tpu.memory_space<hbm>>
      %dma_wait3A_317 = arith.constant 0 : i32
      %dma_wait3A_318 = tpu.memref_slice %arg37[%mul3A_2, %dma_wait3A_317] : memref<10112x64xf32, #tpu.memory_space<vmem_shared>> -> memref<632x64xf32, #tpu.memory_space<vmem_shared>>
      tpu.wait_dma2 semaphore(%run_scoped3A : memref<!tpu.dma_semaphore, #tpu.memory_space<semaphore_mem>>) src(%dma_wait3A_318 : memref<632x64xf32, #tpu.memory_space<vmem_shared>>) dst(%dma_wait3A_316 : memref<632x64xf32, #tpu.memory_space<hbm>>)
      tpu.yield
    }) : () -> ()
    return
  }
}

module attributes {stable_mosaic.version = 14 : i64} {
  func.func @_tc1_body(%arg0: i32, %arg1: memref<1000x128xf32, #tpu.memory_space<vmem>>, %arg2: memref<128x128xf32, #tpu.memory_space<vmem>>, %arg3: memref<1000x16xf32, #tpu.memory_space<vmem>>, %arg4: memref<1000x16xf32, #tpu.memory_space<vmem>>, %arg5: memref<1000x128xf32, #tpu.memory_space<vmem>>, %arg6: memref<1000x16xf32, #tpu.memory_space<vmem>>) attributes {dimension_semantics = [#tpu.dimension_semantics<arbitrary>], iteration_bounds = array<i64: 10>, scalar_prefetch = 0 : i64, scratch_operands = 0 : i64, tpu.core_type = #tpu.core_type<tc>, window_params = [{transform_indices = @transform_0, window_bounds = array<i64: 1000, 128>}, {pipeline_mode = #tpu.pipeline_mode<synchronous>, transform_indices = @transform_1, window_bounds = array<i64: 128, 128>}, {transform_indices = @transform_2, window_bounds = array<i64: 1000, 16>}, {transform_indices = @transform_3, window_bounds = array<i64: 1000, 16>}, {transform_indices = @transform_4, window_bounds = array<i64: 1000, 128>}, {transform_indices = @transform_5, window_bounds = array<i64: 1000, 16>}]} {
    %get3A = arith.constant 0 : index
    %get3A_0 = arith.constant 0 : index
    %get3A_1 = vector.load %arg3[%get3A, %get3A_0] : memref<1000x16xf32, #tpu.memory_space<vmem>>, vector<1000x16xf32>
    %get3A_2 = arith.constant 0 : index
    %get3A_3 = arith.constant 0 : index
    %get3A_4 = vector.load %arg4[%get3A_2, %get3A_3] : memref<1000x16xf32, #tpu.memory_space<vmem>>, vector<1000x16xf32>
    %add3A = arith.addf %get3A_1, %get3A_4 : vector<1000x16xf32>
    %add3A_5 = arith.constant 1.000000e+00 : f32
    %add3A_6 = vector.broadcast %add3A_5 : f32 to vector<1000x16xf32>
    %add3A_7 = arith.addf %add3A, %add3A_6 : vector<1000x16xf32>
    %rsqrt3A = math.rsqrt %add3A_7 : vector<1000x16xf32>
    %get3A_8 = arith.constant 0 : index
    %get3A_9 = arith.constant 0 : index
    %get3A_10 = vector.load %arg1[%get3A_8, %get3A_9] : memref<1000x128xf32, #tpu.memory_space<vmem>>, vector<1000x128xf32>
    %get3A_11 = arith.constant 0 : index
    %get3A_12 = arith.constant 0 : index
    %get3A_13 = vector.load %arg2[%get3A_11, %get3A_12] : memref<128x128xf32, #tpu.memory_space<vmem>>, vector<128x128xf32>
    %dot_general3A = arith.constant dense<0.000000e+00> : vector<1000x128xf32>
    %dot_general3A_14 = tpu.matmul %get3A_10, %get3A_13, %dot_general3A {dimension_numbers = #tpu.dot_dimension_numbers<[1], [0], [0], [1], [0, 0, 1, 1], [], []>, transpose_lhs_hint = false} : vector<1000x128xf32>, vector<128x128xf32>, vector<1000x128xf32> -> vector<1000x128xf32>
    %slice3A = vector.extract_strided_slice %rsqrt3A {offsets = [0, 0], sizes = [1000, 1], strides = [1, 1]} : vector<1000x16xf32> to vector<1000x1xf32>
    %mul3A = vector.broadcast %slice3A : vector<1000x1xf32> to vector<1000x128xf32>
    %mul3A_15 = arith.mulf %dot_general3A_14, %mul3A : vector<1000x128xf32>
    %swap3A = arith.constant 0 : index
    %swap3A_16 = arith.constant 0 : index
    %swap3A_17 = vector.load %arg5[%swap3A, %swap3A_16] : memref<1000x128xf32, #tpu.memory_space<vmem>>, vector<1000x128xf32>
    tpu.vector_store %arg5[%swap3A, %swap3A_16], %mul3A_15 {strides = array<i32>} : memref<1000x128xf32, #tpu.memory_space<vmem>>, vector<1000x128xf32>,
    %swap3A_18 = arith.constant 0 : index
    %swap3A_19 = arith.constant 0 : index
    %swap3A_20 = vector.load %arg6[%swap3A_18, %swap3A_19] : memref<1000x16xf32, #tpu.memory_space<vmem>>, vector<1000x16xf32>
    tpu.vector_store %arg6[%swap3A_18, %swap3A_19], %rsqrt3A {strides = array<i32>} : memref<1000x16xf32, #tpu.memory_space<vmem>>, vector<1000x16xf32>,
    return
  }
  func.func @transform_0(%arg0: i32) -> (i32, i32) {
    %c0_i32 = arith.constant 0 : i32
    %c0_i32_0 = arith.constant 0 : i32
    return %arg0, %c0_i32 : i32, i32
  }
  func.func @transform_1(%arg0: i32) -> (i32, i32) {
    %c0_i32 = arith.constant 0 : i32
    %c0_i32_0 = arith.constant 0 : i32
    %c0_i32_1 = arith.constant 0 : i32
    return %c0_i32, %c0_i32_0 : i32, i32
  }
  func.func @transform_2(%arg0: i32) -> (i32, i32) {
    %c0_i32 = arith.constant 0 : i32
    %c0_i32_0 = arith.constant 0 : i32
    return %arg0, %c0_i32 : i32, i32
  }
  func.func @transform_3(%arg0: i32) -> (i32, i32) {
    %c0_i32 = arith.constant 0 : i32
    %c0_i32_0 = arith.constant 0 : i32
    return %arg0, %c0_i32 : i32, i32
  }
  func.func @transform_4(%arg0: i32) -> (i32, i32) {
    %c0_i32 = arith.constant 0 : i32
    %c0_i32_0 = arith.constant 0 : i32
    return %arg0, %c0_i32 : i32, i32
  }
  func.func @transform_5(%arg0: i32) -> (i32, i32) {
    %c0_i32 = arith.constant 0 : i32
    %c0_i32_0 = arith.constant 0 : i32
    return %arg0, %c0_i32 : i32, i32
  }
}

module attributes {stable_mosaic.version = 14 : i64} {
  func.func @_tc2_body(%arg0: i32, %arg1: memref<1000x128xf32, #tpu.memory_space<vmem>>, %arg2: memref<1000x128xf32, #tpu.memory_space<vmem>>, %arg3: memref<1000x128xf32, #tpu.memory_space<vmem>>, %arg4: memref<1000x16xf32, #tpu.memory_space<vmem>>, %arg5: memref<1x128xf32, #tpu.memory_space<vmem>>, %arg6: memref<128x64xf32, #tpu.memory_space<vmem>>, %arg7: memref<1000x64xf32, #tpu.memory_space<vmem>>) attributes {dimension_semantics = [#tpu.dimension_semantics<arbitrary>], iteration_bounds = array<i64: 10>, scalar_prefetch = 0 : i64, scratch_operands = 0 : i64, tpu.core_type = #tpu.core_type<tc>, window_params = [{transform_indices = @transform_0, window_bounds = array<i64: 1000, 128>}, {transform_indices = @transform_1, window_bounds = array<i64: 1000, 128>}, {transform_indices = @transform_2, window_bounds = array<i64: 1000, 128>}, {transform_indices = @transform_3, window_bounds = array<i64: 1000, 16>}, {pipeline_mode = #tpu.pipeline_mode<synchronous>, transform_indices = @transform_4, window_bounds = array<i64: 1, 128>}, {pipeline_mode = #tpu.pipeline_mode<synchronous>, transform_indices = @transform_5, window_bounds = array<i64: 128, 64>}, {transform_indices = @transform_6, window_bounds = array<i64: 1000, 64>}]} {
    %get3A = arith.constant 0 : index
    %get3A_0 = arith.constant 0 : index
    %get3A_1 = vector.load %arg4[%get3A, %get3A_0] : memref<1000x16xf32, #tpu.memory_space<vmem>>, vector<1000x16xf32>
    %slice3A = vector.extract_strided_slice %get3A_1 {offsets = [0, 0], sizes = [1000, 1], strides = [1, 1]} : vector<1000x16xf32> to vector<1000x1xf32>
    %get3A_2 = arith.constant 0 : index
    %get3A_3 = arith.constant 0 : index
    %get3A_4 = vector.load %arg1[%get3A_2, %get3A_3] : memref<1000x128xf32, #tpu.memory_space<vmem>>, vector<1000x128xf32>
    %get3A_5 = arith.constant 0 : index
    %get3A_6 = arith.constant 0 : index
    %get3A_7 = vector.load %arg2[%get3A_5, %get3A_6] : memref<1000x128xf32, #tpu.memory_space<vmem>>, vector<1000x128xf32>
    %add3A = arith.addf %get3A_4, %get3A_7 : vector<1000x128xf32>
    %get3A_8 = arith.constant 0 : index
    %get3A_9 = arith.constant 0 : index
    %get3A_10 = vector.load %arg3[%get3A_8, %get3A_9] : memref<1000x128xf32, #tpu.memory_space<vmem>>, vector<1000x128xf32>
    %add3A_11 = arith.addf %add3A, %get3A_10 : vector<1000x128xf32>
    %mul3A = vector.broadcast %slice3A : vector<1000x1xf32> to vector<1000x128xf32>
    %mul3A_12 = arith.mulf %add3A_11, %mul3A : vector<1000x128xf32>
    %get3A_13 = arith.constant 0 : index
    %get3A_14 = arith.constant 0 : index
    %get3A_15 = vector.load %arg5[%get3A_13, %get3A_14] : memref<1x128xf32, #tpu.memory_space<vmem>>, vector<1x128xf32>
    %add3A_16 = vector.broadcast %get3A_15 : vector<1x128xf32> to vector<1000x128xf32>
    %add3A_17 = arith.addf %mul3A_12, %add3A_16 : vector<1000x128xf32>
    %max3A = arith.constant 0.000000e+00 : f32
    %max3A_18 = vector.broadcast %max3A : f32 to vector<1000x128xf32>
    %max3A_19 = arith.maximumf %add3A_17, %max3A_18 : vector<1000x128xf32>
    %get3A_20 = arith.constant 0 : index
    %get3A_21 = arith.constant 0 : index
    %get3A_22 = vector.load %arg6[%get3A_20, %get3A_21] : memref<128x64xf32, #tpu.memory_space<vmem>>, vector<128x64xf32>
    %dot_general3A = arith.constant dense<0.000000e+00> : vector<1000x64xf32>
    %dot_general3A_23 = tpu.matmul %max3A_19, %get3A_22, %dot_general3A {dimension_numbers = #tpu.dot_dimension_numbers<[1], [0], [0], [1], [0, 0, 1, 1], [], []>, transpose_lhs_hint = false} : vector<1000x128xf32>, vector<128x64xf32>, vector<1000x64xf32> -> vector<1000x64xf32>
    %mul3A_24 = vector.broadcast %slice3A : vector<1000x1xf32> to vector<1000x64xf32>
    %mul3A_25 = arith.mulf %dot_general3A_23, %mul3A_24 : vector<1000x64xf32>
    %swap3A = arith.constant 0 : index
    %swap3A_26 = arith.constant 0 : index
    %swap3A_27 = vector.load %arg7[%swap3A, %swap3A_26] : memref<1000x64xf32, #tpu.memory_space<vmem>>, vector<1000x64xf32>
    tpu.vector_store %arg7[%swap3A, %swap3A_26], %mul3A_25 {strides = array<i32>} : memref<1000x64xf32, #tpu.memory_space<vmem>>, vector<1000x64xf32>,
    return
  }
  func.func @transform_0(%arg0: i32) -> (i32, i32) {
    %c0_i32 = arith.constant 0 : i32
    %c0_i32_0 = arith.constant 0 : i32
    return %arg0, %c0_i32 : i32, i32
  }
  func.func @transform_1(%arg0: i32) -> (i32, i32) {
    %c0_i32 = arith.constant 0 : i32
    %c0_i32_0 = arith.constant 0 : i32
    return %arg0, %c0_i32 : i32, i32
  }
  func.func @transform_2(%arg0: i32) -> (i32, i32) {
    %c0_i32 = arith.constant 0 : i32
    %c0_i32_0 = arith.constant 0 : i32
    return %arg0, %c0_i32 : i32, i32
  }
  func.func @transform_3(%arg0: i32) -> (i32, i32) {
    %c0_i32 = arith.constant 0 : i32
    %c0_i32_0 = arith.constant 0 : i32
    return %arg0, %c0_i32 : i32, i32
  }
  func.func @transform_4(%arg0: i32) -> (i32, i32) {
    %c0_i32 = arith.constant 0 : i32
    %c0_i32_0 = arith.constant 0 : i32
    %c0_i32_1 = arith.constant 0 : i32
    return %c0_i32, %c0_i32_0 : i32, i32
  }
  func.func @transform_5(%arg0: i32) -> (i32, i32) {
    %c0_i32 = arith.constant 0 : i32
    %c0_i32_0 = arith.constant 0 : i32
    %c0_i32_1 = arith.constant 0 : i32
    return %c0_i32, %c0_i32_0 : i32, i32
  }
  func.func @transform_6(%arg0: i32) -> (i32, i32) {
    %c0_i32 = arith.constant 0 : i32
    %c0_i32_0 = arith.constant 0 : i32
    return %arg0, %c0_i32 : i32, i32
  }
}

module attributes {stable_mosaic.version = 14 : i64} {
  func.func @_tc3_body(%arg0: i32, %arg1: memref<1000x64xf32, #tpu.memory_space<vmem>>, %arg2: memref<1000x64xf32, #tpu.memory_space<vmem>>, %arg3: memref<1000x64xf32, #tpu.memory_space<vmem>>, %arg4: memref<1000x16xf32, #tpu.memory_space<vmem>>, %arg5: memref<1x32xf32, #tpu.memory_space<vmem>>, %arg6: memref<1x32xf32, #tpu.memory_space<vmem>>, %arg7: memref<1000x32xf32, #tpu.memory_space<vmem>>, %arg8: memref<1000x32xf32, #tpu.memory_space<vmem>>) attributes {dimension_semantics = [#tpu.dimension_semantics<arbitrary>], iteration_bounds = array<i64: 10>, scalar_prefetch = 0 : i64, scratch_operands = 0 : i64, tpu.core_type = #tpu.core_type<tc>, window_params = [{transform_indices = @transform_0, window_bounds = array<i64: 1000, 64>}, {transform_indices = @transform_1, window_bounds = array<i64: 1000, 64>}, {transform_indices = @transform_2, window_bounds = array<i64: 1000, 64>}, {transform_indices = @transform_3, window_bounds = array<i64: 1000, 16>}, {pipeline_mode = #tpu.pipeline_mode<synchronous>, transform_indices = @transform_4, window_bounds = array<i64: 1, 32>}, {pipeline_mode = #tpu.pipeline_mode<synchronous>, transform_indices = @transform_5, window_bounds = array<i64: 1, 32>}, {transform_indices = @transform_6, window_bounds = array<i64: 1000, 32>}, {transform_indices = @transform_7, window_bounds = array<i64: 1000, 32>}]} {
    %get3A = arith.constant 0 : index
    %get3A_0 = arith.constant 0 : index
    %get3A_1 = vector.load %arg4[%get3A, %get3A_0] : memref<1000x16xf32, #tpu.memory_space<vmem>>, vector<1000x16xf32>
    %slice3A = vector.extract_strided_slice %get3A_1 {offsets = [0, 0], sizes = [1000, 1], strides = [1, 1]} : vector<1000x16xf32> to vector<1000x1xf32>
    %get3A_2 = arith.constant 0 : index
    %get3A_3 = arith.constant 0 : index
    %get3A_4 = vector.load %arg1[%get3A_2, %get3A_3] : memref<1000x64xf32, #tpu.memory_space<vmem>>, vector<1000x64xf32>
    %get3A_5 = arith.constant 0 : index
    %get3A_6 = arith.constant 0 : index
    %get3A_7 = vector.load %arg2[%get3A_5, %get3A_6] : memref<1000x64xf32, #tpu.memory_space<vmem>>, vector<1000x64xf32>
    %add3A = arith.addf %get3A_4, %get3A_7 : vector<1000x64xf32>
    %get3A_8 = arith.constant 0 : index
    %get3A_9 = arith.constant 0 : index
    %get3A_10 = vector.load %arg3[%get3A_8, %get3A_9] : memref<1000x64xf32, #tpu.memory_space<vmem>>, vector<1000x64xf32>
    %add3A_11 = arith.addf %add3A, %get3A_10 : vector<1000x64xf32>
    %mul3A = vector.broadcast %slice3A : vector<1000x1xf32> to vector<1000x64xf32>
    %mul3A_12 = arith.mulf %add3A_11, %mul3A : vector<1000x64xf32>
    %slice3A_13 = vector.extract_strided_slice %mul3A_12 {offsets = [0, 0], sizes = [1000, 32], strides = [1, 1]} : vector<1000x64xf32> to vector<1000x32xf32>
    %get3A_14 = arith.constant 0 : index
    %get3A_15 = arith.constant 0 : index
    %get3A_16 = vector.load %arg5[%get3A_14, %get3A_15] : memref<1x32xf32, #tpu.memory_space<vmem>>, vector<1x32xf32>
    %add3A_17 = vector.broadcast %get3A_16 : vector<1x32xf32> to vector<1000x32xf32>
    %add3A_18 = arith.addf %slice3A_13, %add3A_17 : vector<1000x32xf32>
    %swap3A = arith.constant 0 : index
    %swap3A_19 = arith.constant 0 : index
    %swap3A_20 = vector.load %arg7[%swap3A, %swap3A_19] : memref<1000x32xf32, #tpu.memory_space<vmem>>, vector<1000x32xf32>
    tpu.vector_store %arg7[%swap3A, %swap3A_19], %add3A_18 {strides = array<i32>} : memref<1000x32xf32, #tpu.memory_space<vmem>>, vector<1000x32xf32>,
    %slice3A_21 = vector.extract_strided_slice %mul3A_12 {offsets = [0, 32], sizes = [1000, 32], strides = [1, 1]} : vector<1000x64xf32> to vector<1000x32xf32>
    %get3A_22 = arith.constant 0 : index
    %get3A_23 = arith.constant 0 : index
    %get3A_24 = vector.load %arg6[%get3A_22, %get3A_23] : memref<1x32xf32, #tpu.memory_space<vmem>>, vector<1x32xf32>
    %add3A_25 = vector.broadcast %get3A_24 : vector<1x32xf32> to vector<1000x32xf32>
    %add3A_26 = arith.addf %slice3A_21, %add3A_25 : vector<1000x32xf32>
    %swap3A_27 = arith.constant 0 : index
    %swap3A_28 = arith.constant 0 : index
    %swap3A_29 = vector.load %arg8[%swap3A_27, %swap3A_28] : memref<1000x32xf32, #tpu.memory_space<vmem>>, vector<1000x32xf32>
    tpu.vector_store %arg8[%swap3A_27, %swap3A_28], %add3A_26 {strides = array<i32>} : memref<1000x32xf32, #tpu.memory_space<vmem>>, vector<1000x32xf32>,
    return
  }
  func.func @transform_0(%arg0: i32) -> (i32, i32) {
    %c0_i32 = arith.constant 0 : i32
    %c0_i32_0 = arith.constant 0 : i32
    return %arg0, %c0_i32 : i32, i32
  }
  func.func @transform_1(%arg0: i32) -> (i32, i32) {
    %c0_i32 = arith.constant 0 : i32
    %c0_i32_0 = arith.constant 0 : i32
    return %arg0, %c0_i32 : i32, i32
  }
  func.func @transform_2(%arg0: i32) -> (i32, i32) {
    %c0_i32 = arith.constant 0 : i32
    %c0_i32_0 = arith.constant 0 : i32
    return %arg0, %c0_i32 : i32, i32
  }
  func.func @transform_3(%arg0: i32) -> (i32, i32) {
    %c0_i32 = arith.constant 0 : i32
    %c0_i32_0 = arith.constant 0 : i32
    return %arg0, %c0_i32 : i32, i32
  }
  func.func @transform_4(%arg0: i32) -> (i32, i32) {
    %c0_i32 = arith.constant 0 : i32
    %c0_i32_0 = arith.constant 0 : i32
    %c0_i32_1 = arith.constant 0 : i32
    return %c0_i32, %c0_i32_0 : i32, i32
  }
  func.func @transform_5(%arg0: i32) -> (i32, i32) {
    %c0_i32 = arith.constant 0 : i32
    %c0_i32_0 = arith.constant 0 : i32
    %c0_i32_1 = arith.constant 0 : i32
    return %c0_i32, %c0_i32_0 : i32, i32
  }
  func.func @transform_6(%arg0: i32) -> (i32, i32) {
    %c0_i32 = arith.constant 0 : i32
    %c0_i32_0 = arith.constant 0 : i32
    return %arg0, %c0_i32 : i32, i32
  }
  func.func @transform_7(%arg0: i32) -> (i32, i32) {
    %c0_i32 = arith.constant 0 : i32
    %c0_i32_0 = arith.constant 0 : i32
    return %arg0, %c0_i32 : i32, i32
  }
}

</mosaic_0001>

<sc_bundles>
// kernel: kernel.11.cloned.1.call-start
scs
__scs_entry_jumppad:
0x0: {  	(pc) =	sbr.rel $0x88, $3  }
0x1: {  	(tag) =	ssettag $0x0;
	lr =	simm.s32 $0x1  }
0x2: {  	[smem:$0x3F99] =	sst lr;
	_ =	strace $0xD0000000  }
0x3: {  	_ = 	snop  }
0x4: {  	_ = 	snop  }
0x5: {  	_ = 	snop  }
0x6: {  	_ = 	snop  }
0x7: {  	_ = 	snop  }
__scs_overlays_trampoline_lowered:
0x8: {  	[smem:$0x3FA8] =	sst s0  }
0x9: {  	[smem:$0x3FA9] =	sst s1  }
0xa: {  	[smem:$0x3FAA] =	sst s2  }
0xb: {  	[smem:$0x3FAB] =	sst s3  }
0xc: {  	[smem:$0x3FAC] =	sst s4  }
0xd: {  	[smem:$0x3FAD] =	sst s5  }
0xe: {  	[smem:$0x3FAE] =	sst s6  }
0xf: {  	[smem:$0x3FAF] =	sst s7  }
0x10: {  	[smem:$0x3FB0] =	sst s8  }
0x11: {  	[smem:$0x3FB1] =	sst s9;
	s0 =	simm.s32 @!p0 $0x0  }
0x12: {  	s1 =	sld [smem:$0x3F97];
	s0 =	simm.s32 @p0 $0x1  }
0x13: {  	[smem:$0x3FB2] =	sst s0;
	s0 =	simm.s32 @!p1 $0x0  }
0x14: {  	s2 =	sld [smem:$0x3F96];
	s0 =	simm.s32 @p1 $0x1  }
0x15: {  	[smem:$0x3FB3] =	sst s0;
	s0 =	simm.s32 @!p2 $0x0  }
0x16: {  	s3 =	sld [smem:$0x3FDB];
	s0 =	simm.s32 @p2 $0x1  }
0x17: {  	s4 =	simm.s32 $0x1BF5;
	[smem:$0x3FB5] =	sst s0  }
0x18: {  	s0 =	sld [smem:$0x3F98];
	_ =	swait.ge [sflag:s4], $0x0  }
0x19: {  	s7 =	sld [smem:$0x3F99]  }
0x1a: {  	s8 =	sadd.s32 $0xFFFFE003, lr  }
0x1b: {  	s9 =	sadd.s32 $0xFFFFFEF7, lr;
	s5 =	simm.s32 $0xFFFFFFFF;
	p2 =	slt.u32 s8, $0xFFFFF086  }
0x1c: {  	p1 =	slt.u32 s9, $0xF7A;
	s5 =	simm.s32 @!p2 $0x0  }
0x1d: {  	s5 =	simm.s32 @p1 $0x1;
	p0 =	seq.s32 s7, s2  }
0x1e: {  	s7 =	smul.u32 @!p0 $0xF7A, s2;
	p2 =	seq.s32 @!p0 s5, $0x0  }
0x1f: {  	s9 =	smul.u32 $0xF7A, s1;
	s8 =	simm.s32 @!p0 $0x1BF5;
	p2 =	por !p2, p0  }
0x20: {  	[sflag:s8] =	ssyncset.s32 @!p0 $0xFFFFF086;
	s6 =	sadd.s32 @!p0 s3, s7;
	s7 =	simm.s32 @!p0 $0x108  }
0x21: {  	s3 =	sadd.s32 s3, s9;
	s6 =	sadd.s32 @!p0 $0x88, s6;
	s7 =	simm.s32 @p2 $0x1082  }
0x22: {  	[simem:s7], [sflag:s8] =	dma.local @!p0 [hbm:s6], $0xF7A  }
0x23: {  	s9 =	sor.u32 $0xD0000000, s2;
	s6 =	simm.s32 $0x108;
	_ =	swait.ge @!p0 [sflag:s8], $0x0  }
0x24: {  	s3 =	sadd.s32 $0x88, s3;
	s6 =	simm.s32 @!p1 $0x1082;
	[sflag:s4] =	ssyncset.s32 $0xFFFFF086  }
0x25: {  	[simem:s6], [sflag:s4] =	dma.local [hbm:s3], $0xF7A  }
0x26: {  	[smem:$0x3F99] =	sst s1;
	(tag) =	ssettag s2;
	_ =	strace s9  }
0x27: {  	s1 =	sld [smem:$0x3FA9]  }
0x28: {  	s2 =	sld [smem:$0x3FAA]  }
0x29: {  	s4 =	sld [smem:$0x3FAC]  }
0x2a: {  	p0 =	seq.s32 s5, $0x0;
	s5 =	sld [smem:$0x3FAD]  }
0x2b: {  	s6 =	sld [smem:$0x3FAE]  }
0x2c: {  	s7 =	sld [smem:$0x3FAF]  }
0x2d: {  	s3 =	simm.s32 $0x108;
	s8 =	sld [smem:$0x3FB0]  }
0x2e: {  	s3 =	simm.s32 @!p0 $0x1082;
	s9 =	sld [smem:$0x3FB1]  }
0x2f: {  	lr =	sadd.s32 s0, s3;
	s0 =	sld [smem:$0x3FA8]  }
0x30: {  	s3 =	sld [smem:$0x3FAB]  }
0x31: {  	[smem:$0x3FB4] =	sst s10  }
0x32: {  	s10 =	sld [smem:$0x3FB2];
	_ =	sdelay $0x3  }
0x33: {  	p0 =	seq.s32 s10, $0x1;
	s10 =	sld [smem:$0x3FB4];
	_ =	sdelay $0x3  }
0x34: {  	[smem:$0x3FB4] =	sst s10  }
0x35: {  	s10 =	sld [smem:$0x3FB3];
	_ =	sdelay $0x3  }
0x36: {  	p1 =	seq.s32 s10, $0x1;
	s10 =	sld [smem:$0x3FB4];
	_ =	sdelay $0x3  }
0x37: {  	[smem:$0x3FB4] =	sst s10  }
0x38: {  	s10 =	sld [smem:$0x3FB5]  }
0x39: {  	_ = 	snop;
	(pc) =	sbr.ind lr, $3  }
0x3a: {  	_ = 	snop  }
0x3b: {  	_ = 	snop  }
0x3c: {  	p2 =	seq.s32 s10, $0x1;
	s10 =	sld [smem:$0x3FB4]  }
0x3d: {  	_ =	shalt  }
0x3e: {  	_ =	shalt  }
0x3f: {  	_ =	shalt  }
0x40: {  	_ =	shalt  }
0x41: {  	_ =	shalt  }
0x42: {  	_ =	shalt  }
0x43: {  	_ =	shalt  }
0x44: {  	_ =	shalt  }
0x45: {  	_ =	shalt  }
0x46: {  	_ =	shalt  }
0x47: {  	_ =	shalt  }
0x48: {  	_ =	shalt  }
0x49: {  	_ =	shalt  }
0x4a: {  	_ =	shalt  }
0x4b: {  	_ =	shalt  }
0x4c: {  	_ =	shalt  }
0x4d: {  	_ =	shalt  }
0x4e: {  	_ =	shalt  }
0x4f: {  	_ =	shalt  }
0x50: {  	_ =	shalt  }
0x51: {  	_ =	shalt  }
0x52: {  	_ =	shalt  }
0x53: {  	_ =	shalt  }
0x54: {  	_ =	shalt  }
0x55: {  	_ =	shalt  }
0x56: {  	_ =	shalt  }
0x57: {  	_ =	shalt  }
0x58: {  	_ =	shalt  }
0x59: {  	_ =	shalt  }
0x5a: {  	_ =	shalt  }
0x5b: {  	_ =	shalt  }
0x5c: {  	_ =	shalt  }
0x5d: {  	_ =	shalt  }
0x5e: {  	_ =	shalt  }
0x5f: {  	_ =	shalt  }
0x60: {  	_ =	shalt  }
0x61: {  	_ =	shalt  }
0x62: {  	_ =	shalt  }
0x63: {  	_ =	shalt  }
0x64: {  	_ =	shalt  }
0x65: {  	_ =	shalt  }
0x66: {  	_ =	shalt  }
0x67: {  	_ =	shalt  }
0x68: {  	_ =	shalt  }
0x69: {  	_ =	shalt  }
0x6a: {  	_ =	shalt  }
0x6b: {  	_ =	shalt  }
0x6c: {  	_ =	shalt  }
0x6d: {  	_ =	shalt  }
0x6e: {  	_ =	shalt  }
0x6f: {  	_ =	shalt  }
0x70: {  	_ =	shalt  }
0x71: {  	_ =	shalt  }
0x72: {  	_ =	shalt  }
0x73: {  	_ =	shalt  }
0x74: {  	_ =	shalt  }
0x75: {  	_ =	shalt  }
0x76: {  	_ =	shalt  }
0x77: {  	_ =	shalt  }
0x78: {  	_ =	shalt  }
0x79: {  	_ =	shalt  }
0x7a: {  	_ =	shalt  }
0x7b: {  	_ =	shalt  }
0x7c: {  	_ =	shalt  }
0x7d: {  	_ =	shalt  }
0x7e: {  	_ =	shalt  }
0x7f: {  	_ =	shalt  }
0x80: {  	_ =	shalt  }
0x81: {  	_ =	shalt  }
0x82: {  	_ =	shalt  }
0x83: {  	_ =	shalt  }
0x84: {  	_ =	shalt  }
0x85: {  	_ =	shalt  }
0x86: {  	_ =	shalt  }
0x87: {  	_ =	shalt  }
.Lfunc_end0:
.L_simem_size_0:
called_computation.1_lowered:
.L_overlay_start_0:
0x88: {  	s2 =	sld [smem:$0x3FD9]  }
0x89: {  	s3 =	sld [smem:$0x3FFE];
	_ =	sdelay $0x1  }
0x8a: {  	s1 =	srdreg.scid  }
0x8b: {  	s0 =	sand.u32 $0x1, s1  }
0x8c: {  	s14 =	sshll.u32 s0, $0xA;
	s2 =	sadd.s32 s3, s2  }
0x8d: {  	s2 =	sadd.s32 s2, s14  }
0x8e: {  	[smem:$0x3FC0] =	sst s2  }
0x8f: {  	_ = 	snop  }
0x90: {  	s2 =	sld [smem:$0x3FD0];
	_ =	sdelay $0x2  }
0x91: {  	s15 =	simm.s32 $0xA;
	s4 =	simm.s32 $0x10  }
0x92: {  	[smem:s4], [sflag:s15] =	dma.local [hbm:s2], $0x1  }
0x93: {  	_ =	swait.eq [sflag:s15], $0x1  }
0x94: {  	[sflag:s15] =	ssyncset.done $0x0  }
0x95: {  	[sflag:s15] =	ssyncadd.s32 $0xFFFFFFFF  }
0x96: {  	s16 =	sld [smem:$0x10];
	(tm) =	ssettm $0x1  }
0x97: {  	s17 =	sld [smem:$0x3FFB];
	_ =	sdelay $0x3  }
0x98: {  	_ =	strace s17  }
0x99: {  	s3 =	sld [smem:$0x3FFC];
	_ =	sdelay $0x3  }
0x9a: {  	_ =	strace s3  }
0x9b: {  	s3 =	sld [smem:$0x3FFD];
	_ =	sdelay $0x3  }
0x9c: {  	_ =	strace s3  }
0x9d: {  	_ =	strace $0x8FFFFFFF  }
0x9e: {  	s18 =	sld [smem:$0x3FDB];
	_ =	sdelay $0x1  }
0x9f: {  	s19 =	simm.s32 $_scs_section_size  }
0xa0: {  	s5 =	simm.s32 $_size__tile_overlayer_lowered;
	s6 =	simm.s32 $_tile_overlayer_lowered  }
0xa1: {  	s22 =	simm.s32 $0x1BFF;
	s21 =	sshll.u32 s6, $0x1;
	s3 =	sadd.s32 s19, s18  }
0xa2: {  	s7 =	simm.s32 $0x0;
	s20 =	sshll.u32 s5, $0x1;
	s5 =	sadd.s32 s21, s3  }
0xa3: {  	[timem:s7], [sflag:s22] =	dma.local [hbm:s5], s20  }
0xa4: {  	_ =	swait.ge [sflag:s22], s20  }
0xa5: {  	s4 =	ssub.s32 $0x0, s20;
	[sflag:s22] =	ssyncset.done $0x0  }
0xa6: {  	[sflag:s22] =	ssyncadd.s32 s4;
	_ =	sdelay $0x1  }
0xa7: {  	s23 =	simm.s32 $0x1B8B  }
0xa8: {  	_ =	swait.ge [sflag:s23], $0x1  }
0xa9: {  	[sflag:s23] =	ssyncset.done $0x0  }
0xaa: {  	s25 =	simm.s32 $0x1B8E;
	s24 =	sld [smem:$0x3FFE];
	[sflag:s23] =	ssyncadd.s32 $0xFFFFFFFF  }
0xab: {  	s26 =	simm.s32 $execute0_lowered;
	[smem:$0x3FD2] =	sst s25  }
0xac: {  	s5 =	sshll.u32 s26, $0x1;
	_ =	strace $0x80000049;
	[dreg:$0x1] =	wrdreg $0xFFFFFFFF  }
0xad: {  	s28 =	simm.s32 $_size_execute0_lowered;
	s3 =	sadd.s32 s3, s5;
	[dreg:$0x0] =	wrdreg $0x0  }
0xae: {  	s5 =	sshll.u32 s28, $0x1;
	[dreg:$0x2] =	wrdreg s3  }
0xaf: {  	[dreg:$0x3] =	wrdreg s5  }
0xb0: {  	[dreg:$0x4] =	wrdreg $0xC0  }
0xb1: {  	_ =	task [dreg:s7], $0x5FFFF  }
0xb2: {  	[dreg:$0x1] =	wrdreg $0xFFFFFFFF  }
0xb3: {  	[dreg:$0x0] =	wrdreg $0x60  }
0xb4: {  	[dreg:$0x2] =	wrdreg s24  }
0xb5: {  	[dreg:$0x3] =	wrdreg s16  }
0xb6: {  	[dreg:$0x4] =	wrdreg $0x54000  }
0xb7: {  	[dreg:$0x5] =	wrdreg $0x9  }
0xb8: {  	_ =	task.clear_ibuf [dreg:s7], $0x6FFFF;
	_ =	strace $0x90000049  }
0xb9: {  	s29 =	simm.s32 $0x9;
	_ =	strace $0x8000004B  }
0xba: {  	_ =	swait.ge [sflag:s29], $0x1  }
0xbb: {  	[sflag:s29] =	ssyncadd.s32 $0xFFFFFFFF  }
0xbc: {  	_ =	strace $0x9000004B  }
0xbd: {  	_ =	sfence  }
0xbe: {  	s30 =	sld [smem:$0x0];
	_ =	sdelay $0x2  }
0xbf: {  	s31 =	sshll.u32 s1, $0xD;
	s1 =	sshrl.u32 s1, $0x2  }
0xc0: {  	s3 =	sand.u32 $0x4000, s31;
	s1 =	sadd.s32 s1, s30  }
0xc1: {  	s0 =	sor.u32 s3, s0;
	s1 =	sshll.u32 s1, $0x11  }
0xc2: {  	s0 =	sor.u32 s1, s0  }
0xc3: {  	s0 =	sadd.s32 $0x8F2B, s0  }
0xc4: {  	[sflag:s0] =	ssyncadd.remote.s32 $0x1  }
0xc5: {  	_ =	sfence.sel $0xFFFF  }
0xc6: {  	[dreg:$0x0] =	wrdreg $0xFFFFFFFF;
	(pc) =	sbr.abs _section_cstart, $3  }
0xc7: {  	[dreg:$0x1] =	wrdreg $0xFFFFFFFF  }
0xc8: {  	_ =	task.clear_ibuf [dreg:s7], $0x2FFFF;
	_ =	strace $0x9FFFFFFF  }
0xc9: {  	(tm) =	ssettm $0x7FFFFFFF  }
tec
execute0_lowered:
.L_overlay_start_1:
0x0: {  	(tag) =	ssettag $0x1  }
0x1: {  	s0 =	rddreg [dreg:$0x0]  }
0x2: {  	s2 =	rddreg [dreg:$0x1]  }
0x3: {  	s3 =	rddreg [dreg:$0x2]  }
0x4: {  	s13 =	stileid.u32;
	s1 =	srdreg.scid;
	s4 =	simm.s32 $0x0  }
0x5: {  	s28 =	simm.s32 $0x80;
	s29 =	simm.s32 $0x280;
	s7 =	smul.u32 $0x13C00, s13  }
0x6: {  	s30 =	simm.s32 $0x100;
	s31 =	simm.s32 $0x300;
	s12 =	smul.u32 $0x4F000, s13  }
0x7: {  	s1 =	sand.u32 $0x1, s1;
	[smem:$0x7FF] =	sst s4;
	s16 =	smul.u32 $0x2710, s13  }
0x8: {  	s5 =	sadd.s32 $0x3000, s0;
	s6 =	sadd.s32 $0xCE00, s0;
	s8 =	smul.u32 $0x13C000, s1  }
0x9: {  	s26 =	ssub.s32 $0x2, s1;
	s11 =	sshll.u32 s1, $0x4;
	s1 =	smul.u32 $0x27100, s1  }
0xa: {  	_ =	strace $0x8000004A;
	s9 =	sshrl.u32 s7, $0x3;
	s10 =	sshrl.u32 s26, $0x1  }
0xb: {  	s7 =	sadd.s32 s7, s8;
	s25 =	sadd.s32 s9, s0;
	s1 =	sadd.s32 s16, s1  }
0xc: {  	s7 =	sshrl.u32 s7, $0x3;
	s8 =	sadd.s32 $0x5B200, s25;
	s25 =	sadd.s32 $0xF0, s1  }
0xd: {  	s16 =	sadd.s32 $0x118, s1;
	s0 =	sadd.s32 s7, s0;
	s7 =	ssub.s32 s26, s10  }
0xe: {  	s10 =	sor.u32 s13, s11;
	s11 =	sshrl.u32 s12, $0x2;
	s12 =	sshll.u32 s13, $0x6  }
0xf: {  	[dreg:$0xb] =	wrdreg s8;
	s13 =	sshrl.u32 s25, $0x3;
	s9 =	sadd.s32 s11, s3  }
0x10: {  	s10 =	smul.u32 $0x2710, s10;
	s0 =	sadd.s32 $0x82A00, s0;
	[dreg:$0xa] =	wrdreg s9  }
0x11: {  	s19 =	sor.u32 $0x1C05, s12;
	s7 =	smax.u32 s7, $0x1;
	[dreg:$0x19] =	wrdreg s0  }
0x12: {  	[dreg:$0x1a] =	wrdreg s7;
	s0 =	simm.s32 $0x180;
	s8 =	sshrl.u32 s10, $0x3  }
0x13: {  	[dreg:$0xc] =	wrdreg s19;
	s14 =	sadd.s32 $0x28, s10;
	s15 =	sadd.s32 s5, s8  }
0x14: {  	s11 =	sshrl.u32 s14, $0x3;
	s17 =	sadd.s32 s2, s8;
	[dreg:$0xd] =	wrdreg s15  }
0x15: {  	s7 =	simm.s32 $0x1;
	[dreg:$0xe] =	wrdreg s17;
	s18 =	sadd.s32 s5, s11  }
0x16: {  	s21 =	sadd.s32 $0xA, s8;
	s20 =	sadd.s32 s2, s11;
	[dreg:$0xf] =	wrdreg s18  }
0x17: {  	s22 =	sadd.s32 $0x78, s10;
	s23 =	sadd.s32 s5, s21;
	[dreg:$0x10] =	wrdreg s20  }
0x18: {  	s24 =	sshrl.u32 s22, $0x3;
	s26 =	sadd.s32 s2, s21;
	[dreg:$0x11] =	wrdreg s23  }
0x19: {  	s10 =	sadd.s32 $0x26E8, s10;
	s11 =	sadd.s32 s5, s24;
	[dreg:$0x12] =	wrdreg s26  }
0x1a: {  	s8 =	sadd.s32 $0x4D8, s8;
	s14 =	sadd.s32 s2, s24;
	[dreg:$0x13] =	wrdreg s11  }
0x1b: {  	s10 =	sshrl.u32 s10, $0x3;
	s15 =	sadd.s32 s13, s2;
	[dreg:$0x14] =	wrdreg s14  }
0x1c: {  	s17 =	sshrl.u32 s16, $0x3;
	s24 =	sadd.s32 s2, s10;
	[dreg:$0x4] =	wrdreg s15  }
0x1d: {  	s21 =	sadd.s32 $0xC8, s1;
	s11 =	sadd.s32 s13, s5;
	[dreg:$0x18] =	wrdreg s24  }
0x1e: {  	s16 =	simm.s32 $0x4;
	s20 =	sadd.s32 s5, s8;
	[dreg:$0x5] =	wrdreg s11  }
0x1f: {  	s18 =	sadd.s32 s17, s2;
	s12 =	sadd.s32 s17, s5;
	[dreg:$0x15] =	wrdreg s20  }
0x20: {  	s8 =	sadd.s32 s2, s8;
	s23 =	sadd.s32 s5, s10;
	[dreg:$0x6] =	wrdreg s18  }
0x21: {  	s26 =	sadd.s32 $0xA0, s1;
	s1 =	simm.s32 $0x380;
	[dreg:$0x7] =	wrdreg s12  }
0x22: {  	s10 =	simm.s32 $0x400;
	s13 =	simm.s32 $0x2C00;
	[dreg:$0x16] =	wrdreg s8  }
0x23: {  	s14 =	simm.s32 $0x4000;
	s15 =	simm.s32 $0x3;
	[dreg:$0x17] =	wrdreg s23  }
0x24: {  	s17 =	simm.s32 $0x0;
	s11 =	sshrl.u32 s21, $0x3;
	[dreg:$0x1b] =	wrdreg s26  }
0x25: {  	s26 =	simm.s32 $0x200;
	s8 =	simm.s32 $0x28;
	s22 =	sadd.s32 s11, s2  }
0x26: {  	s12 =	simm.s32 $0x2;
	s25 =	sadd.s32 s11, s5;
	[dreg:$0x8] =	wrdreg s22  }
0x27: {  	s11 =	simm.s32 $0x1800;
	[dreg:$0x9] =	wrdreg s25;
	s25 =	simm.s32 $0x5  }
.LBB2_1:
0x28: {  	s9 =	rddreg [dreg:$0xa]  }
0x29: {  	s24 =	rddreg [dreg:$0xb];
	s18 =	sshrl.u32 s9, $0x3  }
0x2a: {  	[spmem:s18], [sflag:s19] =	dma.local [hbm:s24], $0x2780  }
0x2b: {  	_ =	swait.ge [sflag:s25], $0x2780  }
0x2c: {  	[sflag:s25] =	ssyncset.done $0x0  }
0x2d: {  	[sflag:s25] =	ssyncadd.s32 $0xFFFFD880  }
0x2e: {  	[bflag:$0x0] =	sbarrier.arrive $0xFFFF  }
0x2f: {  	s20 =	rddreg [dreg:$0xd]  }
0x30: {  	[tilespmem:s4], [sflag:$0x1] =	stream.linear.gather [hbm4b:s20+s4], $0x28, $0x38;
	[tilespmem:$0x19000] =	vst v63  }
0x31: {  	s21 =	rddreg [dreg:$0xe]  }
0x32: {  	[tilespmem:s26], [sflag:$0x1] =	stream.linear.gather [hbm4b:s21+s4], $0x28, $0x38;
	[tilespmem:$0x19000] =	vst v63  }
0x33: {  	s22 =	rddreg [dreg:$0xf]  }
0x34: {  	[tilespmem:s28], [sflag:$0x1] =	stream.linear.gather [hbm4b:s22+s4], $0x28, $0x38;
	[tilespmem:$0x19000] =	vst v63  }
0x35: {  	s23 =	rddreg [dreg:$0x10]  }
0x36: {  	[tilespmem:s29], [sflag:$0x1] =	stream.linear.gather [hbm4b:s23+s4], $0x28, $0x38;
	[tilespmem:$0x19000] =	vst v63  }
0x37: {  	s24 =	rddreg [dreg:$0x11]  }
0x38: {  	[tilespmem:s30], [sflag:$0x2] =	stream.linear.gather [hbm4b:s24+s4], $0x28, $0x38;
	[tilespmem:$0x19000] =	vst v63  }
0x39: {  	s19 =	rddreg [dreg:$0x12]  }
0x3a: {  	[tilespmem:s31], [sflag:$0x2] =	stream.linear.gather [hbm4b:s19+s4], $0x28, $0x38;
	[tilespmem:$0x19000] =	vst v63  }
0x3b: {  	s20 =	rddreg [dreg:$0x13]  }
0x3c: {  	[tilespmem:s0], [sflag:$0x2] =	stream.linear.gather [hbm4b:s20+s4], $0x28, $0x38;
	[tilespmem:$0x19000] =	vst v63  }
0x3d: {  	s21 =	rddreg [dreg:$0x14]  }
0x3e: {  	[tilespmem:s1], [sflag:$0x2] =	stream.linear.gather [hbm4b:s21+s4], $0x28, $0x38;
	[tilespmem:$0x19000] =	vst v63  }
0x3f: {  	_ =	swait.ge [sflag:s7], $0x28  }
0x40: {  	[sflag:s7] =	ssyncset.done $0x0  }
0x41: {  	[sflag:s7] =	ssyncadd.s32 $0xFFFFFFD8  }
0x42: {  	_ =	swait.ge [sflag:s7], $0x28  }
0x43: {  	[sflag:s7] =	ssyncset.done $0x0  }
0x44: {  	[sflag:s7] =	ssyncadd.s32 $0xFFFFFFD8  }
0x45: {  	_ =	swait.ge [sflag:s7], $0x28  }
0x46: {  	[sflag:s7] =	ssyncset.done $0x0  }
0x47: {  	[sflag:s7] =	ssyncadd.s32 $0xFFFFFFD8  }
0x48: {  	_ =	swait.ge [sflag:s7], $0x28  }
0x49: {  	[sflag:s7] =	ssyncset.done $0x0  }
0x4a: {  	[sflag:s7] =	ssyncadd.s32 $0xFFFFFFD8  }
0x4b: {  	[tilespmem:s10], [sflag:$0x3] =	stream.indirect.gather [hbm4b:s6+s8], $0x80, s4, s8, $0xb8;
	[tilespmem:$0x19000] =	vst v63  }
0x4c: {  	_ = 	snop  }
0x4d: {  	[tilespmem:s11], [sflag:$0x3] =	stream.indirect.gather [hbm4b:s6+s8], $0x80, s28, s8, $0xb8;
	[tilespmem:$0x19000] =	vst v63  }
0x4e: {  	_ =	swait.ge [sflag:s12], $0x28  }
0x4f: {  	[sflag:s12] =	ssyncset.done $0x0  }
0x50: {  	[sflag:s12] =	ssyncadd.s32 $0xFFFFFFD8  }
0x51: {  	_ =	swait.ge [sflag:s12], $0x28  }
0x52: {  	[sflag:s12] =	ssyncset.done $0x0  }
0x53: {  	[sflag:s12] =	ssyncadd.s32 $0xFFFFFFD8  }
0x54: {  	_ =	swait.ge [sflag:s12], $0x28  }
0x55: {  	[sflag:s12] =	ssyncset.done $0x0  }
0x56: {  	[sflag:s12] =	ssyncadd.s32 $0xFFFFFFD8  }
0x57: {  	_ =	swait.ge [sflag:s12], $0x28  }
0x58: {  	[sflag:s12] =	ssyncset.done $0x0  }
0x59: {  	[sflag:s12] =	ssyncadd.s32 $0xFFFFFFD8  }
0x5a: {  	[tilespmem:s13], [sflag:$0x4] =	stream.indirect.gather [hbm4b:s6+s8], $0x80, s30, s8, $0xb8;
	[tilespmem:$0x19000] =	vst v63  }
0x5b: {  	_ = 	snop  }
0x5c: {  	[tilespmem:s14], [sflag:$0x4] =	stream.indirect.gather [hbm4b:s6+s8], $0x80, s0, s8, $0xb8;
	[tilespmem:$0x19000] =	vst v63  }
0x5d: {  	_ =	swait.ge [sflag:s15], $0x1400  }
0x5e: {  	[sflag:s15] =	ssyncset.done $0x0  }
0x5f: {  	[sflag:s15] =	ssyncadd.s32 $0xFFFFEC00  }
0x60: {  	_ =	swait.ge [sflag:s15], $0x1400  }
0x61: {  	[sflag:s15] =	ssyncset.done $0x0  }
0x62: {  	[sflag:s15] =	ssyncadd.s32 $0xFFFFEC00  }
0x63: {  	[spmem:s3] =	stream.indirect.scatter.add.f32 [tilespmem:s10], [sflag:$0x5], $0x80, s26, s8, $0xb8;
	[tilespmem:$0x19000] =	vst v63  }
0x64: {  	_ =	swait.ge [sflag:s25], $0x1400  }
0x65: {  	[sflag:s25] =	ssyncset.done $0x0  }
0x66: {  	[sflag:s25] =	ssyncadd.s32 $0xFFFFEC00  }
0x67: {  	[spmem:s3] =	stream.indirect.scatter.add.f32 [tilespmem:s11], [sflag:$0x5], $0x80, s29, s8, $0xb8;
	[tilespmem:$0x19000] =	vst v63  }
0x68: {  	_ =	swait.ge [sflag:s25], $0x1400  }
0x69: {  	s9 =	rddreg [dreg:$0x1b]  }
0x6a: {  	[sflag:s25] =	ssyncset.done $0x0;
	s22 =	sshrl.u32 s9, $0x3  }
0x6b: {  	[sflag:s25] =	ssyncadd.s32 $0xFFFFEC00;
	s20 =	sadd.s32 s5, s22  }
0x6c: {  	[tilespmem:s4], [sflag:$0x1] =	stream.linear.gather [hbm4b:s20+s4], $0x28, $0x38;
	[tilespmem:$0x19000] =	vst v63  }
0x6d: {  	s21 =	rddreg [dreg:$0x9];
	s19 =	sadd.s32 s2, s22  }
0x6e: {  	[tilespmem:s26], [sflag:$0x1] =	stream.linear.gather [hbm4b:s19+s4], $0x28, $0x38;
	[tilespmem:$0x19000] =	vst v63  }
0x6f: {  	s23 =	rddreg [dreg:$0x8];
	s24 =	sadd.s32 $0x0, s21  }
0x70: {  	[tilespmem:s28], [sflag:$0x1] =	stream.linear.gather [hbm4b:s24+s4], $0x28, $0x38;
	[tilespmem:$0x19000] =	vst v63  }
0x71: {  	s21 =	sadd.s32 $0x0, s23  }
0x72: {  	[tilespmem:s29], [sflag:$0x1] =	stream.linear.gather [hbm4b:s21+s4], $0x28, $0x38;
	[tilespmem:$0x19000] =	vst v63  }
0x73: {  	_ =	swait.ge [sflag:s7], $0x28  }
0x74: {  	[sflag:s7] =	ssyncset.done $0x0  }
0x75: {  	[sflag:s7] =	ssyncadd.s32 $0xFFFFFFD8  }
0x76: {  	_ =	swait.ge [sflag:s7], $0x28  }
0x77: {  	[sflag:s7] =	ssyncset.done $0x0  }
0x78: {  	[sflag:s7] =	ssyncadd.s32 $0xFFFFFFD8  }
0x79: {  	_ =	swait.ge [sflag:s7], $0x28  }
0x7a: {  	[sflag:s7] =	ssyncset.done $0x0  }
0x7b: {  	[sflag:s7] =	ssyncadd.s32 $0xFFFFFFD8  }
0x7c: {  	_ =	swait.ge [sflag:s7], $0x28  }
0x7d: {  	[sflag:s7] =	ssyncset.done $0x0  }
0x7e: {  	[sflag:s7] =	ssyncadd.s32 $0xFFFFFFD8  }
0x7f: {  	[tilespmem:s10], [sflag:$0x3] =	stream.indirect.gather [hbm4b:s6+s8], $0x80, s4, s8, $0xb8;
	[tilespmem:$0x19000] =	vst v63  }
0x80: {  	_ = 	snop  }
0x81: {  	[tilespmem:s11], [sflag:$0x3] =	stream.indirect.gather [hbm4b:s6+s8], $0x80, s28, s8, $0xb8;
	[tilespmem:$0x19000] =	vst v63  }
0x82: {  	_ =	swait.ge [sflag:s16], $0x1400  }
0x83: {  	[sflag:s16] =	ssyncset.done $0x0  }
0x84: {  	[sflag:s16] =	ssyncadd.s32 $0xFFFFEC00  }
0x85: {  	_ =	swait.ge [sflag:s16], $0x1400  }
0x86: {  	[sflag:s16] =	ssyncset.done $0x0  }
0x87: {  	[sflag:s16] =	ssyncadd.s32 $0xFFFFEC00  }
0x88: {  	[spmem:s3] =	stream.indirect.scatter.add.f32 [tilespmem:s13], [sflag:$0x5], $0x80, s31, s8, $0xb8;
	[tilespmem:$0x19000] =	vst v63  }
0x89: {  	_ =	swait.ge [sflag:s25], $0x1400  }
0x8a: {  	[sflag:s25] =	ssyncset.done $0x0  }
0x8b: {  	[sflag:s25] =	ssyncadd.s32 $0xFFFFEC00  }
0x8c: {  	[spmem:s3] =	stream.indirect.scatter.add.f32 [tilespmem:s14], [sflag:$0x5], $0x80, s1, s8, $0xb8;
	[tilespmem:$0x19000] =	vst v63  }
0x8d: {  	_ =	swait.ge [sflag:s25], $0x1400  }
0x8e: {  	s22 =	rddreg [dreg:$0x5]  }
0x8f: {  	s23 =	rddreg [dreg:$0x4];
	[sflag:s25] =	ssyncset.done $0x0  }
0x90: {  	s24 =	rddreg [dreg:$0x7];
	[sflag:s25] =	ssyncadd.s32 $0xFFFFEC00;
	s19 =	sadd.s32 $0x0, s22  }
0x91: {  	[tilespmem:s30], [sflag:$0x2] =	stream.linear.gather [hbm4b:s19+s4], $0x28, $0x38;
	[tilespmem:$0x19000] =	vst v63  }
0x92: {  	s20 =	sadd.s32 $0xA0, s9;
	s22 =	sadd.s32 $0x0, s23;
	s23 =	rddreg [dreg:$0x6]  }
0x93: {  	[tilespmem:s31], [sflag:$0x2] =	stream.linear.gather [hbm4b:s22+s4], $0x28, $0x38;
	[tilespmem:$0x19000] =	vst v63  }
0x94: {  	s24 =	sadd.s32 $0x0, s24;
	s19 =	simm.s32 $0x14;
	s21 =	sadd.s32 $0x0, s23  }
0x95: {  	[tilespmem:s0], [sflag:$0x2] =	stream.linear.gather [hbm4b:s24+s4], $0x28, $0x38;
	[tilespmem:$0x19000] =	vst v63  }
.LBB2_2:
0x96: {  	[tilespmem:s1], [sflag:$0x2] =	stream.linear.gather [hbm4b:s21+s4], $0x28, $0x38;
	[tilespmem:$0x19000] =	vst v63  }
0x97: {  	_ =	swait.ge [sflag:s12], $0x28  }
0x98: {  	[sflag:s12] =	ssyncset.done $0x0  }
0x99: {  	[sflag:s12] =	ssyncadd.s32 $0xFFFFFFD8  }
0x9a: {  	_ =	swait.ge [sflag:s12], $0x28  }
0x9b: {  	[sflag:s12] =	ssyncset.done $0x0  }
0x9c: {  	[sflag:s12] =	ssyncadd.s32 $0xFFFFFFD8  }
0x9d: {  	_ =	swait.ge [sflag:s12], $0x28  }
0x9e: {  	[sflag:s12] =	ssyncset.done $0x0  }
0x9f: {  	[sflag:s12] =	ssyncadd.s32 $0xFFFFFFD8  }
0xa0: {  	_ =	swait.ge [sflag:s12], $0x28  }
0xa1: {  	[sflag:s12] =	ssyncset.done $0x0  }
0xa2: {  	[sflag:s12] =	ssyncadd.s32 $0xFFFFFFD8  }
0xa3: {  	[tilespmem:s13], [sflag:$0x4] =	stream.indirect.gather [hbm4b:s6+s8], $0x80, s30, s8, $0xb8;
	[tilespmem:$0x19000] =	vst v63  }
0xa4: {  	_ = 	snop  }
0xa5: {  	[tilespmem:s14], [sflag:$0x4] =	stream.indirect.gather [hbm4b:s6+s8], $0x80, s0, s8, $0xb8;
	[tilespmem:$0x19000] =	vst v63  }
0xa6: {  	_ =	swait.ge [sflag:s15], $0x1400  }
0xa7: {  	[sflag:s15] =	ssyncset.done $0x0  }
0xa8: {  	[sflag:s15] =	ssyncadd.s32 $0xFFFFEC00  }
0xa9: {  	_ =	swait.ge [sflag:s15], $0x1400  }
0xaa: {  	[sflag:s15] =	ssyncset.done $0x0  }
0xab: {  	[sflag:s15] =	ssyncadd.s32 $0xFFFFEC00  }
0xac: {  	[spmem:s3] =	stream.indirect.scatter.add.f32 [tilespmem:s10], [sflag:$0x5], $0x80, s26, s8, $0xb8;
	[tilespmem:$0x19000] =	vst v63  }
0xad: {  	_ =	swait.ge [sflag:s25], $0x1400  }
0xae: {  	[sflag:s25] =	ssyncset.done $0x0  }
0xaf: {  	[sflag:s25] =	ssyncadd.s32 $0xFFFFEC00  }
0xb0: {  	[spmem:s3] =	stream.indirect.scatter.add.f32 [tilespmem:s11], [sflag:$0x5], $0x80, s29, s8, $0xb8;
	[tilespmem:$0x19000] =	vst v63  }
0xb1: {  	_ =	swait.ge [sflag:s25], $0x1400  }
0xb2: {  	s22 =	sshrl.u32 s20, $0x3;
	[sflag:s25] =	ssyncset.done $0x0  }
0xb3: {  	s23 =	sadd.s32 s5, s22;
	[sflag:s25] =	ssyncadd.s32 $0xFFFFEC00  }
0xb4: {  	[tilespmem:s4], [sflag:$0x1] =	stream.linear.gather [hbm4b:s23+s4], $0x28, $0x38;
	[tilespmem:$0x19000] =	vst v63  }
0xb5: {  	s21 =	smov.u32 s19;
	s22 =	sadd.s32 s2, s22;
	s9 =	rddreg [dreg:$0x9]  }
0xb6: {  	[tilespmem:s26], [sflag:$0x1] =	stream.linear.gather [hbm4b:s22+s4], $0x28, $0x38;
	[tilespmem:$0x19000] =	vst v63  }
0xb7: {  	s24 =	rddreg [dreg:$0x8];
	s9 =	sadd.s32 s21, s9  }
0xb8: {  	[tilespmem:s28], [sflag:$0x1] =	stream.linear.gather [hbm4b:s9+s4], $0x28, $0x38;
	[tilespmem:$0x19000] =	vst v63  }
0xb9: {  	s23 =	sadd.s32 s21, s24  }
0xba: {  	[tilespmem:s29], [sflag:$0x1] =	stream.linear.gather [hbm4b:s23+s4], $0x28, $0x38;
	[tilespmem:$0x19000] =	vst v63  }
0xbb: {  	_ =	swait.ge [sflag:s7], $0x28  }
0xbc: {  	[sflag:s7] =	ssyncset.done $0x0  }
0xbd: {  	[sflag:s7] =	ssyncadd.s32 $0xFFFFFFD8  }
0xbe: {  	_ =	swait.ge [sflag:s7], $0x28  }
0xbf: {  	[sflag:s7] =	ssyncset.done $0x0  }
0xc0: {  	[sflag:s7] =	ssyncadd.s32 $0xFFFFFFD8  }
0xc1: {  	_ =	swait.ge [sflag:s7], $0x28  }
0xc2: {  	[sflag:s7] =	ssyncset.done $0x0  }
0xc3: {  	[sflag:s7] =	ssyncadd.s32 $0xFFFFFFD8  }
0xc4: {  	_ =	swait.ge [sflag:s7], $0x28  }
0xc5: {  	[sflag:s7] =	ssyncset.done $0x0  }
0xc6: {  	[sflag:s7] =	ssyncadd.s32 $0xFFFFFFD8  }
0xc7: {  	[tilespmem:s10], [sflag:$0x3] =	stream.indirect.gather [hbm4b:s6+s8], $0x80, s4, s8, $0xb8;
	[tilespmem:$0x19000] =	vst v63  }
0xc8: {  	_ = 	snop  }
0xc9: {  	[tilespmem:s11], [sflag:$0x3] =	stream.indirect.gather [hbm4b:s6+s8], $0x80, s28, s8, $0xb8;
	[tilespmem:$0x19000] =	vst v63  }
0xca: {  	_ =	swait.ge [sflag:s16], $0x1400  }
0xcb: {  	[sflag:s16] =	ssyncset.done $0x0  }
0xcc: {  	[sflag:s16] =	ssyncadd.s32 $0xFFFFEC00  }
0xcd: {  	_ =	swait.ge [sflag:s16], $0x1400  }
0xce: {  	[sflag:s16] =	ssyncset.done $0x0  }
0xcf: {  	[sflag:s16] =	ssyncadd.s32 $0xFFFFEC00  }
0xd0: {  	[spmem:s3] =	stream.indirect.scatter.add.f32 [tilespmem:s13], [sflag:$0x5], $0x80, s31, s8, $0xb8;
	[tilespmem:$0x19000] =	vst v63  }
0xd1: {  	_ =	swait.ge [sflag:s25], $0x1400  }
0xd2: {  	[sflag:s25] =	ssyncset.done $0x0  }
0xd3: {  	[sflag:s25] =	ssyncadd.s32 $0xFFFFEC00  }
0xd4: {  	[spmem:s3] =	stream.indirect.scatter.add.f32 [tilespmem:s14], [sflag:$0x5], $0x80, s1, s8, $0xb8;
	[tilespmem:$0x19000] =	vst v63  }
0xd5: {  	_ =	swait.ge [sflag:s25], $0x1400  }
0xd6: {  	p0 =	sne.s32 s19, $0x4B0;
	s24 =	rddreg [dreg:$0x5];
	[sflag:s25] =	ssyncset.done $0x0  }
0xd7: {  	s22 =	rddreg [dreg:$0x4];
	[sflag:s25] =	ssyncadd.s32 $0xFFFFEC00;
	s9 =	sadd.s32 s21, s24  }
0xd8: {  	[tilespmem:s30], [sflag:$0x2] =	stream.linear.gather [hbm4b:s9+s4], $0x28, $0x38;
	[tilespmem:$0x19000] =	vst v63  }
.Ltmp0:
0xd9: {  	s23 =	rddreg [dreg:$0x7];
	(pc) =	sbr.rel @p0 .LBB2_2-.Ltmp0, $4  }
0xda: {  	s19 =	sadd.s32 $0x14, s19;
	s24 =	rddreg [dreg:$0x6];
	s22 =	sadd.s32 s21, s22  }
0xdb: {  	[tilespmem:s31], [sflag:$0x2] =	stream.linear.gather [hbm4b:s22+s4], $0x28, $0x38;
	[tilespmem:$0x19000] =	vst v63  }
0xdc: {  	s20 =	sadd.s32 $0xA0, s20;
	s23 =	sadd.s32 s21, s23;
	s21 =	sadd.s32 s21, s24  }
0xdd: {  	[tilespmem:s0], [sflag:$0x2] =	stream.linear.gather [hbm4b:s23+s4], $0x28, $0x38;
	[tilespmem:$0x19000] =	vst v63  }
0xde: {  	[tilespmem:s1], [sflag:$0x2] =	stream.linear.gather [hbm4b:s21+s4], $0x28, $0x38;
	[tilespmem:$0x19000] =	vst v63  }
0xdf: {  	_ =	swait.ge [sflag:s12], $0x28  }
0xe0: {  	[sflag:s12] =	ssyncset.done $0x0  }
0xe1: {  	[sflag:s12] =	ssyncadd.s32 $0xFFFFFFD8  }
0xe2: {  	_ =	swait.ge [sflag:s12], $0x28  }
0xe3: {  	[sflag:s12] =	ssyncset.done $0x0  }
0xe4: {  	[sflag:s12] =	ssyncadd.s32 $0xFFFFFFD8  }
0xe5: {  	_ =	swait.ge [sflag:s12], $0x28  }
0xe6: {  	[sflag:s12] =	ssyncset.done $0x0  }
0xe7: {  	[sflag:s12] =	ssyncadd.s32 $0xFFFFFFD8  }
0xe8: {  	_ =	swait.ge [sflag:s12], $0x28  }
0xe9: {  	[sflag:s12] =	ssyncset.done $0x0  }
0xea: {  	[sflag:s12] =	ssyncadd.s32 $0xFFFFFFD8  }
0xeb: {  	[tilespmem:s13], [sflag:$0x4] =	stream.indirect.gather [hbm4b:s6+s8], $0x80, s30, s8, $0xb8;
	[tilespmem:$0x19000] =	vst v63  }
0xec: {  	_ = 	snop  }
0xed: {  	[tilespmem:s14], [sflag:$0x4] =	stream.indirect.gather [hbm4b:s6+s8], $0x80, s0, s8, $0xb8;
	[tilespmem:$0x19000] =	vst v63  }
0xee: {  	_ =	swait.ge [sflag:s15], $0x1400  }
0xef: {  	[sflag:s15] =	ssyncset.done $0x0  }
0xf0: {  	[sflag:s15] =	ssyncadd.s32 $0xFFFFEC00  }
0xf1: {  	_ =	swait.ge [sflag:s15], $0x1400  }
0xf2: {  	[sflag:s15] =	ssyncset.done $0x0  }
0xf3: {  	[sflag:s15] =	ssyncadd.s32 $0xFFFFEC00  }
0xf4: {  	[spmem:s3] =	stream.indirect.scatter.add.f32 [tilespmem:s10], [sflag:$0x5], $0x80, s26, s8, $0xb8;
	[tilespmem:$0x19000] =	vst v63  }
0xf5: {  	_ =	swait.ge [sflag:s25], $0x1400  }
0xf6: {  	[sflag:s25] =	ssyncset.done $0x0  }
0xf7: {  	[sflag:s25] =	ssyncadd.s32 $0xFFFFEC00  }
0xf8: {  	[spmem:s3] =	stream.indirect.scatter.add.f32 [tilespmem:s11], [sflag:$0x5], $0x80, s29, s8, $0xb8;
	[tilespmem:$0x19000] =	vst v63  }
0xf9: {  	_ =	swait.ge [sflag:s25], $0x1400  }
0xfa: {  	[sflag:s25] =	ssyncset.done $0x0  }
0xfb: {  	s9 =	rddreg [dreg:$0x15];
	[sflag:s25] =	ssyncadd.s32 $0xFFFFEC00  }
0xfc: {  	[tilespmem:s4], [sflag:$0x1] =	stream.linear.gather [hbm4b:s9+s4], $0x28, $0x38;
	[tilespmem:$0x19000] =	vst v63  }
0xfd: {  	s20 =	rddreg [dreg:$0x16]  }
0xfe: {  	[tilespmem:s26], [sflag:$0x1] =	stream.linear.gather [hbm4b:s20+s4], $0x28, $0x38;
	[tilespmem:$0x19000] =	vst v63  }
0xff: {  	s21 =	rddreg [dreg:$0x17]  }
0x100: {  	[tilespmem:s28], [sflag:$0x1] =	stream.linear.gather [hbm4b:s21+s4], $0x28, $0x38;
	[tilespmem:$0x19000] =	vst v63  }
0x101: {  	s22 =	rddreg [dreg:$0x18]  }
0x102: {  	[tilespmem:s29], [sflag:$0x1] =	stream.linear.gather [hbm4b:s22+s4], $0x28, $0x38;
	[tilespmem:$0x19000] =	vst v63  }
0x103: {  	_ =	swait.ge [sflag:s7], $0x28  }
0x104: {  	[sflag:s7] =	ssyncset.done $0x0  }
0x105: {  	[sflag:s7] =	ssyncadd.s32 $0xFFFFFFD8  }
0x106: {  	_ =	swait.ge [sflag:s7], $0x28  }
0x107: {  	[sflag:s7] =	ssyncset.done $0x0  }
0x108: {  	[sflag:s7] =	ssyncadd.s32 $0xFFFFFFD8  }
0x109: {  	_ =	swait.ge [sflag:s7], $0x28  }
0x10a: {  	[sflag:s7] =	ssyncset.done $0x0  }
0x10b: {  	[sflag:s7] =	ssyncadd.s32 $0xFFFFFFD8  }
0x10c: {  	_ =	swait.ge [sflag:s7], $0x28  }
0x10d: {  	[sflag:s7] =	ssyncset.done $0x0  }
0x10e: {  	[sflag:s7] =	ssyncadd.s32 $0xFFFFFFD8  }
0x10f: {  	[tilespmem:s10], [sflag:$0x3] =	stream.indirect.gather [hbm4b:s6+s8], $0x80, s4, s8, $0xb8;
	[tilespmem:$0x19000] =	vst v63  }
0x110: {  	_ = 	snop  }
0x111: {  	[tilespmem:s11], [sflag:$0x3] =	stream.indirect.gather [hbm4b:s6+s8], $0x80, s28, s8, $0xb8;
	[tilespmem:$0x19000] =	vst v63  }
0x112: {  	_ =	swait.ge [sflag:s16], $0x1400  }
0x113: {  	[sflag:s16] =	ssyncset.done $0x0  }
0x114: {  	[sflag:s16] =	ssyncadd.s32 $0xFFFFEC00  }
0x115: {  	_ =	swait.ge [sflag:s16], $0x1400  }
0x116: {  	[sflag:s16] =	ssyncset.done $0x0  }
0x117: {  	[sflag:s16] =	ssyncadd.s32 $0xFFFFEC00  }
0x118: {  	[spmem:s3] =	stream.indirect.scatter.add.f32 [tilespmem:s13], [sflag:$0x5], $0x80, s31, s8, $0xb8;
	[tilespmem:$0x19000] =	vst v63  }
0x119: {  	_ =	swait.ge [sflag:s25], $0x1400  }
0x11a: {  	[sflag:s25] =	ssyncset.done $0x0  }
0x11b: {  	[sflag:s25] =	ssyncadd.s32 $0xFFFFEC00  }
0x11c: {  	[spmem:s3] =	stream.indirect.scatter.add.f32 [tilespmem:s14], [sflag:$0x5], $0x80, s1, s8, $0xb8;
	[tilespmem:$0x19000] =	vst v63  }
0x11d: {  	_ =	swait.ge [sflag:s25], $0x1400  }
0x11e: {  	[sflag:s25] =	ssyncset.done $0x0  }
0x11f: {  	[sflag:s25] =	ssyncadd.s32 $0xFFFFEC00  }
0x120: {  	_ =	swait.ge [sflag:s15], $0x1400  }
0x121: {  	[sflag:s15] =	ssyncset.done $0x0  }
0x122: {  	[sflag:s15] =	ssyncadd.s32 $0xFFFFEC00  }
0x123: {  	_ =	swait.ge [sflag:s15], $0x1400  }
0x124: {  	[sflag:s15] =	ssyncset.done $0x0  }
0x125: {  	[sflag:s15] =	ssyncadd.s32 $0xFFFFEC00  }
0x126: {  	[spmem:s3] =	stream.indirect.scatter.add.f32 [tilespmem:s10], [sflag:$0x5], $0x80, s26, s8, $0xb8;
	[tilespmem:$0x19000] =	vst v63  }
0x127: {  	_ =	swait.ge [sflag:s25], $0x1400  }
0x128: {  	[sflag:s25] =	ssyncset.done $0x0  }
0x129: {  	[sflag:s25] =	ssyncadd.s32 $0xFFFFEC00  }
0x12a: {  	[spmem:s3] =	stream.indirect.scatter.add.f32 [tilespmem:s11], [sflag:$0x5], $0x80, s29, s8, $0xb8;
	[tilespmem:$0x19000] =	vst v63  }
0x12b: {  	_ =	swait.ge [sflag:s25], $0x1400  }
0x12c: {  	[sflag:s25] =	ssyncset.done $0x0  }
0x12d: {  	[sflag:s25] =	ssyncadd.s32 $0xFFFFEC00  }
0x12e: {  	[bflag:$0x0] =	sbarrier.arrive $0xFFFF  }
0x12f: {  	s19 =	rddreg [dreg:$0xc]  }
0x130: {  	s23 =	rddreg [dreg:$0x19]  }
0x131: {  	[hbm:s23], [sflag:s19] =	dma.local [spmem:s18], $0x2780  }
0x132: {  	_ =	swait.ge [sflag:s25], $0x2780  }
0x133: {  	s17 =	sadd.s32 $0x1, s17;
	s24 =	rddreg [dreg:$0x1a]  }
0x134: {  	p0 =	sne.s32 s17, s24  }
.Ltmp1:
0x135: {  	_ = 	snop;
	(pc) =	sbr.rel @p0 .LBB2_1-.Ltmp1, $3  }
0x136: {  	_ =	sdelay $0x1  }
0x137: {  	[sflag:s25] =	ssyncset.done $0x0  }
0x138: {  	[sflag:s25] =	ssyncadd.s32 $0xFFFFD880  }
0x139: {  	_ =	sfence.sel $0x180000  }
0x13a: {  	[bflag:$0x0] =	sbarrier.arrive $0xFFFF  }
0x13b: {  	_ =	strace $0x9000004A  }
0x13c: {  	s0 =	stileid.u32;
	[bflag:$0x2] =	sbarrier.arrive $0xFFFF  }
0x13d: {  	p0 =	sne.s32 s0, $0x0;
	s0 =	rddreg [dreg:$0x3]  }
0x13e: {  	s0 =	sadd.s32 @!p0 $0x100000, s0  }
0x13f: {  	[sflag:s0] =	ssyncadd.tile.s32 @!p0 $0x1;
	_ =	shalt  }
.Lfunc_end2:
_tile_overlayer_lowered:
.L_overlay_start_2:
0x140: {  	(tag) =	ssettag $0x2  }
0x141: {  	s0 =	rddreg [dreg:$0x0];
	s2 =	stileid.u32  }
0x142: {  	s1 =	rddreg [dreg:$0x1];
	p0 =	sne.s32 s2, $0x0  }
0x143: {  	s3 =	rddreg [dreg:$0x2];
	[bflag:$0x3] =	sbarrier.arrive $0xFFFF;
	s2 =	simm.s32 @!p0 $0x1C05  }
0x144: {  	[timem:s3], [sflag:s2] =	dma.local @!p0 [hbm:s0], s1  }
0x145: {  	s0 =	simm.s32 @!p0 $0x5  }
0x146: {  	_ =	swait.ge @!p0 [sflag:s0], s1  }
0x147: {  	s1 =	ssub.s32 @!p0 $0x0, s1;
	[sflag:s0] =	ssyncset.done @!p0 $0x0  }
0x148: {  	[sflag:s0] =	ssyncadd.s32 @!p0 s1  }
0x149: {  	[bflag:$0x3] =	sbarrier.arrive $0xFFFF  }
0x14a: {  	_ =	shalt  }

// kernel: kernel.14.cloned.1.call-start
scs
__scs_entry_jumppad:
0x0: {  	(pc) =	sbr.rel $0x88, $3  }
0x1: {  	(tag) =	ssettag $0x0;
	lr =	simm.s32 $0x1  }
0x2: {  	[smem:$0x3F99] =	sst lr;
	_ =	strace $0xD0000000  }
0x3: {  	_ = 	snop  }
0x4: {  	_ = 	snop  }
0x5: {  	_ = 	snop  }
0x6: {  	_ = 	snop  }
0x7: {  	_ = 	snop  }
__scs_overlays_trampoline_lowered:
0x8: {  	[smem:$0x3FA8] =	sst s0  }
0x9: {  	[smem:$0x3FA9] =	sst s1  }
0xa: {  	[smem:$0x3FAA] =	sst s2  }
0xb: {  	[smem:$0x3FAB] =	sst s3  }
0xc: {  	[smem:$0x3FAC] =	sst s4  }
0xd: {  	[smem:$0x3FAD] =	sst s5  }
0xe: {  	[smem:$0x3FAE] =	sst s6  }
0xf: {  	[smem:$0x3FAF] =	sst s7  }
0x10: {  	[smem:$0x3FB0] =	sst s8  }
0x11: {  	[smem:$0x3FB1] =	sst s9;
	s0 =	simm.s32 @!p0 $0x0  }
0x12: {  	s1 =	sld [smem:$0x3F97];
	s0 =	simm.s32 @p0 $0x1  }
0x13: {  	[smem:$0x3FB2] =	sst s0;
	s0 =	simm.s32 @!p1 $0x0  }
0x14: {  	s2 =	sld [smem:$0x3F96];
	s0 =	simm.s32 @p1 $0x1  }
0x15: {  	[smem:$0x3FB3] =	sst s0;
	s0 =	simm.s32 @!p2 $0x0  }
0x16: {  	s3 =	sld [smem:$0x3FDB];
	s0 =	simm.s32 @p2 $0x1  }
0x17: {  	s4 =	simm.s32 $0x1BF5;
	[smem:$0x3FB5] =	sst s0  }
0x18: {  	s0 =	sld [smem:$0x3F98];
	_ =	swait.ge [sflag:s4], $0x0  }
0x19: {  	s7 =	sld [smem:$0x3F99]  }
0x1a: {  	s8 =	sadd.s32 $0xFFFFE003, lr  }
0x1b: {  	s9 =	sadd.s32 $0xFFFFFEF7, lr;
	s5 =	simm.s32 $0xFFFFFFFF;
	p2 =	slt.u32 s8, $0xFFFFF086  }
0x1c: {  	p1 =	slt.u32 s9, $0xF7A;
	s5 =	simm.s32 @!p2 $0x0  }
0x1d: {  	s5 =	simm.s32 @p1 $0x1;
	p0 =	seq.s32 s7, s2  }
0x1e: {  	s7 =	smul.u32 @!p0 $0xF7A, s2;
	p2 =	seq.s32 @!p0 s5, $0x0  }
0x1f: {  	s9 =	smul.u32 $0xF7A, s1;
	s8 =	simm.s32 @!p0 $0x1BF5;
	p2 =	por !p2, p0  }
0x20: {  	[sflag:s8] =	ssyncset.s32 @!p0 $0xFFFFF086;
	s6 =	sadd.s32 @!p0 s3, s7;
	s7 =	simm.s32 @!p0 $0x108  }
0x21: {  	s3 =	sadd.s32 s3, s9;
	s6 =	sadd.s32 @!p0 $0x88, s6;
	s7 =	simm.s32 @p2 $0x1082  }
0x22: {  	[simem:s7], [sflag:s8] =	dma.local @!p0 [hbm:s6], $0xF7A  }
0x23: {  	s9 =	sor.u32 $0xD0000000, s2;
	s6 =	simm.s32 $0x108;
	_ =	swait.ge @!p0 [sflag:s8], $0x0  }
0x24: {  	s3 =	sadd.s32 $0x88, s3;
	s6 =	simm.s32 @!p1 $0x1082;
	[sflag:s4] =	ssyncset.s32 $0xFFFFF086  }
0x25: {  	[simem:s6], [sflag:s4] =	dma.local [hbm:s3], $0xF7A  }
0x26: {  	[smem:$0x3F99] =	sst s1;
	(tag) =	ssettag s2;
	_ =	strace s9  }
0x27: {  	s1 =	sld [smem:$0x3FA9]  }
0x28: {  	s2 =	sld [smem:$0x3FAA]  }
0x29: {  	s4 =	sld [smem:$0x3FAC]  }
0x2a: {  	p0 =	seq.s32 s5, $0x0;
	s5 =	sld [smem:$0x3FAD]  }
0x2b: {  	s6 =	sld [smem:$0x3FAE]  }
0x2c: {  	s7 =	sld [smem:$0x3FAF]  }
0x2d: {  	s3 =	simm.s32 $0x108;
	s8 =	sld [smem:$0x3FB0]  }
0x2e: {  	s3 =	simm.s32 @!p0 $0x1082;
	s9 =	sld [smem:$0x3FB1]  }
0x2f: {  	lr =	sadd.s32 s0, s3;
	s0 =	sld [smem:$0x3FA8]  }
0x30: {  	s3 =	sld [smem:$0x3FAB]  }
0x31: {  	[smem:$0x3FB4] =	sst s10  }
0x32: {  	s10 =	sld [smem:$0x3FB2];
	_ =	sdelay $0x3  }
0x33: {  	p0 =	seq.s32 s10, $0x1;
	s10 =	sld [smem:$0x3FB4];
	_ =	sdelay $0x3  }
0x34: {  	[smem:$0x3FB4] =	sst s10  }
0x35: {  	s10 =	sld [smem:$0x3FB3];
	_ =	sdelay $0x3  }
0x36: {  	p1 =	seq.s32 s10, $0x1;
	s10 =	sld [smem:$0x3FB4];
	_ =	sdelay $0x3  }
0x37: {  	[smem:$0x3FB4] =	sst s10  }
0x38: {  	s10 =	sld [smem:$0x3FB5]  }
0x39: {  	_ = 	snop;
	(pc) =	sbr.ind lr, $3  }
0x3a: {  	_ = 	snop  }
0x3b: {  	_ = 	snop  }
0x3c: {  	p2 =	seq.s32 s10, $0x1;
	s10 =	sld [smem:$0x3FB4]  }
0x3d: {  	_ =	shalt  }
0x3e: {  	_ =	shalt  }
0x3f: {  	_ =	shalt  }
0x40: {  	_ =	shalt  }
0x41: {  	_ =	shalt  }
0x42: {  	_ =	shalt  }
0x43: {  	_ =	shalt  }
0x44: {  	_ =	shalt  }
0x45: {  	_ =	shalt  }
0x46: {  	_ =	shalt  }
0x47: {  	_ =	shalt  }
0x48: {  	_ =	shalt  }
0x49: {  	_ =	shalt  }
0x4a: {  	_ =	shalt  }
0x4b: {  	_ =	shalt  }
0x4c: {  	_ =	shalt  }
0x4d: {  	_ =	shalt  }
0x4e: {  	_ =	shalt  }
0x4f: {  	_ =	shalt  }
0x50: {  	_ =	shalt  }
0x51: {  	_ =	shalt  }
0x52: {  	_ =	shalt  }
0x53: {  	_ =	shalt  }
0x54: {  	_ =	shalt  }
0x55: {  	_ =	shalt  }
0x56: {  	_ =	shalt  }
0x57: {  	_ =	shalt  }
0x58: {  	_ =	shalt  }
0x59: {  	_ =	shalt  }
0x5a: {  	_ =	shalt  }
0x5b: {  	_ =	shalt  }
0x5c: {  	_ =	shalt  }
0x5d: {  	_ =	shalt  }
0x5e: {  	_ =	shalt  }
0x5f: {  	_ =	shalt  }
0x60: {  	_ =	shalt  }
0x61: {  	_ =	shalt  }
0x62: {  	_ =	shalt  }
0x63: {  	_ =	shalt  }
0x64: {  	_ =	shalt  }
0x65: {  	_ =	shalt  }
0x66: {  	_ =	shalt  }
0x67: {  	_ =	shalt  }
0x68: {  	_ =	shalt  }
0x69: {  	_ =	shalt  }
0x6a: {  	_ =	shalt  }
0x6b: {  	_ =	shalt  }
0x6c: {  	_ =	shalt  }
0x6d: {  	_ =	shalt  }
0x6e: {  	_ =	shalt  }
0x6f: {  	_ =	shalt  }
0x70: {  	_ =	shalt  }
0x71: {  	_ =	shalt  }
0x72: {  	_ =	shalt  }
0x73: {  	_ =	shalt  }
0x74: {  	_ =	shalt  }
0x75: {  	_ =	shalt  }
0x76: {  	_ =	shalt  }
0x77: {  	_ =	shalt  }
0x78: {  	_ =	shalt  }
0x79: {  	_ =	shalt  }
0x7a: {  	_ =	shalt  }
0x7b: {  	_ =	shalt  }
0x7c: {  	_ =	shalt  }
0x7d: {  	_ =	shalt  }
0x7e: {  	_ =	shalt  }
0x7f: {  	_ =	shalt  }
0x80: {  	_ =	shalt  }
0x81: {  	_ =	shalt  }
0x82: {  	_ =	shalt  }
0x83: {  	_ =	shalt  }
0x84: {  	_ =	shalt  }
0x85: {  	_ =	shalt  }
0x86: {  	_ =	shalt  }
0x87: {  	_ =	shalt  }
.Lfunc_end0:
.L_simem_size_0:
called_computation.2_lowered:
.L_overlay_start_0:
0x88: {  	s2 =	sld [smem:$0x3FD9]  }
0x89: {  	s3 =	sld [smem:$0x3FFE];
	_ =	sdelay $0x1  }
0x8a: {  	s1 =	srdreg.scid  }
0x8b: {  	s0 =	sand.u32 $0x1, s1  }
0x8c: {  	s14 =	sshll.u32 s0, $0xA;
	s2 =	sadd.s32 s3, s2  }
0x8d: {  	s2 =	sadd.s32 s2, s14  }
0x8e: {  	[smem:$0x3FC0] =	sst s2  }
0x8f: {  	_ = 	snop  }
0x90: {  	s2 =	sld [smem:$0x3FD0];
	_ =	sdelay $0x2  }
0x91: {  	s15 =	simm.s32 $0xA;
	s4 =	simm.s32 $0x10  }
0x92: {  	[smem:s4], [sflag:s15] =	dma.local [hbm:s2], $0x1  }
0x93: {  	_ =	swait.eq [sflag:s15], $0x1  }
0x94: {  	[sflag:s15] =	ssyncset.done $0x0  }
0x95: {  	[sflag:s15] =	ssyncadd.s32 $0xFFFFFFFF  }
0x96: {  	s16 =	sld [smem:$0x10];
	(tm) =	ssettm $0x1  }
0x97: {  	s17 =	sld [smem:$0x3FFB];
	_ =	sdelay $0x3  }
0x98: {  	_ =	strace s17  }
0x99: {  	s3 =	sld [smem:$0x3FFC];
	_ =	sdelay $0x3  }
0x9a: {  	_ =	strace s3  }
0x9b: {  	s3 =	sld [smem:$0x3FFD];
	_ =	sdelay $0x3  }
0x9c: {  	_ =	strace s3  }
0x9d: {  	_ =	strace $0x8FFFFFFF  }
0x9e: {  	s18 =	sld [smem:$0x3FDB];
	_ =	sdelay $0x1  }
0x9f: {  	s19 =	simm.s32 $_scs_section_size  }
0xa0: {  	s5 =	simm.s32 $_size__tile_overlayer_lowered;
	s6 =	simm.s32 $_tile_overlayer_lowered  }
0xa1: {  	s22 =	simm.s32 $0x1BFF;
	s21 =	sshll.u32 s6, $0x1;
	s3 =	sadd.s32 s19, s18  }
0xa2: {  	s7 =	simm.s32 $0x0;
	s20 =	sshll.u32 s5, $0x1;
	s5 =	sadd.s32 s21, s3  }
0xa3: {  	[timem:s7], [sflag:s22] =	dma.local [hbm:s5], s20  }
0xa4: {  	_ =	swait.ge [sflag:s22], s20  }
0xa5: {  	s4 =	ssub.s32 $0x0, s20;
	[sflag:s22] =	ssyncset.done $0x0  }
0xa6: {  	[sflag:s22] =	ssyncadd.s32 s4;
	_ =	sdelay $0x1  }
0xa7: {  	s23 =	simm.s32 $0x1B8B  }
0xa8: {  	_ =	swait.ge [sflag:s23], $0x1  }
0xa9: {  	[sflag:s23] =	ssyncset.done $0x0  }
0xaa: {  	s25 =	simm.s32 $0x1B8E;
	s24 =	sld [smem:$0x3FFE];
	[sflag:s23] =	ssyncadd.s32 $0xFFFFFFFF  }
0xab: {  	s26 =	simm.s32 $execute0_lowered;
	[smem:$0x3FD2] =	sst s25  }
0xac: {  	s5 =	sshll.u32 s26, $0x1;
	_ =	strace $0x8000004C;
	[dreg:$0x1] =	wrdreg $0xFFFFFFFF  }
0xad: {  	s28 =	simm.s32 $_size_execute0_lowered;
	s3 =	sadd.s32 s3, s5;
	[dreg:$0x0] =	wrdreg $0x0  }
0xae: {  	s5 =	sshll.u32 s28, $0x1;
	[dreg:$0x2] =	wrdreg s3  }
0xaf: {  	[dreg:$0x3] =	wrdreg s5  }
0xb0: {  	[dreg:$0x4] =	wrdreg $0xC0  }
0xb1: {  	_ =	task [dreg:s7], $0x5FFFF  }
0xb2: {  	[dreg:$0x1] =	wrdreg $0xFFFFFFFF  }
0xb3: {  	[dreg:$0x0] =	wrdreg $0x60  }
0xb4: {  	[dreg:$0x2] =	wrdreg s24  }
0xb5: {  	[dreg:$0x3] =	wrdreg s16  }
0xb6: {  	[dreg:$0x4] =	wrdreg $0xCE400  }
0xb7: {  	[dreg:$0x5] =	wrdreg $0x9  }
0xb8: {  	_ =	task.clear_ibuf [dreg:s7], $0x6FFFF;
	_ =	strace $0x9000004C  }
0xb9: {  	s29 =	simm.s32 $0x9;
	_ =	strace $0x8000004E  }
0xba: {  	_ =	swait.ge [sflag:s29], $0x1  }
0xbb: {  	[sflag:s29] =	ssyncadd.s32 $0xFFFFFFFF  }
0xbc: {  	_ =	strace $0x9000004E  }
0xbd: {  	_ =	sfence  }
0xbe: {  	s30 =	sld [smem:$0x0];
	_ =	sdelay $0x2  }
0xbf: {  	s31 =	sshll.u32 s1, $0xD;
	s1 =	sshrl.u32 s1, $0x2  }
0xc0: {  	s3 =	sand.u32 $0x4000, s31;
	s1 =	sadd.s32 s1, s30  }
0xc1: {  	s0 =	sor.u32 s3, s0;
	s1 =	sshll.u32 s1, $0x11  }
0xc2: {  	s0 =	sor.u32 s1, s0  }
0xc3: {  	s0 =	sadd.s32 $0x8F2B, s0  }
0xc4: {  	[sflag:s0] =	ssyncadd.remote.s32 $0x1  }
0xc5: {  	_ =	sfence.sel $0xFFFF  }
0xc6: {  	[dreg:$0x0] =	wrdreg $0xFFFFFFFF;
	(pc) =	sbr.abs _section_cstart, $3  }
0xc7: {  	[dreg:$0x1] =	wrdreg $0xFFFFFFFF  }
0xc8: {  	_ =	task.clear_ibuf [dreg:s7], $0x2FFFF;
	_ =	strace $0x9FFFFFFF  }
0xc9: {  	(tm) =	ssettm $0x7FFFFFFF  }
tec
execute0_lowered:
.L_overlay_start_1:
0x0: {  	(tag) =	ssettag $0x1  }
0x1: {  	s0 =	rddreg [dreg:$0x0]  }
0x2: {  	s21 =	rddreg [dreg:$0x1]  }
0x3: {  	s3 =	rddreg [dreg:$0x2];
	s11 =	stileid.u32  }
0x4: {  	s4 =	simm.s32 $0x0;
	s1 =	srdreg.scid;
	s2 =	smul.u32 $0x9E00, s11  }
0x5: {  	[smem:$0x7FF] =	sst s4;
	s5 =	sand.u32 $0x1, s1;
	s31 =	sadd.s32 $0x3000, s0  }
0x6: {  	s6 =	sadd.s32 $0x5B200, s0;
	s20 =	sshll.u32 s11, $0x6;
	s23 =	smul.u32 $0x2710, s11  }
0x7: {  	_ =	strace $0x8000004D;
	s7 =	smul.u32 $0x9E000, s5;
	s17 =	ssub.s32 $0x2, s5  }
0x8: {  	s9 =	sshll.u32 s5, $0x4;
	s26 =	sor.u32 $0x1C05, s20;
	s5 =	smul.u32 $0x27100, s5  }
0x9: {  	s15 =	sshrl.u32 s2, $0x3;
	s10 =	sshrl.u32 s17, $0x1;
	s9 =	sor.u32 s11, s9  }
0xa: {  	[dreg:$0x18] =	wrdreg s26;
	s8 =	sadd.s32 s15, s0;
	s16 =	sadd.s32 s2, s7  }
0xb: {  	s18 =	smul.u32 $0x2710, s9;
	s2 =	sadd.s32 s2, s3;
	s5 =	sadd.s32 s23, s5  }
0xc: {  	s1 =	sshrl.u32 s16, $0x3;
	[dreg:$0x16] =	wrdreg s2;
	s19 =	sadd.s32 $0x6EC00, s8  }
0xd: {  	s9 =	sadd.s32 $0x4B0, s5;
	s13 =	sadd.s32 $0x500, s5;
	s16 =	sadd.s32 $0x550, s5  }
0xe: {  	s0 =	sadd.s32 s1, s0;
	s1 =	ssub.s32 s17, s10;
	s11 =	sshrl.u32 s9, $0x3  }
0xf: {  	[dreg:$0x17] =	wrdreg s19;
	s14 =	sshrl.u32 s13, $0x3;
	s12 =	sadd.s32 s11, s21  }
0x10: {  	s2 =	sshrl.u32 s18, $0x3;
	s15 =	sadd.s32 s14, s21;
	[dreg:$0x4] =	wrdreg s12  }
0x11: {  	s18 =	sshrl.u32 s16, $0x3;
	s17 =	sadd.s32 s14, s31;
	[dreg:$0x6] =	wrdreg s15  }
0x12: {  	s19 =	sadd.s32 s18, s21;
	[dreg:$0x7] =	wrdreg s17  }
0x13: {  	s7 =	sadd.s32 $0xA, s2;
	s0 =	sadd.s32 $0x82800, s0;
	[dreg:$0x8] =	wrdreg s19  }
0x14: {  	s24 =	sadd.s32 s31, s7;
	[smem:$0x7FB] =	sst s0  }
0x15: {  	s22 =	sadd.s32 $0x14, s2;
	s7 =	sadd.s32 s21, s7;
	[dreg:$0x19] =	wrdreg s24  }
0x16: {  	s25 =	sadd.s32 s31, s22;
	[dreg:$0x1a] =	wrdreg s7  }
0x17: {  	s29 =	sadd.s32 $0x1E, s2;
	s28 =	sadd.s32 s21, s22;
	[dreg:$0x1b] =	wrdreg s25  }
0x18: {  	s3 =	sadd.s32 $0x28, s2;
	s30 =	sadd.s32 s31, s29;
	[dreg:$0x1c] =	wrdreg s28  }
0x19: {  	s10 =	sadd.s32 s31, s3;
	[dreg:$0x1d] =	wrdreg s30  }
0x1a: {  	s20 =	sadd.s32 $0x5A0, s5;
	s8 =	sadd.s32 s21, s3;
	[dreg:$0x1f] =	wrdreg s10  }
0x1b: {  	s23 =	sshrl.u32 s20, $0x3;
	s22 =	sadd.s32 s18, s31;
	[smem:$0x7E4] =	sst s8  }
0x1c: {  	s3 =	sadd.s32 $0x460, s5;
	s7 =	sadd.s32 s21, s29;
	[dreg:$0x9] =	wrdreg s22  }
0x1d: {  	s15 =	sadd.s32 $0x3C0, s5;
	s24 =	sadd.s32 s23, s21;
	[dreg:$0x1e] =	wrdreg s7  }
0x1e: {  	s19 =	sadd.s32 $0x370, s5;
	s28 =	sadd.s32 s23, s31;
	[dreg:$0xa] =	wrdreg s24  }
0x1f: {  	s9 =	sshrl.u32 s3, $0x3;
	s7 =	sadd.s32 s11, s31;
	[dreg:$0xb] =	wrdreg s28  }
0x20: {  	s25 =	sadd.s32 $0x5F0, s5;
	s10 =	sadd.s32 s9, s21;
	[dreg:$0x5] =	wrdreg s7  }
0x21: {  	s17 =	sshrl.u32 s15, $0x3;
	s12 =	sadd.s32 s9, s31;
	[dreg:$0xe] =	wrdreg s10  }
0x22: {  	s22 =	sshrl.u32 s19, $0x3;
	s18 =	sadd.s32 s17, s21;
	[dreg:$0xf] =	wrdreg s12  }
0x23: {  	s23 =	sadd.s32 $0x32, s2;
	s20 =	sadd.s32 s17, s31;
	[dreg:$0x12] =	wrdreg s18  }
0x24: {  	s29 =	sshrl.u32 s25, $0x3;
	s25 =	sadd.s32 s31, s23;
	[dreg:$0x13] =	wrdreg s20  }
0x25: {  	s24 =	sadd.s32 s22, s21;
	[smem:$0x7E5] =	sst s25  }
0x26: {  	s28 =	sadd.s32 s22, s31;
	[dreg:$0x14] =	wrdreg s24  }
0x27: {  	s22 =	sadd.s32 s31, s2;
	[dreg:$0x15] =	wrdreg s28  }
0x28: {  	s30 =	sadd.s32 s29, s21;
	[smem:$0x7F5] =	sst s22  }
0x29: {  	s8 =	sadd.s32 s29, s31;
	[dreg:$0xc] =	wrdreg s30  }
0x2a: {  	s9 =	sadd.s32 $0x46, s2;
	s29 =	sadd.s32 s21, s23;
	[dreg:$0xd] =	wrdreg s8  }
0x2b: {  	s10 =	sadd.s32 s31, s9;
	[smem:$0x7E6] =	sst s29  }
0x2c: {  	s17 =	sadd.s32 $0x4BA, s2;
	s7 =	sadd.s32 s21, s9;
	[smem:$0x7E9] =	sst s10  }
0x2d: {  	s19 =	sadd.s32 $0x4C4, s2;
	s18 =	sadd.s32 s31, s17;
	[smem:$0x7EA] =	sst s7  }
0x2e: {  	s11 =	sadd.s32 $0x410, s5;
	s20 =	sadd.s32 s31, s19;
	[smem:$0x7F1] =	sst s18  }
0x2f: {  	s13 =	sshrl.u32 s11, $0x3;
	s23 =	sadd.s32 s21, s2;
	[smem:$0x7F3] =	sst s20  }
0x30: {  	s14 =	sadd.s32 s13, s21;
	[smem:$0x7F6] =	sst s23  }
0x31: {  	s11 =	sadd.s32 $0x50, s2;
	s16 =	sadd.s32 s13, s31;
	[dreg:$0x10] =	wrdreg s14  }
0x32: {  	s12 =	sadd.s32 s31, s11;
	[dreg:$0x11] =	wrdreg s16  }
0x33: {  	s24 =	sadd.s32 $0x4CE, s2;
	s7 =	sadd.s32 s21, s11;
	[smem:$0x7EB] =	sst s12  }
0x34: {  	s25 =	sadd.s32 s31, s24;
	[smem:$0x7EC] =	sst s7  }
0x35: {  	s30 =	sadd.s32 $0x3C, s2;
	s29 =	smax.u32 s1, $0x1;
	[smem:$0x7F7] =	sst s25  }
0x36: {  	s3 =	sadd.s32 s31, s30;
	[smem:$0x7FC] =	sst s29  }
0x37: {  	s13 =	sadd.s32 $0x5A, s2;
	s8 =	sadd.s32 s21, s30;
	[smem:$0x7E7] =	sst s3  }
0x38: {  	s14 =	sadd.s32 s31, s13;
	[smem:$0x7E8] =	sst s8  }
0x39: {  	s15 =	sadd.s32 $0x4B0, s2;
	s7 =	sadd.s32 s21, s13;
	[smem:$0x7ED] =	sst s14  }
0x3a: {  	s2 =	sadd.s32 $0x4D8, s2;
	s16 =	sadd.s32 s31, s15;
	[smem:$0x7EE] =	sst s7  }
0x3b: {  	s28 =	sadd.s32 s31, s2;
	[smem:$0x7EF] =	sst s16  }
0x3c: {  	s2 =	sadd.s32 s21, s2;
	[smem:$0x7F9] =	sst s28  }
0x3d: {  	s18 =	simm.s32 $0x5;
	s30 =	sadd.s32 $0x320, s5;
	[smem:$0x7FA] =	sst s2  }
0x3e: {  	s20 =	simm.s32 $0x50;
	s7 =	sadd.s32 s21, s15;
	[smem:$0x7FD] =	sst s30  }
0x3f: {  	s1 =	simm.s32 $0x0;
	[smem:$0x7F0] =	sst s7;
	s7 =	sadd.s32 s21, s17  }
0x40: {  	s13 =	simm.s32 $0x1;
	[smem:$0x7F2] =	sst s7;
	s7 =	sadd.s32 s21, s19  }
0x41: {  	s25 =	simm.s32 $0x4;
	[smem:$0x7F4] =	sst s7;
	s7 =	sadd.s32 s21, s24  }
0x42: {  	s2 =	simm.s32 $0x2;
	s24 =	simm.s32 $0x3;
	[smem:$0x7F8] =	sst s7  }
.LBB2_1:
0x43: {  	[smem:$0x7E2] =	sst s1  }
0x44: {  	s0 =	rddreg [dreg:$0x16]  }
0x45: {  	s11 =	rddreg [dreg:$0x17];
	s10 =	sshrl.u32 s0, $0x3  }
0x46: {  	[smem:$0x7E3] =	sst s10  }
0x47: {  	[spmem:s10], [sflag:s26] =	dma.local [hbm:s11], $0x13C0  }
0x48: {  	_ =	swait.ge [sflag:s18], $0x13C0  }
0x49: {  	[sflag:s18] =	ssyncset.done $0x0  }
0x4a: {  	[sflag:s18] =	ssyncadd.s32 $0xFFFFEC40  }
0x4b: {  	[bflag:$0x0] =	sbarrier.arrive $0xFFFF  }
0x4c: {  	s12 =	sld [smem:$0x7F5];
	_ =	sdelay $0x1  }
0x4d: {  	s14 =	sld [smem:$0x7F6]  }
0x4e: {  	[tilespmem:s4], [sflag:$0x1] =	stream.linear.gather [hbm4b:s12+s4], $0x50, $0x38;
	[tilespmem:$0x16C40] =	vst v63  }
0x4f: {  	s7 =	simm.s32 $0x320;
	s15 =	rddreg [dreg:$0x19]  }
0x50: {  	[tilespmem:s7], [sflag:$0x1] =	stream.linear.gather [hbm4b:s14+s4], $0x50, $0x38;
	[tilespmem:$0x16C40] =	vst v63  }
0x51: {  	s16 =	rddreg [dreg:$0x1a]  }
0x52: {  	[tilespmem:s20], [sflag:$0x1] =	stream.linear.gather [hbm4b:s15+s4], $0x50, $0x38;
	[tilespmem:$0x16C40] =	vst v63  }
0x53: {  	s8 =	simm.s32 $0x370;
	s17 =	rddreg [dreg:$0x1b]  }
0x54: {  	[tilespmem:s8], [sflag:$0x1] =	stream.linear.gather [hbm4b:s16+s4], $0x50, $0x38;
	[tilespmem:$0x16C40] =	vst v63  }
0x55: {  	s19 =	rddreg [dreg:$0x1c];
	s16 =	simm.s32 $0xA0  }
0x56: {  	[tilespmem:s16], [sflag:$0x1] =	stream.linear.gather [hbm4b:s17+s4], $0x50, $0x38;
	[tilespmem:$0x16C40] =	vst v63  }
0x57: {  	s30 =	simm.s32 $0x3C0;
	s22 =	rddreg [dreg:$0x1d]  }
0x58: {  	[tilespmem:s30], [sflag:$0x1] =	stream.linear.gather [hbm4b:s19+s4], $0x50, $0x38;
	[tilespmem:$0x16C40] =	vst v63  }
0x59: {  	s23 =	rddreg [dreg:$0x1e];
	s15 =	simm.s32 $0xF0  }
0x5a: {  	[tilespmem:s15], [sflag:$0x1] =	stream.linear.gather [hbm4b:s22+s4], $0x50, $0x38;
	[tilespmem:$0x16C40] =	vst v63  }
0x5b: {  	s26 =	simm.s32 $0x410;
	s1 =	rddreg [dreg:$0x1f]  }
0x5c: {  	[tilespmem:s26], [sflag:$0x1] =	stream.linear.gather [hbm4b:s23+s4], $0x50, $0x38;
	[tilespmem:$0x16C40] =	vst v63  }
0x5d: {  	s3 =	sld [smem:$0x7E4];
	s14 =	simm.s32 $0x140  }
0x5e: {  	[tilespmem:s14], [sflag:$0x1] =	stream.linear.gather [hbm4b:s1+s4], $0x50, $0x38;
	[tilespmem:$0x16C40] =	vst v63  }
0x5f: {  	s5 =	simm.s32 $0x460;
	s9 =	sld [smem:$0x7E5]  }
0x60: {  	[tilespmem:s5], [sflag:$0x1] =	stream.linear.gather [hbm4b:s3+s4], $0x50, $0x38;
	[tilespmem:$0x16C40] =	vst v63  }
0x61: {  	s10 =	simm.s32 $0x190;
	s11 =	sld [smem:$0x7E6]  }
0x62: {  	[tilespmem:s10], [sflag:$0x2] =	stream.linear.gather [hbm4b:s9+s4], $0x50, $0x38;
	[tilespmem:$0x16C40] =	vst v63  }
0x63: {  	s12 =	simm.s32 $0x4B0;
	s17 =	sld [smem:$0x7E7]  }
0x64: {  	[tilespmem:s12], [sflag:$0x2] =	stream.linear.gather [hbm4b:s11+s4], $0x50, $0x38;
	[tilespmem:$0x16C40] =	vst v63  }
0x65: {  	s19 =	simm.s32 $0x1E0;
	s22 =	sld [smem:$0x7E8]  }
0x66: {  	[tilespmem:s19], [sflag:$0x2] =	stream.linear.gather [hbm4b:s17+s4], $0x50, $0x38;
	[tilespmem:$0x16C40] =	vst v63  }
0x67: {  	s23 =	simm.s32 $0x500;
	s1 =	sld [smem:$0x7E9]  }
0x68: {  	[tilespmem:s23], [sflag:$0x2] =	stream.linear.gather [hbm4b:s22+s4], $0x50, $0x38;
	[tilespmem:$0x16C40] =	vst v63  }
0x69: {  	s3 =	simm.s32 $0x230;
	s5 =	sld [smem:$0x7EA]  }
0x6a: {  	[tilespmem:s3], [sflag:$0x2] =	stream.linear.gather [hbm4b:s1+s4], $0x50, $0x38;
	[tilespmem:$0x16C40] =	vst v63  }
0x6b: {  	s9 =	simm.s32 $0x550;
	s11 =	sld [smem:$0x7EB]  }
0x6c: {  	[tilespmem:s9], [sflag:$0x2] =	stream.linear.gather [hbm4b:s5+s4], $0x50, $0x38;
	[tilespmem:$0x16C40] =	vst v63  }
0x6d: {  	s12 =	simm.s32 $0x280;
	s17 =	sld [smem:$0x7EC]  }
0x6e: {  	[tilespmem:s12], [sflag:$0x2] =	stream.linear.gather [hbm4b:s11+s4], $0x50, $0x38;
	[tilespmem:$0x16C40] =	vst v63  }
0x6f: {  	s23 =	simm.s32 $0x5A0;
	s3 =	sld [smem:$0x7ED]  }
0x70: {  	[tilespmem:s23], [sflag:$0x2] =	stream.linear.gather [hbm4b:s17+s4], $0x50, $0x38;
	[tilespmem:$0x16C40] =	vst v63  }
0x71: {  	s5 =	simm.s32 $0x2D0;
	s9 =	sld [smem:$0x7EE]  }
0x72: {  	[tilespmem:s5], [sflag:$0x2] =	stream.linear.gather [hbm4b:s3+s4], $0x50, $0x38;
	[tilespmem:$0x16C40] =	vst v63  }
0x73: {  	s3 =	simm.s32 $0x5F0  }
0x74: {  	[tilespmem:s3], [sflag:$0x2] =	stream.linear.gather [hbm4b:s9+s4], $0x50, $0x38;
	[tilespmem:$0x16C40] =	vst v63  }
0x75: {  	_ =	swait.ge [sflag:s13], $0x50  }
0x76: {  	[sflag:s13] =	ssyncset.done $0x0  }
0x77: {  	[sflag:s13] =	ssyncadd.s32 $0xFFFFFFB0  }
0x78: {  	_ =	swait.ge [sflag:s13], $0x50  }
0x79: {  	[sflag:s13] =	ssyncset.done $0x0  }
0x7a: {  	[sflag:s13] =	ssyncadd.s32 $0xFFFFFFB0  }
0x7b: {  	_ =	swait.ge [sflag:s13], $0x50  }
0x7c: {  	[sflag:s13] =	ssyncset.done $0x0  }
0x7d: {  	[sflag:s13] =	ssyncadd.s32 $0xFFFFFFB0  }
0x7e: {  	_ =	swait.ge [sflag:s13], $0x50  }
0x7f: {  	[sflag:s13] =	ssyncset.done $0x0  }
0x80: {  	[sflag:s13] =	ssyncadd.s32 $0xFFFFFFB0  }
0x81: {  	_ =	swait.ge [sflag:s13], $0x50  }
0x82: {  	[sflag:s13] =	ssyncset.done $0x0  }
0x83: {  	[sflag:s13] =	ssyncadd.s32 $0xFFFFFFB0  }
0x84: {  	_ =	swait.ge [sflag:s13], $0x50  }
0x85: {  	[sflag:s13] =	ssyncset.done $0x0  }
0x86: {  	[sflag:s13] =	ssyncadd.s32 $0xFFFFFFB0  }
0x87: {  	_ =	swait.ge [sflag:s13], $0x50  }
0x88: {  	[sflag:s13] =	ssyncset.done $0x0  }
0x89: {  	[sflag:s13] =	ssyncadd.s32 $0xFFFFFFB0  }
0x8a: {  	_ =	swait.ge [sflag:s13], $0x50  }
0x8b: {  	[sflag:s13] =	ssyncset.done $0x0  }
0x8c: {  	[sflag:s13] =	ssyncadd.s32 $0xFFFFFFB0  }
0x8d: {  	_ =	swait.ge [sflag:s13], $0x50  }
0x8e: {  	[sflag:s13] =	ssyncset.done $0x0  }
0x8f: {  	[sflag:s13] =	ssyncadd.s32 $0xFFFFFFB0  }
0x90: {  	_ =	swait.ge [sflag:s13], $0x50  }
0x91: {  	[sflag:s13] =	ssyncset.done $0x0  }
0x92: {  	s12 =	simm.s32 $0x640;
	[sflag:s13] =	ssyncadd.s32 $0xFFFFFFB0  }
0x93: {  	[tilespmem:s12], [sflag:$0x3] =	stream.indirect.gather [hbm4b:s6+s20], $0x40, s4, s20, $0xb8;
	[tilespmem:$0x16C40] =	vst v63  }
0x94: {  	s5 =	simm.s32 $0x1A40  }
0x95: {  	[tilespmem:s5], [sflag:$0x3] =	stream.indirect.gather [hbm4b:s6+s20], $0x40, s20, s20, $0xb8;
	[tilespmem:$0x16C40] =	vst v63  }
0x96: {  	s23 =	simm.s32 $0x2E40  }
0x97: {  	[tilespmem:s23], [sflag:$0x3] =	stream.indirect.gather [hbm4b:s6+s20], $0x40, s16, s20, $0xb8;
	[tilespmem:$0x16C40] =	vst v63  }
0x98: {  	s9 =	simm.s32 $0x4240  }
0x99: {  	[tilespmem:s9], [sflag:$0x3] =	stream.indirect.gather [hbm4b:s6+s20], $0x40, s15, s20, $0xb8;
	[tilespmem:$0x16C40] =	vst v63  }
0x9a: {  	s11 =	simm.s32 $0x5640  }
0x9b: {  	[tilespmem:s11], [sflag:$0x3] =	stream.indirect.gather [hbm4b:s6+s20], $0x40, s14, s20, $0xb8;
	[tilespmem:$0x16C40] =	vst v63  }
0x9c: {  	_ =	swait.ge [sflag:s2], $0x50  }
0x9d: {  	[sflag:s2] =	ssyncset.done $0x0  }
0x9e: {  	[sflag:s2] =	ssyncadd.s32 $0xFFFFFFB0  }
0x9f: {  	_ =	swait.ge [sflag:s2], $0x50  }
0xa0: {  	[sflag:s2] =	ssyncset.done $0x0  }
0xa1: {  	[sflag:s2] =	ssyncadd.s32 $0xFFFFFFB0  }
0xa2: {  	_ =	swait.ge [sflag:s2], $0x50  }
0xa3: {  	[sflag:s2] =	ssyncset.done $0x0  }
0xa4: {  	[sflag:s2] =	ssyncadd.s32 $0xFFFFFFB0  }
0xa5: {  	_ =	swait.ge [sflag:s2], $0x50  }
0xa6: {  	[sflag:s2] =	ssyncset.done $0x0  }
0xa7: {  	[sflag:s2] =	ssyncadd.s32 $0xFFFFFFB0  }
0xa8: {  	_ =	swait.ge [sflag:s2], $0x50  }
0xa9: {  	[sflag:s2] =	ssyncset.done $0x0  }
0xaa: {  	[sflag:s2] =	ssyncadd.s32 $0xFFFFFFB0  }
0xab: {  	_ =	swait.ge [sflag:s2], $0x50  }
0xac: {  	[sflag:s2] =	ssyncset.done $0x0  }
0xad: {  	[sflag:s2] =	ssyncadd.s32 $0xFFFFFFB0  }
0xae: {  	_ =	swait.ge [sflag:s2], $0x50  }
0xaf: {  	[sflag:s2] =	ssyncset.done $0x0  }
0xb0: {  	[sflag:s2] =	ssyncadd.s32 $0xFFFFFFB0  }
0xb1: {  	_ =	swait.ge [sflag:s2], $0x50  }
0xb2: {  	[sflag:s2] =	ssyncset.done $0x0  }
0xb3: {  	[sflag:s2] =	ssyncadd.s32 $0xFFFFFFB0  }
0xb4: {  	_ =	swait.ge [sflag:s2], $0x50  }
0xb5: {  	[sflag:s2] =	ssyncset.done $0x0  }
0xb6: {  	[sflag:s2] =	ssyncadd.s32 $0xFFFFFFB0  }
0xb7: {  	_ =	swait.ge [sflag:s2], $0x50  }
0xb8: {  	[sflag:s2] =	ssyncset.done $0x0  }
0xb9: {  	s10 =	simm.s32 $0x190;
	s17 =	simm.s32 $0x6A40;
	[sflag:s2] =	ssyncadd.s32 $0xFFFFFFB0  }
0xba: {  	[tilespmem:s17], [sflag:$0x4] =	stream.indirect.gather [hbm4b:s6+s20], $0x40, s10, s20, $0xb8;
	[tilespmem:$0x16C40] =	vst v63  }
0xbb: {  	s26 =	simm.s32 $0x1E0;
	s10 =	simm.s32 $0x7E40  }
0xbc: {  	[tilespmem:s10], [sflag:$0x4] =	stream.indirect.gather [hbm4b:s6+s20], $0x40, s26, s20, $0xb8;
	[tilespmem:$0x16C40] =	vst v63  }
0xbd: {  	s19 =	simm.s32 $0x230;
	s3 =	simm.s32 $0x9240  }
0xbe: {  	[tilespmem:s3], [sflag:$0x4] =	stream.indirect.gather [hbm4b:s6+s20], $0x40, s19, s20, $0xb8;
	[tilespmem:$0x16C40] =	vst v63  }
0xbf: {  	s22 =	simm.s32 $0x280;
	s19 =	simm.s32 $0xA640  }
0xc0: {  	[tilespmem:s19], [sflag:$0x4] =	stream.indirect.gather [hbm4b:s6+s20], $0x40, s22, s20, $0xb8;
	[tilespmem:$0x16C40] =	vst v63  }
0xc1: {  	s1 =	simm.s32 $0x2D0;
	s22 =	simm.s32 $0xBA40  }
0xc2: {  	[tilespmem:s22], [sflag:$0x4] =	stream.indirect.gather [hbm4b:s6+s20], $0x40, s1, s20, $0xb8;
	[tilespmem:$0x16C40] =	vst v63  }
0xc3: {  	_ =	swait.ge [sflag:s24], $0x1400  }
0xc4: {  	[sflag:s24] =	ssyncset.done $0x0  }
0xc5: {  	[sflag:s24] =	ssyncadd.s32 $0xFFFFEC00  }
0xc6: {  	_ =	swait.ge [sflag:s24], $0x1400  }
0xc7: {  	[sflag:s24] =	ssyncset.done $0x0  }
0xc8: {  	[sflag:s24] =	ssyncadd.s32 $0xFFFFEC00  }
0xc9: {  	_ =	swait.ge [sflag:s24], $0x1400  }
0xca: {  	[sflag:s24] =	ssyncset.done $0x0  }
0xcb: {  	[sflag:s24] =	ssyncadd.s32 $0xFFFFEC00  }
0xcc: {  	_ =	swait.ge [sflag:s24], $0x1400  }
0xcd: {  	[sflag:s24] =	ssyncset.done $0x0  }
0xce: {  	[sflag:s24] =	ssyncadd.s32 $0xFFFFEC00  }
0xcf: {  	_ =	swait.ge [sflag:s24], $0x1400  }
0xd0: {  	[sflag:s24] =	ssyncset.done $0x0  }
0xd1: {  	[sflag:s24] =	ssyncadd.s32 $0xFFFFEC00  }
0xd2: {  	s0 =	rddreg [dreg:$0x2]  }
0xd3: {  	[spmem:s0] =	stream.indirect.scatter.add.f32 [tilespmem:s12], [sflag:$0x5], $0x40, s7, s20, $0xb8;
	[tilespmem:$0x16C40] =	vst v63  }
0xd4: {  	_ =	swait.ge [sflag:s18], $0x1400  }
0xd5: {  	[sflag:s18] =	ssyncset.done $0x0  }
0xd6: {  	[sflag:s18] =	ssyncadd.s32 $0xFFFFEC00  }
0xd7: {  	[spmem:s0] =	stream.indirect.scatter.add.f32 [tilespmem:s5], [sflag:$0x5], $0x40, s8, s20, $0xb8;
	[tilespmem:$0x16C40] =	vst v63  }
0xd8: {  	_ =	swait.ge [sflag:s18], $0x1400  }
0xd9: {  	[sflag:s18] =	ssyncset.done $0x0  }
0xda: {  	[sflag:s18] =	ssyncadd.s32 $0xFFFFEC00  }
0xdb: {  	[spmem:s0] =	stream.indirect.scatter.add.f32 [tilespmem:s23], [sflag:$0x5], $0x40, s30, s20, $0xb8;
	[tilespmem:$0x16C40] =	vst v63  }
0xdc: {  	_ =	swait.ge [sflag:s18], $0x1400  }
0xdd: {  	[sflag:s18] =	ssyncset.done $0x0  }
0xde: {  	s3 =	simm.s32 $0x410;
	[sflag:s18] =	ssyncadd.s32 $0xFFFFEC00  }
0xdf: {  	[spmem:s0] =	stream.indirect.scatter.add.f32 [tilespmem:s9], [sflag:$0x5], $0x40, s3, s20, $0xb8;
	[tilespmem:$0x16C40] =	vst v63  }
0xe0: {  	_ =	swait.ge [sflag:s18], $0x1400  }
0xe1: {  	[sflag:s18] =	ssyncset.done $0x0  }
0xe2: {  	s1 =	simm.s32 $0x460;
	[sflag:s18] =	ssyncadd.s32 $0xFFFFEC00  }
0xe3: {  	[spmem:s0] =	stream.indirect.scatter.add.f32 [tilespmem:s11], [sflag:$0x5], $0x40, s1, s20, $0xb8;
	[tilespmem:$0x16C40] =	vst v63  }
0xe4: {  	_ =	swait.ge [sflag:s18], $0x1400  }
0xe5: {  	s10 =	sld [smem:$0x7FD];
	_ =	sdelay $0x2  }
0xe6: {  	[sflag:s18] =	ssyncset.done $0x0;
	s26 =	sshrl.u32 s10, $0x3  }
0xe7: {  	[sflag:s18] =	ssyncadd.s32 $0xFFFFEC00;
	s28 =	sadd.s32 s31, s26  }
0xe8: {  	[tilespmem:s4], [sflag:$0x1] =	stream.linear.gather [hbm4b:s28+s4], $0x50, $0x38;
	[tilespmem:$0x16C40] =	vst v63  }
0xe9: {  	s29 =	rddreg [dreg:$0x15];
	s26 =	sadd.s32 s21, s26  }
0xea: {  	[tilespmem:s7], [sflag:$0x1] =	stream.linear.gather [hbm4b:s26+s4], $0x50, $0x38;
	[tilespmem:$0x16C40] =	vst v63  }
0xeb: {  	s28 =	rddreg [dreg:$0x14];
	s7 =	sadd.s32 $0x0, s29  }
0xec: {  	[tilespmem:s20], [sflag:$0x1] =	stream.linear.gather [hbm4b:s7+s4], $0x50, $0x38;
	[tilespmem:$0x16C40] =	vst v63  }
0xed: {  	s29 =	rddreg [dreg:$0x13];
	s7 =	sadd.s32 $0x0, s28  }
0xee: {  	[tilespmem:s8], [sflag:$0x1] =	stream.linear.gather [hbm4b:s7+s4], $0x50, $0x38;
	[tilespmem:$0x16C40] =	vst v63  }
0xef: {  	s28 =	rddreg [dreg:$0x12];
	s8 =	sadd.s32 $0x0, s29  }
0xf0: {  	[tilespmem:s16], [sflag:$0x1] =	stream.linear.gather [hbm4b:s8+s4], $0x50, $0x38;
	[tilespmem:$0x16C40] =	vst v63  }
0xf1: {  	s29 =	rddreg [dreg:$0x11];
	s7 =	sadd.s32 $0x0, s28  }
0xf2: {  	[tilespmem:s30], [sflag:$0x1] =	stream.linear.gather [hbm4b:s7+s4], $0x50, $0x38;
	[tilespmem:$0x16C40] =	vst v63  }
0xf3: {  	s28 =	rddreg [dreg:$0x10];
	s8 =	sadd.s32 $0x0, s29  }
0xf4: {  	[tilespmem:s15], [sflag:$0x1] =	stream.linear.gather [hbm4b:s8+s4], $0x50, $0x38;
	[tilespmem:$0x16C40] =	vst v63  }
0xf5: {  	s29 =	rddreg [dreg:$0xf];
	s30 =	sadd.s32 $0x0, s28  }
0xf6: {  	[tilespmem:s3], [sflag:$0x1] =	stream.linear.gather [hbm4b:s30+s4], $0x50, $0x38;
	[tilespmem:$0x16C40] =	vst v63  }
0xf7: {  	s28 =	rddreg [dreg:$0xe];
	s7 =	sadd.s32 $0x0, s29  }
0xf8: {  	[tilespmem:s14], [sflag:$0x1] =	stream.linear.gather [hbm4b:s7+s4], $0x50, $0x38;
	[tilespmem:$0x16C40] =	vst v63  }
0xf9: {  	s8 =	sadd.s32 $0x0, s28  }
0xfa: {  	[tilespmem:s1], [sflag:$0x1] =	stream.linear.gather [hbm4b:s8+s4], $0x50, $0x38;
	[tilespmem:$0x16C40] =	vst v63  }
0xfb: {  	_ =	swait.ge [sflag:s13], $0x50  }
0xfc: {  	[sflag:s13] =	ssyncset.done $0x0  }
0xfd: {  	[sflag:s13] =	ssyncadd.s32 $0xFFFFFFB0  }
0xfe: {  	_ =	swait.ge [sflag:s13], $0x50  }
0xff: {  	[sflag:s13] =	ssyncset.done $0x0  }
0x100: {  	[sflag:s13] =	ssyncadd.s32 $0xFFFFFFB0  }
0x101: {  	_ =	swait.ge [sflag:s13], $0x50  }
0x102: {  	[sflag:s13] =	ssyncset.done $0x0  }
0x103: {  	[sflag:s13] =	ssyncadd.s32 $0xFFFFFFB0  }
0x104: {  	_ =	swait.ge [sflag:s13], $0x50  }
0x105: {  	[sflag:s13] =	ssyncset.done $0x0  }
0x106: {  	[sflag:s13] =	ssyncadd.s32 $0xFFFFFFB0  }
0x107: {  	_ =	swait.ge [sflag:s13], $0x50  }
0x108: {  	[sflag:s13] =	ssyncset.done $0x0  }
0x109: {  	[sflag:s13] =	ssyncadd.s32 $0xFFFFFFB0  }
0x10a: {  	_ =	swait.ge [sflag:s13], $0x50  }
0x10b: {  	[sflag:s13] =	ssyncset.done $0x0  }
0x10c: {  	[sflag:s13] =	ssyncadd.s32 $0xFFFFFFB0  }
0x10d: {  	_ =	swait.ge [sflag:s13], $0x50  }
0x10e: {  	[sflag:s13] =	ssyncset.done $0x0  }
0x10f: {  	[sflag:s13] =	ssyncadd.s32 $0xFFFFFFB0  }
0x110: {  	_ =	swait.ge [sflag:s13], $0x50  }
0x111: {  	[sflag:s13] =	ssyncset.done $0x0  }
0x112: {  	[sflag:s13] =	ssyncadd.s32 $0xFFFFFFB0  }
0x113: {  	_ =	swait.ge [sflag:s13], $0x50  }
0x114: {  	[sflag:s13] =	ssyncset.done $0x0  }
0x115: {  	[sflag:s13] =	ssyncadd.s32 $0xFFFFFFB0  }
0x116: {  	_ =	swait.ge [sflag:s13], $0x50  }
0x117: {  	[sflag:s13] =	ssyncset.done $0x0  }
0x118: {  	[sflag:s13] =	ssyncadd.s32 $0xFFFFFFB0  }
0x119: {  	[tilespmem:s12], [sflag:$0x3] =	stream.indirect.gather [hbm4b:s6+s20], $0x40, s4, s20, $0xb8;
	[tilespmem:$0x16C40] =	vst v63  }
0x11a: {  	_ = 	snop  }
0x11b: {  	[tilespmem:s5], [sflag:$0x3] =	stream.indirect.gather [hbm4b:s6+s20], $0x40, s20, s20, $0xb8;
	[tilespmem:$0x16C40] =	vst v63  }
0x11c: {  	_ = 	snop  }
0x11d: {  	[tilespmem:s23], [sflag:$0x3] =	stream.indirect.gather [hbm4b:s6+s20], $0x40, s16, s20, $0xb8;
	[tilespmem:$0x16C40] =	vst v63  }
0x11e: {  	_ = 	snop  }
0x11f: {  	[tilespmem:s9], [sflag:$0x3] =	stream.indirect.gather [hbm4b:s6+s20], $0x40, s15, s20, $0xb8;
	[tilespmem:$0x16C40] =	vst v63  }
0x120: {  	_ = 	snop  }
0x121: {  	[tilespmem:s11], [sflag:$0x3] =	stream.indirect.gather [hbm4b:s6+s20], $0x40, s14, s20, $0xb8;
	[tilespmem:$0x16C40] =	vst v63  }
0x122: {  	_ =	swait.ge [sflag:s25], $0x1400  }
0x123: {  	[sflag:s25] =	ssyncset.done $0x0  }
0x124: {  	[sflag:s25] =	ssyncadd.s32 $0xFFFFEC00  }
0x125: {  	_ =	swait.ge [sflag:s25], $0x1400  }
0x126: {  	[sflag:s25] =	ssyncset.done $0x0  }
0x127: {  	[sflag:s25] =	ssyncadd.s32 $0xFFFFEC00  }
0x128: {  	_ =	swait.ge [sflag:s25], $0x1400  }
0x129: {  	[sflag:s25] =	ssyncset.done $0x0  }
0x12a: {  	[sflag:s25] =	ssyncadd.s32 $0xFFFFEC00  }
0x12b: {  	_ =	swait.ge [sflag:s25], $0x1400  }
0x12c: {  	[sflag:s25] =	ssyncset.done $0x0  }
0x12d: {  	[sflag:s25] =	ssyncadd.s32 $0xFFFFEC00  }
0x12e: {  	_ =	swait.ge [sflag:s25], $0x1400  }
0x12f: {  	[sflag:s25] =	ssyncset.done $0x0  }
0x130: {  	s15 =	simm.s32 $0x4B0;
	[sflag:s25] =	ssyncadd.s32 $0xFFFFEC00  }
0x131: {  	[spmem:s0] =	stream.indirect.scatter.add.f32 [tilespmem:s17], [sflag:$0x5], $0x40, s15, s20, $0xb8;
	[tilespmem:$0x16C40] =	vst v63  }
0x132: {  	_ =	swait.ge [sflag:s18], $0x1400  }
0x133: {  	[sflag:s18] =	ssyncset.done $0x0  }
0x134: {  	s16 =	simm.s32 $0x500;
	s17 =	simm.s32 $0x7E40;
	[sflag:s18] =	ssyncadd.s32 $0xFFFFEC00  }
0x135: {  	[spmem:s0] =	stream.indirect.scatter.add.f32 [tilespmem:s17], [sflag:$0x5], $0x40, s16, s20, $0xb8;
	[tilespmem:$0x16C40] =	vst v63  }
0x136: {  	_ =	swait.ge [sflag:s18], $0x1400  }
0x137: {  	[sflag:s18] =	ssyncset.done $0x0  }
0x138: {  	s26 =	simm.s32 $0x9240;
	s23 =	simm.s32 $0x550;
	[sflag:s18] =	ssyncadd.s32 $0xFFFFEC00  }
0x139: {  	[spmem:s0] =	stream.indirect.scatter.add.f32 [tilespmem:s26], [sflag:$0x5], $0x40, s23, s20, $0xb8;
	[tilespmem:$0x16C40] =	vst v63  }
0x13a: {  	_ =	swait.ge [sflag:s18], $0x1400  }
0x13b: {  	[sflag:s18] =	ssyncset.done $0x0  }
0x13c: {  	s30 =	simm.s32 $0x5A0;
	[sflag:s18] =	ssyncadd.s32 $0xFFFFEC00  }
0x13d: {  	[spmem:s0] =	stream.indirect.scatter.add.f32 [tilespmem:s19], [sflag:$0x5], $0x40, s30, s20, $0xb8;
	[tilespmem:$0x16C40] =	vst v63  }
0x13e: {  	_ =	swait.ge [sflag:s18], $0x1400  }
0x13f: {  	[sflag:s18] =	ssyncset.done $0x0  }
0x140: {  	s1 =	simm.s32 $0x5F0;
	[sflag:s18] =	ssyncadd.s32 $0xFFFFEC00  }
0x141: {  	[spmem:s0] =	stream.indirect.scatter.add.f32 [tilespmem:s22], [sflag:$0x5], $0x40, s1, s20, $0xb8;
	[tilespmem:$0x16C40] =	vst v63  }
0x142: {  	_ =	swait.ge [sflag:s18], $0x1400  }
0x143: {  	s11 =	rddreg [dreg:$0x5]  }
0x144: {  	s12 =	simm.s32 $0x190;
	s28 =	rddreg [dreg:$0x4];
	[sflag:s18] =	ssyncset.done $0x0  }
0x145: {  	s29 =	rddreg [dreg:$0x7];
	[sflag:s18] =	ssyncadd.s32 $0xFFFFEC00;
	s26 =	sadd.s32 $0x0, s11  }
0x146: {  	[tilespmem:s12], [sflag:$0x2] =	stream.linear.gather [hbm4b:s26+s4], $0x50, $0x38;
	[tilespmem:$0x16C40] =	vst v63  }
0x147: {  	s14 =	rddreg [dreg:$0x6];
	s28 =	sadd.s32 $0x0, s28  }
0x148: {  	[tilespmem:s15], [sflag:$0x2] =	stream.linear.gather [hbm4b:s28+s4], $0x50, $0x38;
	[tilespmem:$0x16C40] =	vst v63  }
0x149: {  	s29 =	sadd.s32 $0x0, s29;
	s28 =	rddreg [dreg:$0x9];
	s15 =	simm.s32 $0x1E0  }
0x14a: {  	[tilespmem:s15], [sflag:$0x2] =	stream.linear.gather [hbm4b:s29+s4], $0x50, $0x38;
	[tilespmem:$0x16C40] =	vst v63  }
0x14b: {  	s26 =	sadd.s32 $0x0, s14;
	s29 =	rddreg [dreg:$0x8]  }
0x14c: {  	[tilespmem:s16], [sflag:$0x2] =	stream.linear.gather [hbm4b:s26+s4], $0x50, $0x38;
	[tilespmem:$0x16C40] =	vst v63  }
0x14d: {  	s17 =	simm.s32 $0x230;
	s28 =	sadd.s32 $0x0, s28;
	s16 =	rddreg [dreg:$0xb]  }
0x14e: {  	[tilespmem:s17], [sflag:$0x2] =	stream.linear.gather [hbm4b:s28+s4], $0x50, $0x38;
	[tilespmem:$0x16C40] =	vst v63  }
0x14f: {  	s28 =	rddreg [dreg:$0xa]  }
0x150: {  	s29 =	sadd.s32 $0x0, s29;
	s22 =	sadd.s32 $0x0, s28;
	s28 =	rddreg [dreg:$0xc]  }
0x151: {  	[tilespmem:s23], [sflag:$0x2] =	stream.linear.gather [hbm4b:s29+s4], $0x50, $0x38;
	[tilespmem:$0x16C40] =	vst v63  }
0x152: {  	s19 =	simm.s32 $0x280;
	s26 =	sadd.s32 $0x0, s16;
	s29 =	rddreg [dreg:$0xd]  }
0x153: {  	[tilespmem:s19], [sflag:$0x2] =	stream.linear.gather [hbm4b:s26+s4], $0x50, $0x38;
	[tilespmem:$0x16C40] =	vst v63  }
0x154: {  	s23 =	sadd.s32 $0x0, s29;
	s29 =	sadd.s32 $0x0, s28  }
0x155: {  	[tilespmem:s30], [sflag:$0x2] =	stream.linear.gather [hbm4b:s22+s4], $0x50, $0x38;
	[tilespmem:$0x16C40] =	vst v63  }
0x156: {  	s28 =	sadd.s32 $0x320, s10;
	s26 =	simm.s32 $0x64;
	s30 =	simm.s32 $0x2D0  }
0x157: {  	[tilespmem:s30], [sflag:$0x2] =	stream.linear.gather [hbm4b:s23+s4], $0x50, $0x38;
	[tilespmem:$0x16C40] =	vst v63  }
.LBB2_2:
0x158: {  	s0 =	simm.s32 $0x5F0  }
0x159: {  	[tilespmem:s0], [sflag:$0x2] =	stream.linear.gather [hbm4b:s29+s4], $0x50, $0x38;
	[tilespmem:$0x16C40] =	vst v63  }
0x15a: {  	_ =	swait.ge [sflag:s2], $0x50  }
0x15b: {  	[sflag:s2] =	ssyncset.done $0x0  }
0x15c: {  	[sflag:s2] =	ssyncadd.s32 $0xFFFFFFB0  }
0x15d: {  	_ =	swait.ge [sflag:s2], $0x50  }
0x15e: {  	[sflag:s2] =	ssyncset.done $0x0  }
0x15f: {  	[sflag:s2] =	ssyncadd.s32 $0xFFFFFFB0  }
0x160: {  	_ =	swait.ge [sflag:s2], $0x50  }
0x161: {  	[sflag:s2] =	ssyncset.done $0x0  }
0x162: {  	[sflag:s2] =	ssyncadd.s32 $0xFFFFFFB0  }
0x163: {  	_ =	swait.ge [sflag:s2], $0x50  }
0x164: {  	[sflag:s2] =	ssyncset.done $0x0  }
0x165: {  	[sflag:s2] =	ssyncadd.s32 $0xFFFFFFB0  }
0x166: {  	_ =	swait.ge [sflag:s2], $0x50  }
0x167: {  	[sflag:s2] =	ssyncset.done $0x0  }
0x168: {  	[sflag:s2] =	ssyncadd.s32 $0xFFFFFFB0  }
0x169: {  	_ =	swait.ge [sflag:s2], $0x50  }
0x16a: {  	[sflag:s2] =	ssyncset.done $0x0  }
0x16b: {  	[sflag:s2] =	ssyncadd.s32 $0xFFFFFFB0  }
0x16c: {  	_ =	swait.ge [sflag:s2], $0x50  }
0x16d: {  	[sflag:s2] =	ssyncset.done $0x0  }
0x16e: {  	[sflag:s2] =	ssyncadd.s32 $0xFFFFFFB0  }
0x16f: {  	_ =	swait.ge [sflag:s2], $0x50  }
0x170: {  	[sflag:s2] =	ssyncset.done $0x0  }
0x171: {  	[sflag:s2] =	ssyncadd.s32 $0xFFFFFFB0  }
0x172: {  	_ =	swait.ge [sflag:s2], $0x50  }
0x173: {  	[sflag:s2] =	ssyncset.done $0x0  }
0x174: {  	[sflag:s2] =	ssyncadd.s32 $0xFFFFFFB0  }
0x175: {  	_ =	swait.ge [sflag:s2], $0x50  }
0x176: {  	[sflag:s2] =	ssyncset.done $0x0  }
0x177: {  	s22 =	simm.s32 $0x190;
	s5 =	simm.s32 $0x6A40;
	[sflag:s2] =	ssyncadd.s32 $0xFFFFFFB0  }
0x178: {  	[tilespmem:s5], [sflag:$0x4] =	stream.indirect.gather [hbm4b:s6+s20], $0x40, s22, s20, $0xb8;
	[tilespmem:$0x16C40] =	vst v63  }
0x179: {  	s23 =	simm.s32 $0x1E0;
	s9 =	simm.s32 $0x7E40  }
0x17a: {  	[tilespmem:s9], [sflag:$0x4] =	stream.indirect.gather [hbm4b:s6+s20], $0x40, s23, s20, $0xb8;
	[tilespmem:$0x16C40] =	vst v63  }
0x17b: {  	s30 =	simm.s32 $0x230;
	s15 =	simm.s32 $0x9240  }
0x17c: {  	[tilespmem:s15], [sflag:$0x4] =	stream.indirect.gather [hbm4b:s6+s20], $0x40, s30, s20, $0xb8;
	[tilespmem:$0x16C40] =	vst v63  }
0x17d: {  	s1 =	simm.s32 $0x280;
	s16 =	simm.s32 $0xA640  }
0x17e: {  	[tilespmem:s16], [sflag:$0x4] =	stream.indirect.gather [hbm4b:s6+s20], $0x40, s1, s20, $0xb8;
	[tilespmem:$0x16C40] =	vst v63  }
0x17f: {  	s3 =	simm.s32 $0x2D0;
	s1 =	simm.s32 $0xBA40  }
0x180: {  	[tilespmem:s1], [sflag:$0x4] =	stream.indirect.gather [hbm4b:s6+s20], $0x40, s3, s20, $0xb8;
	[tilespmem:$0x16C40] =	vst v63  }
0x181: {  	_ =	swait.ge [sflag:s24], $0x1400  }
0x182: {  	[sflag:s24] =	ssyncset.done $0x0  }
0x183: {  	[sflag:s24] =	ssyncadd.s32 $0xFFFFEC00  }
0x184: {  	_ =	swait.ge [sflag:s24], $0x1400  }
0x185: {  	[sflag:s24] =	ssyncset.done $0x0  }
0x186: {  	[sflag:s24] =	ssyncadd.s32 $0xFFFFEC00  }
0x187: {  	_ =	swait.ge [sflag:s24], $0x1400  }
0x188: {  	[sflag:s24] =	ssyncset.done $0x0  }
0x189: {  	[sflag:s24] =	ssyncadd.s32 $0xFFFFEC00  }
0x18a: {  	_ =	swait.ge [sflag:s24], $0x1400  }
0x18b: {  	[sflag:s24] =	ssyncset.done $0x0  }
0x18c: {  	[sflag:s24] =	ssyncadd.s32 $0xFFFFEC00  }
0x18d: {  	_ =	swait.ge [sflag:s24], $0x1400  }
0x18e: {  	[sflag:s24] =	ssyncset.done $0x0  }
0x18f: {  	[sflag:s24] =	ssyncadd.s32 $0xFFFFEC00  }
0x190: {  	s7 =	simm.s32 $0x320;
	s17 =	simm.s32 $0x640;
	s1 =	rddreg [dreg:$0x2]  }
0x191: {  	[spmem:s1] =	stream.indirect.scatter.add.f32 [tilespmem:s17], [sflag:$0x5], $0x40, s7, s20, $0xb8;
	[tilespmem:$0x16C40] =	vst v63  }
0x192: {  	_ =	swait.ge [sflag:s18], $0x1400  }
0x193: {  	[sflag:s18] =	ssyncset.done $0x0  }
0x194: {  	s10 =	simm.s32 $0x370;
	s19 =	simm.s32 $0x1A40;
	[sflag:s18] =	ssyncadd.s32 $0xFFFFEC00  }
0x195: {  	[spmem:s1] =	stream.indirect.scatter.add.f32 [tilespmem:s19], [sflag:$0x5], $0x40, s10, s20, $0xb8;
	[tilespmem:$0x16C40] =	vst v63  }
0x196: {  	_ =	swait.ge [sflag:s18], $0x1400  }
0x197: {  	[sflag:s18] =	ssyncset.done $0x0  }
0x198: {  	s11 =	simm.s32 $0x3C0;
	s23 =	simm.s32 $0x2E40;
	[sflag:s18] =	ssyncadd.s32 $0xFFFFEC00  }
0x199: {  	[spmem:s1] =	stream.indirect.scatter.add.f32 [tilespmem:s23], [sflag:$0x5], $0x40, s11, s20, $0xb8;
	[tilespmem:$0x16C40] =	vst v63  }
0x19a: {  	_ =	swait.ge [sflag:s18], $0x1400  }
0x19b: {  	[sflag:s18] =	ssyncset.done $0x0  }
0x19c: {  	s12 =	simm.s32 $0x410;
	s3 =	simm.s32 $0x4240;
	[sflag:s18] =	ssyncadd.s32 $0xFFFFEC00  }
0x19d: {  	[spmem:s1] =	stream.indirect.scatter.add.f32 [tilespmem:s3], [sflag:$0x5], $0x40, s12, s20, $0xb8;
	[tilespmem:$0x16C40] =	vst v63  }
0x19e: {  	_ =	swait.ge [sflag:s18], $0x1400  }
0x19f: {  	[sflag:s18] =	ssyncset.done $0x0  }
0x1a0: {  	s14 =	simm.s32 $0x460;
	s22 =	simm.s32 $0x5640;
	[sflag:s18] =	ssyncadd.s32 $0xFFFFEC00  }
0x1a1: {  	[spmem:s1] =	stream.indirect.scatter.add.f32 [tilespmem:s22], [sflag:$0x5], $0x40, s14, s20, $0xb8;
	[tilespmem:$0x16C40] =	vst v63  }
0x1a2: {  	_ =	swait.ge [sflag:s18], $0x1400  }
0x1a3: {  	s30 =	sshrl.u32 s28, $0x3;
	[sflag:s18] =	ssyncset.done $0x0  }
0x1a4: {  	s8 =	smov.u32 s31;
	s31 =	sadd.s32 s31, s30;
	[sflag:s18] =	ssyncadd.s32 $0xFFFFEC00  }
0x1a5: {  	[tilespmem:s4], [sflag:$0x1] =	stream.linear.gather [hbm4b:s31+s4], $0x50, $0x38;
	[tilespmem:$0x16C40] =	vst v63  }
0x1a6: {  	s29 =	smov.u32 s26;
	s30 =	sadd.s32 s21, s30;
	s0 =	rddreg [dreg:$0x15]  }
0x1a7: {  	[tilespmem:s7], [sflag:$0x1] =	stream.linear.gather [hbm4b:s30+s4], $0x50, $0x38;
	[tilespmem:$0x16C40] =	vst v63  }
0x1a8: {  	s0 =	sadd.s32 s29, s0;
	s31 =	rddreg [dreg:$0x14]  }
0x1a9: {  	[tilespmem:s20], [sflag:$0x1] =	stream.linear.gather [hbm4b:s0+s4], $0x50, $0x38;
	[tilespmem:$0x16C40] =	vst v63  }
0x1aa: {  	s30 =	rddreg [dreg:$0x13];
	s7 =	sadd.s32 s29, s31  }
0x1ab: {  	[tilespmem:s10], [sflag:$0x1] =	stream.linear.gather [hbm4b:s7+s4], $0x50, $0x38;
	[tilespmem:$0x16C40] =	vst v63  }
0x1ac: {  	s31 =	rddreg [dreg:$0x12];
	s10 =	sadd.s32 s29, s30;
	s7 =	simm.s32 $0xA0  }
0x1ad: {  	[tilespmem:s7], [sflag:$0x1] =	stream.linear.gather [hbm4b:s10+s4], $0x50, $0x38;
	[tilespmem:$0x16C40] =	vst v63  }
0x1ae: {  	s30 =	rddreg [dreg:$0x11];
	s10 =	sadd.s32 s29, s31  }
0x1af: {  	[tilespmem:s11], [sflag:$0x1] =	stream.linear.gather [hbm4b:s10+s4], $0x50, $0x38;
	[tilespmem:$0x16C40] =	vst v63  }
0x1b0: {  	s31 =	rddreg [dreg:$0x10];
	s11 =	sadd.s32 s29, s30;
	s10 =	simm.s32 $0xF0  }
0x1b1: {  	[tilespmem:s10], [sflag:$0x1] =	stream.linear.gather [hbm4b:s11+s4], $0x50, $0x38;
	[tilespmem:$0x16C40] =	vst v63  }
0x1b2: {  	s30 =	rddreg [dreg:$0xf];
	s11 =	sadd.s32 s29, s31  }
0x1b3: {  	[tilespmem:s12], [sflag:$0x1] =	stream.linear.gather [hbm4b:s11+s4], $0x50, $0x38;
	[tilespmem:$0x16C40] =	vst v63  }
0x1b4: {  	s31 =	rddreg [dreg:$0xe];
	s12 =	sadd.s32 s29, s30;
	s30 =	simm.s32 $0x140  }
0x1b5: {  	[tilespmem:s30], [sflag:$0x1] =	stream.linear.gather [hbm4b:s12+s4], $0x50, $0x38;
	[tilespmem:$0x16C40] =	vst v63  }
0x1b6: {  	s12 =	sadd.s32 s29, s31  }
0x1b7: {  	[tilespmem:s14], [sflag:$0x1] =	stream.linear.gather [hbm4b:s12+s4], $0x50, $0x38;
	[tilespmem:$0x16C40] =	vst v63  }
0x1b8: {  	_ =	swait.ge [sflag:s13], $0x50  }
0x1b9: {  	[sflag:s13] =	ssyncset.done $0x0  }
0x1ba: {  	[sflag:s13] =	ssyncadd.s32 $0xFFFFFFB0  }
0x1bb: {  	_ =	swait.ge [sflag:s13], $0x50  }
0x1bc: {  	[sflag:s13] =	ssyncset.done $0x0  }
0x1bd: {  	[sflag:s13] =	ssyncadd.s32 $0xFFFFFFB0  }
0x1be: {  	_ =	swait.ge [sflag:s13], $0x50  }
0x1bf: {  	[sflag:s13] =	ssyncset.done $0x0  }
0x1c0: {  	[sflag:s13] =	ssyncadd.s32 $0xFFFFFFB0  }
0x1c1: {  	_ =	swait.ge [sflag:s13], $0x50  }
0x1c2: {  	[sflag:s13] =	ssyncset.done $0x0  }
0x1c3: {  	[sflag:s13] =	ssyncadd.s32 $0xFFFFFFB0  }
0x1c4: {  	_ =	swait.ge [sflag:s13], $0x50  }
0x1c5: {  	[sflag:s13] =	ssyncset.done $0x0  }
0x1c6: {  	[sflag:s13] =	ssyncadd.s32 $0xFFFFFFB0  }
0x1c7: {  	_ =	swait.ge [sflag:s13], $0x50  }
0x1c8: {  	[sflag:s13] =	ssyncset.done $0x0  }
0x1c9: {  	[sflag:s13] =	ssyncadd.s32 $0xFFFFFFB0  }
0x1ca: {  	_ =	swait.ge [sflag:s13], $0x50  }
0x1cb: {  	[sflag:s13] =	ssyncset.done $0x0  }
0x1cc: {  	[sflag:s13] =	ssyncadd.s32 $0xFFFFFFB0  }
0x1cd: {  	_ =	swait.ge [sflag:s13], $0x50  }
0x1ce: {  	[sflag:s13] =	ssyncset.done $0x0  }
0x1cf: {  	[sflag:s13] =	ssyncadd.s32 $0xFFFFFFB0  }
0x1d0: {  	_ =	swait.ge [sflag:s13], $0x50  }
0x1d1: {  	[sflag:s13] =	ssyncset.done $0x0  }
0x1d2: {  	[sflag:s13] =	ssyncadd.s32 $0xFFFFFFB0  }
0x1d3: {  	_ =	swait.ge [sflag:s13], $0x50  }
0x1d4: {  	[sflag:s13] =	ssyncset.done $0x0  }
0x1d5: {  	[sflag:s13] =	ssyncadd.s32 $0xFFFFFFB0  }
0x1d6: {  	[tilespmem:s17], [sflag:$0x3] =	stream.indirect.gather [hbm4b:s6+s20], $0x40, s4, s20, $0xb8;
	[tilespmem:$0x16C40] =	vst v63  }
0x1d7: {  	_ = 	snop  }
0x1d8: {  	[tilespmem:s19], [sflag:$0x3] =	stream.indirect.gather [hbm4b:s6+s20], $0x40, s20, s20, $0xb8;
	[tilespmem:$0x16C40] =	vst v63  }
0x1d9: {  	_ = 	snop  }
0x1da: {  	[tilespmem:s23], [sflag:$0x3] =	stream.indirect.gather [hbm4b:s6+s20], $0x40, s7, s20, $0xb8;
	[tilespmem:$0x16C40] =	vst v63  }
0x1db: {  	_ = 	snop  }
0x1dc: {  	[tilespmem:s3], [sflag:$0x3] =	stream.indirect.gather [hbm4b:s6+s20], $0x40, s10, s20, $0xb8;
	[tilespmem:$0x16C40] =	vst v63  }
0x1dd: {  	_ = 	snop  }
0x1de: {  	[tilespmem:s22], [sflag:$0x3] =	stream.indirect.gather [hbm4b:s6+s20], $0x40, s30, s20, $0xb8;
	[tilespmem:$0x16C40] =	vst v63  }
0x1df: {  	_ =	swait.ge [sflag:s25], $0x1400  }
0x1e0: {  	[sflag:s25] =	ssyncset.done $0x0  }
0x1e1: {  	[sflag:s25] =	ssyncadd.s32 $0xFFFFEC00  }
0x1e2: {  	_ =	swait.ge [sflag:s25], $0x1400  }
0x1e3: {  	[sflag:s25] =	ssyncset.done $0x0  }
0x1e4: {  	[sflag:s25] =	ssyncadd.s32 $0xFFFFEC00  }
0x1e5: {  	_ =	swait.ge [sflag:s25], $0x1400  }
0x1e6: {  	[sflag:s25] =	ssyncset.done $0x0  }
0x1e7: {  	[sflag:s25] =	ssyncadd.s32 $0xFFFFEC00  }
0x1e8: {  	_ =	swait.ge [sflag:s25], $0x1400  }
0x1e9: {  	[sflag:s25] =	ssyncset.done $0x0  }
0x1ea: {  	[sflag:s25] =	ssyncadd.s32 $0xFFFFEC00  }
0x1eb: {  	_ =	swait.ge [sflag:s25], $0x1400  }
0x1ec: {  	[sflag:s25] =	ssyncset.done $0x0  }
0x1ed: {  	s22 =	simm.s32 $0x4B0;
	[sflag:s25] =	ssyncadd.s32 $0xFFFFEC00  }
0x1ee: {  	[spmem:s1] =	stream.indirect.scatter.add.f32 [tilespmem:s5], [sflag:$0x5], $0x40, s22, s20, $0xb8;
	[tilespmem:$0x16C40] =	vst v63  }
0x1ef: {  	_ =	swait.ge [sflag:s18], $0x1400  }
0x1f0: {  	[sflag:s18] =	ssyncset.done $0x0  }
0x1f1: {  	s12 =	simm.s32 $0x500;
	[sflag:s18] =	ssyncadd.s32 $0xFFFFEC00  }
0x1f2: {  	[spmem:s1] =	stream.indirect.scatter.add.f32 [tilespmem:s9], [sflag:$0x5], $0x40, s12, s20, $0xb8;
	[tilespmem:$0x16C40] =	vst v63  }
0x1f3: {  	_ =	swait.ge [sflag:s18], $0x1400  }
0x1f4: {  	[sflag:s18] =	ssyncset.done $0x0  }
0x1f5: {  	s17 =	simm.s32 $0x550;
	[sflag:s18] =	ssyncadd.s32 $0xFFFFEC00  }
0x1f6: {  	[spmem:s1] =	stream.indirect.scatter.add.f32 [tilespmem:s15], [sflag:$0x5], $0x40, s17, s20, $0xb8;
	[tilespmem:$0x16C40] =	vst v63  }
0x1f7: {  	_ =	swait.ge [sflag:s18], $0x1400  }
0x1f8: {  	[sflag:s18] =	ssyncset.done $0x0  }
0x1f9: {  	s19 =	simm.s32 $0x5A0;
	[sflag:s18] =	ssyncadd.s32 $0xFFFFEC00  }
0x1fa: {  	[spmem:s1] =	stream.indirect.scatter.add.f32 [tilespmem:s16], [sflag:$0x5], $0x40, s19, s20, $0xb8;
	[tilespmem:$0x16C40] =	vst v63  }
0x1fb: {  	_ =	swait.ge [sflag:s18], $0x1400  }
0x1fc: {  	[sflag:s18] =	ssyncset.done $0x0  }
0x1fd: {  	s23 =	simm.s32 $0x5F0;
	s30 =	simm.s32 $0xBA40;
	[sflag:s18] =	ssyncadd.s32 $0xFFFFEC00  }
0x1fe: {  	[spmem:s1] =	stream.indirect.scatter.add.f32 [tilespmem:s30], [sflag:$0x5], $0x40, s23, s20, $0xb8;
	[tilespmem:$0x16C40] =	vst v63  }
0x1ff: {  	p0 =	sne.s32 s26, $0x3E8;
	s26 =	sadd.s32 $0x64, s26;
	_ =	swait.ge [sflag:s18], $0x1400  }
0x200: {  	s28 =	sadd.s32 $0x320, s28;
	s11 =	simm.s32 $0x1E0;
	s5 =	rddreg [dreg:$0x5]  }
0x201: {  	s14 =	simm.s32 $0x190;
	s10 =	simm.s32 $0x190;
	s7 =	rddreg [dreg:$0x4]  }
0x202: {  	s23 =	simm.s32 $0x1E0;
	[sflag:s18] =	ssyncset.done $0x0;
	s31 =	rddreg [dreg:$0x7]  }
0x203: {  	s9 =	rddreg [dreg:$0x6];
	[sflag:s18] =	ssyncadd.s32 $0xFFFFEC00;
	s0 =	sadd.s32 s29, s5  }
0x204: {  	[tilespmem:s14], [sflag:$0x2] =	stream.linear.gather [hbm4b:s0+s4], $0x50, $0x38;
	[tilespmem:$0x16C40] =	vst v63  }
0x205: {  	s30 =	simm.s32 $0x2D0;
	s16 =	rddreg [dreg:$0x9];
	s15 =	sadd.s32 s29, s7  }
0x206: {  	[tilespmem:s22], [sflag:$0x2] =	stream.linear.gather [hbm4b:s15+s4], $0x50, $0x38;
	[tilespmem:$0x16C40] =	vst v63  }
0x207: {  	s5 =	sadd.s32 s29, s9;
	s7 =	rddreg [dreg:$0xb];
	s22 =	sadd.s32 s29, s31  }
0x208: {  	[tilespmem:s23], [sflag:$0x2] =	stream.linear.gather [hbm4b:s22+s4], $0x50, $0x38;
	[tilespmem:$0x16C40] =	vst v63  }
0x209: {  	s16 =	sadd.s32 s29, s16;
	s9 =	simm.s32 $0x550;
	s31 =	rddreg [dreg:$0x8]  }
0x20a: {  	[tilespmem:s12], [sflag:$0x2] =	stream.linear.gather [hbm4b:s5+s4], $0x50, $0x38;
	[tilespmem:$0x16C40] =	vst v63  }
0x20b: {  	s3 =	sadd.s32 s29, s31;
	s31 =	rddreg [dreg:$0xd];
	s23 =	simm.s32 $0x230  }
0x20c: {  	[tilespmem:s23], [sflag:$0x2] =	stream.linear.gather [hbm4b:s16+s4], $0x50, $0x38;
	[tilespmem:$0x16C40] =	vst v63  }
0x20d: {  	s14 =	simm.s32 $0x4B0;
	s15 =	simm.s32 $0x500;
	s22 =	rddreg [dreg:$0xa]  }
0x20e: {  	[tilespmem:s17], [sflag:$0x2] =	stream.linear.gather [hbm4b:s3+s4], $0x50, $0x38;
	[tilespmem:$0x16C40] =	vst v63  }
0x20f: {  	s22 =	sadd.s32 s29, s22;
	s5 =	sadd.s32 s29, s7;
	s17 =	simm.s32 $0x280  }
0x210: {  	[tilespmem:s17], [sflag:$0x2] =	stream.linear.gather [hbm4b:s5+s4], $0x50, $0x38;
	[tilespmem:$0x16C40] =	vst v63  }
.Ltmp0:
0x211: {  	s12 =	simm.s32 $0x230;
	s7 =	rddreg [dreg:$0xc];
	(pc) =	sbr.rel @p0 .LBB2_2-.Ltmp0, $4  }
0x212: {  	s16 =	simm.s32 $0x280;
	s23 =	sadd.s32 s29, s31;
	s31 =	smov.u32 s8  }
0x213: {  	[tilespmem:s19], [sflag:$0x2] =	stream.linear.gather [hbm4b:s22+s4], $0x50, $0x38;
	[tilespmem:$0x16C40] =	vst v63  }
0x214: {  	s8 =	simm.s32 $0x2D0;
	s29 =	sadd.s32 s29, s7;
	s5 =	simm.s32 $0x5A0  }
0x215: {  	[tilespmem:s30], [sflag:$0x2] =	stream.linear.gather [hbm4b:s23+s4], $0x50, $0x38;
	[tilespmem:$0x16C40] =	vst v63  }
0x216: {  	s0 =	simm.s32 $0x5F0  }
0x217: {  	[tilespmem:s0], [sflag:$0x2] =	stream.linear.gather [hbm4b:s29+s4], $0x50, $0x38;
	[tilespmem:$0x16C40] =	vst v63  }
0x218: {  	_ =	swait.ge [sflag:s2], $0x50  }
0x219: {  	[sflag:s2] =	ssyncset.done $0x0  }
0x21a: {  	[sflag:s2] =	ssyncadd.s32 $0xFFFFFFB0  }
0x21b: {  	_ =	swait.ge [sflag:s2], $0x50  }
0x21c: {  	[sflag:s2] =	ssyncset.done $0x0  }
0x21d: {  	[sflag:s2] =	ssyncadd.s32 $0xFFFFFFB0  }
0x21e: {  	_ =	swait.ge [sflag:s2], $0x50  }
0x21f: {  	[sflag:s2] =	ssyncset.done $0x0  }
0x220: {  	[sflag:s2] =	ssyncadd.s32 $0xFFFFFFB0  }
0x221: {  	_ =	swait.ge [sflag:s2], $0x50  }
0x222: {  	[sflag:s2] =	ssyncset.done $0x0  }
0x223: {  	[sflag:s2] =	ssyncadd.s32 $0xFFFFFFB0  }
0x224: {  	_ =	swait.ge [sflag:s2], $0x50  }
0x225: {  	[sflag:s2] =	ssyncset.done $0x0  }
0x226: {  	[sflag:s2] =	ssyncadd.s32 $0xFFFFFFB0  }
0x227: {  	_ =	swait.ge [sflag:s2], $0x50  }
0x228: {  	[sflag:s2] =	ssyncset.done $0x0  }
0x229: {  	[sflag:s2] =	ssyncadd.s32 $0xFFFFFFB0  }
0x22a: {  	_ =	swait.ge [sflag:s2], $0x50  }
0x22b: {  	[sflag:s2] =	ssyncset.done $0x0  }
0x22c: {  	[sflag:s2] =	ssyncadd.s32 $0xFFFFFFB0  }
0x22d: {  	_ =	swait.ge [sflag:s2], $0x50  }
0x22e: {  	[sflag:s2] =	ssyncset.done $0x0  }
0x22f: {  	[sflag:s2] =	ssyncadd.s32 $0xFFFFFFB0  }
0x230: {  	_ =	swait.ge [sflag:s2], $0x50  }
0x231: {  	[sflag:s2] =	ssyncset.done $0x0  }
0x232: {  	[sflag:s2] =	ssyncadd.s32 $0xFFFFFFB0  }
0x233: {  	_ =	swait.ge [sflag:s2], $0x50  }
0x234: {  	[sflag:s2] =	ssyncset.done $0x0  }
0x235: {  	s30 =	simm.s32 $0x6A40;
	[sflag:s2] =	ssyncadd.s32 $0xFFFFFFB0  }
0x236: {  	[tilespmem:s30], [sflag:$0x4] =	stream.indirect.gather [hbm4b:s6+s20], $0x40, s10, s20, $0xb8;
	[tilespmem:$0x16C40] =	vst v63  }
0x237: {  	s17 =	simm.s32 $0x7E40  }
0x238: {  	[tilespmem:s17], [sflag:$0x4] =	stream.indirect.gather [hbm4b:s6+s20], $0x40, s11, s20, $0xb8;
	[tilespmem:$0x16C40] =	vst v63  }
0x239: {  	s3 =	simm.s32 $0x9240  }
0x23a: {  	[tilespmem:s3], [sflag:$0x4] =	stream.indirect.gather [hbm4b:s6+s20], $0x40, s12, s20, $0xb8;
	[tilespmem:$0x16C40] =	vst v63  }
0x23b: {  	s7 =	simm.s32 $0xA640  }
0x23c: {  	[tilespmem:s7], [sflag:$0x4] =	stream.indirect.gather [hbm4b:s6+s20], $0x40, s16, s20, $0xb8;
	[tilespmem:$0x16C40] =	vst v63  }
0x23d: {  	s10 =	simm.s32 $0xBA40  }
0x23e: {  	[tilespmem:s10], [sflag:$0x4] =	stream.indirect.gather [hbm4b:s6+s20], $0x40, s8, s20, $0xb8;
	[tilespmem:$0x16C40] =	vst v63  }
0x23f: {  	_ =	swait.ge [sflag:s24], $0x1400  }
0x240: {  	[sflag:s24] =	ssyncset.done $0x0  }
0x241: {  	[sflag:s24] =	ssyncadd.s32 $0xFFFFEC00  }
0x242: {  	_ =	swait.ge [sflag:s24], $0x1400  }
0x243: {  	[sflag:s24] =	ssyncset.done $0x0  }
0x244: {  	[sflag:s24] =	ssyncadd.s32 $0xFFFFEC00  }
0x245: {  	_ =	swait.ge [sflag:s24], $0x1400  }
0x246: {  	[sflag:s24] =	ssyncset.done $0x0  }
0x247: {  	[sflag:s24] =	ssyncadd.s32 $0xFFFFEC00  }
0x248: {  	_ =	swait.ge [sflag:s24], $0x1400  }
0x249: {  	[sflag:s24] =	ssyncset.done $0x0  }
0x24a: {  	[sflag:s24] =	ssyncadd.s32 $0xFFFFEC00  }
0x24b: {  	_ =	swait.ge [sflag:s24], $0x1400  }
0x24c: {  	[sflag:s24] =	ssyncset.done $0x0  }
0x24d: {  	[sflag:s24] =	ssyncadd.s32 $0xFFFFEC00  }
0x24e: {  	s7 =	simm.s32 $0x320;
	s16 =	simm.s32 $0x640;
	s1 =	rddreg [dreg:$0x2]  }
0x24f: {  	[spmem:s1] =	stream.indirect.scatter.add.f32 [tilespmem:s16], [sflag:$0x5], $0x40, s7, s20, $0xb8;
	[tilespmem:$0x16C40] =	vst v63  }
0x250: {  	_ =	swait.ge [sflag:s18], $0x1400  }
0x251: {  	[sflag:s18] =	ssyncset.done $0x0  }
0x252: {  	s19 =	simm.s32 $0x1A40;
	s8 =	simm.s32 $0x370;
	[sflag:s18] =	ssyncadd.s32 $0xFFFFEC00  }
0x253: {  	[spmem:s1] =	stream.indirect.scatter.add.f32 [tilespmem:s19], [sflag:$0x5], $0x40, s8, s20, $0xb8;
	[tilespmem:$0x16C40] =	vst v63  }
0x254: {  	_ =	swait.ge [sflag:s18], $0x1400  }
0x255: {  	[sflag:s18] =	ssyncset.done $0x0  }
0x256: {  	s26 =	simm.s32 $0x3C0;
	s22 =	simm.s32 $0x2E40;
	[sflag:s18] =	ssyncadd.s32 $0xFFFFEC00  }
0x257: {  	[spmem:s1] =	stream.indirect.scatter.add.f32 [tilespmem:s22], [sflag:$0x5], $0x40, s26, s20, $0xb8;
	[tilespmem:$0x16C40] =	vst v63  }
0x258: {  	_ =	swait.ge [sflag:s18], $0x1400  }
0x259: {  	[sflag:s18] =	ssyncset.done $0x0  }
0x25a: {  	s28 =	simm.s32 $0x410;
	s3 =	simm.s32 $0x4240;
	[sflag:s18] =	ssyncadd.s32 $0xFFFFEC00  }
0x25b: {  	[spmem:s1] =	stream.indirect.scatter.add.f32 [tilespmem:s3], [sflag:$0x5], $0x40, s28, s20, $0xb8;
	[tilespmem:$0x16C40] =	vst v63  }
0x25c: {  	_ =	swait.ge [sflag:s18], $0x1400  }
0x25d: {  	[sflag:s18] =	ssyncset.done $0x0  }
0x25e: {  	s23 =	simm.s32 $0x5640;
	s29 =	simm.s32 $0x460;
	[sflag:s18] =	ssyncadd.s32 $0xFFFFEC00  }
0x25f: {  	[spmem:s1] =	stream.indirect.scatter.add.f32 [tilespmem:s23], [sflag:$0x5], $0x40, s29, s20, $0xb8;
	[tilespmem:$0x16C40] =	vst v63  }
0x260: {  	_ =	swait.ge [sflag:s18], $0x1400  }
0x261: {  	s11 =	sld [smem:$0x7EF]  }
0x262: {  	[sflag:s18] =	ssyncset.done $0x0  }
0x263: {  	s12 =	sld [smem:$0x7F0];
	[sflag:s18] =	ssyncadd.s32 $0xFFFFEC00  }
0x264: {  	[tilespmem:s4], [sflag:$0x1] =	stream.linear.gather [hbm4b:s11+s4], $0x50, $0x38;
	[tilespmem:$0x16C40] =	vst v63  }
0x265: {  	s10 =	sld [smem:$0x7F1]  }
0x266: {  	[tilespmem:s7], [sflag:$0x1] =	stream.linear.gather [hbm4b:s12+s4], $0x50, $0x38;
	[tilespmem:$0x16C40] =	vst v63  }
0x267: {  	s11 =	sld [smem:$0x7F2]  }
0x268: {  	[tilespmem:s20], [sflag:$0x1] =	stream.linear.gather [hbm4b:s10+s4], $0x50, $0x38;
	[tilespmem:$0x16C40] =	vst v63  }
0x269: {  	s12 =	sld [smem:$0x7F3]  }
0x26a: {  	[tilespmem:s8], [sflag:$0x1] =	stream.linear.gather [hbm4b:s11+s4], $0x50, $0x38;
	[tilespmem:$0x16C40] =	vst v63  }
0x26b: {  	s10 =	simm.s32 $0xA0;
	s11 =	sld [smem:$0x7F4]  }
0x26c: {  	[tilespmem:s10], [sflag:$0x1] =	stream.linear.gather [hbm4b:s12+s4], $0x50, $0x38;
	[tilespmem:$0x16C40] =	vst v63  }
0x26d: {  	s12 =	sld [smem:$0x7F7]  }
0x26e: {  	[tilespmem:s26], [sflag:$0x1] =	stream.linear.gather [hbm4b:s11+s4], $0x50, $0x38;
	[tilespmem:$0x16C40] =	vst v63  }
0x26f: {  	s11 =	simm.s32 $0xF0  }
0x270: {  	[tilespmem:s11], [sflag:$0x1] =	stream.linear.gather [hbm4b:s12+s4], $0x50, $0x38;
	[tilespmem:$0x16C40] =	vst v63  }
0x271: {  	s12 =	sld [smem:$0x7F8];
	_ =	sdelay $0x1  }
0x272: {  	s0 =	sld [smem:$0x7F9]  }
0x273: {  	[tilespmem:s28], [sflag:$0x1] =	stream.linear.gather [hbm4b:s12+s4], $0x50, $0x38;
	[tilespmem:$0x16C40] =	vst v63  }
0x274: {  	s12 =	simm.s32 $0x140  }
0x275: {  	[tilespmem:s12], [sflag:$0x1] =	stream.linear.gather [hbm4b:s0+s4], $0x50, $0x38;
	[tilespmem:$0x16C40] =	vst v63  }
0x276: {  	s0 =	sld [smem:$0x7FA];
	_ =	sdelay $0x2  }
0x277: {  	[tilespmem:s29], [sflag:$0x1] =	stream.linear.gather [hbm4b:s0+s4], $0x50, $0x38;
	[tilespmem:$0x16C40] =	vst v63  }
0x278: {  	_ =	swait.ge [sflag:s13], $0x50  }
0x279: {  	[sflag:s13] =	ssyncset.done $0x0  }
0x27a: {  	[sflag:s13] =	ssyncadd.s32 $0xFFFFFFB0  }
0x27b: {  	_ =	swait.ge [sflag:s13], $0x50  }
0x27c: {  	[sflag:s13] =	ssyncset.done $0x0  }
0x27d: {  	[sflag:s13] =	ssyncadd.s32 $0xFFFFFFB0  }
0x27e: {  	_ =	swait.ge [sflag:s13], $0x50  }
0x27f: {  	[sflag:s13] =	ssyncset.done $0x0  }
0x280: {  	[sflag:s13] =	ssyncadd.s32 $0xFFFFFFB0  }
0x281: {  	_ =	swait.ge [sflag:s13], $0x50  }
0x282: {  	[sflag:s13] =	ssyncset.done $0x0  }
0x283: {  	[sflag:s13] =	ssyncadd.s32 $0xFFFFFFB0  }
0x284: {  	_ =	swait.ge [sflag:s13], $0x50  }
0x285: {  	[sflag:s13] =	ssyncset.done $0x0  }
0x286: {  	[sflag:s13] =	ssyncadd.s32 $0xFFFFFFB0  }
0x287: {  	_ =	swait.ge [sflag:s13], $0x50  }
0x288: {  	[sflag:s13] =	ssyncset.done $0x0  }
0x289: {  	[sflag:s13] =	ssyncadd.s32 $0xFFFFFFB0  }
0x28a: {  	_ =	swait.ge [sflag:s13], $0x50  }
0x28b: {  	[sflag:s13] =	ssyncset.done $0x0  }
0x28c: {  	[sflag:s13] =	ssyncadd.s32 $0xFFFFFFB0  }
0x28d: {  	_ =	swait.ge [sflag:s13], $0x50  }
0x28e: {  	[sflag:s13] =	ssyncset.done $0x0  }
0x28f: {  	[sflag:s13] =	ssyncadd.s32 $0xFFFFFFB0  }
0x290: {  	_ =	swait.ge [sflag:s13], $0x50  }
0x291: {  	[sflag:s13] =	ssyncset.done $0x0  }
0x292: {  	[sflag:s13] =	ssyncadd.s32 $0xFFFFFFB0  }
0x293: {  	_ =	swait.ge [sflag:s13], $0x50  }
0x294: {  	[sflag:s13] =	ssyncset.done $0x0  }
0x295: {  	[sflag:s13] =	ssyncadd.s32 $0xFFFFFFB0  }
0x296: {  	[tilespmem:s16], [sflag:$0x3] =	stream.indirect.gather [hbm4b:s6+s20], $0x40, s4, s20, $0xb8;
	[tilespmem:$0x16C40] =	vst v63  }
0x297: {  	_ = 	snop  }
0x298: {  	[tilespmem:s19], [sflag:$0x3] =	stream.indirect.gather [hbm4b:s6+s20], $0x40, s20, s20, $0xb8;
	[tilespmem:$0x16C40] =	vst v63  }
0x299: {  	_ = 	snop  }
0x29a: {  	[tilespmem:s22], [sflag:$0x3] =	stream.indirect.gather [hbm4b:s6+s20], $0x40, s10, s20, $0xb8;
	[tilespmem:$0x16C40] =	vst v63  }
0x29b: {  	_ = 	snop  }
0x29c: {  	[tilespmem:s3], [sflag:$0x3] =	stream.indirect.gather [hbm4b:s6+s20], $0x40, s11, s20, $0xb8;
	[tilespmem:$0x16C40] =	vst v63  }
0x29d: {  	_ = 	snop  }
0x29e: {  	[tilespmem:s23], [sflag:$0x3] =	stream.indirect.gather [hbm4b:s6+s20], $0x40, s12, s20, $0xb8;
	[tilespmem:$0x16C40] =	vst v63  }
0x29f: {  	_ =	swait.ge [sflag:s25], $0x1400  }
0x2a0: {  	[sflag:s25] =	ssyncset.done $0x0  }
0x2a1: {  	[sflag:s25] =	ssyncadd.s32 $0xFFFFEC00  }
0x2a2: {  	_ =	swait.ge [sflag:s25], $0x1400  }
0x2a3: {  	[sflag:s25] =	ssyncset.done $0x0  }
0x2a4: {  	[sflag:s25] =	ssyncadd.s32 $0xFFFFEC00  }
0x2a5: {  	_ =	swait.ge [sflag:s25], $0x1400  }
0x2a6: {  	[sflag:s25] =	ssyncset.done $0x0  }
0x2a7: {  	[sflag:s25] =	ssyncadd.s32 $0xFFFFEC00  }
0x2a8: {  	_ =	swait.ge [sflag:s25], $0x1400  }
0x2a9: {  	[sflag:s25] =	ssyncset.done $0x0  }
0x2aa: {  	[sflag:s25] =	ssyncadd.s32 $0xFFFFEC00  }
0x2ab: {  	_ =	swait.ge [sflag:s25], $0x1400  }
0x2ac: {  	[sflag:s25] =	ssyncset.done $0x0  }
0x2ad: {  	[sflag:s25] =	ssyncadd.s32 $0xFFFFEC00  }
0x2ae: {  	[spmem:s1] =	stream.indirect.scatter.add.f32 [tilespmem:s30], [sflag:$0x5], $0x40, s14, s20, $0xb8;
	[tilespmem:$0x16C40] =	vst v63  }
0x2af: {  	_ =	swait.ge [sflag:s18], $0x1400  }
0x2b0: {  	[sflag:s18] =	ssyncset.done $0x0  }
0x2b1: {  	[sflag:s18] =	ssyncadd.s32 $0xFFFFEC00  }
0x2b2: {  	[spmem:s1] =	stream.indirect.scatter.add.f32 [tilespmem:s17], [sflag:$0x5], $0x40, s15, s20, $0xb8;
	[tilespmem:$0x16C40] =	vst v63  }
0x2b3: {  	_ =	swait.ge [sflag:s18], $0x1400  }
0x2b4: {  	[sflag:s18] =	ssyncset.done $0x0  }
0x2b5: {  	s12 =	simm.s32 $0x9240;
	[sflag:s18] =	ssyncadd.s32 $0xFFFFEC00  }
0x2b6: {  	[spmem:s1] =	stream.indirect.scatter.add.f32 [tilespmem:s12], [sflag:$0x5], $0x40, s9, s20, $0xb8;
	[tilespmem:$0x16C40] =	vst v63  }
0x2b7: {  	_ =	swait.ge [sflag:s18], $0x1400  }
0x2b8: {  	[sflag:s18] =	ssyncset.done $0x0  }
0x2b9: {  	s14 =	simm.s32 $0xA640;
	[sflag:s18] =	ssyncadd.s32 $0xFFFFEC00  }
0x2ba: {  	[spmem:s1] =	stream.indirect.scatter.add.f32 [tilespmem:s14], [sflag:$0x5], $0x40, s5, s20, $0xb8;
	[tilespmem:$0x16C40] =	vst v63  }
0x2bb: {  	_ =	swait.ge [sflag:s18], $0x1400  }
0x2bc: {  	[sflag:s18] =	ssyncset.done $0x0  }
0x2bd: {  	s15 =	simm.s32 $0x5F0;
	s17 =	simm.s32 $0xBA40;
	[sflag:s18] =	ssyncadd.s32 $0xFFFFEC00  }
0x2be: {  	[spmem:s1] =	stream.indirect.scatter.add.f32 [tilespmem:s17], [sflag:$0x5], $0x40, s15, s20, $0xb8;
	[tilespmem:$0x16C40] =	vst v63  }
0x2bf: {  	_ =	swait.ge [sflag:s18], $0x1400  }
0x2c0: {  	[sflag:s18] =	ssyncset.done $0x0  }
0x2c1: {  	[sflag:s18] =	ssyncadd.s32 $0xFFFFEC00  }
0x2c2: {  	_ =	swait.ge [sflag:s24], $0x1400  }
0x2c3: {  	[sflag:s24] =	ssyncset.done $0x0  }
0x2c4: {  	[sflag:s24] =	ssyncadd.s32 $0xFFFFEC00  }
0x2c5: {  	_ =	swait.ge [sflag:s24], $0x1400  }
0x2c6: {  	[sflag:s24] =	ssyncset.done $0x0  }
0x2c7: {  	[sflag:s24] =	ssyncadd.s32 $0xFFFFEC00  }
0x2c8: {  	_ =	swait.ge [sflag:s24], $0x1400  }
0x2c9: {  	[sflag:s24] =	ssyncset.done $0x0  }
0x2ca: {  	[sflag:s24] =	ssyncadd.s32 $0xFFFFEC00  }
0x2cb: {  	_ =	swait.ge [sflag:s24], $0x1400  }
0x2cc: {  	[sflag:s24] =	ssyncset.done $0x0  }
0x2cd: {  	[sflag:s24] =	ssyncadd.s32 $0xFFFFEC00  }
0x2ce: {  	_ =	swait.ge [sflag:s24], $0x1400  }
0x2cf: {  	[sflag:s24] =	ssyncset.done $0x0  }
0x2d0: {  	[sflag:s24] =	ssyncadd.s32 $0xFFFFEC00  }
0x2d1: {  	[spmem:s1] =	stream.indirect.scatter.add.f32 [tilespmem:s16], [sflag:$0x5], $0x40, s7, s20, $0xb8;
	[tilespmem:$0x16C40] =	vst v63  }
0x2d2: {  	_ =	swait.ge [sflag:s18], $0x1400  }
0x2d3: {  	[sflag:s18] =	ssyncset.done $0x0  }
0x2d4: {  	[sflag:s18] =	ssyncadd.s32 $0xFFFFEC00  }
0x2d5: {  	[spmem:s1] =	stream.indirect.scatter.add.f32 [tilespmem:s19], [sflag:$0x5], $0x40, s8, s20, $0xb8;
	[tilespmem:$0x16C40] =	vst v63  }
0x2d6: {  	_ =	swait.ge [sflag:s18], $0x1400  }
0x2d7: {  	[sflag:s18] =	ssyncset.done $0x0  }
0x2d8: {  	[sflag:s18] =	ssyncadd.s32 $0xFFFFEC00  }
0x2d9: {  	[spmem:s1] =	stream.indirect.scatter.add.f32 [tilespmem:s22], [sflag:$0x5], $0x40, s26, s20, $0xb8;
	[tilespmem:$0x16C40] =	vst v63  }
0x2da: {  	_ =	swait.ge [sflag:s18], $0x1400  }
0x2db: {  	[sflag:s18] =	ssyncset.done $0x0  }
0x2dc: {  	[sflag:s18] =	ssyncadd.s32 $0xFFFFEC00  }
0x2dd: {  	[spmem:s1] =	stream.indirect.scatter.add.f32 [tilespmem:s3], [sflag:$0x5], $0x40, s28, s20, $0xb8;
	[tilespmem:$0x16C40] =	vst v63  }
0x2de: {  	_ =	swait.ge [sflag:s18], $0x1400  }
0x2df: {  	[sflag:s18] =	ssyncset.done $0x0  }
0x2e0: {  	[sflag:s18] =	ssyncadd.s32 $0xFFFFEC00  }
0x2e1: {  	[spmem:s1] =	stream.indirect.scatter.add.f32 [tilespmem:s23], [sflag:$0x5], $0x40, s29, s20, $0xb8;
	[tilespmem:$0x16C40] =	vst v63  }
0x2e2: {  	_ =	swait.ge [sflag:s18], $0x1400  }
0x2e3: {  	[sflag:s18] =	ssyncset.done $0x0  }
0x2e4: {  	[sflag:s18] =	ssyncadd.s32 $0xFFFFEC00  }
0x2e5: {  	[bflag:$0x0] =	sbarrier.arrive $0xFFFF  }
0x2e6: {  	s23 =	sld [smem:$0x7FB]  }
0x2e7: {  	s28 =	sld [smem:$0x7E3];
	_ =	sdelay $0x1  }
0x2e8: {  	s26 =	rddreg [dreg:$0x18]  }
0x2e9: {  	[hbm:s23], [sflag:s26] =	dma.local [spmem:s28], $0x13C0  }
0x2ea: {  	_ =	swait.ge [sflag:s18], $0x13C0  }
0x2eb: {  	s29 =	sld [smem:$0x7E2]  }
0x2ec: {  	s30 =	sld [smem:$0x7FC];
	_ =	sdelay $0x1  }
0x2ed: {  	s1 =	sadd.s32 $0x1, s29  }
0x2ee: {  	p0 =	sne.s32 s1, s30  }
.Ltmp1:
0x2ef: {  	_ = 	snop;
	(pc) =	sbr.rel @p0 .LBB2_1-.Ltmp1, $3  }
0x2f0: {  	_ =	sdelay $0x1  }
0x2f1: {  	[sflag:s18] =	ssyncset.done $0x0  }
0x2f2: {  	[sflag:s18] =	ssyncadd.s32 $0xFFFFEC40  }
0x2f3: {  	_ =	sfence.sel $0x180000  }
0x2f4: {  	[bflag:$0x0] =	sbarrier.arrive $0xFFFF  }
0x2f5: {  	_ =	strace $0x9000004D  }
0x2f6: {  	s0 =	stileid.u32;
	[bflag:$0x2] =	sbarrier.arrive $0xFFFF  }
0x2f7: {  	p0 =	sne.s32 s0, $0x0;
	s0 =	rddreg [dreg:$0x3]  }
0x2f8: {  	s0 =	sadd.s32 @!p0 $0x100000, s0  }
0x2f9: {  	[sflag:s0] =	ssyncadd.tile.s32 @!p0 $0x1;
	_ =	shalt  }
.Lfunc_end2:
_tile_overlayer_lowered:
.L_overlay_start_2:
0x2fa: {  	(tag) =	ssettag $0x2  }
0x2fb: {  	s0 =	rddreg [dreg:$0x0];
	s2 =	stileid.u32  }
0x2fc: {  	s1 =	rddreg [dreg:$0x1];
	p0 =	sne.s32 s2, $0x0  }
0x2fd: {  	s3 =	rddreg [dreg:$0x2];
	[bflag:$0x3] =	sbarrier.arrive $0xFFFF;
	s2 =	simm.s32 @!p0 $0x1C05  }
0x2fe: {  	[timem:s3], [sflag:s2] =	dma.local @!p0 [hbm:s0], s1  }
0x2ff: {  	s0 =	simm.s32 @!p0 $0x5  }
0x300: {  	_ =	swait.ge @!p0 [sflag:s0], s1  }
0x301: {  	s1 =	ssub.s32 @!p0 $0x0, s1;
	[sflag:s0] =	ssyncset.done @!p0 $0x0  }
0x302: {  	[sflag:s0] =	ssyncadd.s32 @!p0 s1  }
0x303: {  	[bflag:$0x3] =	sbarrier.arrive $0xFFFF  }
0x304: {  	_ =	shalt  }

// kernel: kernel.8.cloned.1.call-start
scs
__scs_entry_jumppad:
0x0: {  	(pc) =	sbr.rel $0x88, $3  }
0x1: {  	(tag) =	ssettag $0x0;
	lr =	simm.s32 $0x1  }
0x2: {  	[smem:$0x3F99] =	sst lr;
	_ =	strace $0xD0000000  }
0x3: {  	_ = 	snop  }
0x4: {  	_ = 	snop  }
0x5: {  	_ = 	snop  }
0x6: {  	_ = 	snop  }
0x7: {  	_ = 	snop  }
__scs_overlays_trampoline_lowered:
0x8: {  	[smem:$0x3FA8] =	sst s0  }
0x9: {  	[smem:$0x3FA9] =	sst s1  }
0xa: {  	[smem:$0x3FAA] =	sst s2  }
0xb: {  	[smem:$0x3FAB] =	sst s3  }
0xc: {  	[smem:$0x3FAC] =	sst s4  }
0xd: {  	[smem:$0x3FAD] =	sst s5  }
0xe: {  	[smem:$0x3FAE] =	sst s6  }
0xf: {  	[smem:$0x3FAF] =	sst s7  }
0x10: {  	[smem:$0x3FB0] =	sst s8  }
0x11: {  	[smem:$0x3FB1] =	sst s9;
	s0 =	simm.s32 @!p0 $0x0  }
0x12: {  	s1 =	sld [smem:$0x3F97];
	s0 =	simm.s32 @p0 $0x1  }
0x13: {  	[smem:$0x3FB2] =	sst s0;
	s0 =	simm.s32 @!p1 $0x0  }
0x14: {  	s2 =	sld [smem:$0x3F96];
	s0 =	simm.s32 @p1 $0x1  }
0x15: {  	[smem:$0x3FB3] =	sst s0;
	s0 =	simm.s32 @!p2 $0x0  }
0x16: {  	s3 =	sld [smem:$0x3FDB];
	s0 =	simm.s32 @p2 $0x1  }
0x17: {  	s4 =	simm.s32 $0x1BF5;
	[smem:$0x3FB5] =	sst s0  }
0x18: {  	s0 =	sld [smem:$0x3F98];
	_ =	swait.ge [sflag:s4], $0x0  }
0x19: {  	s7 =	sld [smem:$0x3F99]  }
0x1a: {  	s8 =	sadd.s32 $0xFFFFE003, lr  }
0x1b: {  	s9 =	sadd.s32 $0xFFFFFEF7, lr;
	s5 =	simm.s32 $0xFFFFFFFF;
	p2 =	slt.u32 s8, $0xFFFFF086  }
0x1c: {  	p1 =	slt.u32 s9, $0xF7A;
	s5 =	simm.s32 @!p2 $0x0  }
0x1d: {  	s5 =	simm.s32 @p1 $0x1;
	p0 =	seq.s32 s7, s2  }
0x1e: {  	s7 =	smul.u32 @!p0 $0xF7A, s2;
	p2 =	seq.s32 @!p0 s5, $0x0  }
0x1f: {  	s9 =	smul.u32 $0xF7A, s1;
	s8 =	simm.s32 @!p0 $0x1BF5;
	p2 =	por !p2, p0  }
0x20: {  	[sflag:s8] =	ssyncset.s32 @!p0 $0xFFFFF086;
	s6 =	sadd.s32 @!p0 s3, s7;
	s7 =	simm.s32 @!p0 $0x108  }
0x21: {  	s3 =	sadd.s32 s3, s9;
	s6 =	sadd.s32 @!p0 $0x88, s6;
	s7 =	simm.s32 @p2 $0x1082  }
0x22: {  	[simem:s7], [sflag:s8] =	dma.local @!p0 [hbm:s6], $0xF7A  }
0x23: {  	s9 =	sor.u32 $0xD0000000, s2;
	s6 =	simm.s32 $0x108;
	_ =	swait.ge @!p0 [sflag:s8], $0x0  }
0x24: {  	s3 =	sadd.s32 $0x88, s3;
	s6 =	simm.s32 @!p1 $0x1082;
	[sflag:s4] =	ssyncset.s32 $0xFFFFF086  }
0x25: {  	[simem:s6], [sflag:s4] =	dma.local [hbm:s3], $0xF7A  }
0x26: {  	[smem:$0x3F99] =	sst s1;
	(tag) =	ssettag s2;
	_ =	strace s9  }
0x27: {  	s1 =	sld [smem:$0x3FA9]  }
0x28: {  	s2 =	sld [smem:$0x3FAA]  }
0x29: {  	s4 =	sld [smem:$0x3FAC]  }
0x2a: {  	p0 =	seq.s32 s5, $0x0;
	s5 =	sld [smem:$0x3FAD]  }
0x2b: {  	s6 =	sld [smem:$0x3FAE]  }
0x2c: {  	s7 =	sld [smem:$0x3FAF]  }
0x2d: {  	s3 =	simm.s32 $0x108;
	s8 =	sld [smem:$0x3FB0]  }
0x2e: {  	s3 =	simm.s32 @!p0 $0x1082;
	s9 =	sld [smem:$0x3FB1]  }
0x2f: {  	lr =	sadd.s32 s0, s3;
	s0 =	sld [smem:$0x3FA8]  }
0x30: {  	s3 =	sld [smem:$0x3FAB]  }
0x31: {  	[smem:$0x3FB4] =	sst s10  }
0x32: {  	s10 =	sld [smem:$0x3FB2];
	_ =	sdelay $0x3  }
0x33: {  	p0 =	seq.s32 s10, $0x1;
	s10 =	sld [smem:$0x3FB4];
	_ =	sdelay $0x3  }
0x34: {  	[smem:$0x3FB4] =	sst s10  }
0x35: {  	s10 =	sld [smem:$0x3FB3];
	_ =	sdelay $0x3  }
0x36: {  	p1 =	seq.s32 s10, $0x1;
	s10 =	sld [smem:$0x3FB4];
	_ =	sdelay $0x3  }
0x37: {  	[smem:$0x3FB4] =	sst s10  }
0x38: {  	s10 =	sld [smem:$0x3FB5]  }
0x39: {  	_ = 	snop;
	(pc) =	sbr.ind lr, $3  }
0x3a: {  	_ = 	snop  }
0x3b: {  	_ = 	snop  }
0x3c: {  	p2 =	seq.s32 s10, $0x1;
	s10 =	sld [smem:$0x3FB4]  }
0x3d: {  	_ =	shalt  }
0x3e: {  	_ =	shalt  }
0x3f: {  	_ =	shalt  }
0x40: {  	_ =	shalt  }
0x41: {  	_ =	shalt  }
0x42: {  	_ =	shalt  }
0x43: {  	_ =	shalt  }
0x44: {  	_ =	shalt  }
0x45: {  	_ =	shalt  }
0x46: {  	_ =	shalt  }
0x47: {  	_ =	shalt  }
0x48: {  	_ =	shalt  }
0x49: {  	_ =	shalt  }
0x4a: {  	_ =	shalt  }
0x4b: {  	_ =	shalt  }
0x4c: {  	_ =	shalt  }
0x4d: {  	_ =	shalt  }
0x4e: {  	_ =	shalt  }
0x4f: {  	_ =	shalt  }
0x50: {  	_ =	shalt  }
0x51: {  	_ =	shalt  }
0x52: {  	_ =	shalt  }
0x53: {  	_ =	shalt  }
0x54: {  	_ =	shalt  }
0x55: {  	_ =	shalt  }
0x56: {  	_ =	shalt  }
0x57: {  	_ =	shalt  }
0x58: {  	_ =	shalt  }
0x59: {  	_ =	shalt  }
0x5a: {  	_ =	shalt  }
0x5b: {  	_ =	shalt  }
0x5c: {  	_ =	shalt  }
0x5d: {  	_ =	shalt  }
0x5e: {  	_ =	shalt  }
0x5f: {  	_ =	shalt  }
0x60: {  	_ =	shalt  }
0x61: {  	_ =	shalt  }
0x62: {  	_ =	shalt  }
0x63: {  	_ =	shalt  }
0x64: {  	_ =	shalt  }
0x65: {  	_ =	shalt  }
0x66: {  	_ =	shalt  }
0x67: {  	_ =	shalt  }
0x68: {  	_ =	shalt  }
0x69: {  	_ =	shalt  }
0x6a: {  	_ =	shalt  }
0x6b: {  	_ =	shalt  }
0x6c: {  	_ =	shalt  }
0x6d: {  	_ =	shalt  }
0x6e: {  	_ =	shalt  }
0x6f: {  	_ =	shalt  }
0x70: {  	_ =	shalt  }
0x71: {  	_ =	shalt  }
0x72: {  	_ =	shalt  }
0x73: {  	_ =	shalt  }
0x74: {  	_ =	shalt  }
0x75: {  	_ =	shalt  }
0x76: {  	_ =	shalt  }
0x77: {  	_ =	shalt  }
0x78: {  	_ =	shalt  }
0x79: {  	_ =	shalt  }
0x7a: {  	_ =	shalt  }
0x7b: {  	_ =	shalt  }
0x7c: {  	_ =	shalt  }
0x7d: {  	_ =	shalt  }
0x7e: {  	_ =	shalt  }
0x7f: {  	_ =	shalt  }
0x80: {  	_ =	shalt  }
0x81: {  	_ =	shalt  }
0x82: {  	_ =	shalt  }
0x83: {  	_ =	shalt  }
0x84: {  	_ =	shalt  }
0x85: {  	_ =	shalt  }
0x86: {  	_ =	shalt  }
0x87: {  	_ =	shalt  }
.Lfunc_end0:
.L_simem_size_0:
called_computation_lowered:
.L_overlay_start_0:
0x88: {  	s2 =	sld [smem:$0x3FD9]  }
0x89: {  	s3 =	sld [smem:$0x3FFE];
	_ =	sdelay $0x1  }
0x8a: {  	s1 =	srdreg.scid  }
0x8b: {  	s0 =	sand.u32 $0x1, s1  }
0x8c: {  	s14 =	sshll.u32 s0, $0xA;
	s2 =	sadd.s32 s3, s2  }
0x8d: {  	s2 =	sadd.s32 s2, s14  }
0x8e: {  	[smem:$0x3FC0] =	sst s2  }
0x8f: {  	_ = 	snop  }
0x90: {  	s2 =	sld [smem:$0x3FD0];
	_ =	sdelay $0x2  }
0x91: {  	s15 =	simm.s32 $0xA;
	s4 =	simm.s32 $0x10  }
0x92: {  	[smem:s4], [sflag:s15] =	dma.local [hbm:s2], $0x1  }
0x93: {  	_ =	swait.eq [sflag:s15], $0x1  }
0x94: {  	[sflag:s15] =	ssyncset.done $0x0  }
0x95: {  	s16 =	sld [smem:$0x10];
	[sflag:s15] =	ssyncadd.s32 $0xFFFFFFFF  }
0x96: {  	s17 =	sld [smem:$0x11];
	(tm) =	ssettm $0x1  }
0x97: {  	s18 =	sld [smem:$0x3FFB];
	_ =	sdelay $0x3  }
0x98: {  	_ =	strace s18  }
0x99: {  	s4 =	sld [smem:$0x3FFC];
	_ =	sdelay $0x3  }
0x9a: {  	_ =	strace s4  }
0x9b: {  	s4 =	sld [smem:$0x3FFD];
	_ =	sdelay $0x3  }
0x9c: {  	_ =	strace s4  }
0x9d: {  	_ =	strace $0x8FFFFFFF  }
0x9e: {  	s19 =	sld [smem:$0x3FDB];
	_ =	sdelay $0x1  }
0x9f: {  	s5 =	simm.s32 $_scs_section_size  }
0xa0: {  	s6 =	simm.s32 $_size__tile_overlayer_lowered;
	s7 =	simm.s32 $_tile_overlayer_lowered  }
0xa1: {  	s22 =	simm.s32 $0x1BFF;
	s21 =	sshll.u32 s7, $0x1;
	s4 =	sadd.s32 s5, s19  }
0xa2: {  	s8 =	simm.s32 $0x0;
	s20 =	sshll.u32 s6, $0x1;
	s6 =	sadd.s32 s21, s4  }
0xa3: {  	[timem:s8], [sflag:s22] =	dma.local [hbm:s6], s20  }
0xa4: {  	_ =	swait.ge [sflag:s22], s20  }
0xa5: {  	s5 =	ssub.s32 $0x0, s20;
	[sflag:s22] =	ssyncset.done $0x0  }
0xa6: {  	[sflag:s22] =	ssyncadd.s32 s5;
	_ =	sdelay $0x1  }
0xa7: {  	s23 =	simm.s32 $0x1B8B  }
0xa8: {  	_ =	swait.ge [sflag:s23], $0x1  }
0xa9: {  	[sflag:s23] =	ssyncset.done $0x0  }
0xaa: {  	s25 =	simm.s32 $0x1B8E;
	s24 =	sld [smem:$0x3FFE];
	[sflag:s23] =	ssyncadd.s32 $0xFFFFFFFF  }
0xab: {  	s26 =	simm.s32 $execute0_lowered;
	[smem:$0x3FD2] =	sst s25  }
0xac: {  	s6 =	sshll.u32 s26, $0x1;
	_ =	strace $0x80000046;
	[dreg:$0x1] =	wrdreg $0xFFFFFFFF  }
0xad: {  	s28 =	simm.s32 $_size_execute0_lowered;
	s4 =	sadd.s32 s4, s6;
	[dreg:$0x0] =	wrdreg $0x0  }
0xae: {  	s6 =	sshll.u32 s28, $0x1;
	[dreg:$0x2] =	wrdreg s4  }
0xaf: {  	[dreg:$0x3] =	wrdreg s6  }
0xb0: {  	[dreg:$0x4] =	wrdreg $0xC0  }
0xb1: {  	_ =	task [dreg:s8], $0x5FFFF  }
0xb2: {  	[dreg:$0x1] =	wrdreg $0xFFFFFFFF  }
0xb3: {  	[dreg:$0x0] =	wrdreg $0x60  }
0xb4: {  	[dreg:$0x2] =	wrdreg s16  }
0xb5: {  	[dreg:$0x3] =	wrdreg s24  }
0xb6: {  	[dreg:$0x4] =	wrdreg s17  }
0xb7: {  	[dreg:$0x5] =	wrdreg $0x8200  }
0xb8: {  	[dreg:$0x6] =	wrdreg $0x9  }
0xb9: {  	_ =	task.clear_ibuf [dreg:s8], $0x7FFFF;
	_ =	strace $0x90000046  }
0xba: {  	s29 =	simm.s32 $0x9;
	_ =	strace $0x80000048  }
0xbb: {  	_ =	swait.ge [sflag:s29], $0x1  }
0xbc: {  	[sflag:s29] =	ssyncadd.s32 $0xFFFFFFFF  }
0xbd: {  	_ =	strace $0x90000048  }
0xbe: {  	_ =	sfence  }
0xbf: {  	s30 =	sld [smem:$0x0];
	_ =	sdelay $0x2  }
0xc0: {  	s31 =	sshll.u32 s1, $0xD;
	s1 =	sshrl.u32 s1, $0x2  }
0xc1: {  	s3 =	sand.u32 $0x4000, s31;
	s1 =	sadd.s32 s1, s30  }
0xc2: {  	s0 =	sor.u32 s3, s0;
	s1 =	sshll.u32 s1, $0x11  }
0xc3: {  	s0 =	sor.u32 s1, s0  }
0xc4: {  	s0 =	sadd.s32 $0x8F2B, s0  }
0xc5: {  	[sflag:s0] =	ssyncadd.remote.s32 $0x1  }
0xc6: {  	_ =	sfence.sel $0xFFFF  }
0xc7: {  	[dreg:$0x0] =	wrdreg $0xFFFFFFFF;
	(pc) =	sbr.abs _section_cstart, $3  }
0xc8: {  	[dreg:$0x1] =	wrdreg $0xFFFFFFFF  }
0xc9: {  	_ =	task.clear_ibuf [dreg:s8], $0x2FFFF;
	_ =	strace $0x9FFFFFFF  }
0xca: {  	(tm) =	ssettm $0x7FFFFFFF  }
0xcb: {  	_ =	shalt  }
tec
execute0_lowered:
.L_overlay_start_1:
0x0: {  	(tag) =	ssettag $0x1  }
0x1: {  	s1 =	rddreg [dreg:$0x0]  }
0x2: {  	s0 =	rddreg [dreg:$0x1]  }
0x3: {  	s2 =	rddreg [dreg:$0x2]  }
0x4: {  	s3 =	rddreg [dreg:$0x3]  }
0x5: {  	s5 =	srdreg.scid;
	s4 =	simm.s32 $0x0;
	s10 =	stileid.u32  }
0x6: {  	s28 =	simm.s32 $0x280;
	s29 =	simm.s32 $0x2D0;
	s30 =	simm.s32 $0x1  }
0x7: {  	s31 =	simm.s32 $0x2;
	s5 =	sand.u32 $0x1, s5;
	s6 =	smul.u32 $0x2780, s10  }
0x8: {  	[smem:$0x7FF] =	sst s4;
	s11 =	sadd.s32 $0x11E00, s0;
	s23 =	smul.u32 $0x2710, s10  }
0x9: {  	s7 =	sshll.u32 s5, $0x4;
	_ =	strace $0x80000047;
	s20 =	smul.u32 $0x27800, s5  }
0xa: {  	s9 =	ssub.s32 $0x2, s5;
	[dreg:$0xc] =	wrdreg s11;
	s5 =	smul.u32 $0x27100, s5  }
0xb: {  	s7 =	sor.u32 s10, s7;
	s8 =	sshrl.u32 s6, $0x3;
	s19 =	sshrl.u32 s9, $0x1  }
0xc: {  	s21 =	sadd.s32 s6, s3;
	s7 =	smul.u32 $0x2710, s7;
	s0 =	sadd.s32 s8, s0  }
0xd: {  	s8 =	ssub.s32 s9, s19;
	[dreg:$0xd] =	wrdreg s21;
	s6 =	sadd.s32 s6, s20  }
0xe: {  	s0 =	sadd.s32 $0xCE00, s0;
	s6 =	sshrl.u32 s6, $0x3;
	s10 =	smax.u32 s8, $0x1  }
0xf: {  	s7 =	sshrl.u32 s7, $0x3;
	[dreg:$0xe] =	wrdreg s0;
	s0 =	sadd.s32 s23, s5  }
0x10: {  	s2 =	sadd.s32 s2, s6;
	[dreg:$0x14] =	wrdreg s10;
	s7 =	sadd.s32 s1, s7  }
0x11: {  	[dreg:$0x13] =	wrdreg s2;
	s11 =	sadd.s32 $0x370, s0;
	s15 =	sadd.s32 $0x320, s0  }
0x12: {  	s5 =	sadd.s32 $0x3C0, s0;
	s12 =	sadd.s32 $0x410, s0;
	s17 =	sadd.s32 $0x460, s0  }
0x13: {  	s19 =	sadd.s32 $0x2D0, s0;
	s20 =	sadd.s32 $0x280, s0;
	s22 =	sadd.s32 $0xA, s7  }
0x14: {  	s24 =	sadd.s32 $0x14, s7;
	s25 =	sadd.s32 $0x1E, s7;
	[dreg:$0xf] =	wrdreg s22  }
0x15: {  	s26 =	sadd.s32 $0x28, s7;
	s2 =	sshrl.u32 s11, $0x3;
	[dreg:$0x10] =	wrdreg s24  }
0x16: {  	s5 =	sshrl.u32 s5, $0x3;
	s14 =	sshrl.u32 s12, $0x3;
	[dreg:$0x11] =	wrdreg s25  }
0x17: {  	s18 =	sshrl.u32 s17, $0x3;
	[dreg:$0x12] =	wrdreg s26;
	s2 =	sadd.s32 s2, s1  }
0x18: {  	s13 =	sadd.s32 s5, s1;
	s16 =	sadd.s32 s14, s1;
	s5 =	sshrl.u32 s19, $0x3  }
0x19: {  	s22 =	sshrl.u32 s20, $0x3;
	s24 =	sadd.s32 $0x230, s0;
	[dreg:$0x5] =	wrdreg s2  }
0x1a: {  	s26 =	sadd.s32 $0x1E0, s0;
	s0 =	sadd.s32 $0x190, s0;
	[dreg:$0x6] =	wrdreg s13  }
0x1b: {  	s19 =	simm.s32 $0x3;
	s20 =	simm.s32 $0x50;
	[dreg:$0x7] =	wrdreg s16  }
0x1c: {  	s2 =	sadd.s32 s18, s1;
	s21 =	sadd.s32 s5, s1;
	s23 =	sadd.s32 s22, s1  }
0x1d: {  	s25 =	sshrl.u32 s24, $0x3;
	s5 =	sshrl.u32 s26, $0x3;
	s0 =	sshrl.u32 s0, $0x3  }
0x1e: {  	s18 =	simm.s32 $0x320;
	s22 =	simm.s32 $0xF0;
	[dreg:$0x8] =	wrdreg s2  }
0x1f: {  	s24 =	simm.s32 $0x190;
	s26 =	simm.s32 $0x230;
	[dreg:$0x9] =	wrdreg s21  }
0x20: {  	[dreg:$0xa] =	wrdreg s23;
	s2 =	sadd.s32 s25, s1;
	s16 =	sadd.s32 s5, s1  }
0x21: {  	s17 =	sadd.s32 s0, s1;
	s21 =	simm.s32 $0xA0;
	s23 =	simm.s32 $0x140  }
0x22: {  	s25 =	simm.s32 $0x1E0;
	s0 =	simm.s32 $0x0;
	[dreg:$0xb] =	wrdreg s2  }
.LBB2_1:
0x23: {  	s2 =	rddreg [dreg:$0xc];
	s6 =	stileid.u32  }
0x24: {  	[tilespmem:s18], [sflag:$0x3] =	stream.linear.gather [hbm4b:s2+s4], $0x500, $0x38;
	[tilespmem:$0x2FA0] =	vst v63  }
0x25: {  	s2 =	sshll.u32 s6, $0x6;
	_ =	swait.ge [sflag:s19], $0x500  }
0x26: {  	s2 =	sor.u32 $0x1C03, s2;
	[sflag:s19] =	ssyncset.done $0x0;
	s5 =	rddreg [dreg:$0xd]  }
0x27: {  	s6 =	rddreg [dreg:$0xe];
	[sflag:s19] =	ssyncadd.s32 $0xFFFFFB00;
	s5 =	sshrl.u32 s5, $0x3  }
0x28: {  	[spmem:s5], [sflag:s2] =	dma.local [hbm:s6], $0x4F0  }
0x29: {  	_ =	swait.ge [sflag:s19], $0x4F0  }
0x2a: {  	[sflag:s19] =	ssyncset.done $0x0  }
0x2b: {  	[sflag:s19] =	ssyncadd.s32 $0xFFFFFB10  }
0x2c: {  	[bflag:$0x0] =	sbarrier.arrive $0xFFFF  }
0x2d: {  	[tilespmem:s4], [sflag:$0x1] =	stream.linear.gather [hbm4b:s7+s4], $0x50, $0x38;
	[tilespmem:$0x2FA0] =	vst v63  }
0x2e: {  	s8 =	rddreg [dreg:$0xf]  }
0x2f: {  	[tilespmem:s20], [sflag:$0x1] =	stream.linear.gather [hbm4b:s8+s4], $0x50, $0x38;
	[tilespmem:$0x2FA0] =	vst v63  }
0x30: {  	s9 =	rddreg [dreg:$0x10]  }
0x31: {  	[tilespmem:s21], [sflag:$0x1] =	stream.linear.gather [hbm4b:s9+s4], $0x50, $0x38;
	[tilespmem:$0x2FA0] =	vst v63  }
0x32: {  	s10 =	rddreg [dreg:$0x11]  }
0x33: {  	[tilespmem:s22], [sflag:$0x1] =	stream.linear.gather [hbm4b:s10+s4], $0x50, $0x38;
	[tilespmem:$0x2FA0] =	vst v63  }
0x34: {  	s11 =	rddreg [dreg:$0x12]  }
0x35: {  	[tilespmem:s23], [sflag:$0x1] =	stream.linear.gather [hbm4b:s11+s4], $0x50, $0x38;
	[tilespmem:$0x2FA0] =	vst v63  }
0x36: {  	s8 =	sadd.s32 $0x0, s17  }
0x37: {  	[tilespmem:s24], [sflag:$0x2] =	stream.linear.gather [hbm4b:s8+s4], $0x50, $0x38;
	[tilespmem:$0x2FA0] =	vst v63  }
0x38: {  	s13 =	sadd.s32 $0x0, s16;
	s12 =	rddreg [dreg:$0xb]  }
0x39: {  	[tilespmem:s25], [sflag:$0x2] =	stream.linear.gather [hbm4b:s13+s4], $0x50, $0x38;
	[tilespmem:$0x2FA0] =	vst v63  }
0x3a: {  	s6 =	sadd.s32 $0x0, s12;
	s9 =	rddreg [dreg:$0xa]  }
0x3b: {  	[tilespmem:s26], [sflag:$0x2] =	stream.linear.gather [hbm4b:s6+s4], $0x50, $0x38;
	[tilespmem:$0x2FA0] =	vst v63  }
0x3c: {  	s14 =	rddreg [dreg:$0x9];
	s10 =	sadd.s32 $0x0, s9  }
0x3d: {  	[tilespmem:s28], [sflag:$0x2] =	stream.linear.gather [hbm4b:s10+s4], $0x50, $0x38;
	[tilespmem:$0x2FA0] =	vst v63  }
0x3e: {  	s11 =	sadd.s32 $0x0, s14  }
0x3f: {  	[tilespmem:s29], [sflag:$0x2] =	stream.linear.gather [hbm4b:s11+s4], $0x50, $0x38;
	[tilespmem:$0x2FA0] =	vst v63  }
0x40: {  	_ =	swait.ge [sflag:s30], $0x50  }
0x41: {  	[sflag:s30] =	ssyncset.done $0x0  }
0x42: {  	[sflag:s30] =	ssyncadd.s32 $0xFFFFFFB0  }
0x43: {  	_ =	swait.ge [sflag:s30], $0x50  }
0x44: {  	[sflag:s30] =	ssyncset.done $0x0  }
0x45: {  	[sflag:s30] =	ssyncadd.s32 $0xFFFFFFB0  }
0x46: {  	_ =	swait.ge [sflag:s30], $0x50  }
0x47: {  	[sflag:s30] =	ssyncset.done $0x0  }
0x48: {  	[sflag:s30] =	ssyncadd.s32 $0xFFFFFFB0  }
0x49: {  	_ =	swait.ge [sflag:s30], $0x50  }
0x4a: {  	[sflag:s30] =	ssyncset.done $0x0  }
0x4b: {  	[sflag:s30] =	ssyncadd.s32 $0xFFFFFFB0  }
0x4c: {  	_ =	swait.ge [sflag:s30], $0x50  }
0x4d: {  	[sflag:s30] =	ssyncset.done $0x0  }
0x4e: {  	[sflag:s30] =	ssyncadd.s32 $0xFFFFFFB0  }
0x4f: {  	[spmem:s3] =	stream.indirect.scatter.add.f32 [tilespmem:s18], [sflag:$0x3], $0x10, s4, s20, $0xb8;
	[tilespmem:$0x2FA0] =	vst v63  }
0x50: {  	_ =	swait.ge [sflag:s19], $0x500  }
0x51: {  	[sflag:s19] =	ssyncset.done $0x0  }
0x52: {  	[sflag:s19] =	ssyncadd.s32 $0xFFFFFB00  }
0x53: {  	[spmem:s3] =	stream.indirect.scatter.add.f32 [tilespmem:s18], [sflag:$0x3], $0x10, s20, s20, $0xb8;
	[tilespmem:$0x2FA0] =	vst v63  }
0x54: {  	_ =	swait.ge [sflag:s19], $0x500  }
0x55: {  	[sflag:s19] =	ssyncset.done $0x0  }
0x56: {  	[sflag:s19] =	ssyncadd.s32 $0xFFFFFB00  }
0x57: {  	[spmem:s3] =	stream.indirect.scatter.add.f32 [tilespmem:s18], [sflag:$0x3], $0x10, s21, s20, $0xb8;
	[tilespmem:$0x2FA0] =	vst v63  }
0x58: {  	_ =	swait.ge [sflag:s19], $0x500  }
0x59: {  	[sflag:s19] =	ssyncset.done $0x0  }
0x5a: {  	[sflag:s19] =	ssyncadd.s32 $0xFFFFFB00  }
0x5b: {  	[spmem:s3] =	stream.indirect.scatter.add.f32 [tilespmem:s18], [sflag:$0x3], $0x10, s22, s20, $0xb8;
	[tilespmem:$0x2FA0] =	vst v63  }
0x5c: {  	_ =	swait.ge [sflag:s19], $0x500  }
0x5d: {  	[sflag:s19] =	ssyncset.done $0x0  }
0x5e: {  	[sflag:s19] =	ssyncadd.s32 $0xFFFFFB00  }
0x5f: {  	[spmem:s3] =	stream.indirect.scatter.add.f32 [tilespmem:s18], [sflag:$0x3], $0x10, s23, s20, $0xb8;
	[tilespmem:$0x2FA0] =	vst v63  }
0x60: {  	_ =	swait.ge [sflag:s19], $0x500  }
0x61: {  	s12 =	sshrl.u32 s15, $0x3;
	[sflag:s19] =	ssyncset.done $0x0  }
0x62: {  	s6 =	sadd.s32 s1, s12;
	s13 =	rddreg [dreg:$0x5];
	[sflag:s19] =	ssyncadd.s32 $0xFFFFFB00  }
0x63: {  	[tilespmem:s4], [sflag:$0x1] =	stream.linear.gather [hbm4b:s6+s4], $0x50, $0x38;
	[tilespmem:$0x2FA0] =	vst v63  }
0x64: {  	s14 =	rddreg [dreg:$0x6];
	s8 =	sadd.s32 $0x0, s13  }
0x65: {  	[tilespmem:s20], [sflag:$0x1] =	stream.linear.gather [hbm4b:s8+s4], $0x50, $0x38;
	[tilespmem:$0x2FA0] =	vst v63  }
0x66: {  	s10 =	rddreg [dreg:$0x7];
	s11 =	sadd.s32 $0x0, s14  }
0x67: {  	[tilespmem:s21], [sflag:$0x1] =	stream.linear.gather [hbm4b:s11+s4], $0x50, $0x38;
	[tilespmem:$0x2FA0] =	vst v63  }
0x68: {  	s12 =	rddreg [dreg:$0x8];
	s13 =	sadd.s32 $0x0, s10  }
0x69: {  	[tilespmem:s22], [sflag:$0x1] =	stream.linear.gather [hbm4b:s13+s4], $0x50, $0x38;
	[tilespmem:$0x2FA0] =	vst v63  }
0x6a: {  	s14 =	sadd.s32 $0x0, s12  }
0x6b: {  	[tilespmem:s23], [sflag:$0x1] =	stream.linear.gather [hbm4b:s14+s4], $0x50, $0x38;
	[tilespmem:$0x2FA0] =	vst v63  }
0x6c: {  	_ =	swait.ge [sflag:s31], $0x50  }
0x6d: {  	[sflag:s31] =	ssyncset.done $0x0  }
0x6e: {  	[sflag:s31] =	ssyncadd.s32 $0xFFFFFFB0  }
0x6f: {  	_ =	swait.ge [sflag:s31], $0x50  }
0x70: {  	[sflag:s31] =	ssyncset.done $0x0  }
0x71: {  	[sflag:s31] =	ssyncadd.s32 $0xFFFFFFB0  }
0x72: {  	_ =	swait.ge [sflag:s31], $0x50  }
0x73: {  	[sflag:s31] =	ssyncset.done $0x0  }
0x74: {  	[sflag:s31] =	ssyncadd.s32 $0xFFFFFFB0  }
0x75: {  	_ =	swait.ge [sflag:s31], $0x50  }
0x76: {  	[sflag:s31] =	ssyncset.done $0x0  }
0x77: {  	[sflag:s31] =	ssyncadd.s32 $0xFFFFFFB0  }
0x78: {  	_ =	swait.ge [sflag:s31], $0x50  }
0x79: {  	[sflag:s31] =	ssyncset.done $0x0  }
0x7a: {  	[sflag:s31] =	ssyncadd.s32 $0xFFFFFFB0  }
0x7b: {  	[spmem:s3] =	stream.indirect.scatter.add.f32 [tilespmem:s18], [sflag:$0x3], $0x10, s24, s20, $0xb8;
	[tilespmem:$0x2FA0] =	vst v63  }
0x7c: {  	_ =	swait.ge [sflag:s19], $0x500  }
0x7d: {  	[sflag:s19] =	ssyncset.done $0x0  }
0x7e: {  	[sflag:s19] =	ssyncadd.s32 $0xFFFFFB00  }
0x7f: {  	[spmem:s3] =	stream.indirect.scatter.add.f32 [tilespmem:s18], [sflag:$0x3], $0x10, s25, s20, $0xb8;
	[tilespmem:$0x2FA0] =	vst v63  }
0x80: {  	_ =	swait.ge [sflag:s19], $0x500  }
0x81: {  	[sflag:s19] =	ssyncset.done $0x0  }
0x82: {  	[sflag:s19] =	ssyncadd.s32 $0xFFFFFB00  }
0x83: {  	[spmem:s3] =	stream.indirect.scatter.add.f32 [tilespmem:s18], [sflag:$0x3], $0x10, s26, s20, $0xb8;
	[tilespmem:$0x2FA0] =	vst v63  }
0x84: {  	_ =	swait.ge [sflag:s19], $0x500  }
0x85: {  	[sflag:s19] =	ssyncset.done $0x0  }
0x86: {  	[sflag:s19] =	ssyncadd.s32 $0xFFFFFB00  }
0x87: {  	[spmem:s3] =	stream.indirect.scatter.add.f32 [tilespmem:s18], [sflag:$0x3], $0x10, s28, s20, $0xb8;
	[tilespmem:$0x2FA0] =	vst v63  }
0x88: {  	_ =	swait.ge [sflag:s19], $0x500  }
0x89: {  	[sflag:s19] =	ssyncset.done $0x0  }
0x8a: {  	[sflag:s19] =	ssyncadd.s32 $0xFFFFFB00  }
0x8b: {  	[spmem:s3] =	stream.indirect.scatter.add.f32 [tilespmem:s18], [sflag:$0x3], $0x10, s29, s20, $0xb8;
	[tilespmem:$0x2FA0] =	vst v63  }
0x8c: {  	s9 =	simm.s32 $0xC8;
	s6 =	simm.s32 $0x64;
	_ =	swait.ge [sflag:s19], $0x500  }
0x8d: {  	s8 =	sadd.s32 $0x320, s15;
	s11 =	rddreg [dreg:$0xb];
	[sflag:s19] =	ssyncset.done $0x0  }
.LBB2_2:
0x8e: {  	s13 =	sadd.s32 s6, s17;
	[sflag:s19] =	ssyncadd.s32 $0xFFFFFB00  }
0x8f: {  	[tilespmem:s24], [sflag:$0x2] =	stream.linear.gather [hbm4b:s13+s4], $0x50, $0x38;
	[tilespmem:$0x2FA0] =	vst v63  }
0x90: {  	s13 =	sadd.s32 s6, s16  }
0x91: {  	[tilespmem:s25], [sflag:$0x2] =	stream.linear.gather [hbm4b:s13+s4], $0x50, $0x38;
	[tilespmem:$0x2FA0] =	vst v63  }
0x92: {  	s11 =	sadd.s32 s6, s11;
	s14 =	rddreg [dreg:$0xa]  }
0x93: {  	[tilespmem:s26], [sflag:$0x2] =	stream.linear.gather [hbm4b:s11+s4], $0x50, $0x38;
	[tilespmem:$0x2FA0] =	vst v63  }
0x94: {  	s10 =	smov.u32 s9;
	s14 =	sadd.s32 s6, s14;
	s13 =	rddreg [dreg:$0x9]  }
0x95: {  	[tilespmem:s28], [sflag:$0x2] =	stream.linear.gather [hbm4b:s14+s4], $0x50, $0x38;
	[tilespmem:$0x2FA0] =	vst v63  }
0x96: {  	s12 =	sadd.s32 $0x64, s9;
	p0 =	sne.s32 s9, $0x44C;
	s9 =	sadd.s32 s6, s13  }
0x97: {  	[tilespmem:s29], [sflag:$0x2] =	stream.linear.gather [hbm4b:s9+s4], $0x50, $0x38;
	[tilespmem:$0x2FA0] =	vst v63  }
0x98: {  	_ =	swait.ge [sflag:s30], $0x50  }
0x99: {  	[sflag:s30] =	ssyncset.done $0x0  }
0x9a: {  	[sflag:s30] =	ssyncadd.s32 $0xFFFFFFB0  }
0x9b: {  	_ =	swait.ge [sflag:s30], $0x50  }
0x9c: {  	[sflag:s30] =	ssyncset.done $0x0  }
0x9d: {  	[sflag:s30] =	ssyncadd.s32 $0xFFFFFFB0  }
0x9e: {  	_ =	swait.ge [sflag:s30], $0x50  }
0x9f: {  	[sflag:s30] =	ssyncset.done $0x0  }
0xa0: {  	[sflag:s30] =	ssyncadd.s32 $0xFFFFFFB0  }
0xa1: {  	_ =	swait.ge [sflag:s30], $0x50  }
0xa2: {  	[sflag:s30] =	ssyncset.done $0x0  }
0xa3: {  	[sflag:s30] =	ssyncadd.s32 $0xFFFFFFB0  }
0xa4: {  	_ =	swait.ge [sflag:s30], $0x50  }
0xa5: {  	[sflag:s30] =	ssyncset.done $0x0  }
0xa6: {  	[sflag:s30] =	ssyncadd.s32 $0xFFFFFFB0  }
0xa7: {  	[spmem:s3] =	stream.indirect.scatter.add.f32 [tilespmem:s18], [sflag:$0x3], $0x10, s4, s20, $0xb8;
	[tilespmem:$0x2FA0] =	vst v63  }
0xa8: {  	_ =	swait.ge [sflag:s19], $0x500  }
0xa9: {  	[sflag:s19] =	ssyncset.done $0x0  }
0xaa: {  	[sflag:s19] =	ssyncadd.s32 $0xFFFFFB00  }
0xab: {  	[spmem:s3] =	stream.indirect.scatter.add.f32 [tilespmem:s18], [sflag:$0x3], $0x10, s20, s20, $0xb8;
	[tilespmem:$0x2FA0] =	vst v63  }
0xac: {  	_ =	swait.ge [sflag:s19], $0x500  }
0xad: {  	[sflag:s19] =	ssyncset.done $0x0  }
0xae: {  	[sflag:s19] =	ssyncadd.s32 $0xFFFFFB00  }
0xaf: {  	[spmem:s3] =	stream.indirect.scatter.add.f32 [tilespmem:s18], [sflag:$0x3], $0x10, s21, s20, $0xb8;
	[tilespmem:$0x2FA0] =	vst v63  }
0xb0: {  	_ =	swait.ge [sflag:s19], $0x500  }
0xb1: {  	[sflag:s19] =	ssyncset.done $0x0  }
0xb2: {  	[sflag:s19] =	ssyncadd.s32 $0xFFFFFB00  }
0xb3: {  	[spmem:s3] =	stream.indirect.scatter.add.f32 [tilespmem:s18], [sflag:$0x3], $0x10, s22, s20, $0xb8;
	[tilespmem:$0x2FA0] =	vst v63  }
0xb4: {  	_ =	swait.ge [sflag:s19], $0x500  }
0xb5: {  	[sflag:s19] =	ssyncset.done $0x0  }
0xb6: {  	[sflag:s19] =	ssyncadd.s32 $0xFFFFFB00  }
0xb7: {  	[spmem:s3] =	stream.indirect.scatter.add.f32 [tilespmem:s18], [sflag:$0x3], $0x10, s23, s20, $0xb8;
	[tilespmem:$0x2FA0] =	vst v63  }
0xb8: {  	_ =	swait.ge [sflag:s19], $0x500  }
0xb9: {  	s13 =	sshrl.u32 s8, $0x3;
	[sflag:s19] =	ssyncset.done $0x0  }
0xba: {  	s9 =	sadd.s32 s1, s13;
	s14 =	rddreg [dreg:$0x5];
	[sflag:s19] =	ssyncadd.s32 $0xFFFFFB00  }
0xbb: {  	[tilespmem:s4], [sflag:$0x1] =	stream.linear.gather [hbm4b:s9+s4], $0x50, $0x38;
	[tilespmem:$0x2FA0] =	vst v63  }
0xbc: {  	s13 =	rddreg [dreg:$0x6];
	s14 =	sadd.s32 s6, s14  }
0xbd: {  	[tilespmem:s20], [sflag:$0x1] =	stream.linear.gather [hbm4b:s14+s4], $0x50, $0x38;
	[tilespmem:$0x2FA0] =	vst v63  }
0xbe: {  	s11 =	rddreg [dreg:$0x7];
	s13 =	sadd.s32 s6, s13  }
0xbf: {  	[tilespmem:s21], [sflag:$0x1] =	stream.linear.gather [hbm4b:s13+s4], $0x50, $0x38;
	[tilespmem:$0x2FA0] =	vst v63  }
0xc0: {  	s11 =	sadd.s32 s6, s11;
	s14 =	rddreg [dreg:$0x8]  }
0xc1: {  	[tilespmem:s22], [sflag:$0x1] =	stream.linear.gather [hbm4b:s11+s4], $0x50, $0x38;
	[tilespmem:$0x2FA0] =	vst v63  }
0xc2: {  	s14 =	sadd.s32 s6, s14  }
0xc3: {  	[tilespmem:s23], [sflag:$0x1] =	stream.linear.gather [hbm4b:s14+s4], $0x50, $0x38;
	[tilespmem:$0x2FA0] =	vst v63  }
0xc4: {  	_ =	swait.ge [sflag:s31], $0x50  }
0xc5: {  	[sflag:s31] =	ssyncset.done $0x0  }
0xc6: {  	[sflag:s31] =	ssyncadd.s32 $0xFFFFFFB0  }
0xc7: {  	_ =	swait.ge [sflag:s31], $0x50  }
0xc8: {  	[sflag:s31] =	ssyncset.done $0x0  }
0xc9: {  	[sflag:s31] =	ssyncadd.s32 $0xFFFFFFB0  }
0xca: {  	_ =	swait.ge [sflag:s31], $0x50  }
0xcb: {  	[sflag:s31] =	ssyncset.done $0x0  }
0xcc: {  	[sflag:s31] =	ssyncadd.s32 $0xFFFFFFB0  }
0xcd: {  	_ =	swait.ge [sflag:s31], $0x50  }
0xce: {  	[sflag:s31] =	ssyncset.done $0x0  }
0xcf: {  	[sflag:s31] =	ssyncadd.s32 $0xFFFFFFB0  }
0xd0: {  	_ =	swait.ge [sflag:s31], $0x50  }
0xd1: {  	[sflag:s31] =	ssyncset.done $0x0  }
0xd2: {  	[sflag:s31] =	ssyncadd.s32 $0xFFFFFFB0  }
0xd3: {  	[spmem:s3] =	stream.indirect.scatter.add.f32 [tilespmem:s18], [sflag:$0x3], $0x10, s24, s20, $0xb8;
	[tilespmem:$0x2FA0] =	vst v63  }
0xd4: {  	_ =	swait.ge [sflag:s19], $0x500  }
0xd5: {  	[sflag:s19] =	ssyncset.done $0x0  }
0xd6: {  	[sflag:s19] =	ssyncadd.s32 $0xFFFFFB00  }
0xd7: {  	[spmem:s3] =	stream.indirect.scatter.add.f32 [tilespmem:s18], [sflag:$0x3], $0x10, s25, s20, $0xb8;
	[tilespmem:$0x2FA0] =	vst v63  }
0xd8: {  	_ =	swait.ge [sflag:s19], $0x500  }
0xd9: {  	[sflag:s19] =	ssyncset.done $0x0  }
0xda: {  	[sflag:s19] =	ssyncadd.s32 $0xFFFFFB00  }
0xdb: {  	[spmem:s3] =	stream.indirect.scatter.add.f32 [tilespmem:s18], [sflag:$0x3], $0x10, s26, s20, $0xb8;
	[tilespmem:$0x2FA0] =	vst v63  }
0xdc: {  	_ =	swait.ge [sflag:s19], $0x500  }
0xdd: {  	[sflag:s19] =	ssyncset.done $0x0  }
0xde: {  	[sflag:s19] =	ssyncadd.s32 $0xFFFFFB00  }
0xdf: {  	[spmem:s3] =	stream.indirect.scatter.add.f32 [tilespmem:s18], [sflag:$0x3], $0x10, s28, s20, $0xb8;
	[tilespmem:$0x2FA0] =	vst v63  }
0xe0: {  	_ =	swait.ge [sflag:s19], $0x500  }
.Ltmp0:
0xe1: {  	[sflag:s19] =	ssyncset.done $0x0;
	(pc) =	sbr.rel @p0 .LBB2_2-.Ltmp0, $4  }
0xe2: {  	[sflag:s19] =	ssyncadd.s32 $0xFFFFFB00  }
0xe3: {  	[spmem:s3] =	stream.indirect.scatter.add.f32 [tilespmem:s18], [sflag:$0x3], $0x10, s29, s20, $0xb8;
	[tilespmem:$0x2FA0] =	vst v63  }
0xe4: {  	s8 =	sadd.s32 $0x320, s8;
	s9 =	smov.u32 s12;
	_ =	swait.ge [sflag:s19], $0x500  }
0xe5: {  	s6 =	smov.u32 s10;
	s11 =	rddreg [dreg:$0xb];
	[sflag:s19] =	ssyncset.done $0x0  }
0xe6: {  	s9 =	sadd.s32 s6, s17;
	[sflag:s19] =	ssyncadd.s32 $0xFFFFFB00  }
0xe7: {  	[tilespmem:s24], [sflag:$0x2] =	stream.linear.gather [hbm4b:s9+s4], $0x50, $0x38;
	[tilespmem:$0x2FA0] =	vst v63  }
0xe8: {  	s10 =	sadd.s32 s6, s16  }
0xe9: {  	[tilespmem:s25], [sflag:$0x2] =	stream.linear.gather [hbm4b:s10+s4], $0x50, $0x38;
	[tilespmem:$0x2FA0] =	vst v63  }
0xea: {  	s11 =	sadd.s32 s6, s11;
	s10 =	rddreg [dreg:$0xa]  }
0xeb: {  	[tilespmem:s26], [sflag:$0x2] =	stream.linear.gather [hbm4b:s11+s4], $0x50, $0x38;
	[tilespmem:$0x2FA0] =	vst v63  }
0xec: {  	s12 =	rddreg [dreg:$0x9];
	s10 =	sadd.s32 s6, s10  }
0xed: {  	[tilespmem:s28], [sflag:$0x2] =	stream.linear.gather [hbm4b:s10+s4], $0x50, $0x38;
	[tilespmem:$0x2FA0] =	vst v63  }
0xee: {  	s9 =	sadd.s32 s6, s12  }
0xef: {  	[tilespmem:s29], [sflag:$0x2] =	stream.linear.gather [hbm4b:s9+s4], $0x50, $0x38;
	[tilespmem:$0x2FA0] =	vst v63  }
0xf0: {  	_ =	swait.ge [sflag:s30], $0x50  }
0xf1: {  	[sflag:s30] =	ssyncset.done $0x0  }
0xf2: {  	[sflag:s30] =	ssyncadd.s32 $0xFFFFFFB0  }
0xf3: {  	_ =	swait.ge [sflag:s30], $0x50  }
0xf4: {  	[sflag:s30] =	ssyncset.done $0x0  }
0xf5: {  	[sflag:s30] =	ssyncadd.s32 $0xFFFFFFB0  }
0xf6: {  	_ =	swait.ge [sflag:s30], $0x50  }
0xf7: {  	[sflag:s30] =	ssyncset.done $0x0  }
0xf8: {  	[sflag:s30] =	ssyncadd.s32 $0xFFFFFFB0  }
0xf9: {  	_ =	swait.ge [sflag:s30], $0x50  }
0xfa: {  	[sflag:s30] =	ssyncset.done $0x0  }
0xfb: {  	[sflag:s30] =	ssyncadd.s32 $0xFFFFFFB0  }
0xfc: {  	_ =	swait.ge [sflag:s30], $0x50  }
0xfd: {  	[sflag:s30] =	ssyncset.done $0x0  }
0xfe: {  	[sflag:s30] =	ssyncadd.s32 $0xFFFFFFB0  }
0xff: {  	[spmem:s3] =	stream.indirect.scatter.add.f32 [tilespmem:s18], [sflag:$0x3], $0x10, s4, s20, $0xb8;
	[tilespmem:$0x2FA0] =	vst v63  }
0x100: {  	_ =	swait.ge [sflag:s19], $0x500  }
0x101: {  	[sflag:s19] =	ssyncset.done $0x0  }
0x102: {  	[sflag:s19] =	ssyncadd.s32 $0xFFFFFB00  }
0x103: {  	[spmem:s3] =	stream.indirect.scatter.add.f32 [tilespmem:s18], [sflag:$0x3], $0x10, s20, s20, $0xb8;
	[tilespmem:$0x2FA0] =	vst v63  }
0x104: {  	_ =	swait.ge [sflag:s19], $0x500  }
0x105: {  	[sflag:s19] =	ssyncset.done $0x0  }
0x106: {  	[sflag:s19] =	ssyncadd.s32 $0xFFFFFB00  }
0x107: {  	[spmem:s3] =	stream.indirect.scatter.add.f32 [tilespmem:s18], [sflag:$0x3], $0x10, s21, s20, $0xb8;
	[tilespmem:$0x2FA0] =	vst v63  }
0x108: {  	_ =	swait.ge [sflag:s19], $0x500  }
0x109: {  	[sflag:s19] =	ssyncset.done $0x0  }
0x10a: {  	[sflag:s19] =	ssyncadd.s32 $0xFFFFFB00  }
0x10b: {  	[spmem:s3] =	stream.indirect.scatter.add.f32 [tilespmem:s18], [sflag:$0x3], $0x10, s22, s20, $0xb8;
	[tilespmem:$0x2FA0] =	vst v63  }
0x10c: {  	_ =	swait.ge [sflag:s19], $0x500  }
0x10d: {  	[sflag:s19] =	ssyncset.done $0x0  }
0x10e: {  	[sflag:s19] =	ssyncadd.s32 $0xFFFFFB00  }
0x10f: {  	[spmem:s3] =	stream.indirect.scatter.add.f32 [tilespmem:s18], [sflag:$0x3], $0x10, s23, s20, $0xb8;
	[tilespmem:$0x2FA0] =	vst v63  }
0x110: {  	_ =	swait.ge [sflag:s19], $0x500  }
0x111: {  	s8 =	sshrl.u32 s8, $0x3;
	[sflag:s19] =	ssyncset.done $0x0  }
0x112: {  	s8 =	sadd.s32 s1, s8;
	s13 =	rddreg [dreg:$0x5];
	[sflag:s19] =	ssyncadd.s32 $0xFFFFFB00  }
0x113: {  	[tilespmem:s4], [sflag:$0x1] =	stream.linear.gather [hbm4b:s8+s4], $0x50, $0x38;
	[tilespmem:$0x2FA0] =	vst v63  }
0x114: {  	s14 =	rddreg [dreg:$0x6];
	s9 =	sadd.s32 s6, s13  }
0x115: {  	[tilespmem:s20], [sflag:$0x1] =	stream.linear.gather [hbm4b:s9+s4], $0x50, $0x38;
	[tilespmem:$0x2FA0] =	vst v63  }
0x116: {  	s10 =	rddreg [dreg:$0x7];
	s8 =	sadd.s32 s6, s14  }
0x117: {  	[tilespmem:s21], [sflag:$0x1] =	stream.linear.gather [hbm4b:s8+s4], $0x50, $0x38;
	[tilespmem:$0x2FA0] =	vst v63  }
0x118: {  	s11 =	rddreg [dreg:$0x8];
	s9 =	sadd.s32 s6, s10  }
0x119: {  	[tilespmem:s22], [sflag:$0x1] =	stream.linear.gather [hbm4b:s9+s4], $0x50, $0x38;
	[tilespmem:$0x2FA0] =	vst v63  }
0x11a: {  	s12 =	sadd.s32 s6, s11  }
0x11b: {  	[tilespmem:s23], [sflag:$0x1] =	stream.linear.gather [hbm4b:s12+s4], $0x50, $0x38;
	[tilespmem:$0x2FA0] =	vst v63  }
0x11c: {  	_ =	swait.ge [sflag:s31], $0x50  }
0x11d: {  	[sflag:s31] =	ssyncset.done $0x0  }
0x11e: {  	[sflag:s31] =	ssyncadd.s32 $0xFFFFFFB0  }
0x11f: {  	_ =	swait.ge [sflag:s31], $0x50  }
0x120: {  	[sflag:s31] =	ssyncset.done $0x0  }
0x121: {  	[sflag:s31] =	ssyncadd.s32 $0xFFFFFFB0  }
0x122: {  	_ =	swait.ge [sflag:s31], $0x50  }
0x123: {  	[sflag:s31] =	ssyncset.done $0x0  }
0x124: {  	[sflag:s31] =	ssyncadd.s32 $0xFFFFFFB0  }
0x125: {  	_ =	swait.ge [sflag:s31], $0x50  }
0x126: {  	[sflag:s31] =	ssyncset.done $0x0  }
0x127: {  	[sflag:s31] =	ssyncadd.s32 $0xFFFFFFB0  }
0x128: {  	_ =	swait.ge [sflag:s31], $0x50  }
0x129: {  	[sflag:s31] =	ssyncset.done $0x0  }
0x12a: {  	[sflag:s31] =	ssyncadd.s32 $0xFFFFFFB0  }
0x12b: {  	[spmem:s3] =	stream.indirect.scatter.add.f32 [tilespmem:s18], [sflag:$0x3], $0x10, s24, s20, $0xb8;
	[tilespmem:$0x2FA0] =	vst v63  }
0x12c: {  	_ =	swait.ge [sflag:s19], $0x500  }
0x12d: {  	[sflag:s19] =	ssyncset.done $0x0  }
0x12e: {  	[sflag:s19] =	ssyncadd.s32 $0xFFFFFB00  }
0x12f: {  	[spmem:s3] =	stream.indirect.scatter.add.f32 [tilespmem:s18], [sflag:$0x3], $0x10, s25, s20, $0xb8;
	[tilespmem:$0x2FA0] =	vst v63  }
0x130: {  	_ =	swait.ge [sflag:s19], $0x500  }
0x131: {  	[sflag:s19] =	ssyncset.done $0x0  }
0x132: {  	[sflag:s19] =	ssyncadd.s32 $0xFFFFFB00  }
0x133: {  	[spmem:s3] =	stream.indirect.scatter.add.f32 [tilespmem:s18], [sflag:$0x3], $0x10, s26, s20, $0xb8;
	[tilespmem:$0x2FA0] =	vst v63  }
0x134: {  	_ =	swait.ge [sflag:s19], $0x500  }
0x135: {  	[sflag:s19] =	ssyncset.done $0x0  }
0x136: {  	[sflag:s19] =	ssyncadd.s32 $0xFFFFFB00  }
0x137: {  	[spmem:s3] =	stream.indirect.scatter.add.f32 [tilespmem:s18], [sflag:$0x3], $0x10, s28, s20, $0xb8;
	[tilespmem:$0x2FA0] =	vst v63  }
0x138: {  	_ =	swait.ge [sflag:s19], $0x500  }
0x139: {  	[sflag:s19] =	ssyncset.done $0x0  }
0x13a: {  	[sflag:s19] =	ssyncadd.s32 $0xFFFFFB00  }
0x13b: {  	[spmem:s3] =	stream.indirect.scatter.add.f32 [tilespmem:s18], [sflag:$0x3], $0x10, s29, s20, $0xb8;
	[tilespmem:$0x2FA0] =	vst v63  }
0x13c: {  	_ =	swait.ge [sflag:s19], $0x500  }
0x13d: {  	[sflag:s19] =	ssyncset.done $0x0  }
0x13e: {  	[sflag:s19] =	ssyncadd.s32 $0xFFFFFB00  }
0x13f: {  	_ =	swait.ge [sflag:s30], $0x50  }
0x140: {  	[sflag:s30] =	ssyncset.done $0x0  }
0x141: {  	[sflag:s30] =	ssyncadd.s32 $0xFFFFFFB0  }
0x142: {  	_ =	swait.ge [sflag:s30], $0x50  }
0x143: {  	[sflag:s30] =	ssyncset.done $0x0  }
0x144: {  	[sflag:s30] =	ssyncadd.s32 $0xFFFFFFB0  }
0x145: {  	_ =	swait.ge [sflag:s30], $0x50  }
0x146: {  	[sflag:s30] =	ssyncset.done $0x0  }
0x147: {  	[sflag:s30] =	ssyncadd.s32 $0xFFFFFFB0  }
0x148: {  	_ =	swait.ge [sflag:s30], $0x50  }
0x149: {  	[sflag:s30] =	ssyncset.done $0x0  }
0x14a: {  	[sflag:s30] =	ssyncadd.s32 $0xFFFFFFB0  }
0x14b: {  	_ =	swait.ge [sflag:s30], $0x50  }
0x14c: {  	[sflag:s30] =	ssyncset.done $0x0  }
0x14d: {  	[sflag:s30] =	ssyncadd.s32 $0xFFFFFFB0  }
0x14e: {  	[spmem:s3] =	stream.indirect.scatter.add.f32 [tilespmem:s18], [sflag:$0x3], $0x10, s4, s20, $0xb8;
	[tilespmem:$0x2FA0] =	vst v63  }
0x14f: {  	_ =	swait.ge [sflag:s19], $0x500  }
0x150: {  	[sflag:s19] =	ssyncset.done $0x0  }
0x151: {  	[sflag:s19] =	ssyncadd.s32 $0xFFFFFB00  }
0x152: {  	[spmem:s3] =	stream.indirect.scatter.add.f32 [tilespmem:s18], [sflag:$0x3], $0x10, s20, s20, $0xb8;
	[tilespmem:$0x2FA0] =	vst v63  }
0x153: {  	_ =	swait.ge [sflag:s19], $0x500  }
0x154: {  	[sflag:s19] =	ssyncset.done $0x0  }
0x155: {  	[sflag:s19] =	ssyncadd.s32 $0xFFFFFB00  }
0x156: {  	[spmem:s3] =	stream.indirect.scatter.add.f32 [tilespmem:s18], [sflag:$0x3], $0x10, s21, s20, $0xb8;
	[tilespmem:$0x2FA0] =	vst v63  }
0x157: {  	_ =	swait.ge [sflag:s19], $0x500  }
0x158: {  	[sflag:s19] =	ssyncset.done $0x0  }
0x159: {  	[sflag:s19] =	ssyncadd.s32 $0xFFFFFB00  }
0x15a: {  	[spmem:s3] =	stream.indirect.scatter.add.f32 [tilespmem:s18], [sflag:$0x3], $0x10, s22, s20, $0xb8;
	[tilespmem:$0x2FA0] =	vst v63  }
0x15b: {  	_ =	swait.ge [sflag:s19], $0x500  }
0x15c: {  	[sflag:s19] =	ssyncset.done $0x0  }
0x15d: {  	[sflag:s19] =	ssyncadd.s32 $0xFFFFFB00  }
0x15e: {  	[spmem:s3] =	stream.indirect.scatter.add.f32 [tilespmem:s18], [sflag:$0x3], $0x10, s23, s20, $0xb8;
	[tilespmem:$0x2FA0] =	vst v63  }
0x15f: {  	_ =	swait.ge [sflag:s19], $0x500  }
0x160: {  	[sflag:s19] =	ssyncset.done $0x0  }
0x161: {  	[sflag:s19] =	ssyncadd.s32 $0xFFFFFB00  }
0x162: {  	[bflag:$0x0] =	sbarrier.arrive $0xFFFF  }
0x163: {  	s13 =	rddreg [dreg:$0x13]  }
0x164: {  	[hbm:s13], [sflag:s2] =	dma.local [spmem:s5], $0x4F0  }
0x165: {  	_ =	swait.ge [sflag:s19], $0x4F0  }
0x166: {  	s0 =	sadd.s32 $0x1, s0;
	s14 =	rddreg [dreg:$0x14]  }
0x167: {  	p0 =	sne.s32 s0, s14  }
.Ltmp1:
0x168: {  	_ = 	snop;
	(pc) =	sbr.rel @p0 .LBB2_1-.Ltmp1, $3  }
0x169: {  	_ =	sdelay $0x1  }
0x16a: {  	[sflag:s19] =	ssyncset.done $0x0  }
0x16b: {  	[sflag:s19] =	ssyncadd.s32 $0xFFFFFB10  }
0x16c: {  	_ =	sfence.sel $0x180000  }
0x16d: {  	[bflag:$0x0] =	sbarrier.arrive $0xFFFF  }
0x16e: {  	_ =	strace $0x90000047  }
0x16f: {  	s0 =	stileid.u32;
	[bflag:$0x2] =	sbarrier.arrive $0xFFFF  }
0x170: {  	p0 =	sne.s32 s0, $0x0;
	s0 =	rddreg [dreg:$0x4]  }
0x171: {  	s0 =	sadd.s32 @!p0 $0x100000, s0  }
0x172: {  	[sflag:s0] =	ssyncadd.tile.s32 @!p0 $0x1;
	_ =	shalt  }
.Lfunc_end2:
_tile_overlayer_lowered:
.L_overlay_start_2:
0x173: {  	(tag) =	ssettag $0x2  }
0x174: {  	s0 =	rddreg [dreg:$0x0];
	s2 =	stileid.u32  }
0x175: {  	s1 =	rddreg [dreg:$0x1];
	p0 =	sne.s32 s2, $0x0  }
0x176: {  	s3 =	rddreg [dreg:$0x2];
	[bflag:$0x3] =	sbarrier.arrive $0xFFFF;
	s2 =	simm.s32 @!p0 $0x1C03  }
0x177: {  	[timem:s3], [sflag:s2] =	dma.local @!p0 [hbm:s0], s1  }
0x178: {  	s0 =	simm.s32 @!p0 $0x3  }
0x179: {  	_ =	swait.ge @!p0 [sflag:s0], s1  }
0x17a: {  	s1 =	ssub.s32 @!p0 $0x0, s1;
	[sflag:s0] =	ssyncset.done @!p0 $0x0  }
0x17b: {  	[sflag:s0] =	ssyncadd.s32 @!p0 s1  }
0x17c: {  	[bflag:$0x3] =	sbarrier.arrive $0xFFFF  }
0x17d: {  	_ =	shalt  }

</sc_bundles>
